<compile_context>
chip_gen: v7x
topology: tpu7x:2x2x1
jax: 0.10.2.dev20260603
libtpu: 0.0.44.dev20260713+nightly
codegen_flags: <defaults>
</compile_context>

<pallas_src>
import functools

import jax
import jax.numpy as jnp
from jax import lax
from jax.experimental import pallas as pl
from jax.experimental.pallas import tpu as pltpu
from jax.experimental.pallas import tpu_sc as plsc

N_NODES = 10000
N_EDGES = 160000
D_IN = 767
D_H = 16
D_OUT = 10

NODES_P = 10240
E_TOT = N_EDGES + N_NODES
NW = 32
CH = 128
EPW = 5376
E_PAD = EPW * NW
NCH = EPW // CH
RPS = NODES_P // 16

ROW_BLK = 2048
N_BLKS = NODES_P // ROW_BLK

_sc_mesh = functools.partial(
    plsc.VectorSubcoreMesh, core_axis_name="c", subcore_axis_name="s")
_sc_params = pltpu.CompilerParams(use_tc_tiling_on_sc=False)


def _deg_body(dst_hbm, outd_hbm, acc, zbuf, ones, didx, isem, ssem, csem):
  cid = lax.axis_index("c")
  sid = lax.axis_index("s")
  wid = sid * 2 + cid
  pltpu.async_copy(dst_hbm.at[wid], didx, isem)
  zero16 = jnp.zeros((16,), jnp.float32)
  one16 = jnp.ones((16,), jnp.float32)
  for i in range(RPS // 16):
    zbuf[pl.ds(i * 16, 16)] = zero16
  for i in range(CH // 16):
    ones[pl.ds(i * 16, 16)] = one16
  pltpu.sync_copy(zbuf, acc.at[pl.ds(sid * RPS, RPS)])
  pltpu.make_async_copy(dst_hbm.at[wid], didx, isem).wait()
  plsc.subcore_barrier()

  def fire(k, carry):
    pltpu.async_copy(ones, acc.at[didx.at[k]], ssem, add=True)
    return carry

  lax.fori_loop(0, NCH, fire, 0)

  def drain(k, carry):
    pltpu.make_async_copy(ones, acc.at[didx.at[k]], ssem).wait()
    return carry

  lax.fori_loop(0, NCH, drain, 0)
  plsc.subcore_barrier()
  pltpu.async_copy(acc.at[pl.ds(sid * RPS, RPS)],
                   outd_hbm.at[pl.ds(cid * NODES_P + sid * RPS, RPS)],
                   csem).wait()


def _deg_call(dst3):
  return pl.kernel(
      _deg_body,
      out_type=jax.ShapeDtypeStruct((2 * NODES_P,), jnp.float32),
      mesh=_sc_mesh(),
      compiler_params=_sc_params,
      scratch_types=[
          pltpu.VMEM_SHARED((NODES_P,), jnp.float32),
          pltpu.VMEM((RPS,), jnp.float32),
          pltpu.VMEM((CH,), jnp.float32),
          pltpu.VMEM((NCH, CH), jnp.int32),
          pltpu.SemaphoreType.DMA,
          pltpu.SemaphoreType.DMA,
          pltpu.SemaphoreType.DMA,
      ],
  )(dst3)


_NB = 7
_LAG = 3


def _edge_body(y_hbm, src_hbm, dst_hbm, out_hbm, acc, ysh, zbuf, sidx, didx,
               *rest):
  rows = list(rest[:_NB])
  gsem = list(rest[_NB:2 * _NB])
  ssem = list(rest[2 * _NB:3 * _NB])
  isem, zsem, csem = rest[3 * _NB:]
  cid = lax.axis_index("c")
  sid = lax.axis_index("s")
  wid = sid * 2 + cid
  pltpu.async_copy(src_hbm.at[wid], sidx, isem)
  pltpu.async_copy(dst_hbm.at[wid], didx, isem)
  pltpu.async_copy(y_hbm.at[pl.ds(sid * RPS, RPS)],
                   ysh.at[pl.ds(sid * RPS, RPS)], isem)
  zero16 = jnp.zeros((16,), jnp.float32)
  for i in range(64):
    zbuf[i, :] = zero16
  for k in range(RPS // 64):
    pltpu.async_copy(zbuf, acc.at[pl.ds(sid * RPS + k * 64, 64)], zsem)
  for k in range(RPS // 64):
    pltpu.make_async_copy(zbuf, acc.at[pl.ds(sid * RPS + k * 64, 64)],
                          zsem).wait()
  pltpu.make_async_copy(src_hbm.at[wid], sidx, isem).wait()
  pltpu.make_async_copy(dst_hbm.at[wid], didx, isem).wait()
  pltpu.make_async_copy(y_hbm.at[pl.ds(sid * RPS, RPS)],
                        ysh.at[pl.ds(sid * RPS, RPS)], isem).wait()
  plsc.subcore_barrier()

  def gather(kk, b):
    pltpu.async_copy(ysh.at[sidx.at[kk]], rows[b], gsem[b])

  def wait_gather(kk, b):
    pltpu.make_async_copy(ysh.at[sidx.at[kk]], rows[b], gsem[b]).wait()

  def scatter(kk, b):
    pltpu.async_copy(rows[b], acc.at[didx.at[kk]], ssem[b], add=True)

  def wait_scatter(kk, b):
    pltpu.make_async_copy(rows[b], acc.at[didx.at[kk]], ssem[b]).wait()

  for kk in range(_NB):
    gather(kk, kk)
    if kk >= _LAG:
      wait_gather(kk - _LAG, kk - _LAG)
      scatter(kk - _LAG, kk - _LAG)

  def steady(i, carry):
    kbase = i * _NB
    for b in range(_NB):
      kk = kbase + b
      wait_scatter(kk - _NB, b)
      gather(kk, b)
      bj = (b - _LAG) % _NB
      wait_gather(kk - _LAG, bj)
      scatter(kk - _LAG, bj)
    return carry

  lax.fori_loop(1, NCH // _NB, steady, 0)

  for j in range(NCH - _LAG, NCH):
    wait_gather(j, j % _NB)
    scatter(j, j % _NB)
  for kk in range(NCH - _NB, NCH):
    wait_scatter(kk, kk % _NB)

  plsc.subcore_barrier()
  pltpu.async_copy(acc.at[pl.ds(sid * RPS, RPS)],
                   out_hbm.at[cid, pl.ds(sid * RPS, RPS)], csem).wait()


def _edge_call(y_pad, src3, dst3):
  return pl.kernel(
      _edge_body,
      out_type=jax.ShapeDtypeStruct((2, NODES_P, D_H), jnp.float32),
      mesh=_sc_mesh(),
      compiler_params=_sc_params,
      scratch_types=(
          [pltpu.VMEM_SHARED((NODES_P, D_H), jnp.float32),
           pltpu.VMEM_SHARED((NODES_P, D_H), jnp.float32),
           pltpu.VMEM((64, D_H), jnp.float32),
           pltpu.VMEM((NCH, CH), jnp.int32),
           pltpu.VMEM((NCH, CH), jnp.int32)]
          + [pltpu.VMEM((CH, D_H), jnp.float32)] * _NB
          + [pltpu.SemaphoreType.DMA] * (2 * _NB + 3)
      ),
  )(y_pad, src3, dst3)


def _dinv_flat(degp_ref, lo, size):
  deg = (degp_ref[pl.ds(lo, size)] + degp_ref[pl.ds(NODES_P + lo, size)])
  return jnp.where(deg > 0, lax.rsqrt(deg), 0.0)


NP8 = NODES_P // 8


def _mm1_body(x_ref, w_ref, degp_ref, deg8_ref, m8_ref, y_ref, dinv_ref):
  i = pl.program_id(0)
  xw = jnp.dot(x_ref[...], w_ref[...], preferred_element_type=jnp.float32)
  dinv = _dinv_flat(degp_ref, i * ROW_BLK, ROW_BLK)
  y_ref[...] = xw * dinv[:, None]

  @pl.when(i == 0)
  def _():
    d8 = deg8_ref[pl.ds(0, NP8), :] + deg8_ref[pl.ds(NP8, NP8), :]
    deg128 = jnp.dot(d8, m8_ref[...], preferred_element_type=jnp.float32)
    dinv_ref[...] = jnp.where(deg128 > 0, lax.rsqrt(deg128), 0.0)


def _mm1_call(x, w1, degp, deg8, m8):
  return pl.pallas_call(
      _mm1_body,
      grid=(N_BLKS,),
      in_specs=[
          pl.BlockSpec((ROW_BLK, D_IN), lambda i: (i, 0)),
          pl.BlockSpec((D_IN, D_H), lambda i: (0, 0)),
          pl.BlockSpec((2 * NODES_P,), lambda i: (0,)),
          pl.BlockSpec((2 * NP8, 8), lambda i: (0, 0)),
          pl.BlockSpec((8, 128), lambda i: (0, 0)),
      ],
      out_specs=[
          pl.BlockSpec((ROW_BLK, D_H), lambda i: (i, 0)),
          pl.BlockSpec((NP8, 128), lambda i: (0, 0)),
      ],
      out_shape=[
          jax.ShapeDtypeStruct((NODES_P, D_H), jnp.float32),
          jax.ShapeDtypeStruct((NP8, 128), jnp.float32),
      ],
  )(x, w1, degp, deg8, m8)


def _mm2_body(p_ref, dinv_ref, w2bd_ref, b1_ref, y_ref):
  dinv = dinv_ref[...]
  acc = p_ref[0] + p_ref[1]
  h = jax.nn.relu(acc * dinv + b1_ref[0, :])
  y_ref[...] = jnp.dot(h, w2bd_ref[...],
                       preferred_element_type=jnp.float32) * dinv


def _mm2_call(p, dinv128, w2bd, b1b):
  return pl.pallas_call(
      _mm2_body,
      in_specs=[
          pl.BlockSpec((2, NP8, 128), lambda: (0, 0, 0)),
          pl.BlockSpec((NP8, 128), lambda: (0, 0)),
          pl.BlockSpec((128, 128), lambda: (0, 0)),
          pl.BlockSpec((1, 128), lambda: (0, 0)),
      ],
      out_specs=pl.BlockSpec((NP8, 128), lambda: (0, 0)),
      out_shape=jax.ShapeDtypeStruct((NP8, 128), jnp.float32),
  )(p, dinv128, w2bd, b1b)


def _post_body(q_ref, dinv_ref, b2_ref, out_ref):
  out_ref[...] = (q_ref[0] + q_ref[1]) * dinv_ref[...] + b2_ref[0, :]


def _post_call(q, dinv128, b2b):
  return pl.pallas_call(
      _post_body,
      in_specs=[
          pl.BlockSpec((2, NP8, 128), lambda: (0, 0, 0)),
          pl.BlockSpec((NP8, 128), lambda: (0, 0)),
          pl.BlockSpec((1, 128), lambda: (0, 0)),
      ],
      out_specs=pl.BlockSpec((NP8, 128), lambda: (0, 0)),
      out_shape=jax.ShapeDtypeStruct((NP8, 128), jnp.float32),
  )(q, dinv128, b2b)


def kernel(x, edge_index, W1, b1, W2, b2):
  n = x.shape[0]
  loop = jnp.arange(n, dtype=jnp.int32)
  ed = jnp.concatenate(
      [edge_index,
       jnp.tile(loop[None], (2, 1)),
       jnp.full((2, E_PAD - E_TOT), n, dtype=jnp.int32)],
      axis=1).reshape(2, NW, NCH, CH)
  src3, dst3 = ed[0], ed[1]

  w2p = jnp.zeros((D_H, D_H), jnp.float32).at[:, :D_OUT].set(W2)
  w2bd = jnp.kron(jnp.eye(8, dtype=jnp.float32), w2p)
  b1b = jnp.tile(b1, 8).reshape(1, 128)
  b2p = jnp.zeros((D_H,), jnp.float32).at[:D_OUT].set(b2)
  b2b = jnp.tile(b2p, 8).reshape(1, 128)

  m8 = jnp.repeat(jnp.eye(8, dtype=jnp.float32), D_H, axis=1)

  degp = _deg_call(dst3)
  deg8 = degp.reshape(2 * NP8, 8)
  y1, dinv128 = _mm1_call(x, W1, degp, deg8, m8)
  p1 = _edge_call(y1, src3, dst3)
  y2 = _mm2_call(p1.reshape(2, NP8, 128), dinv128, w2bd, b1b)
  p2 = _edge_call(y2.reshape(NODES_P, D_H), src3, dst3)
  res = _post_call(p2.reshape(2, NP8, 128), dinv128, b2b)
  return res.reshape(NODES_P, D_H)[:n, :D_OUT]

# --- scband reference (transcript-rebuilt; emitter-appended) ---
"""Pipeline reference for scband-gcn-36507222016142 (READ-ONLY COPY).

The authoritative reference and input builder live on the scoring server;
editing this copy changes nothing except your own understanding.
"""

import jax, jax.numpy as jnp
import numpy as np

N = 10000
E = 160000
D_IN = 767
D_H = 16
D_OUT = 10


def setup_inputs(seed: int = 0) -> dict:
    key = jax.random.key(seed)
    ks = jax.random.split(key, 5)
    x = jax.random.normal(ks[0], (N, D_IN), dtype=jnp.float32)
    edge_index = jax.random.randint(ks[1], (2, E), 0, N, dtype=jnp.int32)
    W1 = jax.random.normal(ks[2], (D_IN, D_H), dtype=jnp.float32) * (1.0 / np.sqrt(D_IN))
    b1 = jnp.zeros((D_H,), dtype=jnp.float32)
    W2 = jax.random.normal(ks[3], (D_H, D_OUT), dtype=jnp.float32) * (1.0 / np.sqrt(D_H))
    b2 = jnp.zeros((D_OUT,), dtype=jnp.float32)
    return {"x": x, "edge_index": edge_index, "W1": W1, "b1": b1, "W2": W2, "b2": b2}


def gcn_conv(x, edge_index, W, b):
    # GCNConv: x' = D^{-1/2} (A + I) D^{-1/2} (x W) + b
    num_nodes = x.shape[0]
    loop = jnp.arange(num_nodes, dtype=edge_index.dtype)
    src = jnp.concatenate([edge_index[0], loop])
    dst = jnp.concatenate([edge_index[1], loop])
    xw = x @ W
    deg = jnp.zeros((num_nodes,), dtype=x.dtype).at[dst].add(1.0)
    dinv = jnp.where(deg > 0, jax.lax.rsqrt(deg), 0.0)
    coeff = (dinv[src] * dinv[dst])[:, None]
    msg = jnp.take(xw, src, axis=0) * coeff
    out = jnp.zeros((num_nodes, W.shape[1]), dtype=x.dtype).at[dst].add(msg)
    return out + b


def reference(x, edge_index, W1, b1, W2, b2):
    h = gcn_conv(x, edge_index, W1, b1)
    h = jax.nn.relu(h)
    out = gcn_conv(h, edge_index, W2, b2)
    return out

if __name__ == "__main__":
    import jax
    _d = setup_inputs()
    print(jax.jit(kernel)(*tuple(_d.values())))

</pallas_src>

<mosaic_0001>
#map = affine_map<(d0, d1) -> (0, 0)>
#map1 = affine_map<(d0, d1) -> (0, 0, 0)>
module attributes {stable_mosaic.version = 14 : i64} {
  func.func @_edge_body(%arg0: i32, %arg1: i32, %arg2: memref<10240x16xf32, #tpu.memory_space<hbm>>, %arg3: memref<32x42x128xi32, #tpu.memory_space<hbm>>, %arg4: memref<32x42x128xi32, #tpu.memory_space<hbm>>, %arg5: memref<2x10240x16xf32, #tpu.memory_space<hbm>>, %arg6: memref<10240x16xf32, #tpu.memory_space<vmem_shared>>, %arg7: memref<10240x16xf32, #tpu.memory_space<vmem_shared>>, %arg8: memref<64x16xf32, #tpu.memory_space<vmem>>, %arg9: memref<42x128xi32, #tpu.memory_space<vmem>>, %arg10: memref<42x128xi32, #tpu.memory_space<vmem>>, %arg11: memref<128x16xf32, #tpu.memory_space<vmem>>, %arg12: memref<128x16xf32, #tpu.memory_space<vmem>>, %arg13: memref<128x16xf32, #tpu.memory_space<vmem>>, %arg14: memref<128x16xf32, #tpu.memory_space<vmem>>, %arg15: memref<128x16xf32, #tpu.memory_space<vmem>>, %arg16: memref<128x16xf32, #tpu.memory_space<vmem>>, %arg17: memref<128x16xf32, #tpu.memory_space<vmem>>, %arg18: memref<!tpu.dma_semaphore, #tpu.memory_space<semaphore_mem>>, %arg19: memref<!tpu.dma_semaphore, #tpu.memory_space<semaphore_mem>>, %arg20: memref<!tpu.dma_semaphore, #tpu.memory_space<semaphore_mem>>, %arg21: memref<!tpu.dma_semaphore, #tpu.memory_space<semaphore_mem>>, %arg22: memref<!tpu.dma_semaphore, #tpu.memory_space<semaphore_mem>>, %arg23: memref<!tpu.dma_semaphore, #tpu.memory_space<semaphore_mem>>, %arg24: memref<!tpu.dma_semaphore, #tpu.memory_space<semaphore_mem>>, %arg25: memref<!tpu.dma_semaphore, #tpu.memory_space<semaphore_mem>>, %arg26: memref<!tpu.dma_semaphore, #tpu.memory_space<semaphore_mem>>, %arg27: memref<!tpu.dma_semaphore, #tpu.memory_space<semaphore_mem>>, %arg28: memref<!tpu.dma_semaphore, #tpu.memory_space<semaphore_mem>>, %arg29: memref<!tpu.dma_semaphore, #tpu.memory_space<semaphore_mem>>, %arg30: memref<!tpu.dma_semaphore, #tpu.memory_space<semaphore_mem>>, %arg31: memref<!tpu.dma_semaphore, #tpu.memory_space<semaphore_mem>>, %arg32: memref<!tpu.dma_semaphore, #tpu.memory_space<semaphore_mem>>, %arg33: memref<!tpu.dma_semaphore, #tpu.memory_space<semaphore_mem>>, %arg34: memref<!tpu.dma_semaphore, #tpu.memory_space<semaphore_mem>>) attributes {dimension_semantics = [#tpu.dimension_semantics<core_parallel>, #tpu.dimension_semantics<subcore_parallel>], iteration_bounds = array<i64: 2, 16>, scalar_prefetch = 0 : i64, scratch_operands = 29 : i64, tpu.core_type = #tpu.core_type<sc_vector_subcore>, window_params = [{transform_indices = #map}, {transform_indices = #map1}, {transform_indices = #map1}, {transform_indices = #map1}]} {
    %mul3A = arith.constant 2 : i32
    %mul3A_0 = arith.muli %arg1, %mul3A : i32
    %add3A = arith.addi %mul3A_0, %arg0 : i32
    %dma_start3A = arith.constant 0 : i32
    %dma_start3A_1 = arith.constant 0 : i32
    %dma_start3A_2 = tpu.memref_slice %arg3[%add3A, %dma_start3A, %dma_start3A_1] : memref<32x42x128xi32, #tpu.memory_space<hbm>> -> memref<1x42x128xi32, #tpu.memory_space<hbm>>
    %dma_start3A_3 = tpu.memref_squeeze %dma_start3A_2 : memref<1x42x128xi32, #tpu.memory_space<hbm>> -> memref<42x128xi32, #tpu.memory_space<hbm>>
    %dma_start3A_4 = arith.constant 0 : i32
    %dma_start3A_5 = arith.constant 0 : i32
    %dma_start3A_6 = tpu.memref_slice %arg3[%add3A, %dma_start3A_4, %dma_start3A_5] : memref<32x42x128xi32, #tpu.memory_space<hbm>> -> memref<1x42x128xi32, #tpu.memory_space<hbm>>
    %dma_start3A_7 = tpu.memref_squeeze %dma_start3A_6 : memref<1x42x128xi32, #tpu.memory_space<hbm>> -> memref<42x128xi32, #tpu.memory_space<hbm>>
    tpu.enqueue_dma source(%dma_start3A_7 : memref<42x128xi32, #tpu.memory_space<hbm>>) target(%arg9 : memref<42x128xi32, #tpu.memory_space<vmem>>) target_semaphore(%arg32 : memref<!tpu.dma_semaphore, #tpu.memory_space<semaphore_mem>>)
    %dma_start3A_8 = arith.constant 0 : i32
    %dma_start3A_9 = arith.constant 0 : i32
    %dma_start3A_10 = tpu.memref_slice %arg4[%add3A, %dma_start3A_8, %dma_start3A_9] : memref<32x42x128xi32, #tpu.memory_space<hbm>> -> memref<1x42x128xi32, #tpu.memory_space<hbm>>
    %dma_start3A_11 = tpu.memref_squeeze %dma_start3A_10 : memref<1x42x128xi32, #tpu.memory_space<hbm>> -> memref<42x128xi32, #tpu.memory_space<hbm>>
    %dma_start3A_12 = arith.constant 0 : i32
    %dma_start3A_13 = arith.constant 0 : i32
    %dma_start3A_14 = tpu.memref_slice %arg4[%add3A, %dma_start3A_12, %dma_start3A_13] : memref<32x42x128xi32, #tpu.memory_space<hbm>> -> memref<1x42x128xi32, #tpu.memory_space<hbm>>
    %dma_start3A_15 = tpu.memref_squeeze %dma_start3A_14 : memref<1x42x128xi32, #tpu.memory_space<hbm>> -> memref<42x128xi32, #tpu.memory_space<hbm>>
    tpu.enqueue_dma source(%dma_start3A_15 : memref<42x128xi32, #tpu.memory_space<hbm>>) target(%arg10 : memref<42x128xi32, #tpu.memory_space<vmem>>) target_semaphore(%arg32 : memref<!tpu.dma_semaphore, #tpu.memory_space<semaphore_mem>>)
    %mul3A_16 = arith.constant 640 : i32
    %mul3A_17 = arith.muli %arg1, %mul3A_16 : i32
    %mul3A_18 = arith.constant 640 : i32
    %mul3A_19 = arith.muli %arg1, %mul3A_18 : i32
    %dma_start3A_20 = arith.constant 0 : i32
    %dma_start3A_21 = tpu.memref_slice %arg7[%mul3A_19, %dma_start3A_20] : memref<10240x16xf32, #tpu.memory_space<vmem_shared>> -> memref<640x16xf32, #tpu.memory_space<vmem_shared>>
    %dma_start3A_22 = arith.constant 0 : i32
    %dma_start3A_23 = tpu.memref_slice %arg2[%mul3A_17, %dma_start3A_22] : memref<10240x16xf32, #tpu.memory_space<hbm>> -> memref<640x16xf32, #tpu.memory_space<hbm>>
    tpu.enqueue_dma source(%dma_start3A_23 : memref<640x16xf32, #tpu.memory_space<hbm>>) target(%dma_start3A_21 : memref<640x16xf32, #tpu.memory_space<vmem_shared>>) target_semaphore(%arg32 : memref<!tpu.dma_semaphore, #tpu.memory_space<semaphore_mem>>)
    %broadcast_in_dim3A = arith.constant 0.000000e+00 : f32
    %broadcast_in_dim3A_24 = vector.broadcast %broadcast_in_dim3A : f32 to vector<16xf32>
    %swap3A = arith.constant 0 : i32
    %swap3A_25 = arith.index_cast %swap3A : i32 to index
    %swap3A_26 = arith.constant 0 : index
    %swap3A_27 = tpu.vector_load %arg8[%swap3A_25, %swap3A_26] {strides = array<i32>} : memref<64x16xf32, #tpu.memory_space<vmem>>, vector<1x16xf32>,
    %swap3A_28 = vector.shape_cast %swap3A_27 : vector<1x16xf32> to vector<16xf32>
    %swap3A_29 = vector.shape_cast %broadcast_in_dim3A_24 : vector<16xf32> to vector<1x16xf32>
    tpu.vector_store %arg8[%swap3A_25, %swap3A_26], %swap3A_29 {strides = array<i32>} : memref<64x16xf32, #tpu.memory_space<vmem>>, vector<1x16xf32>,
    %swap3A_30 = arith.constant 1 : i32
    %swap3A_31 = arith.index_cast %swap3A_30 : i32 to index
    %swap3A_32 = arith.constant 0 : index
    %swap3A_33 = tpu.vector_load %arg8[%swap3A_31, %swap3A_32] {strides = array<i32>} : memref<64x16xf32, #tpu.memory_space<vmem>>, vector<1x16xf32>,
    %swap3A_34 = vector.shape_cast %swap3A_33 : vector<1x16xf32> to vector<16xf32>
    %swap3A_35 = vector.shape_cast %broadcast_in_dim3A_24 : vector<16xf32> to vector<1x16xf32>
    tpu.vector_store %arg8[%swap3A_31, %swap3A_32], %swap3A_35 {strides = array<i32>} : memref<64x16xf32, #tpu.memory_space<vmem>>, vector<1x16xf32>,
    %swap3A_36 = arith.constant 2 : i32
    %swap3A_37 = arith.index_cast %swap3A_36 : i32 to index
    %swap3A_38 = arith.constant 0 : index
    %swap3A_39 = tpu.vector_load %arg8[%swap3A_37, %swap3A_38] {strides = array<i32>} : memref<64x16xf32, #tpu.memory_space<vmem>>, vector<1x16xf32>,
    %swap3A_40 = vector.shape_cast %swap3A_39 : vector<1x16xf32> to vector<16xf32>
    %swap3A_41 = vector.shape_cast %broadcast_in_dim3A_24 : vector<16xf32> to vector<1x16xf32>
    tpu.vector_store %arg8[%swap3A_37, %swap3A_38], %swap3A_41 {strides = array<i32>} : memref<64x16xf32, #tpu.memory_space<vmem>>, vector<1x16xf32>,
    %swap3A_42 = arith.constant 3 : i32
    %swap3A_43 = arith.index_cast %swap3A_42 : i32 to index
    %swap3A_44 = arith.constant 0 : index
    %swap3A_45 = tpu.vector_load %arg8[%swap3A_43, %swap3A_44] {strides = array<i32>} : memref<64x16xf32, #tpu.memory_space<vmem>>, vector<1x16xf32>,
    %swap3A_46 = vector.shape_cast %swap3A_45 : vector<1x16xf32> to vector<16xf32>
    %swap3A_47 = vector.shape_cast %broadcast_in_dim3A_24 : vector<16xf32> to vector<1x16xf32>
    tpu.vector_store %arg8[%swap3A_43, %swap3A_44], %swap3A_47 {strides = array<i32>} : memref<64x16xf32, #tpu.memory_space<vmem>>, vector<1x16xf32>,
    %swap3A_48 = arith.constant 4 : i32
    %swap3A_49 = arith.index_cast %swap3A_48 : i32 to index
    %swap3A_50 = arith.constant 0 : index
    %swap3A_51 = tpu.vector_load %arg8[%swap3A_49, %swap3A_50] {strides = array<i32>} : memref<64x16xf32, #tpu.memory_space<vmem>>, vector<1x16xf32>,
    %swap3A_52 = vector.shape_cast %swap3A_51 : vector<1x16xf32> to vector<16xf32>
    %swap3A_53 = vector.shape_cast %broadcast_in_dim3A_24 : vector<16xf32> to vector<1x16xf32>
    tpu.vector_store %arg8[%swap3A_49, %swap3A_50], %swap3A_53 {strides = array<i32>} : memref<64x16xf32, #tpu.memory_space<vmem>>, vector<1x16xf32>,
    %swap3A_54 = arith.constant 5 : i32
    %swap3A_55 = arith.index_cast %swap3A_54 : i32 to index
    %swap3A_56 = arith.constant 0 : index
    %swap3A_57 = tpu.vector_load %arg8[%swap3A_55, %swap3A_56] {strides = array<i32>} : memref<64x16xf32, #tpu.memory_space<vmem>>, vector<1x16xf32>,
    %swap3A_58 = vector.shape_cast %swap3A_57 : vector<1x16xf32> to vector<16xf32>
    %swap3A_59 = vector.shape_cast %broadcast_in_dim3A_24 : vector<16xf32> to vector<1x16xf32>
    tpu.vector_store %arg8[%swap3A_55, %swap3A_56], %swap3A_59 {strides = array<i32>} : memref<64x16xf32, #tpu.memory_space<vmem>>, vector<1x16xf32>,
    %swap3A_60 = arith.constant 6 : i32
    %swap3A_61 = arith.index_cast %swap3A_60 : i32 to index
    %swap3A_62 = arith.constant 0 : index
    %swap3A_63 = tpu.vector_load %arg8[%swap3A_61, %swap3A_62] {strides = array<i32>} : memref<64x16xf32, #tpu.memory_space<vmem>>, vector<1x16xf32>,
    %swap3A_64 = vector.shape_cast %swap3A_63 : vector<1x16xf32> to vector<16xf32>
    %swap3A_65 = vector.shape_cast %broadcast_in_dim3A_24 : vector<16xf32> to vector<1x16xf32>
    tpu.vector_store %arg8[%swap3A_61, %swap3A_62], %swap3A_65 {strides = array<i32>} : memref<64x16xf32, #tpu.memory_space<vmem>>, vector<1x16xf32>,
    %swap3A_66 = arith.constant 7 : i32
    %swap3A_67 = arith.index_cast %swap3A_66 : i32 to index
    %swap3A_68 = arith.constant 0 : index
    %swap3A_69 = tpu.vector_load %arg8[%swap3A_67, %swap3A_68] {strides = array<i32>} : memref<64x16xf32, #tpu.memory_space<vmem>>, vector<1x16xf32>,
    %swap3A_70 = vector.shape_cast %swap3A_69 : vector<1x16xf32> to vector<16xf32>
    %swap3A_71 = vector.shape_cast %broadcast_in_dim3A_24 : vector<16xf32> to vector<1x16xf32>
    tpu.vector_store %arg8[%swap3A_67, %swap3A_68], %swap3A_71 {strides = array<i32>} : memref<64x16xf32, #tpu.memory_space<vmem>>, vector<1x16xf32>,
    %swap3A_72 = arith.constant 8 : i32
    %swap3A_73 = arith.index_cast %swap3A_72 : i32 to index
    %swap3A_74 = arith.constant 0 : index
    %swap3A_75 = tpu.vector_load %arg8[%swap3A_73, %swap3A_74] {strides = array<i32>} : memref<64x16xf32, #tpu.memory_space<vmem>>, vector<1x16xf32>,
    %swap3A_76 = vector.shape_cast %swap3A_75 : vector<1x16xf32> to vector<16xf32>
    %swap3A_77 = vector.shape_cast %broadcast_in_dim3A_24 : vector<16xf32> to vector<1x16xf32>
    tpu.vector_store %arg8[%swap3A_73, %swap3A_74], %swap3A_77 {strides = array<i32>} : memref<64x16xf32, #tpu.memory_space<vmem>>, vector<1x16xf32>,
    %swap3A_78 = arith.constant 9 : i32
    %swap3A_79 = arith.index_cast %swap3A_78 : i32 to index
    %swap3A_80 = arith.constant 0 : index
    %swap3A_81 = tpu.vector_load %arg8[%swap3A_79, %swap3A_80] {strides = array<i32>} : memref<64x16xf32, #tpu.memory_space<vmem>>, vector<1x16xf32>,
    %swap3A_82 = vector.shape_cast %swap3A_81 : vector<1x16xf32> to vector<16xf32>
    %swap3A_83 = vector.shape_cast %broadcast_in_dim3A_24 : vector<16xf32> to vector<1x16xf32>
    tpu.vector_store %arg8[%swap3A_79, %swap3A_80], %swap3A_83 {strides = array<i32>} : memref<64x16xf32, #tpu.memory_space<vmem>>, vector<1x16xf32>,
    %swap3A_84 = arith.constant 10 : i32
    %swap3A_85 = arith.index_cast %swap3A_84 : i32 to index
    %swap3A_86 = arith.constant 0 : index
    %swap3A_87 = tpu.vector_load %arg8[%swap3A_85, %swap3A_86] {strides = array<i32>} : memref<64x16xf32, #tpu.memory_space<vmem>>, vector<1x16xf32>,
    %swap3A_88 = vector.shape_cast %swap3A_87 : vector<1x16xf32> to vector<16xf32>
    %swap3A_89 = vector.shape_cast %broadcast_in_dim3A_24 : vector<16xf32> to vector<1x16xf32>
    tpu.vector_store %arg8[%swap3A_85, %swap3A_86], %swap3A_89 {strides = array<i32>} : memref<64x16xf32, #tpu.memory_space<vmem>>, vector<1x16xf32>,
    %swap3A_90 = arith.constant 11 : i32
    %swap3A_91 = arith.index_cast %swap3A_90 : i32 to index
    %swap3A_92 = arith.constant 0 : index
    %swap3A_93 = tpu.vector_load %arg8[%swap3A_91, %swap3A_92] {strides = array<i32>} : memref<64x16xf32, #tpu.memory_space<vmem>>, vector<1x16xf32>,
    %swap3A_94 = vector.shape_cast %swap3A_93 : vector<1x16xf32> to vector<16xf32>
    %swap3A_95 = vector.shape_cast %broadcast_in_dim3A_24 : vector<16xf32> to vector<1x16xf32>
    tpu.vector_store %arg8[%swap3A_91, %swap3A_92], %swap3A_95 {strides = array<i32>} : memref<64x16xf32, #tpu.memory_space<vmem>>, vector<1x16xf32>,
    %swap3A_96 = arith.constant 12 : i32
    %swap3A_97 = arith.index_cast %swap3A_96 : i32 to index
    %swap3A_98 = arith.constant 0 : index
    %swap3A_99 = tpu.vector_load %arg8[%swap3A_97, %swap3A_98] {strides = array<i32>} : memref<64x16xf32, #tpu.memory_space<vmem>>, vector<1x16xf32>,
    %swap3A_100 = vector.shape_cast %swap3A_99 : vector<1x16xf32> to vector<16xf32>
    %swap3A_101 = vector.shape_cast %broadcast_in_dim3A_24 : vector<16xf32> to vector<1x16xf32>
    tpu.vector_store %arg8[%swap3A_97, %swap3A_98], %swap3A_101 {strides = array<i32>} : memref<64x16xf32, #tpu.memory_space<vmem>>, vector<1x16xf32>,
    %swap3A_102 = arith.constant 13 : i32
    %swap3A_103 = arith.index_cast %swap3A_102 : i32 to index
    %swap3A_104 = arith.constant 0 : index
    %swap3A_105 = tpu.vector_load %arg8[%swap3A_103, %swap3A_104] {strides = array<i32>} : memref<64x16xf32, #tpu.memory_space<vmem>>, vector<1x16xf32>,
    %swap3A_106 = vector.shape_cast %swap3A_105 : vector<1x16xf32> to vector<16xf32>
    %swap3A_107 = vector.shape_cast %broadcast_in_dim3A_24 : vector<16xf32> to vector<1x16xf32>
    tpu.vector_store %arg8[%swap3A_103, %swap3A_104], %swap3A_107 {strides = array<i32>} : memref<64x16xf32, #tpu.memory_space<vmem>>, vector<1x16xf32>,
    %swap3A_108 = arith.constant 14 : i32
    %swap3A_109 = arith.index_cast %swap3A_108 : i32 to index
    %swap3A_110 = arith.constant 0 : index
    %swap3A_111 = tpu.vector_load %arg8[%swap3A_109, %swap3A_110] {strides = array<i32>} : memref<64x16xf32, #tpu.memory_space<vmem>>, vector<1x16xf32>,
    %swap3A_112 = vector.shape_cast %swap3A_111 : vector<1x16xf32> to vector<16xf32>
    %swap3A_113 = vector.shape_cast %broadcast_in_dim3A_24 : vector<16xf32> to vector<1x16xf32>
    tpu.vector_store %arg8[%swap3A_109, %swap3A_110], %swap3A_113 {strides = array<i32>} : memref<64x16xf32, #tpu.memory_space<vmem>>, vector<1x16xf32>,
    %swap3A_114 = arith.constant 15 : i32
    %swap3A_115 = arith.index_cast %swap3A_114 : i32 to index
    %swap3A_116 = arith.constant 0 : index
    %swap3A_117 = tpu.vector_load %arg8[%swap3A_115, %swap3A_116] {strides = array<i32>} : memref<64x16xf32, #tpu.memory_space<vmem>>, vector<1x16xf32>,
    %swap3A_118 = vector.shape_cast %swap3A_117 : vector<1x16xf32> to vector<16xf32>
    %swap3A_119 = vector.shape_cast %broadcast_in_dim3A_24 : vector<16xf32> to vector<1x16xf32>
    tpu.vector_store %arg8[%swap3A_115, %swap3A_116], %swap3A_119 {strides = array<i32>} : memref<64x16xf32, #tpu.memory_space<vmem>>, vector<1x16xf32>,
    %swap3A_120 = arith.constant 16 : i32
    %swap3A_121 = arith.index_cast %swap3A_120 : i32 to index
    %swap3A_122 = arith.constant 0 : index
    %swap3A_123 = tpu.vector_load %arg8[%swap3A_121, %swap3A_122] {strides = array<i32>} : memref<64x16xf32, #tpu.memory_space<vmem>>, vector<1x16xf32>,
    %swap3A_124 = vector.shape_cast %swap3A_123 : vector<1x16xf32> to vector<16xf32>
    %swap3A_125 = vector.shape_cast %broadcast_in_dim3A_24 : vector<16xf32> to vector<1x16xf32>
    tpu.vector_store %arg8[%swap3A_121, %swap3A_122], %swap3A_125 {strides = array<i32>} : memref<64x16xf32, #tpu.memory_space<vmem>>, vector<1x16xf32>,
    %swap3A_126 = arith.constant 17 : i32
    %swap3A_127 = arith.index_cast %swap3A_126 : i32 to index
    %swap3A_128 = arith.constant 0 : index
    %swap3A_129 = tpu.vector_load %arg8[%swap3A_127, %swap3A_128] {strides = array<i32>} : memref<64x16xf32, #tpu.memory_space<vmem>>, vector<1x16xf32>,
    %swap3A_130 = vector.shape_cast %swap3A_129 : vector<1x16xf32> to vector<16xf32>
    %swap3A_131 = vector.shape_cast %broadcast_in_dim3A_24 : vector<16xf32> to vector<1x16xf32>
    tpu.vector_store %arg8[%swap3A_127, %swap3A_128], %swap3A_131 {strides = array<i32>} : memref<64x16xf32, #tpu.memory_space<vmem>>, vector<1x16xf32>,
    %swap3A_132 = arith.constant 18 : i32
    %swap3A_133 = arith.index_cast %swap3A_132 : i32 to index
    %swap3A_134 = arith.constant 0 : index
    %swap3A_135 = tpu.vector_load %arg8[%swap3A_133, %swap3A_134] {strides = array<i32>} : memref<64x16xf32, #tpu.memory_space<vmem>>, vector<1x16xf32>,
    %swap3A_136 = vector.shape_cast %swap3A_135 : vector<1x16xf32> to vector<16xf32>
    %swap3A_137 = vector.shape_cast %broadcast_in_dim3A_24 : vector<16xf32> to vector<1x16xf32>
    tpu.vector_store %arg8[%swap3A_133, %swap3A_134], %swap3A_137 {strides = array<i32>} : memref<64x16xf32, #tpu.memory_space<vmem>>, vector<1x16xf32>,
    %swap3A_138 = arith.constant 19 : i32
    %swap3A_139 = arith.index_cast %swap3A_138 : i32 to index
    %swap3A_140 = arith.constant 0 : index
    %swap3A_141 = tpu.vector_load %arg8[%swap3A_139, %swap3A_140] {strides = array<i32>} : memref<64x16xf32, #tpu.memory_space<vmem>>, vector<1x16xf32>,
    %swap3A_142 = vector.shape_cast %swap3A_141 : vector<1x16xf32> to vector<16xf32>
    %swap3A_143 = vector.shape_cast %broadcast_in_dim3A_24 : vector<16xf32> to vector<1x16xf32>
    tpu.vector_store %arg8[%swap3A_139, %swap3A_140], %swap3A_143 {strides = array<i32>} : memref<64x16xf32, #tpu.memory_space<vmem>>, vector<1x16xf32>,
    %swap3A_144 = arith.constant 20 : i32
    %swap3A_145 = arith.index_cast %swap3A_144 : i32 to index
    %swap3A_146 = arith.constant 0 : index
    %swap3A_147 = tpu.vector_load %arg8[%swap3A_145, %swap3A_146] {strides = array<i32>} : memref<64x16xf32, #tpu.memory_space<vmem>>, vector<1x16xf32>,
    %swap3A_148 = vector.shape_cast %swap3A_147 : vector<1x16xf32> to vector<16xf32>
    %swap3A_149 = vector.shape_cast %broadcast_in_dim3A_24 : vector<16xf32> to vector<1x16xf32>
    tpu.vector_store %arg8[%swap3A_145, %swap3A_146], %swap3A_149 {strides = array<i32>} : memref<64x16xf32, #tpu.memory_space<vmem>>, vector<1x16xf32>,
    %swap3A_150 = arith.constant 21 : i32
    %swap3A_151 = arith.index_cast %swap3A_150 : i32 to index
    %swap3A_152 = arith.constant 0 : index
    %swap3A_153 = tpu.vector_load %arg8[%swap3A_151, %swap3A_152] {strides = array<i32>} : memref<64x16xf32, #tpu.memory_space<vmem>>, vector<1x16xf32>,
    %swap3A_154 = vector.shape_cast %swap3A_153 : vector<1x16xf32> to vector<16xf32>
    %swap3A_155 = vector.shape_cast %broadcast_in_dim3A_24 : vector<16xf32> to vector<1x16xf32>
    tpu.vector_store %arg8[%swap3A_151, %swap3A_152], %swap3A_155 {strides = array<i32>} : memref<64x16xf32, #tpu.memory_space<vmem>>, vector<1x16xf32>,
    %swap3A_156 = arith.constant 22 : i32
    %swap3A_157 = arith.index_cast %swap3A_156 : i32 to index
    %swap3A_158 = arith.constant 0 : index
    %swap3A_159 = tpu.vector_load %arg8[%swap3A_157, %swap3A_158] {strides = array<i32>} : memref<64x16xf32, #tpu.memory_space<vmem>>, vector<1x16xf32>,
    %swap3A_160 = vector.shape_cast %swap3A_159 : vector<1x16xf32> to vector<16xf32>
    %swap3A_161 = vector.shape_cast %broadcast_in_dim3A_24 : vector<16xf32> to vector<1x16xf32>
    tpu.vector_store %arg8[%swap3A_157, %swap3A_158], %swap3A_161 {strides = array<i32>} : memref<64x16xf32, #tpu.memory_space<vmem>>, vector<1x16xf32>,
    %swap3A_162 = arith.constant 23 : i32
    %swap3A_163 = arith.index_cast %swap3A_162 : i32 to index
    %swap3A_164 = arith.constant 0 : index
    %swap3A_165 = tpu.vector_load %arg8[%swap3A_163, %swap3A_164] {strides = array<i32>} : memref<64x16xf32, #tpu.memory_space<vmem>>, vector<1x16xf32>,
    %swap3A_166 = vector.shape_cast %swap3A_165 : vector<1x16xf32> to vector<16xf32>
    %swap3A_167 = vector.shape_cast %broadcast_in_dim3A_24 : vector<16xf32> to vector<1x16xf32>
    tpu.vector_store %arg8[%swap3A_163, %swap3A_164], %swap3A_167 {strides = array<i32>} : memref<64x16xf32, #tpu.memory_space<vmem>>, vector<1x16xf32>,
    %swap3A_168 = arith.constant 24 : i32
    %swap3A_169 = arith.index_cast %swap3A_168 : i32 to index
    %swap3A_170 = arith.constant 0 : index
    %swap3A_171 = tpu.vector_load %arg8[%swap3A_169, %swap3A_170] {strides = array<i32>} : memref<64x16xf32, #tpu.memory_space<vmem>>, vector<1x16xf32>,
    %swap3A_172 = vector.shape_cast %swap3A_171 : vector<1x16xf32> to vector<16xf32>
    %swap3A_173 = vector.shape_cast %broadcast_in_dim3A_24 : vector<16xf32> to vector<1x16xf32>
    tpu.vector_store %arg8[%swap3A_169, %swap3A_170], %swap3A_173 {strides = array<i32>} : memref<64x16xf32, #tpu.memory_space<vmem>>, vector<1x16xf32>,
    %swap3A_174 = arith.constant 25 : i32
    %swap3A_175 = arith.index_cast %swap3A_174 : i32 to index
    %swap3A_176 = arith.constant 0 : index
    %swap3A_177 = tpu.vector_load %arg8[%swap3A_175, %swap3A_176] {strides = array<i32>} : memref<64x16xf32, #tpu.memory_space<vmem>>, vector<1x16xf32>,
    %swap3A_178 = vector.shape_cast %swap3A_177 : vector<1x16xf32> to vector<16xf32>
    %swap3A_179 = vector.shape_cast %broadcast_in_dim3A_24 : vector<16xf32> to vector<1x16xf32>
    tpu.vector_store %arg8[%swap3A_175, %swap3A_176], %swap3A_179 {strides = array<i32>} : memref<64x16xf32, #tpu.memory_space<vmem>>, vector<1x16xf32>,
    %swap3A_180 = arith.constant 26 : i32
    %swap3A_181 = arith.index_cast %swap3A_180 : i32 to index
    %swap3A_182 = arith.constant 0 : index
    %swap3A_183 = tpu.vector_load %arg8[%swap3A_181, %swap3A_182] {strides = array<i32>} : memref<64x16xf32, #tpu.memory_space<vmem>>, vector<1x16xf32>,
    %swap3A_184 = vector.shape_cast %swap3A_183 : vector<1x16xf32> to vector<16xf32>
    %swap3A_185 = vector.shape_cast %broadcast_in_dim3A_24 : vector<16xf32> to vector<1x16xf32>
    tpu.vector_store %arg8[%swap3A_181, %swap3A_182], %swap3A_185 {strides = array<i32>} : memref<64x16xf32, #tpu.memory_space<vmem>>, vector<1x16xf32>,
    %swap3A_186 = arith.constant 27 : i32
    %swap3A_187 = arith.index_cast %swap3A_186 : i32 to index
    %swap3A_188 = arith.constant 0 : index
    %swap3A_189 = tpu.vector_load %arg8[%swap3A_187, %swap3A_188] {strides = array<i32>} : memref<64x16xf32, #tpu.memory_space<vmem>>, vector<1x16xf32>,
    %swap3A_190 = vector.shape_cast %swap3A_189 : vector<1x16xf32> to vector<16xf32>
    %swap3A_191 = vector.shape_cast %broadcast_in_dim3A_24 : vector<16xf32> to vector<1x16xf32>
    tpu.vector_store %arg8[%swap3A_187, %swap3A_188], %swap3A_191 {strides = array<i32>} : memref<64x16xf32, #tpu.memory_space<vmem>>, vector<1x16xf32>,
    %swap3A_192 = arith.constant 28 : i32
    %swap3A_193 = arith.index_cast %swap3A_192 : i32 to index
    %swap3A_194 = arith.constant 0 : index
    %swap3A_195 = tpu.vector_load %arg8[%swap3A_193, %swap3A_194] {strides = array<i32>} : memref<64x16xf32, #tpu.memory_space<vmem>>, vector<1x16xf32>,
    %swap3A_196 = vector.shape_cast %swap3A_195 : vector<1x16xf32> to vector<16xf32>
    %swap3A_197 = vector.shape_cast %broadcast_in_dim3A_24 : vector<16xf32> to vector<1x16xf32>
    tpu.vector_store %arg8[%swap3A_193, %swap3A_194], %swap3A_197 {strides = array<i32>} : memref<64x16xf32, #tpu.memory_space<vmem>>, vector<1x16xf32>,
    %swap3A_198 = arith.constant 29 : i32
    %swap3A_199 = arith.index_cast %swap3A_198 : i32 to index
    %swap3A_200 = arith.constant 0 : index
    %swap3A_201 = tpu.vector_load %arg8[%swap3A_199, %swap3A_200] {strides = array<i32>} : memref<64x16xf32, #tpu.memory_space<vmem>>, vector<1x16xf32>,
    %swap3A_202 = vector.shape_cast %swap3A_201 : vector<1x16xf32> to vector<16xf32>
    %swap3A_203 = vector.shape_cast %broadcast_in_dim3A_24 : vector<16xf32> to vector<1x16xf32>
    tpu.vector_store %arg8[%swap3A_199, %swap3A_200], %swap3A_203 {strides = array<i32>} : memref<64x16xf32, #tpu.memory_space<vmem>>, vector<1x16xf32>,
    %swap3A_204 = arith.constant 30 : i32
    %swap3A_205 = arith.index_cast %swap3A_204 : i32 to index
    %swap3A_206 = arith.constant 0 : index
    %swap3A_207 = tpu.vector_load %arg8[%swap3A_205, %swap3A_206] {strides = array<i32>} : memref<64x16xf32, #tpu.memory_space<vmem>>, vector<1x16xf32>,
    %swap3A_208 = vector.shape_cast %swap3A_207 : vector<1x16xf32> to vector<16xf32>
    %swap3A_209 = vector.shape_cast %broadcast_in_dim3A_24 : vector<16xf32> to vector<1x16xf32>
    tpu.vector_store %arg8[%swap3A_205, %swap3A_206], %swap3A_209 {strides = array<i32>} : memref<64x16xf32, #tpu.memory_space<vmem>>, vector<1x16xf32>,
    %swap3A_210 = arith.constant 31 : i32
    %swap3A_211 = arith.index_cast %swap3A_210 : i32 to index
    %swap3A_212 = arith.constant 0 : index
    %swap3A_213 = tpu.vector_load %arg8[%swap3A_211, %swap3A_212] {strides = array<i32>} : memref<64x16xf32, #tpu.memory_space<vmem>>, vector<1x16xf32>,
    %swap3A_214 = vector.shape_cast %swap3A_213 : vector<1x16xf32> to vector<16xf32>
    %swap3A_215 = vector.shape_cast %broadcast_in_dim3A_24 : vector<16xf32> to vector<1x16xf32>
    tpu.vector_store %arg8[%swap3A_211, %swap3A_212], %swap3A_215 {strides = array<i32>} : memref<64x16xf32, #tpu.memory_space<vmem>>, vector<1x16xf32>,
    %swap3A_216 = arith.constant 32 : i32
    %swap3A_217 = arith.index_cast %swap3A_216 : i32 to index
    %swap3A_218 = arith.constant 0 : index
    %swap3A_219 = tpu.vector_load %arg8[%swap3A_217, %swap3A_218] {strides = array<i32>} : memref<64x16xf32, #tpu.memory_space<vmem>>, vector<1x16xf32>,
    %swap3A_220 = vector.shape_cast %swap3A_219 : vector<1x16xf32> to vector<16xf32>
    %swap3A_221 = vector.shape_cast %broadcast_in_dim3A_24 : vector<16xf32> to vector<1x16xf32>
    tpu.vector_store %arg8[%swap3A_217, %swap3A_218], %swap3A_221 {strides = array<i32>} : memref<64x16xf32, #tpu.memory_space<vmem>>, vector<1x16xf32>,
    %swap3A_222 = arith.constant 33 : i32
    %swap3A_223 = arith.index_cast %swap3A_222 : i32 to index
    %swap3A_224 = arith.constant 0 : index
    %swap3A_225 = tpu.vector_load %arg8[%swap3A_223, %swap3A_224] {strides = array<i32>} : memref<64x16xf32, #tpu.memory_space<vmem>>, vector<1x16xf32>,
    %swap3A_226 = vector.shape_cast %swap3A_225 : vector<1x16xf32> to vector<16xf32>
    %swap3A_227 = vector.shape_cast %broadcast_in_dim3A_24 : vector<16xf32> to vector<1x16xf32>
    tpu.vector_store %arg8[%swap3A_223, %swap3A_224], %swap3A_227 {strides = array<i32>} : memref<64x16xf32, #tpu.memory_space<vmem>>, vector<1x16xf32>,
    %swap3A_228 = arith.constant 34 : i32
    %swap3A_229 = arith.index_cast %swap3A_228 : i32 to index
    %swap3A_230 = arith.constant 0 : index
    %swap3A_231 = tpu.vector_load %arg8[%swap3A_229, %swap3A_230] {strides = array<i32>} : memref<64x16xf32, #tpu.memory_space<vmem>>, vector<1x16xf32>,
    %swap3A_232 = vector.shape_cast %swap3A_231 : vector<1x16xf32> to vector<16xf32>
    %swap3A_233 = vector.shape_cast %broadcast_in_dim3A_24 : vector<16xf32> to vector<1x16xf32>
    tpu.vector_store %arg8[%swap3A_229, %swap3A_230], %swap3A_233 {strides = array<i32>} : memref<64x16xf32, #tpu.memory_space<vmem>>, vector<1x16xf32>,
    %swap3A_234 = arith.constant 35 : i32
    %swap3A_235 = arith.index_cast %swap3A_234 : i32 to index
    %swap3A_236 = arith.constant 0 : index
    %swap3A_237 = tpu.vector_load %arg8[%swap3A_235, %swap3A_236] {strides = array<i32>} : memref<64x16xf32, #tpu.memory_space<vmem>>, vector<1x16xf32>,
    %swap3A_238 = vector.shape_cast %swap3A_237 : vector<1x16xf32> to vector<16xf32>
    %swap3A_239 = vector.shape_cast %broadcast_in_dim3A_24 : vector<16xf32> to vector<1x16xf32>
    tpu.vector_store %arg8[%swap3A_235, %swap3A_236], %swap3A_239 {strides = array<i32>} : memref<64x16xf32, #tpu.memory_space<vmem>>, vector<1x16xf32>,
    %swap3A_240 = arith.constant 36 : i32
    %swap3A_241 = arith.index_cast %swap3A_240 : i32 to index
    %swap3A_242 = arith.constant 0 : index
    %swap3A_243 = tpu.vector_load %arg8[%swap3A_241, %swap3A_242] {strides = array<i32>} : memref<64x16xf32, #tpu.memory_space<vmem>>, vector<1x16xf32>,
    %swap3A_244 = vector.shape_cast %swap3A_243 : vector<1x16xf32> to vector<16xf32>
    %swap3A_245 = vector.shape_cast %broadcast_in_dim3A_24 : vector<16xf32> to vector<1x16xf32>
    tpu.vector_store %arg8[%swap3A_241, %swap3A_242], %swap3A_245 {strides = array<i32>} : memref<64x16xf32, #tpu.memory_space<vmem>>, vector<1x16xf32>,
    %swap3A_246 = arith.constant 37 : i32
    %swap3A_247 = arith.index_cast %swap3A_246 : i32 to index
    %swap3A_248 = arith.constant 0 : index
    %swap3A_249 = tpu.vector_load %arg8[%swap3A_247, %swap3A_248] {strides = array<i32>} : memref<64x16xf32, #tpu.memory_space<vmem>>, vector<1x16xf32>,
    %swap3A_250 = vector.shape_cast %swap3A_249 : vector<1x16xf32> to vector<16xf32>
    %swap3A_251 = vector.shape_cast %broadcast_in_dim3A_24 : vector<16xf32> to vector<1x16xf32>
    tpu.vector_store %arg8[%swap3A_247, %swap3A_248], %swap3A_251 {strides = array<i32>} : memref<64x16xf32, #tpu.memory_space<vmem>>, vector<1x16xf32>,
    %swap3A_252 = arith.constant 38 : i32
    %swap3A_253 = arith.index_cast %swap3A_252 : i32 to index
    %swap3A_254 = arith.constant 0 : index
    %swap3A_255 = tpu.vector_load %arg8[%swap3A_253, %swap3A_254] {strides = array<i32>} : memref<64x16xf32, #tpu.memory_space<vmem>>, vector<1x16xf32>,
    %swap3A_256 = vector.shape_cast %swap3A_255 : vector<1x16xf32> to vector<16xf32>
    %swap3A_257 = vector.shape_cast %broadcast_in_dim3A_24 : vector<16xf32> to vector<1x16xf32>
    tpu.vector_store %arg8[%swap3A_253, %swap3A_254], %swap3A_257 {strides = array<i32>} : memref<64x16xf32, #tpu.memory_space<vmem>>, vector<1x16xf32>,
    %swap3A_258 = arith.constant 39 : i32
    %swap3A_259 = arith.index_cast %swap3A_258 : i32 to index
    %swap3A_260 = arith.constant 0 : index
    %swap3A_261 = tpu.vector_load %arg8[%swap3A_259, %swap3A_260] {strides = array<i32>} : memref<64x16xf32, #tpu.memory_space<vmem>>, vector<1x16xf32>,
    %swap3A_262 = vector.shape_cast %swap3A_261 : vector<1x16xf32> to vector<16xf32>
    %swap3A_263 = vector.shape_cast %broadcast_in_dim3A_24 : vector<16xf32> to vector<1x16xf32>
    tpu.vector_store %arg8[%swap3A_259, %swap3A_260], %swap3A_263 {strides = array<i32>} : memref<64x16xf32, #tpu.memory_space<vmem>>, vector<1x16xf32>,
    %swap3A_264 = arith.constant 40 : i32
    %swap3A_265 = arith.index_cast %swap3A_264 : i32 to index
    %swap3A_266 = arith.constant 0 : index
    %swap3A_267 = tpu.vector_load %arg8[%swap3A_265, %swap3A_266] {strides = array<i32>} : memref<64x16xf32, #tpu.memory_space<vmem>>, vector<1x16xf32>,
    %swap3A_268 = vector.shape_cast %swap3A_267 : vector<1x16xf32> to vector<16xf32>
    %swap3A_269 = vector.shape_cast %broadcast_in_dim3A_24 : vector<16xf32> to vector<1x16xf32>
    tpu.vector_store %arg8[%swap3A_265, %swap3A_266], %swap3A_269 {strides = array<i32>} : memref<64x16xf32, #tpu.memory_space<vmem>>, vector<1x16xf32>,
    %swap3A_270 = arith.constant 41 : i32
    %swap3A_271 = arith.index_cast %swap3A_270 : i32 to index
    %swap3A_272 = arith.constant 0 : index
    %swap3A_273 = tpu.vector_load %arg8[%swap3A_271, %swap3A_272] {strides = array<i32>} : memref<64x16xf32, #tpu.memory_space<vmem>>, vector<1x16xf32>,
    %swap3A_274 = vector.shape_cast %swap3A_273 : vector<1x16xf32> to vector<16xf32>
    %swap3A_275 = vector.shape_cast %broadcast_in_dim3A_24 : vector<16xf32> to vector<1x16xf32>
    tpu.vector_store %arg8[%swap3A_271, %swap3A_272], %swap3A_275 {strides = array<i32>} : memref<64x16xf32, #tpu.memory_space<vmem>>, vector<1x16xf32>,
    %swap3A_276 = arith.constant 42 : i32
    %swap3A_277 = arith.index_cast %swap3A_276 : i32 to index
    %swap3A_278 = arith.constant 0 : index
    %swap3A_279 = tpu.vector_load %arg8[%swap3A_277, %swap3A_278] {strides = array<i32>} : memref<64x16xf32, #tpu.memory_space<vmem>>, vector<1x16xf32>,
    %swap3A_280 = vector.shape_cast %swap3A_279 : vector<1x16xf32> to vector<16xf32>
    %swap3A_281 = vector.shape_cast %broadcast_in_dim3A_24 : vector<16xf32> to vector<1x16xf32>
    tpu.vector_store %arg8[%swap3A_277, %swap3A_278], %swap3A_281 {strides = array<i32>} : memref<64x16xf32, #tpu.memory_space<vmem>>, vector<1x16xf32>,
    %swap3A_282 = arith.constant 43 : i32
    %swap3A_283 = arith.index_cast %swap3A_282 : i32 to index
    %swap3A_284 = arith.constant 0 : index
    %swap3A_285 = tpu.vector_load %arg8[%swap3A_283, %swap3A_284] {strides = array<i32>} : memref<64x16xf32, #tpu.memory_space<vmem>>, vector<1x16xf32>,
    %swap3A_286 = vector.shape_cast %swap3A_285 : vector<1x16xf32> to vector<16xf32>
    %swap3A_287 = vector.shape_cast %broadcast_in_dim3A_24 : vector<16xf32> to vector<1x16xf32>
    tpu.vector_store %arg8[%swap3A_283, %swap3A_284], %swap3A_287 {strides = array<i32>} : memref<64x16xf32, #tpu.memory_space<vmem>>, vector<1x16xf32>,
    %swap3A_288 = arith.constant 44 : i32
    %swap3A_289 = arith.index_cast %swap3A_288 : i32 to index
    %swap3A_290 = arith.constant 0 : index
    %swap3A_291 = tpu.vector_load %arg8[%swap3A_289, %swap3A_290] {strides = array<i32>} : memref<64x16xf32, #tpu.memory_space<vmem>>, vector<1x16xf32>,
    %swap3A_292 = vector.shape_cast %swap3A_291 : vector<1x16xf32> to vector<16xf32>
    %swap3A_293 = vector.shape_cast %broadcast_in_dim3A_24 : vector<16xf32> to vector<1x16xf32>
    tpu.vector_store %arg8[%swap3A_289, %swap3A_290], %swap3A_293 {strides = array<i32>} : memref<64x16xf32, #tpu.memory_space<vmem>>, vector<1x16xf32>,
    %swap3A_294 = arith.constant 45 : i32
    %swap3A_295 = arith.index_cast %swap3A_294 : i32 to index
    %swap3A_296 = arith.constant 0 : index
    %swap3A_297 = tpu.vector_load %arg8[%swap3A_295, %swap3A_296] {strides = array<i32>} : memref<64x16xf32, #tpu.memory_space<vmem>>, vector<1x16xf32>,
    %swap3A_298 = vector.shape_cast %swap3A_297 : vector<1x16xf32> to vector<16xf32>
    %swap3A_299 = vector.shape_cast %broadcast_in_dim3A_24 : vector<16xf32> to vector<1x16xf32>
    tpu.vector_store %arg8[%swap3A_295, %swap3A_296], %swap3A_299 {strides = array<i32>} : memref<64x16xf32, #tpu.memory_space<vmem>>, vector<1x16xf32>,
    %swap3A_300 = arith.constant 46 : i32
    %swap3A_301 = arith.index_cast %swap3A_300 : i32 to index
    %swap3A_302 = arith.constant 0 : index
    %swap3A_303 = tpu.vector_load %arg8[%swap3A_301, %swap3A_302] {strides = array<i32>} : memref<64x16xf32, #tpu.memory_space<vmem>>, vector<1x16xf32>,
    %swap3A_304 = vector.shape_cast %swap3A_303 : vector<1x16xf32> to vector<16xf32>
    %swap3A_305 = vector.shape_cast %broadcast_in_dim3A_24 : vector<16xf32> to vector<1x16xf32>
    tpu.vector_store %arg8[%swap3A_301, %swap3A_302], %swap3A_305 {strides = array<i32>} : memref<64x16xf32, #tpu.memory_space<vmem>>, vector<1x16xf32>,
    %swap3A_306 = arith.constant 47 : i32
    %swap3A_307 = arith.index_cast %swap3A_306 : i32 to index
    %swap3A_308 = arith.constant 0 : index
    %swap3A_309 = tpu.vector_load %arg8[%swap3A_307, %swap3A_308] {strides = array<i32>} : memref<64x16xf32, #tpu.memory_space<vmem>>, vector<1x16xf32>,
    %swap3A_310 = vector.shape_cast %swap3A_309 : vector<1x16xf32> to vector<16xf32>
    %swap3A_311 = vector.shape_cast %broadcast_in_dim3A_24 : vector<16xf32> to vector<1x16xf32>
    tpu.vector_store %arg8[%swap3A_307, %swap3A_308], %swap3A_311 {strides = array<i32>} : memref<64x16xf32, #tpu.memory_space<vmem>>, vector<1x16xf32>,
    %swap3A_312 = arith.constant 48 : i32
    %swap3A_313 = arith.index_cast %swap3A_312 : i32 to index
    %swap3A_314 = arith.constant 0 : index
    %swap3A_315 = tpu.vector_load %arg8[%swap3A_313, %swap3A_314] {strides = array<i32>} : memref<64x16xf32, #tpu.memory_space<vmem>>, vector<1x16xf32>,
    %swap3A_316 = vector.shape_cast %swap3A_315 : vector<1x16xf32> to vector<16xf32>
    %swap3A_317 = vector.shape_cast %broadcast_in_dim3A_24 : vector<16xf32> to vector<1x16xf32>
    tpu.vector_store %arg8[%swap3A_313, %swap3A_314], %swap3A_317 {strides = array<i32>} : memref<64x16xf32, #tpu.memory_space<vmem>>, vector<1x16xf32>,
    %swap3A_318 = arith.constant 49 : i32
    %swap3A_319 = arith.index_cast %swap3A_318 : i32 to index
    %swap3A_320 = arith.constant 0 : index
    %swap3A_321 = tpu.vector_load %arg8[%swap3A_319, %swap3A_320] {strides = array<i32>} : memref<64x16xf32, #tpu.memory_space<vmem>>, vector<1x16xf32>,
    %swap3A_322 = vector.shape_cast %swap3A_321 : vector<1x16xf32> to vector<16xf32>
    %swap3A_323 = vector.shape_cast %broadcast_in_dim3A_24 : vector<16xf32> to vector<1x16xf32>
    tpu.vector_store %arg8[%swap3A_319, %swap3A_320], %swap3A_323 {strides = array<i32>} : memref<64x16xf32, #tpu.memory_space<vmem>>, vector<1x16xf32>,
    %swap3A_324 = arith.constant 50 : i32
    %swap3A_325 = arith.index_cast %swap3A_324 : i32 to index
    %swap3A_326 = arith.constant 0 : index
    %swap3A_327 = tpu.vector_load %arg8[%swap3A_325, %swap3A_326] {strides = array<i32>} : memref<64x16xf32, #tpu.memory_space<vmem>>, vector<1x16xf32>,
    %swap3A_328 = vector.shape_cast %swap3A_327 : vector<1x16xf32> to vector<16xf32>
    %swap3A_329 = vector.shape_cast %broadcast_in_dim3A_24 : vector<16xf32> to vector<1x16xf32>
    tpu.vector_store %arg8[%swap3A_325, %swap3A_326], %swap3A_329 {strides = array<i32>} : memref<64x16xf32, #tpu.memory_space<vmem>>, vector<1x16xf32>,
    %swap3A_330 = arith.constant 51 : i32
    %swap3A_331 = arith.index_cast %swap3A_330 : i32 to index
    %swap3A_332 = arith.constant 0 : index
    %swap3A_333 = tpu.vector_load %arg8[%swap3A_331, %swap3A_332] {strides = array<i32>} : memref<64x16xf32, #tpu.memory_space<vmem>>, vector<1x16xf32>,
    %swap3A_334 = vector.shape_cast %swap3A_333 : vector<1x16xf32> to vector<16xf32>
    %swap3A_335 = vector.shape_cast %broadcast_in_dim3A_24 : vector<16xf32> to vector<1x16xf32>
    tpu.vector_store %arg8[%swap3A_331, %swap3A_332], %swap3A_335 {strides = array<i32>} : memref<64x16xf32, #tpu.memory_space<vmem>>, vector<1x16xf32>,
    %swap3A_336 = arith.constant 52 : i32
    %swap3A_337 = arith.index_cast %swap3A_336 : i32 to index
    %swap3A_338 = arith.constant 0 : index
    %swap3A_339 = tpu.vector_load %arg8[%swap3A_337, %swap3A_338] {strides = array<i32>} : memref<64x16xf32, #tpu.memory_space<vmem>>, vector<1x16xf32>,
    %swap3A_340 = vector.shape_cast %swap3A_339 : vector<1x16xf32> to vector<16xf32>
    %swap3A_341 = vector.shape_cast %broadcast_in_dim3A_24 : vector<16xf32> to vector<1x16xf32>
    tpu.vector_store %arg8[%swap3A_337, %swap3A_338], %swap3A_341 {strides = array<i32>} : memref<64x16xf32, #tpu.memory_space<vmem>>, vector<1x16xf32>,
    %swap3A_342 = arith.constant 53 : i32
    %swap3A_343 = arith.index_cast %swap3A_342 : i32 to index
    %swap3A_344 = arith.constant 0 : index
    %swap3A_345 = tpu.vector_load %arg8[%swap3A_343, %swap3A_344] {strides = array<i32>} : memref<64x16xf32, #tpu.memory_space<vmem>>, vector<1x16xf32>,
    %swap3A_346 = vector.shape_cast %swap3A_345 : vector<1x16xf32> to vector<16xf32>
    %swap3A_347 = vector.shape_cast %broadcast_in_dim3A_24 : vector<16xf32> to vector<1x16xf32>
    tpu.vector_store %arg8[%swap3A_343, %swap3A_344], %swap3A_347 {strides = array<i32>} : memref<64x16xf32, #tpu.memory_space<vmem>>, vector<1x16xf32>,
    %swap3A_348 = arith.constant 54 : i32
    %swap3A_349 = arith.index_cast %swap3A_348 : i32 to index
    %swap3A_350 = arith.constant 0 : index
    %swap3A_351 = tpu.vector_load %arg8[%swap3A_349, %swap3A_350] {strides = array<i32>} : memref<64x16xf32, #tpu.memory_space<vmem>>, vector<1x16xf32>,
    %swap3A_352 = vector.shape_cast %swap3A_351 : vector<1x16xf32> to vector<16xf32>
    %swap3A_353 = vector.shape_cast %broadcast_in_dim3A_24 : vector<16xf32> to vector<1x16xf32>
    tpu.vector_store %arg8[%swap3A_349, %swap3A_350], %swap3A_353 {strides = array<i32>} : memref<64x16xf32, #tpu.memory_space<vmem>>, vector<1x16xf32>,
    %swap3A_354 = arith.constant 55 : i32
    %swap3A_355 = arith.index_cast %swap3A_354 : i32 to index
    %swap3A_356 = arith.constant 0 : index
    %swap3A_357 = tpu.vector_load %arg8[%swap3A_355, %swap3A_356] {strides = array<i32>} : memref<64x16xf32, #tpu.memory_space<vmem>>, vector<1x16xf32>,
    %swap3A_358 = vector.shape_cast %swap3A_357 : vector<1x16xf32> to vector<16xf32>
    %swap3A_359 = vector.shape_cast %broadcast_in_dim3A_24 : vector<16xf32> to vector<1x16xf32>
    tpu.vector_store %arg8[%swap3A_355, %swap3A_356], %swap3A_359 {strides = array<i32>} : memref<64x16xf32, #tpu.memory_space<vmem>>, vector<1x16xf32>,
    %swap3A_360 = arith.constant 56 : i32
    %swap3A_361 = arith.index_cast %swap3A_360 : i32 to index
    %swap3A_362 = arith.constant 0 : index
    %swap3A_363 = tpu.vector_load %arg8[%swap3A_361, %swap3A_362] {strides = array<i32>} : memref<64x16xf32, #tpu.memory_space<vmem>>, vector<1x16xf32>,
    %swap3A_364 = vector.shape_cast %swap3A_363 : vector<1x16xf32> to vector<16xf32>
    %swap3A_365 = vector.shape_cast %broadcast_in_dim3A_24 : vector<16xf32> to vector<1x16xf32>
    tpu.vector_store %arg8[%swap3A_361, %swap3A_362], %swap3A_365 {strides = array<i32>} : memref<64x16xf32, #tpu.memory_space<vmem>>, vector<1x16xf32>,
    %swap3A_366 = arith.constant 57 : i32
    %swap3A_367 = arith.index_cast %swap3A_366 : i32 to index
    %swap3A_368 = arith.constant 0 : index
    %swap3A_369 = tpu.vector_load %arg8[%swap3A_367, %swap3A_368] {strides = array<i32>} : memref<64x16xf32, #tpu.memory_space<vmem>>, vector<1x16xf32>,
    %swap3A_370 = vector.shape_cast %swap3A_369 : vector<1x16xf32> to vector<16xf32>
    %swap3A_371 = vector.shape_cast %broadcast_in_dim3A_24 : vector<16xf32> to vector<1x16xf32>
    tpu.vector_store %arg8[%swap3A_367, %swap3A_368], %swap3A_371 {strides = array<i32>} : memref<64x16xf32, #tpu.memory_space<vmem>>, vector<1x16xf32>,
    %swap3A_372 = arith.constant 58 : i32
    %swap3A_373 = arith.index_cast %swap3A_372 : i32 to index
    %swap3A_374 = arith.constant 0 : index
    %swap3A_375 = tpu.vector_load %arg8[%swap3A_373, %swap3A_374] {strides = array<i32>} : memref<64x16xf32, #tpu.memory_space<vmem>>, vector<1x16xf32>,
    %swap3A_376 = vector.shape_cast %swap3A_375 : vector<1x16xf32> to vector<16xf32>
    %swap3A_377 = vector.shape_cast %broadcast_in_dim3A_24 : vector<16xf32> to vector<1x16xf32>
    tpu.vector_store %arg8[%swap3A_373, %swap3A_374], %swap3A_377 {strides = array<i32>} : memref<64x16xf32, #tpu.memory_space<vmem>>, vector<1x16xf32>,
    %swap3A_378 = arith.constant 59 : i32
    %swap3A_379 = arith.index_cast %swap3A_378 : i32 to index
    %swap3A_380 = arith.constant 0 : index
    %swap3A_381 = tpu.vector_load %arg8[%swap3A_379, %swap3A_380] {strides = array<i32>} : memref<64x16xf32, #tpu.memory_space<vmem>>, vector<1x16xf32>,
    %swap3A_382 = vector.shape_cast %swap3A_381 : vector<1x16xf32> to vector<16xf32>
    %swap3A_383 = vector.shape_cast %broadcast_in_dim3A_24 : vector<16xf32> to vector<1x16xf32>
    tpu.vector_store %arg8[%swap3A_379, %swap3A_380], %swap3A_383 {strides = array<i32>} : memref<64x16xf32, #tpu.memory_space<vmem>>, vector<1x16xf32>,
    %swap3A_384 = arith.constant 60 : i32
    %swap3A_385 = arith.index_cast %swap3A_384 : i32 to index
    %swap3A_386 = arith.constant 0 : index
    %swap3A_387 = tpu.vector_load %arg8[%swap3A_385, %swap3A_386] {strides = array<i32>} : memref<64x16xf32, #tpu.memory_space<vmem>>, vector<1x16xf32>,
    %swap3A_388 = vector.shape_cast %swap3A_387 : vector<1x16xf32> to vector<16xf32>
    %swap3A_389 = vector.shape_cast %broadcast_in_dim3A_24 : vector<16xf32> to vector<1x16xf32>
    tpu.vector_store %arg8[%swap3A_385, %swap3A_386], %swap3A_389 {strides = array<i32>} : memref<64x16xf32, #tpu.memory_space<vmem>>, vector<1x16xf32>,
    %swap3A_390 = arith.constant 61 : i32
    %swap3A_391 = arith.index_cast %swap3A_390 : i32 to index
    %swap3A_392 = arith.constant 0 : index
    %swap3A_393 = tpu.vector_load %arg8[%swap3A_391, %swap3A_392] {strides = array<i32>} : memref<64x16xf32, #tpu.memory_space<vmem>>, vector<1x16xf32>,
    %swap3A_394 = vector.shape_cast %swap3A_393 : vector<1x16xf32> to vector<16xf32>
    %swap3A_395 = vector.shape_cast %broadcast_in_dim3A_24 : vector<16xf32> to vector<1x16xf32>
    tpu.vector_store %arg8[%swap3A_391, %swap3A_392], %swap3A_395 {strides = array<i32>} : memref<64x16xf32, #tpu.memory_space<vmem>>, vector<1x16xf32>,
    %swap3A_396 = arith.constant 62 : i32
    %swap3A_397 = arith.index_cast %swap3A_396 : i32 to index
    %swap3A_398 = arith.constant 0 : index
    %swap3A_399 = tpu.vector_load %arg8[%swap3A_397, %swap3A_398] {strides = array<i32>} : memref<64x16xf32, #tpu.memory_space<vmem>>, vector<1x16xf32>,
    %swap3A_400 = vector.shape_cast %swap3A_399 : vector<1x16xf32> to vector<16xf32>
    %swap3A_401 = vector.shape_cast %broadcast_in_dim3A_24 : vector<16xf32> to vector<1x16xf32>
    tpu.vector_store %arg8[%swap3A_397, %swap3A_398], %swap3A_401 {strides = array<i32>} : memref<64x16xf32, #tpu.memory_space<vmem>>, vector<1x16xf32>,
    %swap3A_402 = arith.constant 63 : i32
    %swap3A_403 = arith.index_cast %swap3A_402 : i32 to index
    %swap3A_404 = arith.constant 0 : index
    %swap3A_405 = tpu.vector_load %arg8[%swap3A_403, %swap3A_404] {strides = array<i32>} : memref<64x16xf32, #tpu.memory_space<vmem>>, vector<1x16xf32>,
    %swap3A_406 = vector.shape_cast %swap3A_405 : vector<1x16xf32> to vector<16xf32>
    %swap3A_407 = vector.shape_cast %broadcast_in_dim3A_24 : vector<16xf32> to vector<1x16xf32>
    tpu.vector_store %arg8[%swap3A_403, %swap3A_404], %swap3A_407 {strides = array<i32>} : memref<64x16xf32, #tpu.memory_space<vmem>>, vector<1x16xf32>,
    %mul3A_408 = arith.constant 640 : i32
    %mul3A_409 = arith.muli %arg1, %mul3A_408 : i32
    %add3A_410 = arith.constant 0 : i32
    %add3A_411 = arith.addi %mul3A_409, %add3A_410 : i32
    %dma_start3A_412 = arith.constant 0 : i32
    %dma_start3A_413 = tpu.memref_slice %arg6[%add3A_411, %dma_start3A_412] : memref<10240x16xf32, #tpu.memory_space<vmem_shared>> -> memref<64x16xf32, #tpu.memory_space<vmem_shared>>
    %dma_start3A_414 = arith.constant 0 : i32
    %dma_start3A_415 = tpu.memref_slice %arg6[%add3A_411, %dma_start3A_414] : memref<10240x16xf32, #tpu.memory_space<vmem_shared>> -> memref<64x16xf32, #tpu.memory_space<vmem_shared>>
    tpu.enqueue_dma source(%arg8 : memref<64x16xf32, #tpu.memory_space<vmem>>) target(%dma_start3A_415 : memref<64x16xf32, #tpu.memory_space<vmem_shared>>) target_semaphore(%arg33 : memref<!tpu.dma_semaphore, #tpu.memory_space<semaphore_mem>>)
    %mul3A_416 = arith.constant 640 : i32
    %mul3A_417 = arith.muli %arg1, %mul3A_416 : i32
    %add3A_418 = arith.constant 64 : i32
    %add3A_419 = arith.addi %mul3A_417, %add3A_418 : i32
    %dma_start3A_420 = arith.constant 0 : i32
    %dma_start3A_421 = tpu.memref_slice %arg6[%add3A_419, %dma_start3A_420] : memref<10240x16xf32, #tpu.memory_space<vmem_shared>> -> memref<64x16xf32, #tpu.memory_space<vmem_shared>>
    %dma_start3A_422 = arith.constant 0 : i32
    %dma_start3A_423 = tpu.memref_slice %arg6[%add3A_419, %dma_start3A_422] : memref<10240x16xf32, #tpu.memory_space<vmem_shared>> -> memref<64x16xf32, #tpu.memory_space<vmem_shared>>
    tpu.enqueue_dma source(%arg8 : memref<64x16xf32, #tpu.memory_space<vmem>>) target(%dma_start3A_423 : memref<64x16xf32, #tpu.memory_space<vmem_shared>>) target_semaphore(%arg33 : memref<!tpu.dma_semaphore, #tpu.memory_space<semaphore_mem>>)
    %mul3A_424 = arith.constant 640 : i32
    %mul3A_425 = arith.muli %arg1, %mul3A_424 : i32
    %add3A_426 = arith.constant 128 : i32
    %add3A_427 = arith.addi %mul3A_425, %add3A_426 : i32
    %dma_start3A_428 = arith.constant 0 : i32
    %dma_start3A_429 = tpu.memref_slice %arg6[%add3A_427, %dma_start3A_428] : memref<10240x16xf32, #tpu.memory_space<vmem_shared>> -> memref<64x16xf32, #tpu.memory_space<vmem_shared>>
    %dma_start3A_430 = arith.constant 0 : i32
    %dma_start3A_431 = tpu.memref_slice %arg6[%add3A_427, %dma_start3A_430] : memref<10240x16xf32, #tpu.memory_space<vmem_shared>> -> memref<64x16xf32, #tpu.memory_space<vmem_shared>>
    tpu.enqueue_dma source(%arg8 : memref<64x16xf32, #tpu.memory_space<vmem>>) target(%dma_start3A_431 : memref<64x16xf32, #tpu.memory_space<vmem_shared>>) target_semaphore(%arg33 : memref<!tpu.dma_semaphore, #tpu.memory_space<semaphore_mem>>)
    %mul3A_432 = arith.constant 640 : i32
    %mul3A_433 = arith.muli %arg1, %mul3A_432 : i32
    %add3A_434 = arith.constant 192 : i32
    %add3A_435 = arith.addi %mul3A_433, %add3A_434 : i32
    %dma_start3A_436 = arith.constant 0 : i32
    %dma_start3A_437 = tpu.memref_slice %arg6[%add3A_435, %dma_start3A_436] : memref<10240x16xf32, #tpu.memory_space<vmem_shared>> -> memref<64x16xf32, #tpu.memory_space<vmem_shared>>
    %dma_start3A_438 = arith.constant 0 : i32
    %dma_start3A_439 = tpu.memref_slice %arg6[%add3A_435, %dma_start3A_438] : memref<10240x16xf32, #tpu.memory_space<vmem_shared>> -> memref<64x16xf32, #tpu.memory_space<vmem_shared>>
    tpu.enqueue_dma source(%arg8 : memref<64x16xf32, #tpu.memory_space<vmem>>) target(%dma_start3A_439 : memref<64x16xf32, #tpu.memory_space<vmem_shared>>) target_semaphore(%arg33 : memref<!tpu.dma_semaphore, #tpu.memory_space<semaphore_mem>>)
    %mul3A_440 = arith.constant 640 : i32
    %mul3A_441 = arith.muli %arg1, %mul3A_440 : i32
    %add3A_442 = arith.constant 256 : i32
    %add3A_443 = arith.addi %mul3A_441, %add3A_442 : i32
    %dma_start3A_444 = arith.constant 0 : i32
    %dma_start3A_445 = tpu.memref_slice %arg6[%add3A_443, %dma_start3A_444] : memref<10240x16xf32, #tpu.memory_space<vmem_shared>> -> memref<64x16xf32, #tpu.memory_space<vmem_shared>>
    %dma_start3A_446 = arith.constant 0 : i32
    %dma_start3A_447 = tpu.memref_slice %arg6[%add3A_443, %dma_start3A_446] : memref<10240x16xf32, #tpu.memory_space<vmem_shared>> -> memref<64x16xf32, #tpu.memory_space<vmem_shared>>
    tpu.enqueue_dma source(%arg8 : memref<64x16xf32, #tpu.memory_space<vmem>>) target(%dma_start3A_447 : memref<64x16xf32, #tpu.memory_space<vmem_shared>>) target_semaphore(%arg33 : memref<!tpu.dma_semaphore, #tpu.memory_space<semaphore_mem>>)
    %mul3A_448 = arith.constant 640 : i32
    %mul3A_449 = arith.muli %arg1, %mul3A_448 : i32
    %add3A_450 = arith.constant 320 : i32
    %add3A_451 = arith.addi %mul3A_449, %add3A_450 : i32
    %dma_start3A_452 = arith.constant 0 : i32
    %dma_start3A_453 = tpu.memref_slice %arg6[%add3A_451, %dma_start3A_452] : memref<10240x16xf32, #tpu.memory_space<vmem_shared>> -> memref<64x16xf32, #tpu.memory_space<vmem_shared>>
    %dma_start3A_454 = arith.constant 0 : i32
    %dma_start3A_455 = tpu.memref_slice %arg6[%add3A_451, %dma_start3A_454] : memref<10240x16xf32, #tpu.memory_space<vmem_shared>> -> memref<64x16xf32, #tpu.memory_space<vmem_shared>>
    tpu.enqueue_dma source(%arg8 : memref<64x16xf32, #tpu.memory_space<vmem>>) target(%dma_start3A_455 : memref<64x16xf32, #tpu.memory_space<vmem_shared>>) target_semaphore(%arg33 : memref<!tpu.dma_semaphore, #tpu.memory_space<semaphore_mem>>)
    %mul3A_456 = arith.constant 640 : i32
    %mul3A_457 = arith.muli %arg1, %mul3A_456 : i32
    %add3A_458 = arith.constant 384 : i32
    %add3A_459 = arith.addi %mul3A_457, %add3A_458 : i32
    %dma_start3A_460 = arith.constant 0 : i32
    %dma_start3A_461 = tpu.memref_slice %arg6[%add3A_459, %dma_start3A_460] : memref<10240x16xf32, #tpu.memory_space<vmem_shared>> -> memref<64x16xf32, #tpu.memory_space<vmem_shared>>
    %dma_start3A_462 = arith.constant 0 : i32
    %dma_start3A_463 = tpu.memref_slice %arg6[%add3A_459, %dma_start3A_462] : memref<10240x16xf32, #tpu.memory_space<vmem_shared>> -> memref<64x16xf32, #tpu.memory_space<vmem_shared>>
    tpu.enqueue_dma source(%arg8 : memref<64x16xf32, #tpu.memory_space<vmem>>) target(%dma_start3A_463 : memref<64x16xf32, #tpu.memory_space<vmem_shared>>) target_semaphore(%arg33 : memref<!tpu.dma_semaphore, #tpu.memory_space<semaphore_mem>>)
    %mul3A_464 = arith.constant 640 : i32
    %mul3A_465 = arith.muli %arg1, %mul3A_464 : i32
    %add3A_466 = arith.constant 448 : i32
    %add3A_467 = arith.addi %mul3A_465, %add3A_466 : i32
    %dma_start3A_468 = arith.constant 0 : i32
    %dma_start3A_469 = tpu.memref_slice %arg6[%add3A_467, %dma_start3A_468] : memref<10240x16xf32, #tpu.memory_space<vmem_shared>> -> memref<64x16xf32, #tpu.memory_space<vmem_shared>>
    %dma_start3A_470 = arith.constant 0 : i32
    %dma_start3A_471 = tpu.memref_slice %arg6[%add3A_467, %dma_start3A_470] : memref<10240x16xf32, #tpu.memory_space<vmem_shared>> -> memref<64x16xf32, #tpu.memory_space<vmem_shared>>
    tpu.enqueue_dma source(%arg8 : memref<64x16xf32, #tpu.memory_space<vmem>>) target(%dma_start3A_471 : memref<64x16xf32, #tpu.memory_space<vmem_shared>>) target_semaphore(%arg33 : memref<!tpu.dma_semaphore, #tpu.memory_space<semaphore_mem>>)
    %mul3A_472 = arith.constant 640 : i32
    %mul3A_473 = arith.muli %arg1, %mul3A_472 : i32
    %add3A_474 = arith.constant 512 : i32
    %add3A_475 = arith.addi %mul3A_473, %add3A_474 : i32
    %dma_start3A_476 = arith.constant 0 : i32
    %dma_start3A_477 = tpu.memref_slice %arg6[%add3A_475, %dma_start3A_476] : memref<10240x16xf32, #tpu.memory_space<vmem_shared>> -> memref<64x16xf32, #tpu.memory_space<vmem_shared>>
    %dma_start3A_478 = arith.constant 0 : i32
    %dma_start3A_479 = tpu.memref_slice %arg6[%add3A_475, %dma_start3A_478] : memref<10240x16xf32, #tpu.memory_space<vmem_shared>> -> memref<64x16xf32, #tpu.memory_space<vmem_shared>>
    tpu.enqueue_dma source(%arg8 : memref<64x16xf32, #tpu.memory_space<vmem>>) target(%dma_start3A_479 : memref<64x16xf32, #tpu.memory_space<vmem_shared>>) target_semaphore(%arg33 : memref<!tpu.dma_semaphore, #tpu.memory_space<semaphore_mem>>)
    %mul3A_480 = arith.constant 640 : i32
    %mul3A_481 = arith.muli %arg1, %mul3A_480 : i32
    %add3A_482 = arith.constant 576 : i32
    %add3A_483 = arith.addi %mul3A_481, %add3A_482 : i32
    %dma_start3A_484 = arith.constant 0 : i32
    %dma_start3A_485 = tpu.memref_slice %arg6[%add3A_483, %dma_start3A_484] : memref<10240x16xf32, #tpu.memory_space<vmem_shared>> -> memref<64x16xf32, #tpu.memory_space<vmem_shared>>
    %dma_start3A_486 = arith.constant 0 : i32
    %dma_start3A_487 = tpu.memref_slice %arg6[%add3A_483, %dma_start3A_486] : memref<10240x16xf32, #tpu.memory_space<vmem_shared>> -> memref<64x16xf32, #tpu.memory_space<vmem_shared>>
    tpu.enqueue_dma source(%arg8 : memref<64x16xf32, #tpu.memory_space<vmem>>) target(%dma_start3A_487 : memref<64x16xf32, #tpu.memory_space<vmem_shared>>) target_semaphore(%arg33 : memref<!tpu.dma_semaphore, #tpu.memory_space<semaphore_mem>>)
    %mul3A_488 = arith.constant 640 : i32
    %mul3A_489 = arith.muli %arg1, %mul3A_488 : i32
    %add3A_490 = arith.constant 0 : i32
    %add3A_491 = arith.addi %mul3A_489, %add3A_490 : i32
    %dma_wait3A = arith.constant 0 : i32
    %dma_wait3A_492 = tpu.memref_slice %arg6[%add3A_491, %dma_wait3A] : memref<10240x16xf32, #tpu.memory_space<vmem_shared>> -> memref<64x16xf32, #tpu.memory_space<vmem_shared>>
    %dma_wait3A_493 = arith.constant 0 : i32
    %dma_wait3A_494 = tpu.memref_slice %arg6[%add3A_491, %dma_wait3A_493] : memref<10240x16xf32, #tpu.memory_space<vmem_shared>> -> memref<64x16xf32, #tpu.memory_space<vmem_shared>>
    tpu.wait_dma2 semaphore(%arg33 : memref<!tpu.dma_semaphore, #tpu.memory_space<semaphore_mem>>) src(%arg8 : memref<64x16xf32, #tpu.memory_space<vmem>>) dst(%dma_wait3A_494 : memref<64x16xf32, #tpu.memory_space<vmem_shared>>)
    %mul3A_495 = arith.constant 640 : i32
    %mul3A_496 = arith.muli %arg1, %mul3A_495 : i32
    %add3A_497 = arith.constant 64 : i32
    %add3A_498 = arith.addi %mul3A_496, %add3A_497 : i32
    %dma_wait3A_499 = arith.constant 0 : i32
    %dma_wait3A_500 = tpu.memref_slice %arg6[%add3A_498, %dma_wait3A_499] : memref<10240x16xf32, #tpu.memory_space<vmem_shared>> -> memref<64x16xf32, #tpu.memory_space<vmem_shared>>
    %dma_wait3A_501 = arith.constant 0 : i32
    %dma_wait3A_502 = tpu.memref_slice %arg6[%add3A_498, %dma_wait3A_501] : memref<10240x16xf32, #tpu.memory_space<vmem_shared>> -> memref<64x16xf32, #tpu.memory_space<vmem_shared>>
    tpu.wait_dma2 semaphore(%arg33 : memref<!tpu.dma_semaphore, #tpu.memory_space<semaphore_mem>>) src(%arg8 : memref<64x16xf32, #tpu.memory_space<vmem>>) dst(%dma_wait3A_502 : memref<64x16xf32, #tpu.memory_space<vmem_shared>>)
    %mul3A_503 = arith.constant 640 : i32
    %mul3A_504 = arith.muli %arg1, %mul3A_503 : i32
    %add3A_505 = arith.constant 128 : i32
    %add3A_506 = arith.addi %mul3A_504, %add3A_505 : i32
    %dma_wait3A_507 = arith.constant 0 : i32
    %dma_wait3A_508 = tpu.memref_slice %arg6[%add3A_506, %dma_wait3A_507] : memref<10240x16xf32, #tpu.memory_space<vmem_shared>> -> memref<64x16xf32, #tpu.memory_space<vmem_shared>>
    %dma_wait3A_509 = arith.constant 0 : i32
    %dma_wait3A_510 = tpu.memref_slice %arg6[%add3A_506, %dma_wait3A_509] : memref<10240x16xf32, #tpu.memory_space<vmem_shared>> -> memref<64x16xf32, #tpu.memory_space<vmem_shared>>
    tpu.wait_dma2 semaphore(%arg33 : memref<!tpu.dma_semaphore, #tpu.memory_space<semaphore_mem>>) src(%arg8 : memref<64x16xf32, #tpu.memory_space<vmem>>) dst(%dma_wait3A_510 : memref<64x16xf32, #tpu.memory_space<vmem_shared>>)
    %mul3A_511 = arith.constant 640 : i32
    %mul3A_512 = arith.muli %arg1, %mul3A_511 : i32
    %add3A_513 = arith.constant 192 : i32
    %add3A_514 = arith.addi %mul3A_512, %add3A_513 : i32
    %dma_wait3A_515 = arith.constant 0 : i32
    %dma_wait3A_516 = tpu.memref_slice %arg6[%add3A_514, %dma_wait3A_515] : memref<10240x16xf32, #tpu.memory_space<vmem_shared>> -> memref<64x16xf32, #tpu.memory_space<vmem_shared>>
    %dma_wait3A_517 = arith.constant 0 : i32
    %dma_wait3A_518 = tpu.memref_slice %arg6[%add3A_514, %dma_wait3A_517] : memref<10240x16xf32, #tpu.memory_space<vmem_shared>> -> memref<64x16xf32, #tpu.memory_space<vmem_shared>>
    tpu.wait_dma2 semaphore(%arg33 : memref<!tpu.dma_semaphore, #tpu.memory_space<semaphore_mem>>) src(%arg8 : memref<64x16xf32, #tpu.memory_space<vmem>>) dst(%dma_wait3A_518 : memref<64x16xf32, #tpu.memory_space<vmem_shared>>)
    %mul3A_519 = arith.constant 640 : i32
    %mul3A_520 = arith.muli %arg1, %mul3A_519 : i32
    %add3A_521 = arith.constant 256 : i32
    %add3A_522 = arith.addi %mul3A_520, %add3A_521 : i32
    %dma_wait3A_523 = arith.constant 0 : i32
    %dma_wait3A_524 = tpu.memref_slice %arg6[%add3A_522, %dma_wait3A_523] : memref<10240x16xf32, #tpu.memory_space<vmem_shared>> -> memref<64x16xf32, #tpu.memory_space<vmem_shared>>
    %dma_wait3A_525 = arith.constant 0 : i32
    %dma_wait3A_526 = tpu.memref_slice %arg6[%add3A_522, %dma_wait3A_525] : memref<10240x16xf32, #tpu.memory_space<vmem_shared>> -> memref<64x16xf32, #tpu.memory_space<vmem_shared>>
    tpu.wait_dma2 semaphore(%arg33 : memref<!tpu.dma_semaphore, #tpu.memory_space<semaphore_mem>>) src(%arg8 : memref<64x16xf32, #tpu.memory_space<vmem>>) dst(%dma_wait3A_526 : memref<64x16xf32, #tpu.memory_space<vmem_shared>>)
    %mul3A_527 = arith.constant 640 : i32
    %mul3A_528 = arith.muli %arg1, %mul3A_527 : i32
    %add3A_529 = arith.constant 320 : i32
    %add3A_530 = arith.addi %mul3A_528, %add3A_529 : i32
    %dma_wait3A_531 = arith.constant 0 : i32
    %dma_wait3A_532 = tpu.memref_slice %arg6[%add3A_530, %dma_wait3A_531] : memref<10240x16xf32, #tpu.memory_space<vmem_shared>> -> memref<64x16xf32, #tpu.memory_space<vmem_shared>>
    %dma_wait3A_533 = arith.constant 0 : i32
    %dma_wait3A_534 = tpu.memref_slice %arg6[%add3A_530, %dma_wait3A_533] : memref<10240x16xf32, #tpu.memory_space<vmem_shared>> -> memref<64x16xf32, #tpu.memory_space<vmem_shared>>
    tpu.wait_dma2 semaphore(%arg33 : memref<!tpu.dma_semaphore, #tpu.memory_space<semaphore_mem>>) src(%arg8 : memref<64x16xf32, #tpu.memory_space<vmem>>) dst(%dma_wait3A_534 : memref<64x16xf32, #tpu.memory_space<vmem_shared>>)
    %mul3A_535 = arith.constant 640 : i32
    %mul3A_536 = arith.muli %arg1, %mul3A_535 : i32
    %add3A_537 = arith.constant 384 : i32
    %add3A_538 = arith.addi %mul3A_536, %add3A_537 : i32
    %dma_wait3A_539 = arith.constant 0 : i32
    %dma_wait3A_540 = tpu.memref_slice %arg6[%add3A_538, %dma_wait3A_539] : memref<10240x16xf32, #tpu.memory_space<vmem_shared>> -> memref<64x16xf32, #tpu.memory_space<vmem_shared>>
    %dma_wait3A_541 = arith.constant 0 : i32
    %dma_wait3A_542 = tpu.memref_slice %arg6[%add3A_538, %dma_wait3A_541] : memref<10240x16xf32, #tpu.memory_space<vmem_shared>> -> memref<64x16xf32, #tpu.memory_space<vmem_shared>>
    tpu.wait_dma2 semaphore(%arg33 : memref<!tpu.dma_semaphore, #tpu.memory_space<semaphore_mem>>) src(%arg8 : memref<64x16xf32, #tpu.memory_space<vmem>>) dst(%dma_wait3A_542 : memref<64x16xf32, #tpu.memory_space<vmem_shared>>)
    %mul3A_543 = arith.constant 640 : i32
    %mul3A_544 = arith.muli %arg1, %mul3A_543 : i32
    %add3A_545 = arith.constant 448 : i32
    %add3A_546 = arith.addi %mul3A_544, %add3A_545 : i32
    %dma_wait3A_547 = arith.constant 0 : i32
    %dma_wait3A_548 = tpu.memref_slice %arg6[%add3A_546, %dma_wait3A_547] : memref<10240x16xf32, #tpu.memory_space<vmem_shared>> -> memref<64x16xf32, #tpu.memory_space<vmem_shared>>
    %dma_wait3A_549 = arith.constant 0 : i32
    %dma_wait3A_550 = tpu.memref_slice %arg6[%add3A_546, %dma_wait3A_549] : memref<10240x16xf32, #tpu.memory_space<vmem_shared>> -> memref<64x16xf32, #tpu.memory_space<vmem_shared>>
    tpu.wait_dma2 semaphore(%arg33 : memref<!tpu.dma_semaphore, #tpu.memory_space<semaphore_mem>>) src(%arg8 : memref<64x16xf32, #tpu.memory_space<vmem>>) dst(%dma_wait3A_550 : memref<64x16xf32, #tpu.memory_space<vmem_shared>>)
    %mul3A_551 = arith.constant 640 : i32
    %mul3A_552 = arith.muli %arg1, %mul3A_551 : i32
    %add3A_553 = arith.constant 512 : i32
    %add3A_554 = arith.addi %mul3A_552, %add3A_553 : i32
    %dma_wait3A_555 = arith.constant 0 : i32
    %dma_wait3A_556 = tpu.memref_slice %arg6[%add3A_554, %dma_wait3A_555] : memref<10240x16xf32, #tpu.memory_space<vmem_shared>> -> memref<64x16xf32, #tpu.memory_space<vmem_shared>>
    %dma_wait3A_557 = arith.constant 0 : i32
    %dma_wait3A_558 = tpu.memref_slice %arg6[%add3A_554, %dma_wait3A_557] : memref<10240x16xf32, #tpu.memory_space<vmem_shared>> -> memref<64x16xf32, #tpu.memory_space<vmem_shared>>
    tpu.wait_dma2 semaphore(%arg33 : memref<!tpu.dma_semaphore, #tpu.memory_space<semaphore_mem>>) src(%arg8 : memref<64x16xf32, #tpu.memory_space<vmem>>) dst(%dma_wait3A_558 : memref<64x16xf32, #tpu.memory_space<vmem_shared>>)
    %mul3A_559 = arith.constant 640 : i32
    %mul3A_560 = arith.muli %arg1, %mul3A_559 : i32
    %add3A_561 = arith.constant 576 : i32
    %add3A_562 = arith.addi %mul3A_560, %add3A_561 : i32
    %dma_wait3A_563 = arith.constant 0 : i32
    %dma_wait3A_564 = tpu.memref_slice %arg6[%add3A_562, %dma_wait3A_563] : memref<10240x16xf32, #tpu.memory_space<vmem_shared>> -> memref<64x16xf32, #tpu.memory_space<vmem_shared>>
    %dma_wait3A_565 = arith.constant 0 : i32
    %dma_wait3A_566 = tpu.memref_slice %arg6[%add3A_562, %dma_wait3A_565] : memref<10240x16xf32, #tpu.memory_space<vmem_shared>> -> memref<64x16xf32, #tpu.memory_space<vmem_shared>>
    tpu.wait_dma2 semaphore(%arg33 : memref<!tpu.dma_semaphore, #tpu.memory_space<semaphore_mem>>) src(%arg8 : memref<64x16xf32, #tpu.memory_space<vmem>>) dst(%dma_wait3A_566 : memref<64x16xf32, #tpu.memory_space<vmem_shared>>)
    %dma_wait3A_567 = arith.constant 0 : i32
    %dma_wait3A_568 = arith.constant 0 : i32
    %dma_wait3A_569 = tpu.memref_slice %arg3[%add3A, %dma_wait3A_567, %dma_wait3A_568] : memref<32x42x128xi32, #tpu.memory_space<hbm>> -> memref<1x42x128xi32, #tpu.memory_space<hbm>>
    %dma_wait3A_570 = tpu.memref_squeeze %dma_wait3A_569 : memref<1x42x128xi32, #tpu.memory_space<hbm>> -> memref<42x128xi32, #tpu.memory_space<hbm>>
    %dma_wait3A_571 = arith.constant 0 : i32
    %dma_wait3A_572 = arith.constant 0 : i32
    %dma_wait3A_573 = tpu.memref_slice %arg3[%add3A, %dma_wait3A_571, %dma_wait3A_572] : memref<32x42x128xi32, #tpu.memory_space<hbm>> -> memref<1x42x128xi32, #tpu.memory_space<hbm>>
    %dma_wait3A_574 = tpu.memref_squeeze %dma_wait3A_573 : memref<1x42x128xi32, #tpu.memory_space<hbm>> -> memref<42x128xi32, #tpu.memory_space<hbm>>
    tpu.wait_dma2 semaphore(%arg32 : memref<!tpu.dma_semaphore, #tpu.memory_space<semaphore_mem>>) src(%dma_wait3A_574 : memref<42x128xi32, #tpu.memory_space<hbm>>) dst(%arg9 : memref<42x128xi32, #tpu.memory_space<vmem>>)
    %dma_wait3A_575 = arith.constant 0 : i32
    %dma_wait3A_576 = arith.constant 0 : i32
    %dma_wait3A_577 = tpu.memref_slice %arg4[%add3A, %dma_wait3A_575, %dma_wait3A_576] : memref<32x42x128xi32, #tpu.memory_space<hbm>> -> memref<1x42x128xi32, #tpu.memory_space<hbm>>
    %dma_wait3A_578 = tpu.memref_squeeze %dma_wait3A_577 : memref<1x42x128xi32, #tpu.memory_space<hbm>> -> memref<42x128xi32, #tpu.memory_space<hbm>>
    %dma_wait3A_579 = arith.constant 0 : i32
    %dma_wait3A_580 = arith.constant 0 : i32
    %dma_wait3A_581 = tpu.memref_slice %arg4[%add3A, %dma_wait3A_579, %dma_wait3A_580] : memref<32x42x128xi32, #tpu.memory_space<hbm>> -> memref<1x42x128xi32, #tpu.memory_space<hbm>>
    %dma_wait3A_582 = tpu.memref_squeeze %dma_wait3A_581 : memref<1x42x128xi32, #tpu.memory_space<hbm>> -> memref<42x128xi32, #tpu.memory_space<hbm>>
    tpu.wait_dma2 semaphore(%arg32 : memref<!tpu.dma_semaphore, #tpu.memory_space<semaphore_mem>>) src(%dma_wait3A_582 : memref<42x128xi32, #tpu.memory_space<hbm>>) dst(%arg10 : memref<42x128xi32, #tpu.memory_space<vmem>>)
    %mul3A_583 = arith.constant 640 : i32
    %mul3A_584 = arith.muli %arg1, %mul3A_583 : i32
    %mul3A_585 = arith.constant 640 : i32
    %mul3A_586 = arith.muli %arg1, %mul3A_585 : i32
    %dma_wait3A_587 = arith.constant 0 : i32
    %dma_wait3A_588 = tpu.memref_slice %arg7[%mul3A_586, %dma_wait3A_587] : memref<10240x16xf32, #tpu.memory_space<vmem_shared>> -> memref<640x16xf32, #tpu.memory_space<vmem_shared>>
    %dma_wait3A_589 = arith.constant 0 : i32
    %dma_wait3A_590 = tpu.memref_slice %arg2[%mul3A_584, %dma_wait3A_589] : memref<10240x16xf32, #tpu.memory_space<hbm>> -> memref<640x16xf32, #tpu.memory_space<hbm>>
    tpu.wait_dma2 semaphore(%arg32 : memref<!tpu.dma_semaphore, #tpu.memory_space<semaphore_mem>>) src(%dma_wait3A_590 : memref<640x16xf32, #tpu.memory_space<hbm>>) dst(%dma_wait3A_588 : memref<640x16xf32, #tpu.memory_space<vmem_shared>>)
    %barrier3A = arith.constant 0 : index
    tpu.barrier barrier_id(%barrier3A)
    %dma_start3A_591 = arith.constant 0 : i32
    %dma_start3A_592 = arith.constant 0 : i32
    %dma_start3A_593 = tpu.memref_slice %arg9[%dma_start3A_591, %dma_start3A_592] : memref<42x128xi32, #tpu.memory_space<vmem>> -> memref<1x128xi32, #tpu.memory_space<vmem>>
    %dma_start3A_594 = tpu.memref_squeeze %dma_start3A_593 : memref<1x128xi32, #tpu.memory_space<vmem>> -> memref<128xi32, #tpu.memory_space<vmem>>
    %dma_start3A_595 = arith.constant 0 : i32
    %dma_start3A_596 = arith.constant 0 : i32
    %dma_start3A_597 = tpu.memref_slice %arg7[%dma_start3A_595, %dma_start3A_596] : memref<10240x16xf32, #tpu.memory_space<vmem_shared>> -> memref<10240x16xf32, #tpu.memory_space<vmem_shared>>
    tpu.enqueue_indirect_dma source(%dma_start3A_597 : memref<10240x16xf32, #tpu.memory_space<vmem_shared>>) target(%arg11 : memref<128x16xf32, #tpu.memory_space<vmem>>) offsets(%dma_start3A_594 : memref<128xi32, #tpu.memory_space<vmem>>) semaphore(%arg18 : memref<!tpu.dma_semaphore, #tpu.memory_space<semaphore_mem>>)
    %dma_start3A_598 = arith.constant 1 : i32
    %dma_start3A_599 = arith.constant 0 : i32
    %dma_start3A_600 = tpu.memref_slice %arg9[%dma_start3A_598, %dma_start3A_599] : memref<42x128xi32, #tpu.memory_space<vmem>> -> memref<1x128xi32, #tpu.memory_space<vmem>>
    %dma_start3A_601 = tpu.memref_squeeze %dma_start3A_600 : memref<1x128xi32, #tpu.memory_space<vmem>> -> memref<128xi32, #tpu.memory_space<vmem>>
    %dma_start3A_602 = arith.constant 0 : i32
    %dma_start3A_603 = arith.constant 0 : i32
    %dma_start3A_604 = tpu.memref_slice %arg7[%dma_start3A_602, %dma_start3A_603] : memref<10240x16xf32, #tpu.memory_space<vmem_shared>> -> memref<10240x16xf32, #tpu.memory_space<vmem_shared>>
    tpu.enqueue_indirect_dma source(%dma_start3A_604 : memref<10240x16xf32, #tpu.memory_space<vmem_shared>>) target(%arg12 : memref<128x16xf32, #tpu.memory_space<vmem>>) offsets(%dma_start3A_601 : memref<128xi32, #tpu.memory_space<vmem>>) semaphore(%arg19 : memref<!tpu.dma_semaphore, #tpu.memory_space<semaphore_mem>>)
    %dma_start3A_605 = arith.constant 2 : i32
    %dma_start3A_606 = arith.constant 0 : i32
    %dma_start3A_607 = tpu.memref_slice %arg9[%dma_start3A_605, %dma_start3A_606] : memref<42x128xi32, #tpu.memory_space<vmem>> -> memref<1x128xi32, #tpu.memory_space<vmem>>
    %dma_start3A_608 = tpu.memref_squeeze %dma_start3A_607 : memref<1x128xi32, #tpu.memory_space<vmem>> -> memref<128xi32, #tpu.memory_space<vmem>>
    %dma_start3A_609 = arith.constant 0 : i32
    %dma_start3A_610 = arith.constant 0 : i32
    %dma_start3A_611 = tpu.memref_slice %arg7[%dma_start3A_609, %dma_start3A_610] : memref<10240x16xf32, #tpu.memory_space<vmem_shared>> -> memref<10240x16xf32, #tpu.memory_space<vmem_shared>>
    tpu.enqueue_indirect_dma source(%dma_start3A_611 : memref<10240x16xf32, #tpu.memory_space<vmem_shared>>) target(%arg13 : memref<128x16xf32, #tpu.memory_space<vmem>>) offsets(%dma_start3A_608 : memref<128xi32, #tpu.memory_space<vmem>>) semaphore(%arg20 : memref<!tpu.dma_semaphore, #tpu.memory_space<semaphore_mem>>)
    %dma_start3A_612 = arith.constant 3 : i32
    %dma_start3A_613 = arith.constant 0 : i32
    %dma_start3A_614 = tpu.memref_slice %arg9[%dma_start3A_612, %dma_start3A_613] : memref<42x128xi32, #tpu.memory_space<vmem>> -> memref<1x128xi32, #tpu.memory_space<vmem>>
    %dma_start3A_615 = tpu.memref_squeeze %dma_start3A_614 : memref<1x128xi32, #tpu.memory_space<vmem>> -> memref<128xi32, #tpu.memory_space<vmem>>
    %dma_start3A_616 = arith.constant 0 : i32
    %dma_start3A_617 = arith.constant 0 : i32
    %dma_start3A_618 = tpu.memref_slice %arg7[%dma_start3A_616, %dma_start3A_617] : memref<10240x16xf32, #tpu.memory_space<vmem_shared>> -> memref<10240x16xf32, #tpu.memory_space<vmem_shared>>
    tpu.enqueue_indirect_dma source(%dma_start3A_618 : memref<10240x16xf32, #tpu.memory_space<vmem_shared>>) target(%arg14 : memref<128x16xf32, #tpu.memory_space<vmem>>) offsets(%dma_start3A_615 : memref<128xi32, #tpu.memory_space<vmem>>) semaphore(%arg21 : memref<!tpu.dma_semaphore, #tpu.memory_space<semaphore_mem>>)
    %dma_wait3A_619 = arith.constant 0 : i32
    %dma_wait3A_620 = arith.constant 0 : i32
    %dma_wait3A_621 = tpu.memref_slice %arg9[%dma_wait3A_619, %dma_wait3A_620] : memref<42x128xi32, #tpu.memory_space<vmem>> -> memref<1x128xi32, #tpu.memory_space<vmem>>
    %dma_wait3A_622 = tpu.memref_squeeze %dma_wait3A_621 : memref<1x128xi32, #tpu.memory_space<vmem>> -> memref<128xi32, #tpu.memory_space<vmem>>
    %dma_wait3A_623 = arith.constant 0 : i32
    %dma_wait3A_624 = arith.constant 0 : i32
    %dma_wait3A_625 = tpu.memref_slice %arg7[%dma_wait3A_623, %dma_wait3A_624] : memref<10240x16xf32, #tpu.memory_space<vmem_shared>> -> memref<10240x16xf32, #tpu.memory_space<vmem_shared>>
    tpu.wait_indirect_dma semaphore(%arg18 : memref<!tpu.dma_semaphore, #tpu.memory_space<semaphore_mem>>) src(%dma_wait3A_625 : memref<10240x16xf32, #tpu.memory_space<vmem_shared>>) dst(%arg11 : memref<128x16xf32, #tpu.memory_space<vmem>>)
    %dma_start3A_626 = arith.constant 0 : i32
    %dma_start3A_627 = arith.constant 0 : i32
    %dma_start3A_628 = tpu.memref_slice %arg10[%dma_start3A_626, %dma_start3A_627] : memref<42x128xi32, #tpu.memory_space<vmem>> -> memref<1x128xi32, #tpu.memory_space<vmem>>
    %dma_start3A_629 = tpu.memref_squeeze %dma_start3A_628 : memref<1x128xi32, #tpu.memory_space<vmem>> -> memref<128xi32, #tpu.memory_space<vmem>>
    %dma_start3A_630 = arith.constant 0 : i32
    %dma_start3A_631 = arith.constant 0 : i32
    %dma_start3A_632 = tpu.memref_slice %arg6[%dma_start3A_630, %dma_start3A_631] : memref<10240x16xf32, #tpu.memory_space<vmem_shared>> -> memref<10240x16xf32, #tpu.memory_space<vmem_shared>>
    tpu.enqueue_indirect_dma source(%arg11 : memref<128x16xf32, #tpu.memory_space<vmem>>) target(%dma_start3A_632 : memref<10240x16xf32, #tpu.memory_space<vmem_shared>>) offsets(%dma_start3A_629 : memref<128xi32, #tpu.memory_space<vmem>>) semaphore(%arg25 : memref<!tpu.dma_semaphore, #tpu.memory_space<semaphore_mem>>) {add = true}
    %dma_start3A_633 = arith.constant 4 : i32
    %dma_start3A_634 = arith.constant 0 : i32
    %dma_start3A_635 = tpu.memref_slice %arg9[%dma_start3A_633, %dma_start3A_634] : memref<42x128xi32, #tpu.memory_space<vmem>> -> memref<1x128xi32, #tpu.memory_space<vmem>>
    %dma_start3A_636 = tpu.memref_squeeze %dma_start3A_635 : memref<1x128xi32, #tpu.memory_space<vmem>> -> memref<128xi32, #tpu.memory_space<vmem>>
    %dma_start3A_637 = arith.constant 0 : i32
    %dma_start3A_638 = arith.constant 0 : i32
    %dma_start3A_639 = tpu.memref_slice %arg7[%dma_start3A_637, %dma_start3A_638] : memref<10240x16xf32, #tpu.memory_space<vmem_shared>> -> memref<10240x16xf32, #tpu.memory_space<vmem_shared>>
    tpu.enqueue_indirect_dma source(%dma_start3A_639 : memref<10240x16xf32, #tpu.memory_space<vmem_shared>>) target(%arg15 : memref<128x16xf32, #tpu.memory_space<vmem>>) offsets(%dma_start3A_636 : memref<128xi32, #tpu.memory_space<vmem>>) semaphore(%arg22 : memref<!tpu.dma_semaphore, #tpu.memory_space<semaphore_mem>>)
    %dma_wait3A_640 = arith.constant 1 : i32
    %dma_wait3A_641 = arith.constant 0 : i32
    %dma_wait3A_642 = tpu.memref_slice %arg9[%dma_wait3A_640, %dma_wait3A_641] : memref<42x128xi32, #tpu.memory_space<vmem>> -> memref<1x128xi32, #tpu.memory_space<vmem>>
    %dma_wait3A_643 = tpu.memref_squeeze %dma_wait3A_642 : memref<1x128xi32, #tpu.memory_space<vmem>> -> memref<128xi32, #tpu.memory_space<vmem>>
    %dma_wait3A_644 = arith.constant 0 : i32
    %dma_wait3A_645 = arith.constant 0 : i32
    %dma_wait3A_646 = tpu.memref_slice %arg7[%dma_wait3A_644, %dma_wait3A_645] : memref<10240x16xf32, #tpu.memory_space<vmem_shared>> -> memref<10240x16xf32, #tpu.memory_space<vmem_shared>>
    tpu.wait_indirect_dma semaphore(%arg19 : memref<!tpu.dma_semaphore, #tpu.memory_space<semaphore_mem>>) src(%dma_wait3A_646 : memref<10240x16xf32, #tpu.memory_space<vmem_shared>>) dst(%arg12 : memref<128x16xf32, #tpu.memory_space<vmem>>)
    %dma_start3A_647 = arith.constant 1 : i32
    %dma_start3A_648 = arith.constant 0 : i32
    %dma_start3A_649 = tpu.memref_slice %arg10[%dma_start3A_647, %dma_start3A_648] : memref<42x128xi32, #tpu.memory_space<vmem>> -> memref<1x128xi32, #tpu.memory_space<vmem>>
    %dma_start3A_650 = tpu.memref_squeeze %dma_start3A_649 : memref<1x128xi32, #tpu.memory_space<vmem>> -> memref<128xi32, #tpu.memory_space<vmem>>
    %dma_start3A_651 = arith.constant 0 : i32
    %dma_start3A_652 = arith.constant 0 : i32
    %dma_start3A_653 = tpu.memref_slice %arg6[%dma_start3A_651, %dma_start3A_652] : memref<10240x16xf32, #tpu.memory_space<vmem_shared>> -> memref<10240x16xf32, #tpu.memory_space<vmem_shared>>
    tpu.enqueue_indirect_dma source(%arg12 : memref<128x16xf32, #tpu.memory_space<vmem>>) target(%dma_start3A_653 : memref<10240x16xf32, #tpu.memory_space<vmem_shared>>) offsets(%dma_start3A_650 : memref<128xi32, #tpu.memory_space<vmem>>) semaphore(%arg26 : memref<!tpu.dma_semaphore, #tpu.memory_space<semaphore_mem>>) {add = true}
    %dma_start3A_654 = arith.constant 5 : i32
    %dma_start3A_655 = arith.constant 0 : i32
    %dma_start3A_656 = tpu.memref_slice %arg9[%dma_start3A_654, %dma_start3A_655] : memref<42x128xi32, #tpu.memory_space<vmem>> -> memref<1x128xi32, #tpu.memory_space<vmem>>
    %dma_start3A_657 = tpu.memref_squeeze %dma_start3A_656 : memref<1x128xi32, #tpu.memory_space<vmem>> -> memref<128xi32, #tpu.memory_space<vmem>>
    %dma_start3A_658 = arith.constant 0 : i32
    %dma_start3A_659 = arith.constant 0 : i32
    %dma_start3A_660 = tpu.memref_slice %arg7[%dma_start3A_658, %dma_start3A_659] : memref<10240x16xf32, #tpu.memory_space<vmem_shared>> -> memref<10240x16xf32, #tpu.memory_space<vmem_shared>>
    tpu.enqueue_indirect_dma source(%dma_start3A_660 : memref<10240x16xf32, #tpu.memory_space<vmem_shared>>) target(%arg16 : memref<128x16xf32, #tpu.memory_space<vmem>>) offsets(%dma_start3A_657 : memref<128xi32, #tpu.memory_space<vmem>>) semaphore(%arg23 : memref<!tpu.dma_semaphore, #tpu.memory_space<semaphore_mem>>)
    %dma_wait3A_661 = arith.constant 2 : i32
    %dma_wait3A_662 = arith.constant 0 : i32
    %dma_wait3A_663 = tpu.memref_slice %arg9[%dma_wait3A_661, %dma_wait3A_662] : memref<42x128xi32, #tpu.memory_space<vmem>> -> memref<1x128xi32, #tpu.memory_space<vmem>>
    %dma_wait3A_664 = tpu.memref_squeeze %dma_wait3A_663 : memref<1x128xi32, #tpu.memory_space<vmem>> -> memref<128xi32, #tpu.memory_space<vmem>>
    %dma_wait3A_665 = arith.constant 0 : i32
    %dma_wait3A_666 = arith.constant 0 : i32
    %dma_wait3A_667 = tpu.memref_slice %arg7[%dma_wait3A_665, %dma_wait3A_666] : memref<10240x16xf32, #tpu.memory_space<vmem_shared>> -> memref<10240x16xf32, #tpu.memory_space<vmem_shared>>
    tpu.wait_indirect_dma semaphore(%arg20 : memref<!tpu.dma_semaphore, #tpu.memory_space<semaphore_mem>>) src(%dma_wait3A_667 : memref<10240x16xf32, #tpu.memory_space<vmem_shared>>) dst(%arg13 : memref<128x16xf32, #tpu.memory_space<vmem>>)
    %dma_start3A_668 = arith.constant 2 : i32
    %dma_start3A_669 = arith.constant 0 : i32
    %dma_start3A_670 = tpu.memref_slice %arg10[%dma_start3A_668, %dma_start3A_669] : memref<42x128xi32, #tpu.memory_space<vmem>> -> memref<1x128xi32, #tpu.memory_space<vmem>>
    %dma_start3A_671 = tpu.memref_squeeze %dma_start3A_670 : memref<1x128xi32, #tpu.memory_space<vmem>> -> memref<128xi32, #tpu.memory_space<vmem>>
    %dma_start3A_672 = arith.constant 0 : i32
    %dma_start3A_673 = arith.constant 0 : i32
    %dma_start3A_674 = tpu.memref_slice %arg6[%dma_start3A_672, %dma_start3A_673] : memref<10240x16xf32, #tpu.memory_space<vmem_shared>> -> memref<10240x16xf32, #tpu.memory_space<vmem_shared>>
    tpu.enqueue_indirect_dma source(%arg13 : memref<128x16xf32, #tpu.memory_space<vmem>>) target(%dma_start3A_674 : memref<10240x16xf32, #tpu.memory_space<vmem_shared>>) offsets(%dma_start3A_671 : memref<128xi32, #tpu.memory_space<vmem>>) semaphore(%arg27 : memref<!tpu.dma_semaphore, #tpu.memory_space<semaphore_mem>>) {add = true}
    %dma_start3A_675 = arith.constant 6 : i32
    %dma_start3A_676 = arith.constant 0 : i32
    %dma_start3A_677 = tpu.memref_slice %arg9[%dma_start3A_675, %dma_start3A_676] : memref<42x128xi32, #tpu.memory_space<vmem>> -> memref<1x128xi32, #tpu.memory_space<vmem>>
    %dma_start3A_678 = tpu.memref_squeeze %dma_start3A_677 : memref<1x128xi32, #tpu.memory_space<vmem>> -> memref<128xi32, #tpu.memory_space<vmem>>
    %dma_start3A_679 = arith.constant 0 : i32
    %dma_start3A_680 = arith.constant 0 : i32
    %dma_start3A_681 = tpu.memref_slice %arg7[%dma_start3A_679, %dma_start3A_680] : memref<10240x16xf32, #tpu.memory_space<vmem_shared>> -> memref<10240x16xf32, #tpu.memory_space<vmem_shared>>
    tpu.enqueue_indirect_dma source(%dma_start3A_681 : memref<10240x16xf32, #tpu.memory_space<vmem_shared>>) target(%arg17 : memref<128x16xf32, #tpu.memory_space<vmem>>) offsets(%dma_start3A_678 : memref<128xi32, #tpu.memory_space<vmem>>) semaphore(%arg24 : memref<!tpu.dma_semaphore, #tpu.memory_space<semaphore_mem>>)
    %dma_wait3A_682 = arith.constant 3 : i32
    %dma_wait3A_683 = arith.constant 0 : i32
    %dma_wait3A_684 = tpu.memref_slice %arg9[%dma_wait3A_682, %dma_wait3A_683] : memref<42x128xi32, #tpu.memory_space<vmem>> -> memref<1x128xi32, #tpu.memory_space<vmem>>
    %dma_wait3A_685 = tpu.memref_squeeze %dma_wait3A_684 : memref<1x128xi32, #tpu.memory_space<vmem>> -> memref<128xi32, #tpu.memory_space<vmem>>
    %dma_wait3A_686 = arith.constant 0 : i32
    %dma_wait3A_687 = arith.constant 0 : i32
    %dma_wait3A_688 = tpu.memref_slice %arg7[%dma_wait3A_686, %dma_wait3A_687] : memref<10240x16xf32, #tpu.memory_space<vmem_shared>> -> memref<10240x16xf32, #tpu.memory_space<vmem_shared>>
    tpu.wait_indirect_dma semaphore(%arg21 : memref<!tpu.dma_semaphore, #tpu.memory_space<semaphore_mem>>) src(%dma_wait3A_688 : memref<10240x16xf32, #tpu.memory_space<vmem_shared>>) dst(%arg14 : memref<128x16xf32, #tpu.memory_space<vmem>>)
    %dma_start3A_689 = arith.constant 3 : i32
    %dma_start3A_690 = arith.constant 0 : i32
    %dma_start3A_691 = tpu.memref_slice %arg10[%dma_start3A_689, %dma_start3A_690] : memref<42x128xi32, #tpu.memory_space<vmem>> -> memref<1x128xi32, #tpu.memory_space<vmem>>
    %dma_start3A_692 = tpu.memref_squeeze %dma_start3A_691 : memref<1x128xi32, #tpu.memory_space<vmem>> -> memref<128xi32, #tpu.memory_space<vmem>>
    %dma_start3A_693 = arith.constant 0 : i32
    %dma_start3A_694 = arith.constant 0 : i32
    %dma_start3A_695 = tpu.memref_slice %arg6[%dma_start3A_693, %dma_start3A_694] : memref<10240x16xf32, #tpu.memory_space<vmem_shared>> -> memref<10240x16xf32, #tpu.memory_space<vmem_shared>>
    tpu.enqueue_indirect_dma source(%arg14 : memref<128x16xf32, #tpu.memory_space<vmem>>) target(%dma_start3A_695 : memref<10240x16xf32, #tpu.memory_space<vmem_shared>>) offsets(%dma_start3A_692 : memref<128xi32, #tpu.memory_space<vmem>>) semaphore(%arg28 : memref<!tpu.dma_semaphore, #tpu.memory_space<semaphore_mem>>) {add = true}
    %scan3A = arith.constant 0 : i32
    %scan3A_696 = arith.constant 1 : i32
    %scan3A_697 = arith.constant 5 : i32
    %scan3A_698 = arith.addi %scan3A_696, %scan3A_697 : i32
    %scan3A_699 = arith.constant 1 : i32
    scf.for %scan3A_807 = %scan3A_696 to %scan3A_698 step %scan3A_699  : i32 {
      %mul3A_808 = arith.constant 7 : i32
      %mul3A_809 = arith.muli %scan3A_807, %mul3A_808 : i32
      %add3A_810 = arith.constant 0 : i32
      %add3A_811 = arith.addi %mul3A_809, %add3A_810 : i32
      %sub3A = arith.constant 7 : i32
      %sub3A_812 = arith.subi %add3A_811, %sub3A : i32
      %dma_wait3A_813 = arith.constant 0 : i32
      %dma_wait3A_814 = tpu.memref_slice %arg10[%sub3A_812, %dma_wait3A_813] : memref<42x128xi32, #tpu.memory_space<vmem>> -> memref<1x128xi32, #tpu.memory_space<vmem>>
      %dma_wait3A_815 = tpu.memref_squeeze %dma_wait3A_814 : memref<1x128xi32, #tpu.memory_space<vmem>> -> memref<128xi32, #tpu.memory_space<vmem>>
      %dma_wait3A_816 = arith.constant 0 : i32
      %dma_wait3A_817 = arith.constant 0 : i32
      %dma_wait3A_818 = tpu.memref_slice %arg6[%dma_wait3A_816, %dma_wait3A_817] : memref<10240x16xf32, #tpu.memory_space<vmem_shared>> -> memref<10240x16xf32, #tpu.memory_space<vmem_shared>>
      tpu.wait_indirect_dma semaphore(%arg25 : memref<!tpu.dma_semaphore, #tpu.memory_space<semaphore_mem>>) src(%arg11 : memref<128x16xf32, #tpu.memory_space<vmem>>) dst(%dma_wait3A_818 : memref<10240x16xf32, #tpu.memory_space<vmem_shared>>)
      %dma_start3A_819 = arith.constant 0 : i32
      %dma_start3A_820 = tpu.memref_slice %arg9[%add3A_811, %dma_start3A_819] : memref<42x128xi32, #tpu.memory_space<vmem>> -> memref<1x128xi32, #tpu.memory_space<vmem>>
      %dma_start3A_821 = tpu.memref_squeeze %dma_start3A_820 : memref<1x128xi32, #tpu.memory_space<vmem>> -> memref<128xi32, #tpu.memory_space<vmem>>
      %dma_start3A_822 = arith.constant 0 : i32
      %dma_start3A_823 = arith.constant 0 : i32
      %dma_start3A_824 = tpu.memref_slice %arg7[%dma_start3A_822, %dma_start3A_823] : memref<10240x16xf32, #tpu.memory_space<vmem_shared>> -> memref<10240x16xf32, #tpu.memory_space<vmem_shared>>
      tpu.enqueue_indirect_dma source(%dma_start3A_824 : memref<10240x16xf32, #tpu.memory_space<vmem_shared>>) target(%arg11 : memref<128x16xf32, #tpu.memory_space<vmem>>) offsets(%dma_start3A_821 : memref<128xi32, #tpu.memory_space<vmem>>) semaphore(%arg18 : memref<!tpu.dma_semaphore, #tpu.memory_space<semaphore_mem>>)
      %sub3A_825 = arith.constant 3 : i32
      %sub3A_826 = arith.subi %add3A_811, %sub3A_825 : i32
      %dma_wait3A_827 = arith.constant 0 : i32
      %dma_wait3A_828 = tpu.memref_slice %arg9[%sub3A_826, %dma_wait3A_827] : memref<42x128xi32, #tpu.memory_space<vmem>> -> memref<1x128xi32, #tpu.memory_space<vmem>>
      %dma_wait3A_829 = tpu.memref_squeeze %dma_wait3A_828 : memref<1x128xi32, #tpu.memory_space<vmem>> -> memref<128xi32, #tpu.memory_space<vmem>>
      %dma_wait3A_830 = arith.constant 0 : i32
      %dma_wait3A_831 = arith.constant 0 : i32
      %dma_wait3A_832 = tpu.memref_slice %arg7[%dma_wait3A_830, %dma_wait3A_831] : memref<10240x16xf32, #tpu.memory_space<vmem_shared>> -> memref<10240x16xf32, #tpu.memory_space<vmem_shared>>
      tpu.wait_indirect_dma semaphore(%arg22 : memref<!tpu.dma_semaphore, #tpu.memory_space<semaphore_mem>>) src(%dma_wait3A_832 : memref<10240x16xf32, #tpu.memory_space<vmem_shared>>) dst(%arg15 : memref<128x16xf32, #tpu.memory_space<vmem>>)
      %sub3A_833 = arith.constant 3 : i32
      %sub3A_834 = arith.subi %add3A_811, %sub3A_833 : i32
      %dma_start3A_835 = arith.constant 0 : i32
      %dma_start3A_836 = tpu.memref_slice %arg10[%sub3A_834, %dma_start3A_835] : memref<42x128xi32, #tpu.memory_space<vmem>> -> memref<1x128xi32, #tpu.memory_space<vmem>>
      %dma_start3A_837 = tpu.memref_squeeze %dma_start3A_836 : memref<1x128xi32, #tpu.memory_space<vmem>> -> memref<128xi32, #tpu.memory_space<vmem>>
      %dma_start3A_838 = arith.constant 0 : i32
      %dma_start3A_839 = arith.constant 0 : i32
      %dma_start3A_840 = tpu.memref_slice %arg6[%dma_start3A_838, %dma_start3A_839] : memref<10240x16xf32, #tpu.memory_space<vmem_shared>> -> memref<10240x16xf32, #tpu.memory_space<vmem_shared>>
      tpu.enqueue_indirect_dma source(%arg15 : memref<128x16xf32, #tpu.memory_space<vmem>>) target(%dma_start3A_840 : memref<10240x16xf32, #tpu.memory_space<vmem_shared>>) offsets(%dma_start3A_837 : memref<128xi32, #tpu.memory_space<vmem>>) semaphore(%arg29 : memref<!tpu.dma_semaphore, #tpu.memory_space<semaphore_mem>>) {add = true}
      %add3A_841 = arith.constant 1 : i32
      %add3A_842 = arith.addi %mul3A_809, %add3A_841 : i32
      %sub3A_843 = arith.constant 7 : i32
      %sub3A_844 = arith.subi %add3A_842, %sub3A_843 : i32
      %dma_wait3A_845 = arith.constant 0 : i32
      %dma_wait3A_846 = tpu.memref_slice %arg10[%sub3A_844, %dma_wait3A_845] : memref<42x128xi32, #tpu.memory_space<vmem>> -> memref<1x128xi32, #tpu.memory_space<vmem>>
      %dma_wait3A_847 = tpu.memref_squeeze %dma_wait3A_846 : memref<1x128xi32, #tpu.memory_space<vmem>> -> memref<128xi32, #tpu.memory_space<vmem>>
      %dma_wait3A_848 = arith.constant 0 : i32
      %dma_wait3A_849 = arith.constant 0 : i32
      %dma_wait3A_850 = tpu.memref_slice %arg6[%dma_wait3A_848, %dma_wait3A_849] : memref<10240x16xf32, #tpu.memory_space<vmem_shared>> -> memref<10240x16xf32, #tpu.memory_space<vmem_shared>>
      tpu.wait_indirect_dma semaphore(%arg26 : memref<!tpu.dma_semaphore, #tpu.memory_space<semaphore_mem>>) src(%arg12 : memref<128x16xf32, #tpu.memory_space<vmem>>) dst(%dma_wait3A_850 : memref<10240x16xf32, #tpu.memory_space<vmem_shared>>)
      %dma_start3A_851 = arith.constant 0 : i32
      %dma_start3A_852 = tpu.memref_slice %arg9[%add3A_842, %dma_start3A_851] : memref<42x128xi32, #tpu.memory_space<vmem>> -> memref<1x128xi32, #tpu.memory_space<vmem>>
      %dma_start3A_853 = tpu.memref_squeeze %dma_start3A_852 : memref<1x128xi32, #tpu.memory_space<vmem>> -> memref<128xi32, #tpu.memory_space<vmem>>
      %dma_start3A_854 = arith.constant 0 : i32
      %dma_start3A_855 = arith.constant 0 : i32
      %dma_start3A_856 = tpu.memref_slice %arg7[%dma_start3A_854, %dma_start3A_855] : memref<10240x16xf32, #tpu.memory_space<vmem_shared>> -> memref<10240x16xf32, #tpu.memory_space<vmem_shared>>
      tpu.enqueue_indirect_dma source(%dma_start3A_856 : memref<10240x16xf32, #tpu.memory_space<vmem_shared>>) target(%arg12 : memref<128x16xf32, #tpu.memory_space<vmem>>) offsets(%dma_start3A_853 : memref<128xi32, #tpu.memory_space<vmem>>) semaphore(%arg19 : memref<!tpu.dma_semaphore, #tpu.memory_space<semaphore_mem>>)
      %sub3A_857 = arith.constant 3 : i32
      %sub3A_858 = arith.subi %add3A_842, %sub3A_857 : i32
      %dma_wait3A_859 = arith.constant 0 : i32
      %dma_wait3A_860 = tpu.memref_slice %arg9[%sub3A_858, %dma_wait3A_859] : memref<42x128xi32, #tpu.memory_space<vmem>> -> memref<1x128xi32, #tpu.memory_space<vmem>>
      %dma_wait3A_861 = tpu.memref_squeeze %dma_wait3A_860 : memref<1x128xi32, #tpu.memory_space<vmem>> -> memref<128xi32, #tpu.memory_space<vmem>>
      %dma_wait3A_862 = arith.constant 0 : i32
      %dma_wait3A_863 = arith.constant 0 : i32
      %dma_wait3A_864 = tpu.memref_slice %arg7[%dma_wait3A_862, %dma_wait3A_863] : memref<10240x16xf32, #tpu.memory_space<vmem_shared>> -> memref<10240x16xf32, #tpu.memory_space<vmem_shared>>
      tpu.wait_indirect_dma semaphore(%arg23 : memref<!tpu.dma_semaphore, #tpu.memory_space<semaphore_mem>>) src(%dma_wait3A_864 : memref<10240x16xf32, #tpu.memory_space<vmem_shared>>) dst(%arg16 : memref<128x16xf32, #tpu.memory_space<vmem>>)
      %sub3A_865 = arith.constant 3 : i32
      %sub3A_866 = arith.subi %add3A_842, %sub3A_865 : i32
      %dma_start3A_867 = arith.constant 0 : i32
      %dma_start3A_868 = tpu.memref_slice %arg10[%sub3A_866, %dma_start3A_867] : memref<42x128xi32, #tpu.memory_space<vmem>> -> memref<1x128xi32, #tpu.memory_space<vmem>>
      %dma_start3A_869 = tpu.memref_squeeze %dma_start3A_868 : memref<1x128xi32, #tpu.memory_space<vmem>> -> memref<128xi32, #tpu.memory_space<vmem>>
      %dma_start3A_870 = arith.constant 0 : i32
      %dma_start3A_871 = arith.constant 0 : i32
      %dma_start3A_872 = tpu.memref_slice %arg6[%dma_start3A_870, %dma_start3A_871] : memref<10240x16xf32, #tpu.memory_space<vmem_shared>> -> memref<10240x16xf32, #tpu.memory_space<vmem_shared>>
      tpu.enqueue_indirect_dma source(%arg16 : memref<128x16xf32, #tpu.memory_space<vmem>>) target(%dma_start3A_872 : memref<10240x16xf32, #tpu.memory_space<vmem_shared>>) offsets(%dma_start3A_869 : memref<128xi32, #tpu.memory_space<vmem>>) semaphore(%arg30 : memref<!tpu.dma_semaphore, #tpu.memory_space<semaphore_mem>>) {add = true}
      %add3A_873 = arith.constant 2 : i32
      %add3A_874 = arith.addi %mul3A_809, %add3A_873 : i32
      %sub3A_875 = arith.constant 7 : i32
      %sub3A_876 = arith.subi %add3A_874, %sub3A_875 : i32
      %dma_wait3A_877 = arith.constant 0 : i32
      %dma_wait3A_878 = tpu.memref_slice %arg10[%sub3A_876, %dma_wait3A_877] : memref<42x128xi32, #tpu.memory_space<vmem>> -> memref<1x128xi32, #tpu.memory_space<vmem>>
      %dma_wait3A_879 = tpu.memref_squeeze %dma_wait3A_878 : memref<1x128xi32, #tpu.memory_space<vmem>> -> memref<128xi32, #tpu.memory_space<vmem>>
      %dma_wait3A_880 = arith.constant 0 : i32
      %dma_wait3A_881 = arith.constant 0 : i32
      %dma_wait3A_882 = tpu.memref_slice %arg6[%dma_wait3A_880, %dma_wait3A_881] : memref<10240x16xf32, #tpu.memory_space<vmem_shared>> -> memref<10240x16xf32, #tpu.memory_space<vmem_shared>>
      tpu.wait_indirect_dma semaphore(%arg27 : memref<!tpu.dma_semaphore, #tpu.memory_space<semaphore_mem>>) src(%arg13 : memref<128x16xf32, #tpu.memory_space<vmem>>) dst(%dma_wait3A_882 : memref<10240x16xf32, #tpu.memory_space<vmem_shared>>)
      %dma_start3A_883 = arith.constant 0 : i32
      %dma_start3A_884 = tpu.memref_slice %arg9[%add3A_874, %dma_start3A_883] : memref<42x128xi32, #tpu.memory_space<vmem>> -> memref<1x128xi32, #tpu.memory_space<vmem>>
      %dma_start3A_885 = tpu.memref_squeeze %dma_start3A_884 : memref<1x128xi32, #tpu.memory_space<vmem>> -> memref<128xi32, #tpu.memory_space<vmem>>
      %dma_start3A_886 = arith.constant 0 : i32
      %dma_start3A_887 = arith.constant 0 : i32
      %dma_start3A_888 = tpu.memref_slice %arg7[%dma_start3A_886, %dma_start3A_887] : memref<10240x16xf32, #tpu.memory_space<vmem_shared>> -> memref<10240x16xf32, #tpu.memory_space<vmem_shared>>
      tpu.enqueue_indirect_dma source(%dma_start3A_888 : memref<10240x16xf32, #tpu.memory_space<vmem_shared>>) target(%arg13 : memref<128x16xf32, #tpu.memory_space<vmem>>) offsets(%dma_start3A_885 : memref<128xi32, #tpu.memory_space<vmem>>) semaphore(%arg20 : memref<!tpu.dma_semaphore, #tpu.memory_space<semaphore_mem>>)
      %sub3A_889 = arith.constant 3 : i32
      %sub3A_890 = arith.subi %add3A_874, %sub3A_889 : i32
      %dma_wait3A_891 = arith.constant 0 : i32
      %dma_wait3A_892 = tpu.memref_slice %arg9[%sub3A_890, %dma_wait3A_891] : memref<42x128xi32, #tpu.memory_space<vmem>> -> memref<1x128xi32, #tpu.memory_space<vmem>>
      %dma_wait3A_893 = tpu.memref_squeeze %dma_wait3A_892 : memref<1x128xi32, #tpu.memory_space<vmem>> -> memref<128xi32, #tpu.memory_space<vmem>>
      %dma_wait3A_894 = arith.constant 0 : i32
      %dma_wait3A_895 = arith.constant 0 : i32
      %dma_wait3A_896 = tpu.memref_slice %arg7[%dma_wait3A_894, %dma_wait3A_895] : memref<10240x16xf32, #tpu.memory_space<vmem_shared>> -> memref<10240x16xf32, #tpu.memory_space<vmem_shared>>
      tpu.wait_indirect_dma semaphore(%arg24 : memref<!tpu.dma_semaphore, #tpu.memory_space<semaphore_mem>>) src(%dma_wait3A_896 : memref<10240x16xf32, #tpu.memory_space<vmem_shared>>) dst(%arg17 : memref<128x16xf32, #tpu.memory_space<vmem>>)
      %sub3A_897 = arith.constant 3 : i32
      %sub3A_898 = arith.subi %add3A_874, %sub3A_897 : i32
      %dma_start3A_899 = arith.constant 0 : i32
      %dma_start3A_900 = tpu.memref_slice %arg10[%sub3A_898, %dma_start3A_899] : memref<42x128xi32, #tpu.memory_space<vmem>> -> memref<1x128xi32, #tpu.memory_space<vmem>>
      %dma_start3A_901 = tpu.memref_squeeze %dma_start3A_900 : memref<1x128xi32, #tpu.memory_space<vmem>> -> memref<128xi32, #tpu.memory_space<vmem>>
      %dma_start3A_902 = arith.constant 0 : i32
      %dma_start3A_903 = arith.constant 0 : i32
      %dma_start3A_904 = tpu.memref_slice %arg6[%dma_start3A_902, %dma_start3A_903] : memref<10240x16xf32, #tpu.memory_space<vmem_shared>> -> memref<10240x16xf32, #tpu.memory_space<vmem_shared>>
      tpu.enqueue_indirect_dma source(%arg17 : memref<128x16xf32, #tpu.memory_space<vmem>>) target(%dma_start3A_904 : memref<10240x16xf32, #tpu.memory_space<vmem_shared>>) offsets(%dma_start3A_901 : memref<128xi32, #tpu.memory_space<vmem>>) semaphore(%arg31 : memref<!tpu.dma_semaphore, #tpu.memory_space<semaphore_mem>>) {add = true}
      %add3A_905 = arith.constant 3 : i32
      %add3A_906 = arith.addi %mul3A_809, %add3A_905 : i32
      %sub3A_907 = arith.constant 7 : i32
      %sub3A_908 = arith.subi %add3A_906, %sub3A_907 : i32
      %dma_wait3A_909 = arith.constant 0 : i32
      %dma_wait3A_910 = tpu.memref_slice %arg10[%sub3A_908, %dma_wait3A_909] : memref<42x128xi32, #tpu.memory_space<vmem>> -> memref<1x128xi32, #tpu.memory_space<vmem>>
      %dma_wait3A_911 = tpu.memref_squeeze %dma_wait3A_910 : memref<1x128xi32, #tpu.memory_space<vmem>> -> memref<128xi32, #tpu.memory_space<vmem>>
      %dma_wait3A_912 = arith.constant 0 : i32
      %dma_wait3A_913 = arith.constant 0 : i32
      %dma_wait3A_914 = tpu.memref_slice %arg6[%dma_wait3A_912, %dma_wait3A_913] : memref<10240x16xf32, #tpu.memory_space<vmem_shared>> -> memref<10240x16xf32, #tpu.memory_space<vmem_shared>>
      tpu.wait_indirect_dma semaphore(%arg28 : memref<!tpu.dma_semaphore, #tpu.memory_space<semaphore_mem>>) src(%arg14 : memref<128x16xf32, #tpu.memory_space<vmem>>) dst(%dma_wait3A_914 : memref<10240x16xf32, #tpu.memory_space<vmem_shared>>)
      %dma_start3A_915 = arith.constant 0 : i32
      %dma_start3A_916 = tpu.memref_slice %arg9[%add3A_906, %dma_start3A_915] : memref<42x128xi32, #tpu.memory_space<vmem>> -> memref<1x128xi32, #tpu.memory_space<vmem>>
      %dma_start3A_917 = tpu.memref_squeeze %dma_start3A_916 : memref<1x128xi32, #tpu.memory_space<vmem>> -> memref<128xi32, #tpu.memory_space<vmem>>
      %dma_start3A_918 = arith.constant 0 : i32
      %dma_start3A_919 = arith.constant 0 : i32
      %dma_start3A_920 = tpu.memref_slice %arg7[%dma_start3A_918, %dma_start3A_919] : memref<10240x16xf32, #tpu.memory_space<vmem_shared>> -> memref<10240x16xf32, #tpu.memory_space<vmem_shared>>
      tpu.enqueue_indirect_dma source(%dma_start3A_920 : memref<10240x16xf32, #tpu.memory_space<vmem_shared>>) target(%arg14 : memref<128x16xf32, #tpu.memory_space<vmem>>) offsets(%dma_start3A_917 : memref<128xi32, #tpu.memory_space<vmem>>) semaphore(%arg21 : memref<!tpu.dma_semaphore, #tpu.memory_space<semaphore_mem>>)
      %sub3A_921 = arith.constant 3 : i32
      %sub3A_922 = arith.subi %add3A_906, %sub3A_921 : i32
      %dma_wait3A_923 = arith.constant 0 : i32
      %dma_wait3A_924 = tpu.memref_slice %arg9[%sub3A_922, %dma_wait3A_923] : memref<42x128xi32, #tpu.memory_space<vmem>> -> memref<1x128xi32, #tpu.memory_space<vmem>>
      %dma_wait3A_925 = tpu.memref_squeeze %dma_wait3A_924 : memref<1x128xi32, #tpu.memory_space<vmem>> -> memref<128xi32, #tpu.memory_space<vmem>>
      %dma_wait3A_926 = arith.constant 0 : i32
      %dma_wait3A_927 = arith.constant 0 : i32
      %dma_wait3A_928 = tpu.memref_slice %arg7[%dma_wait3A_926, %dma_wait3A_927] : memref<10240x16xf32, #tpu.memory_space<vmem_shared>> -> memref<10240x16xf32, #tpu.memory_space<vmem_shared>>
      tpu.wait_indirect_dma semaphore(%arg18 : memref<!tpu.dma_semaphore, #tpu.memory_space<semaphore_mem>>) src(%dma_wait3A_928 : memref<10240x16xf32, #tpu.memory_space<vmem_shared>>) dst(%arg11 : memref<128x16xf32, #tpu.memory_space<vmem>>)
      %sub3A_929 = arith.constant 3 : i32
      %sub3A_930 = arith.subi %add3A_906, %sub3A_929 : i32
      %dma_start3A_931 = arith.constant 0 : i32
      %dma_start3A_932 = tpu.memref_slice %arg10[%sub3A_930, %dma_start3A_931] : memref<42x128xi32, #tpu.memory_space<vmem>> -> memref<1x128xi32, #tpu.memory_space<vmem>>
      %dma_start3A_933 = tpu.memref_squeeze %dma_start3A_932 : memref<1x128xi32, #tpu.memory_space<vmem>> -> memref<128xi32, #tpu.memory_space<vmem>>
      %dma_start3A_934 = arith.constant 0 : i32
      %dma_start3A_935 = arith.constant 0 : i32
      %dma_start3A_936 = tpu.memref_slice %arg6[%dma_start3A_934, %dma_start3A_935] : memref<10240x16xf32, #tpu.memory_space<vmem_shared>> -> memref<10240x16xf32, #tpu.memory_space<vmem_shared>>
      tpu.enqueue_indirect_dma source(%arg11 : memref<128x16xf32, #tpu.memory_space<vmem>>) target(%dma_start3A_936 : memref<10240x16xf32, #tpu.memory_space<vmem_shared>>) offsets(%dma_start3A_933 : memref<128xi32, #tpu.memory_space<vmem>>) semaphore(%arg25 : memref<!tpu.dma_semaphore, #tpu.memory_space<semaphore_mem>>) {add = true}
      %add3A_937 = arith.constant 4 : i32
      %add3A_938 = arith.addi %mul3A_809, %add3A_937 : i32
      %sub3A_939 = arith.constant 7 : i32
      %sub3A_940 = arith.subi %add3A_938, %sub3A_939 : i32
      %dma_wait3A_941 = arith.constant 0 : i32
      %dma_wait3A_942 = tpu.memref_slice %arg10[%sub3A_940, %dma_wait3A_941] : memref<42x128xi32, #tpu.memory_space<vmem>> -> memref<1x128xi32, #tpu.memory_space<vmem>>
      %dma_wait3A_943 = tpu.memref_squeeze %dma_wait3A_942 : memref<1x128xi32, #tpu.memory_space<vmem>> -> memref<128xi32, #tpu.memory_space<vmem>>
      %dma_wait3A_944 = arith.constant 0 : i32
      %dma_wait3A_945 = arith.constant 0 : i32
      %dma_wait3A_946 = tpu.memref_slice %arg6[%dma_wait3A_944, %dma_wait3A_945] : memref<10240x16xf32, #tpu.memory_space<vmem_shared>> -> memref<10240x16xf32, #tpu.memory_space<vmem_shared>>
      tpu.wait_indirect_dma semaphore(%arg29 : memref<!tpu.dma_semaphore, #tpu.memory_space<semaphore_mem>>) src(%arg15 : memref<128x16xf32, #tpu.memory_space<vmem>>) dst(%dma_wait3A_946 : memref<10240x16xf32, #tpu.memory_space<vmem_shared>>)
      %dma_start3A_947 = arith.constant 0 : i32
      %dma_start3A_948 = tpu.memref_slice %arg9[%add3A_938, %dma_start3A_947] : memref<42x128xi32, #tpu.memory_space<vmem>> -> memref<1x128xi32, #tpu.memory_space<vmem>>
      %dma_start3A_949 = tpu.memref_squeeze %dma_start3A_948 : memref<1x128xi32, #tpu.memory_space<vmem>> -> memref<128xi32, #tpu.memory_space<vmem>>
      %dma_start3A_950 = arith.constant 0 : i32
      %dma_start3A_951 = arith.constant 0 : i32
      %dma_start3A_952 = tpu.memref_slice %arg7[%dma_start3A_950, %dma_start3A_951] : memref<10240x16xf32, #tpu.memory_space<vmem_shared>> -> memref<10240x16xf32, #tpu.memory_space<vmem_shared>>
      tpu.enqueue_indirect_dma source(%dma_start3A_952 : memref<10240x16xf32, #tpu.memory_space<vmem_shared>>) target(%arg15 : memref<128x16xf32, #tpu.memory_space<vmem>>) offsets(%dma_start3A_949 : memref<128xi32, #tpu.memory_space<vmem>>) semaphore(%arg22 : memref<!tpu.dma_semaphore, #tpu.memory_space<semaphore_mem>>)
      %sub3A_953 = arith.constant 3 : i32
      %sub3A_954 = arith.subi %add3A_938, %sub3A_953 : i32
      %dma_wait3A_955 = arith.constant 0 : i32
      %dma_wait3A_956 = tpu.memref_slice %arg9[%sub3A_954, %dma_wait3A_955] : memref<42x128xi32, #tpu.memory_space<vmem>> -> memref<1x128xi32, #tpu.memory_space<vmem>>
      %dma_wait3A_957 = tpu.memref_squeeze %dma_wait3A_956 : memref<1x128xi32, #tpu.memory_space<vmem>> -> memref<128xi32, #tpu.memory_space<vmem>>
      %dma_wait3A_958 = arith.constant 0 : i32
      %dma_wait3A_959 = arith.constant 0 : i32
      %dma_wait3A_960 = tpu.memref_slice %arg7[%dma_wait3A_958, %dma_wait3A_959] : memref<10240x16xf32, #tpu.memory_space<vmem_shared>> -> memref<10240x16xf32, #tpu.memory_space<vmem_shared>>
      tpu.wait_indirect_dma semaphore(%arg19 : memref<!tpu.dma_semaphore, #tpu.memory_space<semaphore_mem>>) src(%dma_wait3A_960 : memref<10240x16xf32, #tpu.memory_space<vmem_shared>>) dst(%arg12 : memref<128x16xf32, #tpu.memory_space<vmem>>)
      %sub3A_961 = arith.constant 3 : i32
      %sub3A_962 = arith.subi %add3A_938, %sub3A_961 : i32
      %dma_start3A_963 = arith.constant 0 : i32
      %dma_start3A_964 = tpu.memref_slice %arg10[%sub3A_962, %dma_start3A_963] : memref<42x128xi32, #tpu.memory_space<vmem>> -> memref<1x128xi32, #tpu.memory_space<vmem>>
      %dma_start3A_965 = tpu.memref_squeeze %dma_start3A_964 : memref<1x128xi32, #tpu.memory_space<vmem>> -> memref<128xi32, #tpu.memory_space<vmem>>
      %dma_start3A_966 = arith.constant 0 : i32
      %dma_start3A_967 = arith.constant 0 : i32
      %dma_start3A_968 = tpu.memref_slice %arg6[%dma_start3A_966, %dma_start3A_967] : memref<10240x16xf32, #tpu.memory_space<vmem_shared>> -> memref<10240x16xf32, #tpu.memory_space<vmem_shared>>
      tpu.enqueue_indirect_dma source(%arg12 : memref<128x16xf32, #tpu.memory_space<vmem>>) target(%dma_start3A_968 : memref<10240x16xf32, #tpu.memory_space<vmem_shared>>) offsets(%dma_start3A_965 : memref<128xi32, #tpu.memory_space<vmem>>) semaphore(%arg26 : memref<!tpu.dma_semaphore, #tpu.memory_space<semaphore_mem>>) {add = true}
      %add3A_969 = arith.constant 5 : i32
      %add3A_970 = arith.addi %mul3A_809, %add3A_969 : i32
      %sub3A_971 = arith.constant 7 : i32
      %sub3A_972 = arith.subi %add3A_970, %sub3A_971 : i32
      %dma_wait3A_973 = arith.constant 0 : i32
      %dma_wait3A_974 = tpu.memref_slice %arg10[%sub3A_972, %dma_wait3A_973] : memref<42x128xi32, #tpu.memory_space<vmem>> -> memref<1x128xi32, #tpu.memory_space<vmem>>
      %dma_wait3A_975 = tpu.memref_squeeze %dma_wait3A_974 : memref<1x128xi32, #tpu.memory_space<vmem>> -> memref<128xi32, #tpu.memory_space<vmem>>
      %dma_wait3A_976 = arith.constant 0 : i32
      %dma_wait3A_977 = arith.constant 0 : i32
      %dma_wait3A_978 = tpu.memref_slice %arg6[%dma_wait3A_976, %dma_wait3A_977] : memref<10240x16xf32, #tpu.memory_space<vmem_shared>> -> memref<10240x16xf32, #tpu.memory_space<vmem_shared>>
      tpu.wait_indirect_dma semaphore(%arg30 : memref<!tpu.dma_semaphore, #tpu.memory_space<semaphore_mem>>) src(%arg16 : memref<128x16xf32, #tpu.memory_space<vmem>>) dst(%dma_wait3A_978 : memref<10240x16xf32, #tpu.memory_space<vmem_shared>>)
      %dma_start3A_979 = arith.constant 0 : i32
      %dma_start3A_980 = tpu.memref_slice %arg9[%add3A_970, %dma_start3A_979] : memref<42x128xi32, #tpu.memory_space<vmem>> -> memref<1x128xi32, #tpu.memory_space<vmem>>
      %dma_start3A_981 = tpu.memref_squeeze %dma_start3A_980 : memref<1x128xi32, #tpu.memory_space<vmem>> -> memref<128xi32, #tpu.memory_space<vmem>>
      %dma_start3A_982 = arith.constant 0 : i32
      %dma_start3A_983 = arith.constant 0 : i32
      %dma_start3A_984 = tpu.memref_slice %arg7[%dma_start3A_982, %dma_start3A_983] : memref<10240x16xf32, #tpu.memory_space<vmem_shared>> -> memref<10240x16xf32, #tpu.memory_space<vmem_shared>>
      tpu.enqueue_indirect_dma source(%dma_start3A_984 : memref<10240x16xf32, #tpu.memory_space<vmem_shared>>) target(%arg16 : memref<128x16xf32, #tpu.memory_space<vmem>>) offsets(%dma_start3A_981 : memref<128xi32, #tpu.memory_space<vmem>>) semaphore(%arg23 : memref<!tpu.dma_semaphore, #tpu.memory_space<semaphore_mem>>)
      %sub3A_985 = arith.constant 3 : i32
      %sub3A_986 = arith.subi %add3A_970, %sub3A_985 : i32
      %dma_wait3A_987 = arith.constant 0 : i32
      %dma_wait3A_988 = tpu.memref_slice %arg9[%sub3A_986, %dma_wait3A_987] : memref<42x128xi32, #tpu.memory_space<vmem>> -> memref<1x128xi32, #tpu.memory_space<vmem>>
      %dma_wait3A_989 = tpu.memref_squeeze %dma_wait3A_988 : memref<1x128xi32, #tpu.memory_space<vmem>> -> memref<128xi32, #tpu.memory_space<vmem>>
      %dma_wait3A_990 = arith.constant 0 : i32
      %dma_wait3A_991 = arith.constant 0 : i32
      %dma_wait3A_992 = tpu.memref_slice %arg7[%dma_wait3A_990, %dma_wait3A_991] : memref<10240x16xf32, #tpu.memory_space<vmem_shared>> -> memref<10240x16xf32, #tpu.memory_space<vmem_shared>>
      tpu.wait_indirect_dma semaphore(%arg20 : memref<!tpu.dma_semaphore, #tpu.memory_space<semaphore_mem>>) src(%dma_wait3A_992 : memref<10240x16xf32, #tpu.memory_space<vmem_shared>>) dst(%arg13 : memref<128x16xf32, #tpu.memory_space<vmem>>)
      %sub3A_993 = arith.constant 3 : i32
      %sub3A_994 = arith.subi %add3A_970, %sub3A_993 : i32
      %dma_start3A_995 = arith.constant 0 : i32
      %dma_start3A_996 = tpu.memref_slice %arg10[%sub3A_994, %dma_start3A_995] : memref<42x128xi32, #tpu.memory_space<vmem>> -> memref<1x128xi32, #tpu.memory_space<vmem>>
      %dma_start3A_997 = tpu.memref_squeeze %dma_start3A_996 : memref<1x128xi32, #tpu.memory_space<vmem>> -> memref<128xi32, #tpu.memory_space<vmem>>
      %dma_start3A_998 = arith.constant 0 : i32
      %dma_start3A_999 = arith.constant 0 : i32
      %dma_start3A_1000 = tpu.memref_slice %arg6[%dma_start3A_998, %dma_start3A_999] : memref<10240x16xf32, #tpu.memory_space<vmem_shared>> -> memref<10240x16xf32, #tpu.memory_space<vmem_shared>>
      tpu.enqueue_indirect_dma source(%arg13 : memref<128x16xf32, #tpu.memory_space<vmem>>) target(%dma_start3A_1000 : memref<10240x16xf32, #tpu.memory_space<vmem_shared>>) offsets(%dma_start3A_997 : memref<128xi32, #tpu.memory_space<vmem>>) semaphore(%arg27 : memref<!tpu.dma_semaphore, #tpu.memory_space<semaphore_mem>>) {add = true}
      %add3A_1001 = arith.constant 6 : i32
      %add3A_1002 = arith.addi %mul3A_809, %add3A_1001 : i32
      %sub3A_1003 = arith.constant 7 : i32
      %sub3A_1004 = arith.subi %add3A_1002, %sub3A_1003 : i32
      %dma_wait3A_1005 = arith.constant 0 : i32
      %dma_wait3A_1006 = tpu.memref_slice %arg10[%sub3A_1004, %dma_wait3A_1005] : memref<42x128xi32, #tpu.memory_space<vmem>> -> memref<1x128xi32, #tpu.memory_space<vmem>>
      %dma_wait3A_1007 = tpu.memref_squeeze %dma_wait3A_1006 : memref<1x128xi32, #tpu.memory_space<vmem>> -> memref<128xi32, #tpu.memory_space<vmem>>
      %dma_wait3A_1008 = arith.constant 0 : i32
      %dma_wait3A_1009 = arith.constant 0 : i32
      %dma_wait3A_1010 = tpu.memref_slice %arg6[%dma_wait3A_1008, %dma_wait3A_1009] : memref<10240x16xf32, #tpu.memory_space<vmem_shared>> -> memref<10240x16xf32, #tpu.memory_space<vmem_shared>>
      tpu.wait_indirect_dma semaphore(%arg31 : memref<!tpu.dma_semaphore, #tpu.memory_space<semaphore_mem>>) src(%arg17 : memref<128x16xf32, #tpu.memory_space<vmem>>) dst(%dma_wait3A_1010 : memref<10240x16xf32, #tpu.memory_space<vmem_shared>>)
      %dma_start3A_1011 = arith.constant 0 : i32
      %dma_start3A_1012 = tpu.memref_slice %arg9[%add3A_1002, %dma_start3A_1011] : memref<42x128xi32, #tpu.memory_space<vmem>> -> memref<1x128xi32, #tpu.memory_space<vmem>>
      %dma_start3A_1013 = tpu.memref_squeeze %dma_start3A_1012 : memref<1x128xi32, #tpu.memory_space<vmem>> -> memref<128xi32, #tpu.memory_space<vmem>>
      %dma_start3A_1014 = arith.constant 0 : i32
      %dma_start3A_1015 = arith.constant 0 : i32
      %dma_start3A_1016 = tpu.memref_slice %arg7[%dma_start3A_1014, %dma_start3A_1015] : memref<10240x16xf32, #tpu.memory_space<vmem_shared>> -> memref<10240x16xf32, #tpu.memory_space<vmem_shared>>
      tpu.enqueue_indirect_dma source(%dma_start3A_1016 : memref<10240x16xf32, #tpu.memory_space<vmem_shared>>) target(%arg17 : memref<128x16xf32, #tpu.memory_space<vmem>>) offsets(%dma_start3A_1013 : memref<128xi32, #tpu.memory_space<vmem>>) semaphore(%arg24 : memref<!tpu.dma_semaphore, #tpu.memory_space<semaphore_mem>>)
      %sub3A_1017 = arith.constant 3 : i32
      %sub3A_1018 = arith.subi %add3A_1002, %sub3A_1017 : i32
      %dma_wait3A_1019 = arith.constant 0 : i32
      %dma_wait3A_1020 = tpu.memref_slice %arg9[%sub3A_1018, %dma_wait3A_1019] : memref<42x128xi32, #tpu.memory_space<vmem>> -> memref<1x128xi32, #tpu.memory_space<vmem>>
      %dma_wait3A_1021 = tpu.memref_squeeze %dma_wait3A_1020 : memref<1x128xi32, #tpu.memory_space<vmem>> -> memref<128xi32, #tpu.memory_space<vmem>>
      %dma_wait3A_1022 = arith.constant 0 : i32
      %dma_wait3A_1023 = arith.constant 0 : i32
      %dma_wait3A_1024 = tpu.memref_slice %arg7[%dma_wait3A_1022, %dma_wait3A_1023] : memref<10240x16xf32, #tpu.memory_space<vmem_shared>> -> memref<10240x16xf32, #tpu.memory_space<vmem_shared>>
      tpu.wait_indirect_dma semaphore(%arg21 : memref<!tpu.dma_semaphore, #tpu.memory_space<semaphore_mem>>) src(%dma_wait3A_1024 : memref<10240x16xf32, #tpu.memory_space<vmem_shared>>) dst(%arg14 : memref<128x16xf32, #tpu.memory_space<vmem>>)
      %sub3A_1025 = arith.constant 3 : i32
      %sub3A_1026 = arith.subi %add3A_1002, %sub3A_1025 : i32
      %dma_start3A_1027 = arith.constant 0 : i32
      %dma_start3A_1028 = tpu.memref_slice %arg10[%sub3A_1026, %dma_start3A_1027] : memref<42x128xi32, #tpu.memory_space<vmem>> -> memref<1x128xi32, #tpu.memory_space<vmem>>
      %dma_start3A_1029 = tpu.memref_squeeze %dma_start3A_1028 : memref<1x128xi32, #tpu.memory_space<vmem>> -> memref<128xi32, #tpu.memory_space<vmem>>
      %dma_start3A_1030 = arith.constant 0 : i32
      %dma_start3A_1031 = arith.constant 0 : i32
      %dma_start3A_1032 = tpu.memref_slice %arg6[%dma_start3A_1030, %dma_start3A_1031] : memref<10240x16xf32, #tpu.memory_space<vmem_shared>> -> memref<10240x16xf32, #tpu.memory_space<vmem_shared>>
      tpu.enqueue_indirect_dma source(%arg14 : memref<128x16xf32, #tpu.memory_space<vmem>>) target(%dma_start3A_1032 : memref<10240x16xf32, #tpu.memory_space<vmem_shared>>) offsets(%dma_start3A_1029 : memref<128xi32, #tpu.memory_space<vmem>>) semaphore(%arg28 : memref<!tpu.dma_semaphore, #tpu.memory_space<semaphore_mem>>) {add = true}
    }
    %scan3A_700 = arith.constant 5 : i32
    %dma_wait3A_701 = arith.constant 39 : i32
    %dma_wait3A_702 = arith.constant 0 : i32
    %dma_wait3A_703 = tpu.memref_slice %arg9[%dma_wait3A_701, %dma_wait3A_702] : memref<42x128xi32, #tpu.memory_space<vmem>> -> memref<1x128xi32, #tpu.memory_space<vmem>>
    %dma_wait3A_704 = tpu.memref_squeeze %dma_wait3A_703 : memref<1x128xi32, #tpu.memory_space<vmem>> -> memref<128xi32, #tpu.memory_space<vmem>>
    %dma_wait3A_705 = arith.constant 0 : i32
    %dma_wait3A_706 = arith.constant 0 : i32
    %dma_wait3A_707 = tpu.memref_slice %arg7[%dma_wait3A_705, %dma_wait3A_706] : memref<10240x16xf32, #tpu.memory_space<vmem_shared>> -> memref<10240x16xf32, #tpu.memory_space<vmem_shared>>
    tpu.wait_indirect_dma semaphore(%arg22 : memref<!tpu.dma_semaphore, #tpu.memory_space<semaphore_mem>>) src(%dma_wait3A_707 : memref<10240x16xf32, #tpu.memory_space<vmem_shared>>) dst(%arg15 : memref<128x16xf32, #tpu.memory_space<vmem>>)
    %dma_start3A_708 = arith.constant 39 : i32
    %dma_start3A_709 = arith.constant 0 : i32
    %dma_start3A_710 = tpu.memref_slice %arg10[%dma_start3A_708, %dma_start3A_709] : memref<42x128xi32, #tpu.memory_space<vmem>> -> memref<1x128xi32, #tpu.memory_space<vmem>>
    %dma_start3A_711 = tpu.memref_squeeze %dma_start3A_710 : memref<1x128xi32, #tpu.memory_space<vmem>> -> memref<128xi32, #tpu.memory_space<vmem>>
    %dma_start3A_712 = arith.constant 0 : i32
    %dma_start3A_713 = arith.constant 0 : i32
    %dma_start3A_714 = tpu.memref_slice %arg6[%dma_start3A_712, %dma_start3A_713] : memref<10240x16xf32, #tpu.memory_space<vmem_shared>> -> memref<10240x16xf32, #tpu.memory_space<vmem_shared>>
    tpu.enqueue_indirect_dma source(%arg15 : memref<128x16xf32, #tpu.memory_space<vmem>>) target(%dma_start3A_714 : memref<10240x16xf32, #tpu.memory_space<vmem_shared>>) offsets(%dma_start3A_711 : memref<128xi32, #tpu.memory_space<vmem>>) semaphore(%arg29 : memref<!tpu.dma_semaphore, #tpu.memory_space<semaphore_mem>>) {add = true}
    %dma_wait3A_715 = arith.constant 40 : i32
    %dma_wait3A_716 = arith.constant 0 : i32
    %dma_wait3A_717 = tpu.memref_slice %arg9[%dma_wait3A_715, %dma_wait3A_716] : memref<42x128xi32, #tpu.memory_space<vmem>> -> memref<1x128xi32, #tpu.memory_space<vmem>>
    %dma_wait3A_718 = tpu.memref_squeeze %dma_wait3A_717 : memref<1x128xi32, #tpu.memory_space<vmem>> -> memref<128xi32, #tpu.memory_space<vmem>>
    %dma_wait3A_719 = arith.constant 0 : i32
    %dma_wait3A_720 = arith.constant 0 : i32
    %dma_wait3A_721 = tpu.memref_slice %arg7[%dma_wait3A_719, %dma_wait3A_720] : memref<10240x16xf32, #tpu.memory_space<vmem_shared>> -> memref<10240x16xf32, #tpu.memory_space<vmem_shared>>
    tpu.wait_indirect_dma semaphore(%arg23 : memref<!tpu.dma_semaphore, #tpu.memory_space<semaphore_mem>>) src(%dma_wait3A_721 : memref<10240x16xf32, #tpu.memory_space<vmem_shared>>) dst(%arg16 : memref<128x16xf32, #tpu.memory_space<vmem>>)
    %dma_start3A_722 = arith.constant 40 : i32
    %dma_start3A_723 = arith.constant 0 : i32
    %dma_start3A_724 = tpu.memref_slice %arg10[%dma_start3A_722, %dma_start3A_723] : memref<42x128xi32, #tpu.memory_space<vmem>> -> memref<1x128xi32, #tpu.memory_space<vmem>>
    %dma_start3A_725 = tpu.memref_squeeze %dma_start3A_724 : memref<1x128xi32, #tpu.memory_space<vmem>> -> memref<128xi32, #tpu.memory_space<vmem>>
    %dma_start3A_726 = arith.constant 0 : i32
    %dma_start3A_727 = arith.constant 0 : i32
    %dma_start3A_728 = tpu.memref_slice %arg6[%dma_start3A_726, %dma_start3A_727] : memref<10240x16xf32, #tpu.memory_space<vmem_shared>> -> memref<10240x16xf32, #tpu.memory_space<vmem_shared>>
    tpu.enqueue_indirect_dma source(%arg16 : memref<128x16xf32, #tpu.memory_space<vmem>>) target(%dma_start3A_728 : memref<10240x16xf32, #tpu.memory_space<vmem_shared>>) offsets(%dma_start3A_725 : memref<128xi32, #tpu.memory_space<vmem>>) semaphore(%arg30 : memref<!tpu.dma_semaphore, #tpu.memory_space<semaphore_mem>>) {add = true}
    %dma_wait3A_729 = arith.constant 41 : i32
    %dma_wait3A_730 = arith.constant 0 : i32
    %dma_wait3A_731 = tpu.memref_slice %arg9[%dma_wait3A_729, %dma_wait3A_730] : memref<42x128xi32, #tpu.memory_space<vmem>> -> memref<1x128xi32, #tpu.memory_space<vmem>>
    %dma_wait3A_732 = tpu.memref_squeeze %dma_wait3A_731 : memref<1x128xi32, #tpu.memory_space<vmem>> -> memref<128xi32, #tpu.memory_space<vmem>>
    %dma_wait3A_733 = arith.constant 0 : i32
    %dma_wait3A_734 = arith.constant 0 : i32
    %dma_wait3A_735 = tpu.memref_slice %arg7[%dma_wait3A_733, %dma_wait3A_734] : memref<10240x16xf32, #tpu.memory_space<vmem_shared>> -> memref<10240x16xf32, #tpu.memory_space<vmem_shared>>
    tpu.wait_indirect_dma semaphore(%arg24 : memref<!tpu.dma_semaphore, #tpu.memory_space<semaphore_mem>>) src(%dma_wait3A_735 : memref<10240x16xf32, #tpu.memory_space<vmem_shared>>) dst(%arg17 : memref<128x16xf32, #tpu.memory_space<vmem>>)
    %dma_start3A_736 = arith.constant 41 : i32
    %dma_start3A_737 = arith.constant 0 : i32
    %dma_start3A_738 = tpu.memref_slice %arg10[%dma_start3A_736, %dma_start3A_737] : memref<42x128xi32, #tpu.memory_space<vmem>> -> memref<1x128xi32, #tpu.memory_space<vmem>>
    %dma_start3A_739 = tpu.memref_squeeze %dma_start3A_738 : memref<1x128xi32, #tpu.memory_space<vmem>> -> memref<128xi32, #tpu.memory_space<vmem>>
    %dma_start3A_740 = arith.constant 0 : i32
    %dma_start3A_741 = arith.constant 0 : i32
    %dma_start3A_742 = tpu.memref_slice %arg6[%dma_start3A_740, %dma_start3A_741] : memref<10240x16xf32, #tpu.memory_space<vmem_shared>> -> memref<10240x16xf32, #tpu.memory_space<vmem_shared>>
    tpu.enqueue_indirect_dma source(%arg17 : memref<128x16xf32, #tpu.memory_space<vmem>>) target(%dma_start3A_742 : memref<10240x16xf32, #tpu.memory_space<vmem_shared>>) offsets(%dma_start3A_739 : memref<128xi32, #tpu.memory_space<vmem>>) semaphore(%arg31 : memref<!tpu.dma_semaphore, #tpu.memory_space<semaphore_mem>>) {add = true}
    %dma_wait3A_743 = arith.constant 35 : i32
    %dma_wait3A_744 = arith.constant 0 : i32
    %dma_wait3A_745 = tpu.memref_slice %arg10[%dma_wait3A_743, %dma_wait3A_744] : memref<42x128xi32, #tpu.memory_space<vmem>> -> memref<1x128xi32, #tpu.memory_space<vmem>>
    %dma_wait3A_746 = tpu.memref_squeeze %dma_wait3A_745 : memref<1x128xi32, #tpu.memory_space<vmem>> -> memref<128xi32, #tpu.memory_space<vmem>>
    %dma_wait3A_747 = arith.constant 0 : i32
    %dma_wait3A_748 = arith.constant 0 : i32
    %dma_wait3A_749 = tpu.memref_slice %arg6[%dma_wait3A_747, %dma_wait3A_748] : memref<10240x16xf32, #tpu.memory_space<vmem_shared>> -> memref<10240x16xf32, #tpu.memory_space<vmem_shared>>
    tpu.wait_indirect_dma semaphore(%arg25 : memref<!tpu.dma_semaphore, #tpu.memory_space<semaphore_mem>>) src(%arg11 : memref<128x16xf32, #tpu.memory_space<vmem>>) dst(%dma_wait3A_749 : memref<10240x16xf32, #tpu.memory_space<vmem_shared>>)
    %dma_wait3A_750 = arith.constant 36 : i32
    %dma_wait3A_751 = arith.constant 0 : i32
    %dma_wait3A_752 = tpu.memref_slice %arg10[%dma_wait3A_750, %dma_wait3A_751] : memref<42x128xi32, #tpu.memory_space<vmem>> -> memref<1x128xi32, #tpu.memory_space<vmem>>
    %dma_wait3A_753 = tpu.memref_squeeze %dma_wait3A_752 : memref<1x128xi32, #tpu.memory_space<vmem>> -> memref<128xi32, #tpu.memory_space<vmem>>
    %dma_wait3A_754 = arith.constant 0 : i32
    %dma_wait3A_755 = arith.constant 0 : i32
    %dma_wait3A_756 = tpu.memref_slice %arg6[%dma_wait3A_754, %dma_wait3A_755] : memref<10240x16xf32, #tpu.memory_space<vmem_shared>> -> memref<10240x16xf32, #tpu.memory_space<vmem_shared>>
    tpu.wait_indirect_dma semaphore(%arg26 : memref<!tpu.dma_semaphore, #tpu.memory_space<semaphore_mem>>) src(%arg12 : memref<128x16xf32, #tpu.memory_space<vmem>>) dst(%dma_wait3A_756 : memref<10240x16xf32, #tpu.memory_space<vmem_shared>>)
    %dma_wait3A_757 = arith.constant 37 : i32
    %dma_wait3A_758 = arith.constant 0 : i32
    %dma_wait3A_759 = tpu.memref_slice %arg10[%dma_wait3A_757, %dma_wait3A_758] : memref<42x128xi32, #tpu.memory_space<vmem>> -> memref<1x128xi32, #tpu.memory_space<vmem>>
    %dma_wait3A_760 = tpu.memref_squeeze %dma_wait3A_759 : memref<1x128xi32, #tpu.memory_space<vmem>> -> memref<128xi32, #tpu.memory_space<vmem>>
    %dma_wait3A_761 = arith.constant 0 : i32
    %dma_wait3A_762 = arith.constant 0 : i32
    %dma_wait3A_763 = tpu.memref_slice %arg6[%dma_wait3A_761, %dma_wait3A_762] : memref<10240x16xf32, #tpu.memory_space<vmem_shared>> -> memref<10240x16xf32, #tpu.memory_space<vmem_shared>>
    tpu.wait_indirect_dma semaphore(%arg27 : memref<!tpu.dma_semaphore, #tpu.memory_space<semaphore_mem>>) src(%arg13 : memref<128x16xf32, #tpu.memory_space<vmem>>) dst(%dma_wait3A_763 : memref<10240x16xf32, #tpu.memory_space<vmem_shared>>)
    %dma_wait3A_764 = arith.constant 38 : i32
    %dma_wait3A_765 = arith.constant 0 : i32
    %dma_wait3A_766 = tpu.memref_slice %arg10[%dma_wait3A_764, %dma_wait3A_765] : memref<42x128xi32, #tpu.memory_space<vmem>> -> memref<1x128xi32, #tpu.memory_space<vmem>>
    %dma_wait3A_767 = tpu.memref_squeeze %dma_wait3A_766 : memref<1x128xi32, #tpu.memory_space<vmem>> -> memref<128xi32, #tpu.memory_space<vmem>>
    %dma_wait3A_768 = arith.constant 0 : i32
    %dma_wait3A_769 = arith.constant 0 : i32
    %dma_wait3A_770 = tpu.memref_slice %arg6[%dma_wait3A_768, %dma_wait3A_769] : memref<10240x16xf32, #tpu.memory_space<vmem_shared>> -> memref<10240x16xf32, #tpu.memory_space<vmem_shared>>
    tpu.wait_indirect_dma semaphore(%arg28 : memref<!tpu.dma_semaphore, #tpu.memory_space<semaphore_mem>>) src(%arg14 : memref<128x16xf32, #tpu.memory_space<vmem>>) dst(%dma_wait3A_770 : memref<10240x16xf32, #tpu.memory_space<vmem_shared>>)
    %dma_wait3A_771 = arith.constant 39 : i32
    %dma_wait3A_772 = arith.constant 0 : i32
    %dma_wait3A_773 = tpu.memref_slice %arg10[%dma_wait3A_771, %dma_wait3A_772] : memref<42x128xi32, #tpu.memory_space<vmem>> -> memref<1x128xi32, #tpu.memory_space<vmem>>
    %dma_wait3A_774 = tpu.memref_squeeze %dma_wait3A_773 : memref<1x128xi32, #tpu.memory_space<vmem>> -> memref<128xi32, #tpu.memory_space<vmem>>
    %dma_wait3A_775 = arith.constant 0 : i32
    %dma_wait3A_776 = arith.constant 0 : i32
    %dma_wait3A_777 = tpu.memref_slice %arg6[%dma_wait3A_775, %dma_wait3A_776] : memref<10240x16xf32, #tpu.memory_space<vmem_shared>> -> memref<10240x16xf32, #tpu.memory_space<vmem_shared>>
    tpu.wait_indirect_dma semaphore(%arg29 : memref<!tpu.dma_semaphore, #tpu.memory_space<semaphore_mem>>) src(%arg15 : memref<128x16xf32, #tpu.memory_space<vmem>>) dst(%dma_wait3A_777 : memref<10240x16xf32, #tpu.memory_space<vmem_shared>>)
    %dma_wait3A_778 = arith.constant 40 : i32
    %dma_wait3A_779 = arith.constant 0 : i32
    %dma_wait3A_780 = tpu.memref_slice %arg10[%dma_wait3A_778, %dma_wait3A_779] : memref<42x128xi32, #tpu.memory_space<vmem>> -> memref<1x128xi32, #tpu.memory_space<vmem>>
    %dma_wait3A_781 = tpu.memref_squeeze %dma_wait3A_780 : memref<1x128xi32, #tpu.memory_space<vmem>> -> memref<128xi32, #tpu.memory_space<vmem>>
    %dma_wait3A_782 = arith.constant 0 : i32
    %dma_wait3A_783 = arith.constant 0 : i32
    %dma_wait3A_784 = tpu.memref_slice %arg6[%dma_wait3A_782, %dma_wait3A_783] : memref<10240x16xf32, #tpu.memory_space<vmem_shared>> -> memref<10240x16xf32, #tpu.memory_space<vmem_shared>>
    tpu.wait_indirect_dma semaphore(%arg30 : memref<!tpu.dma_semaphore, #tpu.memory_space<semaphore_mem>>) src(%arg16 : memref<128x16xf32, #tpu.memory_space<vmem>>) dst(%dma_wait3A_784 : memref<10240x16xf32, #tpu.memory_space<vmem_shared>>)
    %dma_wait3A_785 = arith.constant 41 : i32
    %dma_wait3A_786 = arith.constant 0 : i32
    %dma_wait3A_787 = tpu.memref_slice %arg10[%dma_wait3A_785, %dma_wait3A_786] : memref<42x128xi32, #tpu.memory_space<vmem>> -> memref<1x128xi32, #tpu.memory_space<vmem>>
    %dma_wait3A_788 = tpu.memref_squeeze %dma_wait3A_787 : memref<1x128xi32, #tpu.memory_space<vmem>> -> memref<128xi32, #tpu.memory_space<vmem>>
    %dma_wait3A_789 = arith.constant 0 : i32
    %dma_wait3A_790 = arith.constant 0 : i32
    %dma_wait3A_791 = tpu.memref_slice %arg6[%dma_wait3A_789, %dma_wait3A_790] : memref<10240x16xf32, #tpu.memory_space<vmem_shared>> -> memref<10240x16xf32, #tpu.memory_space<vmem_shared>>
    tpu.wait_indirect_dma semaphore(%arg31 : memref<!tpu.dma_semaphore, #tpu.memory_space<semaphore_mem>>) src(%arg17 : memref<128x16xf32, #tpu.memory_space<vmem>>) dst(%dma_wait3A_791 : memref<10240x16xf32, #tpu.memory_space<vmem_shared>>)
    %barrier3A_792 = arith.constant 0 : index
    tpu.barrier barrier_id(%barrier3A_792)
    %mul3A_793 = arith.constant 640 : i32
    %mul3A_794 = arith.muli %arg1, %mul3A_793 : i32
    %mul3A_795 = arith.constant 640 : i32
    %mul3A_796 = arith.muli %arg1, %mul3A_795 : i32
    %dma_start3A_797 = arith.constant 0 : i32
    %dma_start3A_798 = tpu.memref_slice %arg5[%arg0, %mul3A_796, %dma_start3A_797] : memref<2x10240x16xf32, #tpu.memory_space<hbm>> -> memref<1x640x16xf32, #tpu.memory_space<hbm>>
    %dma_start3A_799 = tpu.memref_squeeze %dma_start3A_798 : memref<1x640x16xf32, #tpu.memory_space<hbm>> -> memref<640x16xf32, #tpu.memory_space<hbm>>
    %dma_start3A_800 = arith.constant 0 : i32
    %dma_start3A_801 = tpu.memref_slice %arg6[%mul3A_794, %dma_start3A_800] : memref<10240x16xf32, #tpu.memory_space<vmem_shared>> -> memref<640x16xf32, #tpu.memory_space<vmem_shared>>
    tpu.enqueue_dma source(%dma_start3A_801 : memref<640x16xf32, #tpu.memory_space<vmem_shared>>) target(%dma_start3A_799 : memref<640x16xf32, #tpu.memory_space<hbm>>) target_semaphore(%arg34 : memref<!tpu.dma_semaphore, #tpu.memory_space<semaphore_mem>>)
    %dma_wait3A_802 = arith.constant 0 : i32
    %dma_wait3A_803 = tpu.memref_slice %arg5[%arg0, %mul3A_796, %dma_wait3A_802] : memref<2x10240x16xf32, #tpu.memory_space<hbm>> -> memref<1x640x16xf32, #tpu.memory_space<hbm>>
    %dma_wait3A_804 = tpu.memref_squeeze %dma_wait3A_803 : memref<1x640x16xf32, #tpu.memory_space<hbm>> -> memref<640x16xf32, #tpu.memory_space<hbm>>
    %dma_wait3A_805 = arith.constant 0 : i32
    %dma_wait3A_806 = tpu.memref_slice %arg6[%mul3A_794, %dma_wait3A_805] : memref<10240x16xf32, #tpu.memory_space<vmem_shared>> -> memref<640x16xf32, #tpu.memory_space<vmem_shared>>
    tpu.wait_dma2 semaphore(%arg34 : memref<!tpu.dma_semaphore, #tpu.memory_space<semaphore_mem>>) src(%dma_wait3A_806 : memref<640x16xf32, #tpu.memory_space<vmem_shared>>) dst(%dma_wait3A_804 : memref<640x16xf32, #tpu.memory_space<hbm>>)
    return
  }
}

#map = affine_map<(d0, d1) -> (0, 0)>
#map1 = affine_map<(d0, d1) -> (0, 0, 0)>
module attributes {stable_mosaic.version = 14 : i64} {
  func.func @_edge_body(%arg0: i32, %arg1: i32, %arg2: memref<10240x16xf32, #tpu.memory_space<hbm>>, %arg3: memref<32x42x128xi32, #tpu.memory_space<hbm>>, %arg4: memref<32x42x128xi32, #tpu.memory_space<hbm>>, %arg5: memref<2x10240x16xf32, #tpu.memory_space<hbm>>, %arg6: memref<10240x16xf32, #tpu.memory_space<vmem_shared>>, %arg7: memref<10240x16xf32, #tpu.memory_space<vmem_shared>>, %arg8: memref<64x16xf32, #tpu.memory_space<vmem>>, %arg9: memref<42x128xi32, #tpu.memory_space<vmem>>, %arg10: memref<42x128xi32, #tpu.memory_space<vmem>>, %arg11: memref<128x16xf32, #tpu.memory_space<vmem>>, %arg12: memref<128x16xf32, #tpu.memory_space<vmem>>, %arg13: memref<128x16xf32, #tpu.memory_space<vmem>>, %arg14: memref<128x16xf32, #tpu.memory_space<vmem>>, %arg15: memref<128x16xf32, #tpu.memory_space<vmem>>, %arg16: memref<128x16xf32, #tpu.memory_space<vmem>>, %arg17: memref<128x16xf32, #tpu.memory_space<vmem>>, %arg18: memref<!tpu.dma_semaphore, #tpu.memory_space<semaphore_mem>>, %arg19: memref<!tpu.dma_semaphore, #tpu.memory_space<semaphore_mem>>, %arg20: memref<!tpu.dma_semaphore, #tpu.memory_space<semaphore_mem>>, %arg21: memref<!tpu.dma_semaphore, #tpu.memory_space<semaphore_mem>>, %arg22: memref<!tpu.dma_semaphore, #tpu.memory_space<semaphore_mem>>, %arg23: memref<!tpu.dma_semaphore, #tpu.memory_space<semaphore_mem>>, %arg24: memref<!tpu.dma_semaphore, #tpu.memory_space<semaphore_mem>>, %arg25: memref<!tpu.dma_semaphore, #tpu.memory_space<semaphore_mem>>, %arg26: memref<!tpu.dma_semaphore, #tpu.memory_space<semaphore_mem>>, %arg27: memref<!tpu.dma_semaphore, #tpu.memory_space<semaphore_mem>>, %arg28: memref<!tpu.dma_semaphore, #tpu.memory_space<semaphore_mem>>, %arg29: memref<!tpu.dma_semaphore, #tpu.memory_space<semaphore_mem>>, %arg30: memref<!tpu.dma_semaphore, #tpu.memory_space<semaphore_mem>>, %arg31: memref<!tpu.dma_semaphore, #tpu.memory_space<semaphore_mem>>, %arg32: memref<!tpu.dma_semaphore, #tpu.memory_space<semaphore_mem>>, %arg33: memref<!tpu.dma_semaphore, #tpu.memory_space<semaphore_mem>>, %arg34: memref<!tpu.dma_semaphore, #tpu.memory_space<semaphore_mem>>) attributes {dimension_semantics = [#tpu.dimension_semantics<core_parallel>, #tpu.dimension_semantics<subcore_parallel>], iteration_bounds = array<i64: 2, 16>, scalar_prefetch = 0 : i64, scratch_operands = 29 : i64, tpu.core_type = #tpu.core_type<sc_vector_subcore>, window_params = [{transform_indices = #map}, {transform_indices = #map1}, {transform_indices = #map1}, {transform_indices = #map1}]} {
    %mul3A = arith.constant 2 : i32
    %mul3A_0 = arith.muli %arg1, %mul3A : i32
    %add3A = arith.addi %mul3A_0, %arg0 : i32
    %dma_start3A = arith.constant 0 : i32
    %dma_start3A_1 = arith.constant 0 : i32
    %dma_start3A_2 = tpu.memref_slice %arg3[%add3A, %dma_start3A, %dma_start3A_1] : memref<32x42x128xi32, #tpu.memory_space<hbm>> -> memref<1x42x128xi32, #tpu.memory_space<hbm>>
    %dma_start3A_3 = tpu.memref_squeeze %dma_start3A_2 : memref<1x42x128xi32, #tpu.memory_space<hbm>> -> memref<42x128xi32, #tpu.memory_space<hbm>>
    %dma_start3A_4 = arith.constant 0 : i32
    %dma_start3A_5 = arith.constant 0 : i32
    %dma_start3A_6 = tpu.memref_slice %arg3[%add3A, %dma_start3A_4, %dma_start3A_5] : memref<32x42x128xi32, #tpu.memory_space<hbm>> -> memref<1x42x128xi32, #tpu.memory_space<hbm>>
    %dma_start3A_7 = tpu.memref_squeeze %dma_start3A_6 : memref<1x42x128xi32, #tpu.memory_space<hbm>> -> memref<42x128xi32, #tpu.memory_space<hbm>>
    tpu.enqueue_dma source(%dma_start3A_7 : memref<42x128xi32, #tpu.memory_space<hbm>>) target(%arg9 : memref<42x128xi32, #tpu.memory_space<vmem>>) target_semaphore(%arg32 : memref<!tpu.dma_semaphore, #tpu.memory_space<semaphore_mem>>)
    %dma_start3A_8 = arith.constant 0 : i32
    %dma_start3A_9 = arith.constant 0 : i32
    %dma_start3A_10 = tpu.memref_slice %arg4[%add3A, %dma_start3A_8, %dma_start3A_9] : memref<32x42x128xi32, #tpu.memory_space<hbm>> -> memref<1x42x128xi32, #tpu.memory_space<hbm>>
    %dma_start3A_11 = tpu.memref_squeeze %dma_start3A_10 : memref<1x42x128xi32, #tpu.memory_space<hbm>> -> memref<42x128xi32, #tpu.memory_space<hbm>>
    %dma_start3A_12 = arith.constant 0 : i32
    %dma_start3A_13 = arith.constant 0 : i32
    %dma_start3A_14 = tpu.memref_slice %arg4[%add3A, %dma_start3A_12, %dma_start3A_13] : memref<32x42x128xi32, #tpu.memory_space<hbm>> -> memref<1x42x128xi32, #tpu.memory_space<hbm>>
    %dma_start3A_15 = tpu.memref_squeeze %dma_start3A_14 : memref<1x42x128xi32, #tpu.memory_space<hbm>> -> memref<42x128xi32, #tpu.memory_space<hbm>>
    tpu.enqueue_dma source(%dma_start3A_15 : memref<42x128xi32, #tpu.memory_space<hbm>>) target(%arg10 : memref<42x128xi32, #tpu.memory_space<vmem>>) target_semaphore(%arg32 : memref<!tpu.dma_semaphore, #tpu.memory_space<semaphore_mem>>)
    %mul3A_16 = arith.constant 640 : i32
    %mul3A_17 = arith.muli %arg1, %mul3A_16 : i32
    %mul3A_18 = arith.constant 640 : i32
    %mul3A_19 = arith.muli %arg1, %mul3A_18 : i32
    %dma_start3A_20 = arith.constant 0 : i32
    %dma_start3A_21 = tpu.memref_slice %arg7[%mul3A_19, %dma_start3A_20] : memref<10240x16xf32, #tpu.memory_space<vmem_shared>> -> memref<640x16xf32, #tpu.memory_space<vmem_shared>>
    %dma_start3A_22 = arith.constant 0 : i32
    %dma_start3A_23 = tpu.memref_slice %arg2[%mul3A_17, %dma_start3A_22] : memref<10240x16xf32, #tpu.memory_space<hbm>> -> memref<640x16xf32, #tpu.memory_space<hbm>>
    tpu.enqueue_dma source(%dma_start3A_23 : memref<640x16xf32, #tpu.memory_space<hbm>>) target(%dma_start3A_21 : memref<640x16xf32, #tpu.memory_space<vmem_shared>>) target_semaphore(%arg32 : memref<!tpu.dma_semaphore, #tpu.memory_space<semaphore_mem>>)
    %broadcast_in_dim3A = arith.constant 0.000000e+00 : f32
    %broadcast_in_dim3A_24 = vector.broadcast %broadcast_in_dim3A : f32 to vector<16xf32>
    %swap3A = arith.constant 0 : i32
    %swap3A_25 = arith.index_cast %swap3A : i32 to index
    %swap3A_26 = arith.constant 0 : index
    %swap3A_27 = tpu.vector_load %arg8[%swap3A_25, %swap3A_26] {strides = array<i32>} : memref<64x16xf32, #tpu.memory_space<vmem>>, vector<1x16xf32>,
    %swap3A_28 = vector.shape_cast %swap3A_27 : vector<1x16xf32> to vector<16xf32>
    %swap3A_29 = vector.shape_cast %broadcast_in_dim3A_24 : vector<16xf32> to vector<1x16xf32>
    tpu.vector_store %arg8[%swap3A_25, %swap3A_26], %swap3A_29 {strides = array<i32>} : memref<64x16xf32, #tpu.memory_space<vmem>>, vector<1x16xf32>,
    %swap3A_30 = arith.constant 1 : i32
    %swap3A_31 = arith.index_cast %swap3A_30 : i32 to index
    %swap3A_32 = arith.constant 0 : index
    %swap3A_33 = tpu.vector_load %arg8[%swap3A_31, %swap3A_32] {strides = array<i32>} : memref<64x16xf32, #tpu.memory_space<vmem>>, vector<1x16xf32>,
    %swap3A_34 = vector.shape_cast %swap3A_33 : vector<1x16xf32> to vector<16xf32>
    %swap3A_35 = vector.shape_cast %broadcast_in_dim3A_24 : vector<16xf32> to vector<1x16xf32>
    tpu.vector_store %arg8[%swap3A_31, %swap3A_32], %swap3A_35 {strides = array<i32>} : memref<64x16xf32, #tpu.memory_space<vmem>>, vector<1x16xf32>,
    %swap3A_36 = arith.constant 2 : i32
    %swap3A_37 = arith.index_cast %swap3A_36 : i32 to index
    %swap3A_38 = arith.constant 0 : index
    %swap3A_39 = tpu.vector_load %arg8[%swap3A_37, %swap3A_38] {strides = array<i32>} : memref<64x16xf32, #tpu.memory_space<vmem>>, vector<1x16xf32>,
    %swap3A_40 = vector.shape_cast %swap3A_39 : vector<1x16xf32> to vector<16xf32>
    %swap3A_41 = vector.shape_cast %broadcast_in_dim3A_24 : vector<16xf32> to vector<1x16xf32>
    tpu.vector_store %arg8[%swap3A_37, %swap3A_38], %swap3A_41 {strides = array<i32>} : memref<64x16xf32, #tpu.memory_space<vmem>>, vector<1x16xf32>,
    %swap3A_42 = arith.constant 3 : i32
    %swap3A_43 = arith.index_cast %swap3A_42 : i32 to index
    %swap3A_44 = arith.constant 0 : index
    %swap3A_45 = tpu.vector_load %arg8[%swap3A_43, %swap3A_44] {strides = array<i32>} : memref<64x16xf32, #tpu.memory_space<vmem>>, vector<1x16xf32>,
    %swap3A_46 = vector.shape_cast %swap3A_45 : vector<1x16xf32> to vector<16xf32>
    %swap3A_47 = vector.shape_cast %broadcast_in_dim3A_24 : vector<16xf32> to vector<1x16xf32>
    tpu.vector_store %arg8[%swap3A_43, %swap3A_44], %swap3A_47 {strides = array<i32>} : memref<64x16xf32, #tpu.memory_space<vmem>>, vector<1x16xf32>,
    %swap3A_48 = arith.constant 4 : i32
    %swap3A_49 = arith.index_cast %swap3A_48 : i32 to index
    %swap3A_50 = arith.constant 0 : index
    %swap3A_51 = tpu.vector_load %arg8[%swap3A_49, %swap3A_50] {strides = array<i32>} : memref<64x16xf32, #tpu.memory_space<vmem>>, vector<1x16xf32>,
    %swap3A_52 = vector.shape_cast %swap3A_51 : vector<1x16xf32> to vector<16xf32>
    %swap3A_53 = vector.shape_cast %broadcast_in_dim3A_24 : vector<16xf32> to vector<1x16xf32>
    tpu.vector_store %arg8[%swap3A_49, %swap3A_50], %swap3A_53 {strides = array<i32>} : memref<64x16xf32, #tpu.memory_space<vmem>>, vector<1x16xf32>,
    %swap3A_54 = arith.constant 5 : i32
    %swap3A_55 = arith.index_cast %swap3A_54 : i32 to index
    %swap3A_56 = arith.constant 0 : index
    %swap3A_57 = tpu.vector_load %arg8[%swap3A_55, %swap3A_56] {strides = array<i32>} : memref<64x16xf32, #tpu.memory_space<vmem>>, vector<1x16xf32>,
    %swap3A_58 = vector.shape_cast %swap3A_57 : vector<1x16xf32> to vector<16xf32>
    %swap3A_59 = vector.shape_cast %broadcast_in_dim3A_24 : vector<16xf32> to vector<1x16xf32>
    tpu.vector_store %arg8[%swap3A_55, %swap3A_56], %swap3A_59 {strides = array<i32>} : memref<64x16xf32, #tpu.memory_space<vmem>>, vector<1x16xf32>,
    %swap3A_60 = arith.constant 6 : i32
    %swap3A_61 = arith.index_cast %swap3A_60 : i32 to index
    %swap3A_62 = arith.constant 0 : index
    %swap3A_63 = tpu.vector_load %arg8[%swap3A_61, %swap3A_62] {strides = array<i32>} : memref<64x16xf32, #tpu.memory_space<vmem>>, vector<1x16xf32>,
    %swap3A_64 = vector.shape_cast %swap3A_63 : vector<1x16xf32> to vector<16xf32>
    %swap3A_65 = vector.shape_cast %broadcast_in_dim3A_24 : vector<16xf32> to vector<1x16xf32>
    tpu.vector_store %arg8[%swap3A_61, %swap3A_62], %swap3A_65 {strides = array<i32>} : memref<64x16xf32, #tpu.memory_space<vmem>>, vector<1x16xf32>,
    %swap3A_66 = arith.constant 7 : i32
    %swap3A_67 = arith.index_cast %swap3A_66 : i32 to index
    %swap3A_68 = arith.constant 0 : index
    %swap3A_69 = tpu.vector_load %arg8[%swap3A_67, %swap3A_68] {strides = array<i32>} : memref<64x16xf32, #tpu.memory_space<vmem>>, vector<1x16xf32>,
    %swap3A_70 = vector.shape_cast %swap3A_69 : vector<1x16xf32> to vector<16xf32>
    %swap3A_71 = vector.shape_cast %broadcast_in_dim3A_24 : vector<16xf32> to vector<1x16xf32>
    tpu.vector_store %arg8[%swap3A_67, %swap3A_68], %swap3A_71 {strides = array<i32>} : memref<64x16xf32, #tpu.memory_space<vmem>>, vector<1x16xf32>,
    %swap3A_72 = arith.constant 8 : i32
    %swap3A_73 = arith.index_cast %swap3A_72 : i32 to index
    %swap3A_74 = arith.constant 0 : index
    %swap3A_75 = tpu.vector_load %arg8[%swap3A_73, %swap3A_74] {strides = array<i32>} : memref<64x16xf32, #tpu.memory_space<vmem>>, vector<1x16xf32>,
    %swap3A_76 = vector.shape_cast %swap3A_75 : vector<1x16xf32> to vector<16xf32>
    %swap3A_77 = vector.shape_cast %broadcast_in_dim3A_24 : vector<16xf32> to vector<1x16xf32>
    tpu.vector_store %arg8[%swap3A_73, %swap3A_74], %swap3A_77 {strides = array<i32>} : memref<64x16xf32, #tpu.memory_space<vmem>>, vector<1x16xf32>,
    %swap3A_78 = arith.constant 9 : i32
    %swap3A_79 = arith.index_cast %swap3A_78 : i32 to index
    %swap3A_80 = arith.constant 0 : index
    %swap3A_81 = tpu.vector_load %arg8[%swap3A_79, %swap3A_80] {strides = array<i32>} : memref<64x16xf32, #tpu.memory_space<vmem>>, vector<1x16xf32>,
    %swap3A_82 = vector.shape_cast %swap3A_81 : vector<1x16xf32> to vector<16xf32>
    %swap3A_83 = vector.shape_cast %broadcast_in_dim3A_24 : vector<16xf32> to vector<1x16xf32>
    tpu.vector_store %arg8[%swap3A_79, %swap3A_80], %swap3A_83 {strides = array<i32>} : memref<64x16xf32, #tpu.memory_space<vmem>>, vector<1x16xf32>,
    %swap3A_84 = arith.constant 10 : i32
    %swap3A_85 = arith.index_cast %swap3A_84 : i32 to index
    %swap3A_86 = arith.constant 0 : index
    %swap3A_87 = tpu.vector_load %arg8[%swap3A_85, %swap3A_86] {strides = array<i32>} : memref<64x16xf32, #tpu.memory_space<vmem>>, vector<1x16xf32>,
    %swap3A_88 = vector.shape_cast %swap3A_87 : vector<1x16xf32> to vector<16xf32>
    %swap3A_89 = vector.shape_cast %broadcast_in_dim3A_24 : vector<16xf32> to vector<1x16xf32>
    tpu.vector_store %arg8[%swap3A_85, %swap3A_86], %swap3A_89 {strides = array<i32>} : memref<64x16xf32, #tpu.memory_space<vmem>>, vector<1x16xf32>,
    %swap3A_90 = arith.constant 11 : i32
    %swap3A_91 = arith.index_cast %swap3A_90 : i32 to index
    %swap3A_92 = arith.constant 0 : index
    %swap3A_93 = tpu.vector_load %arg8[%swap3A_91, %swap3A_92] {strides = array<i32>} : memref<64x16xf32, #tpu.memory_space<vmem>>, vector<1x16xf32>,
    %swap3A_94 = vector.shape_cast %swap3A_93 : vector<1x16xf32> to vector<16xf32>
    %swap3A_95 = vector.shape_cast %broadcast_in_dim3A_24 : vector<16xf32> to vector<1x16xf32>
    tpu.vector_store %arg8[%swap3A_91, %swap3A_92], %swap3A_95 {strides = array<i32>} : memref<64x16xf32, #tpu.memory_space<vmem>>, vector<1x16xf32>,
    %swap3A_96 = arith.constant 12 : i32
    %swap3A_97 = arith.index_cast %swap3A_96 : i32 to index
    %swap3A_98 = arith.constant 0 : index
    %swap3A_99 = tpu.vector_load %arg8[%swap3A_97, %swap3A_98] {strides = array<i32>} : memref<64x16xf32, #tpu.memory_space<vmem>>, vector<1x16xf32>,
    %swap3A_100 = vector.shape_cast %swap3A_99 : vector<1x16xf32> to vector<16xf32>
    %swap3A_101 = vector.shape_cast %broadcast_in_dim3A_24 : vector<16xf32> to vector<1x16xf32>
    tpu.vector_store %arg8[%swap3A_97, %swap3A_98], %swap3A_101 {strides = array<i32>} : memref<64x16xf32, #tpu.memory_space<vmem>>, vector<1x16xf32>,
    %swap3A_102 = arith.constant 13 : i32
    %swap3A_103 = arith.index_cast %swap3A_102 : i32 to index
    %swap3A_104 = arith.constant 0 : index
    %swap3A_105 = tpu.vector_load %arg8[%swap3A_103, %swap3A_104] {strides = array<i32>} : memref<64x16xf32, #tpu.memory_space<vmem>>, vector<1x16xf32>,
    %swap3A_106 = vector.shape_cast %swap3A_105 : vector<1x16xf32> to vector<16xf32>
    %swap3A_107 = vector.shape_cast %broadcast_in_dim3A_24 : vector<16xf32> to vector<1x16xf32>
    tpu.vector_store %arg8[%swap3A_103, %swap3A_104], %swap3A_107 {strides = array<i32>} : memref<64x16xf32, #tpu.memory_space<vmem>>, vector<1x16xf32>,
    %swap3A_108 = arith.constant 14 : i32
    %swap3A_109 = arith.index_cast %swap3A_108 : i32 to index
    %swap3A_110 = arith.constant 0 : index
    %swap3A_111 = tpu.vector_load %arg8[%swap3A_109, %swap3A_110] {strides = array<i32>} : memref<64x16xf32, #tpu.memory_space<vmem>>, vector<1x16xf32>,
    %swap3A_112 = vector.shape_cast %swap3A_111 : vector<1x16xf32> to vector<16xf32>
    %swap3A_113 = vector.shape_cast %broadcast_in_dim3A_24 : vector<16xf32> to vector<1x16xf32>
    tpu.vector_store %arg8[%swap3A_109, %swap3A_110], %swap3A_113 {strides = array<i32>} : memref<64x16xf32, #tpu.memory_space<vmem>>, vector<1x16xf32>,
    %swap3A_114 = arith.constant 15 : i32
    %swap3A_115 = arith.index_cast %swap3A_114 : i32 to index
    %swap3A_116 = arith.constant 0 : index
    %swap3A_117 = tpu.vector_load %arg8[%swap3A_115, %swap3A_116] {strides = array<i32>} : memref<64x16xf32, #tpu.memory_space<vmem>>, vector<1x16xf32>,
    %swap3A_118 = vector.shape_cast %swap3A_117 : vector<1x16xf32> to vector<16xf32>
    %swap3A_119 = vector.shape_cast %broadcast_in_dim3A_24 : vector<16xf32> to vector<1x16xf32>
    tpu.vector_store %arg8[%swap3A_115, %swap3A_116], %swap3A_119 {strides = array<i32>} : memref<64x16xf32, #tpu.memory_space<vmem>>, vector<1x16xf32>,
    %swap3A_120 = arith.constant 16 : i32
    %swap3A_121 = arith.index_cast %swap3A_120 : i32 to index
    %swap3A_122 = arith.constant 0 : index
    %swap3A_123 = tpu.vector_load %arg8[%swap3A_121, %swap3A_122] {strides = array<i32>} : memref<64x16xf32, #tpu.memory_space<vmem>>, vector<1x16xf32>,
    %swap3A_124 = vector.shape_cast %swap3A_123 : vector<1x16xf32> to vector<16xf32>
    %swap3A_125 = vector.shape_cast %broadcast_in_dim3A_24 : vector<16xf32> to vector<1x16xf32>
    tpu.vector_store %arg8[%swap3A_121, %swap3A_122], %swap3A_125 {strides = array<i32>} : memref<64x16xf32, #tpu.memory_space<vmem>>, vector<1x16xf32>,
    %swap3A_126 = arith.constant 17 : i32
    %swap3A_127 = arith.index_cast %swap3A_126 : i32 to index
    %swap3A_128 = arith.constant 0 : index
    %swap3A_129 = tpu.vector_load %arg8[%swap3A_127, %swap3A_128] {strides = array<i32>} : memref<64x16xf32, #tpu.memory_space<vmem>>, vector<1x16xf32>,
    %swap3A_130 = vector.shape_cast %swap3A_129 : vector<1x16xf32> to vector<16xf32>
    %swap3A_131 = vector.shape_cast %broadcast_in_dim3A_24 : vector<16xf32> to vector<1x16xf32>
    tpu.vector_store %arg8[%swap3A_127, %swap3A_128], %swap3A_131 {strides = array<i32>} : memref<64x16xf32, #tpu.memory_space<vmem>>, vector<1x16xf32>,
    %swap3A_132 = arith.constant 18 : i32
    %swap3A_133 = arith.index_cast %swap3A_132 : i32 to index
    %swap3A_134 = arith.constant 0 : index
    %swap3A_135 = tpu.vector_load %arg8[%swap3A_133, %swap3A_134] {strides = array<i32>} : memref<64x16xf32, #tpu.memory_space<vmem>>, vector<1x16xf32>,
    %swap3A_136 = vector.shape_cast %swap3A_135 : vector<1x16xf32> to vector<16xf32>
    %swap3A_137 = vector.shape_cast %broadcast_in_dim3A_24 : vector<16xf32> to vector<1x16xf32>
    tpu.vector_store %arg8[%swap3A_133, %swap3A_134], %swap3A_137 {strides = array<i32>} : memref<64x16xf32, #tpu.memory_space<vmem>>, vector<1x16xf32>,
    %swap3A_138 = arith.constant 19 : i32
    %swap3A_139 = arith.index_cast %swap3A_138 : i32 to index
    %swap3A_140 = arith.constant 0 : index
    %swap3A_141 = tpu.vector_load %arg8[%swap3A_139, %swap3A_140] {strides = array<i32>} : memref<64x16xf32, #tpu.memory_space<vmem>>, vector<1x16xf32>,
    %swap3A_142 = vector.shape_cast %swap3A_141 : vector<1x16xf32> to vector<16xf32>
    %swap3A_143 = vector.shape_cast %broadcast_in_dim3A_24 : vector<16xf32> to vector<1x16xf32>
    tpu.vector_store %arg8[%swap3A_139, %swap3A_140], %swap3A_143 {strides = array<i32>} : memref<64x16xf32, #tpu.memory_space<vmem>>, vector<1x16xf32>,
    %swap3A_144 = arith.constant 20 : i32
    %swap3A_145 = arith.index_cast %swap3A_144 : i32 to index
    %swap3A_146 = arith.constant 0 : index
    %swap3A_147 = tpu.vector_load %arg8[%swap3A_145, %swap3A_146] {strides = array<i32>} : memref<64x16xf32, #tpu.memory_space<vmem>>, vector<1x16xf32>,
    %swap3A_148 = vector.shape_cast %swap3A_147 : vector<1x16xf32> to vector<16xf32>
    %swap3A_149 = vector.shape_cast %broadcast_in_dim3A_24 : vector<16xf32> to vector<1x16xf32>
    tpu.vector_store %arg8[%swap3A_145, %swap3A_146], %swap3A_149 {strides = array<i32>} : memref<64x16xf32, #tpu.memory_space<vmem>>, vector<1x16xf32>,
    %swap3A_150 = arith.constant 21 : i32
    %swap3A_151 = arith.index_cast %swap3A_150 : i32 to index
    %swap3A_152 = arith.constant 0 : index
    %swap3A_153 = tpu.vector_load %arg8[%swap3A_151, %swap3A_152] {strides = array<i32>} : memref<64x16xf32, #tpu.memory_space<vmem>>, vector<1x16xf32>,
    %swap3A_154 = vector.shape_cast %swap3A_153 : vector<1x16xf32> to vector<16xf32>
    %swap3A_155 = vector.shape_cast %broadcast_in_dim3A_24 : vector<16xf32> to vector<1x16xf32>
    tpu.vector_store %arg8[%swap3A_151, %swap3A_152], %swap3A_155 {strides = array<i32>} : memref<64x16xf32, #tpu.memory_space<vmem>>, vector<1x16xf32>,
    %swap3A_156 = arith.constant 22 : i32
    %swap3A_157 = arith.index_cast %swap3A_156 : i32 to index
    %swap3A_158 = arith.constant 0 : index
    %swap3A_159 = tpu.vector_load %arg8[%swap3A_157, %swap3A_158] {strides = array<i32>} : memref<64x16xf32, #tpu.memory_space<vmem>>, vector<1x16xf32>,
    %swap3A_160 = vector.shape_cast %swap3A_159 : vector<1x16xf32> to vector<16xf32>
    %swap3A_161 = vector.shape_cast %broadcast_in_dim3A_24 : vector<16xf32> to vector<1x16xf32>
    tpu.vector_store %arg8[%swap3A_157, %swap3A_158], %swap3A_161 {strides = array<i32>} : memref<64x16xf32, #tpu.memory_space<vmem>>, vector<1x16xf32>,
    %swap3A_162 = arith.constant 23 : i32
    %swap3A_163 = arith.index_cast %swap3A_162 : i32 to index
    %swap3A_164 = arith.constant 0 : index
    %swap3A_165 = tpu.vector_load %arg8[%swap3A_163, %swap3A_164] {strides = array<i32>} : memref<64x16xf32, #tpu.memory_space<vmem>>, vector<1x16xf32>,
    %swap3A_166 = vector.shape_cast %swap3A_165 : vector<1x16xf32> to vector<16xf32>
    %swap3A_167 = vector.shape_cast %broadcast_in_dim3A_24 : vector<16xf32> to vector<1x16xf32>
    tpu.vector_store %arg8[%swap3A_163, %swap3A_164], %swap3A_167 {strides = array<i32>} : memref<64x16xf32, #tpu.memory_space<vmem>>, vector<1x16xf32>,
    %swap3A_168 = arith.constant 24 : i32
    %swap3A_169 = arith.index_cast %swap3A_168 : i32 to index
    %swap3A_170 = arith.constant 0 : index
    %swap3A_171 = tpu.vector_load %arg8[%swap3A_169, %swap3A_170] {strides = array<i32>} : memref<64x16xf32, #tpu.memory_space<vmem>>, vector<1x16xf32>,
    %swap3A_172 = vector.shape_cast %swap3A_171 : vector<1x16xf32> to vector<16xf32>
    %swap3A_173 = vector.shape_cast %broadcast_in_dim3A_24 : vector<16xf32> to vector<1x16xf32>
    tpu.vector_store %arg8[%swap3A_169, %swap3A_170], %swap3A_173 {strides = array<i32>} : memref<64x16xf32, #tpu.memory_space<vmem>>, vector<1x16xf32>,
    %swap3A_174 = arith.constant 25 : i32
    %swap3A_175 = arith.index_cast %swap3A_174 : i32 to index
    %swap3A_176 = arith.constant 0 : index
    %swap3A_177 = tpu.vector_load %arg8[%swap3A_175, %swap3A_176] {strides = array<i32>} : memref<64x16xf32, #tpu.memory_space<vmem>>, vector<1x16xf32>,
    %swap3A_178 = vector.shape_cast %swap3A_177 : vector<1x16xf32> to vector<16xf32>
    %swap3A_179 = vector.shape_cast %broadcast_in_dim3A_24 : vector<16xf32> to vector<1x16xf32>
    tpu.vector_store %arg8[%swap3A_175, %swap3A_176], %swap3A_179 {strides = array<i32>} : memref<64x16xf32, #tpu.memory_space<vmem>>, vector<1x16xf32>,
    %swap3A_180 = arith.constant 26 : i32
    %swap3A_181 = arith.index_cast %swap3A_180 : i32 to index
    %swap3A_182 = arith.constant 0 : index
    %swap3A_183 = tpu.vector_load %arg8[%swap3A_181, %swap3A_182] {strides = array<i32>} : memref<64x16xf32, #tpu.memory_space<vmem>>, vector<1x16xf32>,
    %swap3A_184 = vector.shape_cast %swap3A_183 : vector<1x16xf32> to vector<16xf32>
    %swap3A_185 = vector.shape_cast %broadcast_in_dim3A_24 : vector<16xf32> to vector<1x16xf32>
    tpu.vector_store %arg8[%swap3A_181, %swap3A_182], %swap3A_185 {strides = array<i32>} : memref<64x16xf32, #tpu.memory_space<vmem>>, vector<1x16xf32>,
    %swap3A_186 = arith.constant 27 : i32
    %swap3A_187 = arith.index_cast %swap3A_186 : i32 to index
    %swap3A_188 = arith.constant 0 : index
    %swap3A_189 = tpu.vector_load %arg8[%swap3A_187, %swap3A_188] {strides = array<i32>} : memref<64x16xf32, #tpu.memory_space<vmem>>, vector<1x16xf32>,
    %swap3A_190 = vector.shape_cast %swap3A_189 : vector<1x16xf32> to vector<16xf32>
    %swap3A_191 = vector.shape_cast %broadcast_in_dim3A_24 : vector<16xf32> to vector<1x16xf32>
    tpu.vector_store %arg8[%swap3A_187, %swap3A_188], %swap3A_191 {strides = array<i32>} : memref<64x16xf32, #tpu.memory_space<vmem>>, vector<1x16xf32>,
    %swap3A_192 = arith.constant 28 : i32
    %swap3A_193 = arith.index_cast %swap3A_192 : i32 to index
    %swap3A_194 = arith.constant 0 : index
    %swap3A_195 = tpu.vector_load %arg8[%swap3A_193, %swap3A_194] {strides = array<i32>} : memref<64x16xf32, #tpu.memory_space<vmem>>, vector<1x16xf32>,
    %swap3A_196 = vector.shape_cast %swap3A_195 : vector<1x16xf32> to vector<16xf32>
    %swap3A_197 = vector.shape_cast %broadcast_in_dim3A_24 : vector<16xf32> to vector<1x16xf32>
    tpu.vector_store %arg8[%swap3A_193, %swap3A_194], %swap3A_197 {strides = array<i32>} : memref<64x16xf32, #tpu.memory_space<vmem>>, vector<1x16xf32>,
    %swap3A_198 = arith.constant 29 : i32
    %swap3A_199 = arith.index_cast %swap3A_198 : i32 to index
    %swap3A_200 = arith.constant 0 : index
    %swap3A_201 = tpu.vector_load %arg8[%swap3A_199, %swap3A_200] {strides = array<i32>} : memref<64x16xf32, #tpu.memory_space<vmem>>, vector<1x16xf32>,
    %swap3A_202 = vector.shape_cast %swap3A_201 : vector<1x16xf32> to vector<16xf32>
    %swap3A_203 = vector.shape_cast %broadcast_in_dim3A_24 : vector<16xf32> to vector<1x16xf32>
    tpu.vector_store %arg8[%swap3A_199, %swap3A_200], %swap3A_203 {strides = array<i32>} : memref<64x16xf32, #tpu.memory_space<vmem>>, vector<1x16xf32>,
    %swap3A_204 = arith.constant 30 : i32
    %swap3A_205 = arith.index_cast %swap3A_204 : i32 to index
    %swap3A_206 = arith.constant 0 : index
    %swap3A_207 = tpu.vector_load %arg8[%swap3A_205, %swap3A_206] {strides = array<i32>} : memref<64x16xf32, #tpu.memory_space<vmem>>, vector<1x16xf32>,
    %swap3A_208 = vector.shape_cast %swap3A_207 : vector<1x16xf32> to vector<16xf32>
    %swap3A_209 = vector.shape_cast %broadcast_in_dim3A_24 : vector<16xf32> to vector<1x16xf32>
    tpu.vector_store %arg8[%swap3A_205, %swap3A_206], %swap3A_209 {strides = array<i32>} : memref<64x16xf32, #tpu.memory_space<vmem>>, vector<1x16xf32>,
    %swap3A_210 = arith.constant 31 : i32
    %swap3A_211 = arith.index_cast %swap3A_210 : i32 to index
    %swap3A_212 = arith.constant 0 : index
    %swap3A_213 = tpu.vector_load %arg8[%swap3A_211, %swap3A_212] {strides = array<i32>} : memref<64x16xf32, #tpu.memory_space<vmem>>, vector<1x16xf32>,
    %swap3A_214 = vector.shape_cast %swap3A_213 : vector<1x16xf32> to vector<16xf32>
    %swap3A_215 = vector.shape_cast %broadcast_in_dim3A_24 : vector<16xf32> to vector<1x16xf32>
    tpu.vector_store %arg8[%swap3A_211, %swap3A_212], %swap3A_215 {strides = array<i32>} : memref<64x16xf32, #tpu.memory_space<vmem>>, vector<1x16xf32>,
    %swap3A_216 = arith.constant 32 : i32
    %swap3A_217 = arith.index_cast %swap3A_216 : i32 to index
    %swap3A_218 = arith.constant 0 : index
    %swap3A_219 = tpu.vector_load %arg8[%swap3A_217, %swap3A_218] {strides = array<i32>} : memref<64x16xf32, #tpu.memory_space<vmem>>, vector<1x16xf32>,
    %swap3A_220 = vector.shape_cast %swap3A_219 : vector<1x16xf32> to vector<16xf32>
    %swap3A_221 = vector.shape_cast %broadcast_in_dim3A_24 : vector<16xf32> to vector<1x16xf32>
    tpu.vector_store %arg8[%swap3A_217, %swap3A_218], %swap3A_221 {strides = array<i32>} : memref<64x16xf32, #tpu.memory_space<vmem>>, vector<1x16xf32>,
    %swap3A_222 = arith.constant 33 : i32
    %swap3A_223 = arith.index_cast %swap3A_222 : i32 to index
    %swap3A_224 = arith.constant 0 : index
    %swap3A_225 = tpu.vector_load %arg8[%swap3A_223, %swap3A_224] {strides = array<i32>} : memref<64x16xf32, #tpu.memory_space<vmem>>, vector<1x16xf32>,
    %swap3A_226 = vector.shape_cast %swap3A_225 : vector<1x16xf32> to vector<16xf32>
    %swap3A_227 = vector.shape_cast %broadcast_in_dim3A_24 : vector<16xf32> to vector<1x16xf32>
    tpu.vector_store %arg8[%swap3A_223, %swap3A_224], %swap3A_227 {strides = array<i32>} : memref<64x16xf32, #tpu.memory_space<vmem>>, vector<1x16xf32>,
    %swap3A_228 = arith.constant 34 : i32
    %swap3A_229 = arith.index_cast %swap3A_228 : i32 to index
    %swap3A_230 = arith.constant 0 : index
    %swap3A_231 = tpu.vector_load %arg8[%swap3A_229, %swap3A_230] {strides = array<i32>} : memref<64x16xf32, #tpu.memory_space<vmem>>, vector<1x16xf32>,
    %swap3A_232 = vector.shape_cast %swap3A_231 : vector<1x16xf32> to vector<16xf32>
    %swap3A_233 = vector.shape_cast %broadcast_in_dim3A_24 : vector<16xf32> to vector<1x16xf32>
    tpu.vector_store %arg8[%swap3A_229, %swap3A_230], %swap3A_233 {strides = array<i32>} : memref<64x16xf32, #tpu.memory_space<vmem>>, vector<1x16xf32>,
    %swap3A_234 = arith.constant 35 : i32
    %swap3A_235 = arith.index_cast %swap3A_234 : i32 to index
    %swap3A_236 = arith.constant 0 : index
    %swap3A_237 = tpu.vector_load %arg8[%swap3A_235, %swap3A_236] {strides = array<i32>} : memref<64x16xf32, #tpu.memory_space<vmem>>, vector<1x16xf32>,
    %swap3A_238 = vector.shape_cast %swap3A_237 : vector<1x16xf32> to vector<16xf32>
    %swap3A_239 = vector.shape_cast %broadcast_in_dim3A_24 : vector<16xf32> to vector<1x16xf32>
    tpu.vector_store %arg8[%swap3A_235, %swap3A_236], %swap3A_239 {strides = array<i32>} : memref<64x16xf32, #tpu.memory_space<vmem>>, vector<1x16xf32>,
    %swap3A_240 = arith.constant 36 : i32
    %swap3A_241 = arith.index_cast %swap3A_240 : i32 to index
    %swap3A_242 = arith.constant 0 : index
    %swap3A_243 = tpu.vector_load %arg8[%swap3A_241, %swap3A_242] {strides = array<i32>} : memref<64x16xf32, #tpu.memory_space<vmem>>, vector<1x16xf32>,
    %swap3A_244 = vector.shape_cast %swap3A_243 : vector<1x16xf32> to vector<16xf32>
    %swap3A_245 = vector.shape_cast %broadcast_in_dim3A_24 : vector<16xf32> to vector<1x16xf32>
    tpu.vector_store %arg8[%swap3A_241, %swap3A_242], %swap3A_245 {strides = array<i32>} : memref<64x16xf32, #tpu.memory_space<vmem>>, vector<1x16xf32>,
    %swap3A_246 = arith.constant 37 : i32
    %swap3A_247 = arith.index_cast %swap3A_246 : i32 to index
    %swap3A_248 = arith.constant 0 : index
    %swap3A_249 = tpu.vector_load %arg8[%swap3A_247, %swap3A_248] {strides = array<i32>} : memref<64x16xf32, #tpu.memory_space<vmem>>, vector<1x16xf32>,
    %swap3A_250 = vector.shape_cast %swap3A_249 : vector<1x16xf32> to vector<16xf32>
    %swap3A_251 = vector.shape_cast %broadcast_in_dim3A_24 : vector<16xf32> to vector<1x16xf32>
    tpu.vector_store %arg8[%swap3A_247, %swap3A_248], %swap3A_251 {strides = array<i32>} : memref<64x16xf32, #tpu.memory_space<vmem>>, vector<1x16xf32>,
    %swap3A_252 = arith.constant 38 : i32
    %swap3A_253 = arith.index_cast %swap3A_252 : i32 to index
    %swap3A_254 = arith.constant 0 : index
    %swap3A_255 = tpu.vector_load %arg8[%swap3A_253, %swap3A_254] {strides = array<i32>} : memref<64x16xf32, #tpu.memory_space<vmem>>, vector<1x16xf32>,
    %swap3A_256 = vector.shape_cast %swap3A_255 : vector<1x16xf32> to vector<16xf32>
    %swap3A_257 = vector.shape_cast %broadcast_in_dim3A_24 : vector<16xf32> to vector<1x16xf32>
    tpu.vector_store %arg8[%swap3A_253, %swap3A_254], %swap3A_257 {strides = array<i32>} : memref<64x16xf32, #tpu.memory_space<vmem>>, vector<1x16xf32>,
    %swap3A_258 = arith.constant 39 : i32
    %swap3A_259 = arith.index_cast %swap3A_258 : i32 to index
    %swap3A_260 = arith.constant 0 : index
    %swap3A_261 = tpu.vector_load %arg8[%swap3A_259, %swap3A_260] {strides = array<i32>} : memref<64x16xf32, #tpu.memory_space<vmem>>, vector<1x16xf32>,
    %swap3A_262 = vector.shape_cast %swap3A_261 : vector<1x16xf32> to vector<16xf32>
    %swap3A_263 = vector.shape_cast %broadcast_in_dim3A_24 : vector<16xf32> to vector<1x16xf32>
    tpu.vector_store %arg8[%swap3A_259, %swap3A_260], %swap3A_263 {strides = array<i32>} : memref<64x16xf32, #tpu.memory_space<vmem>>, vector<1x16xf32>,
    %swap3A_264 = arith.constant 40 : i32
    %swap3A_265 = arith.index_cast %swap3A_264 : i32 to index
    %swap3A_266 = arith.constant 0 : index
    %swap3A_267 = tpu.vector_load %arg8[%swap3A_265, %swap3A_266] {strides = array<i32>} : memref<64x16xf32, #tpu.memory_space<vmem>>, vector<1x16xf32>,
    %swap3A_268 = vector.shape_cast %swap3A_267 : vector<1x16xf32> to vector<16xf32>
    %swap3A_269 = vector.shape_cast %broadcast_in_dim3A_24 : vector<16xf32> to vector<1x16xf32>
    tpu.vector_store %arg8[%swap3A_265, %swap3A_266], %swap3A_269 {strides = array<i32>} : memref<64x16xf32, #tpu.memory_space<vmem>>, vector<1x16xf32>,
    %swap3A_270 = arith.constant 41 : i32
    %swap3A_271 = arith.index_cast %swap3A_270 : i32 to index
    %swap3A_272 = arith.constant 0 : index
    %swap3A_273 = tpu.vector_load %arg8[%swap3A_271, %swap3A_272] {strides = array<i32>} : memref<64x16xf32, #tpu.memory_space<vmem>>, vector<1x16xf32>,
    %swap3A_274 = vector.shape_cast %swap3A_273 : vector<1x16xf32> to vector<16xf32>
    %swap3A_275 = vector.shape_cast %broadcast_in_dim3A_24 : vector<16xf32> to vector<1x16xf32>
    tpu.vector_store %arg8[%swap3A_271, %swap3A_272], %swap3A_275 {strides = array<i32>} : memref<64x16xf32, #tpu.memory_space<vmem>>, vector<1x16xf32>,
    %swap3A_276 = arith.constant 42 : i32
    %swap3A_277 = arith.index_cast %swap3A_276 : i32 to index
    %swap3A_278 = arith.constant 0 : index
    %swap3A_279 = tpu.vector_load %arg8[%swap3A_277, %swap3A_278] {strides = array<i32>} : memref<64x16xf32, #tpu.memory_space<vmem>>, vector<1x16xf32>,
    %swap3A_280 = vector.shape_cast %swap3A_279 : vector<1x16xf32> to vector<16xf32>
    %swap3A_281 = vector.shape_cast %broadcast_in_dim3A_24 : vector<16xf32> to vector<1x16xf32>
    tpu.vector_store %arg8[%swap3A_277, %swap3A_278], %swap3A_281 {strides = array<i32>} : memref<64x16xf32, #tpu.memory_space<vmem>>, vector<1x16xf32>,
    %swap3A_282 = arith.constant 43 : i32
    %swap3A_283 = arith.index_cast %swap3A_282 : i32 to index
    %swap3A_284 = arith.constant 0 : index
    %swap3A_285 = tpu.vector_load %arg8[%swap3A_283, %swap3A_284] {strides = array<i32>} : memref<64x16xf32, #tpu.memory_space<vmem>>, vector<1x16xf32>,
    %swap3A_286 = vector.shape_cast %swap3A_285 : vector<1x16xf32> to vector<16xf32>
    %swap3A_287 = vector.shape_cast %broadcast_in_dim3A_24 : vector<16xf32> to vector<1x16xf32>
    tpu.vector_store %arg8[%swap3A_283, %swap3A_284], %swap3A_287 {strides = array<i32>} : memref<64x16xf32, #tpu.memory_space<vmem>>, vector<1x16xf32>,
    %swap3A_288 = arith.constant 44 : i32
    %swap3A_289 = arith.index_cast %swap3A_288 : i32 to index
    %swap3A_290 = arith.constant 0 : index
    %swap3A_291 = tpu.vector_load %arg8[%swap3A_289, %swap3A_290] {strides = array<i32>} : memref<64x16xf32, #tpu.memory_space<vmem>>, vector<1x16xf32>,
    %swap3A_292 = vector.shape_cast %swap3A_291 : vector<1x16xf32> to vector<16xf32>
    %swap3A_293 = vector.shape_cast %broadcast_in_dim3A_24 : vector<16xf32> to vector<1x16xf32>
    tpu.vector_store %arg8[%swap3A_289, %swap3A_290], %swap3A_293 {strides = array<i32>} : memref<64x16xf32, #tpu.memory_space<vmem>>, vector<1x16xf32>,
    %swap3A_294 = arith.constant 45 : i32
    %swap3A_295 = arith.index_cast %swap3A_294 : i32 to index
    %swap3A_296 = arith.constant 0 : index
    %swap3A_297 = tpu.vector_load %arg8[%swap3A_295, %swap3A_296] {strides = array<i32>} : memref<64x16xf32, #tpu.memory_space<vmem>>, vector<1x16xf32>,
    %swap3A_298 = vector.shape_cast %swap3A_297 : vector<1x16xf32> to vector<16xf32>
    %swap3A_299 = vector.shape_cast %broadcast_in_dim3A_24 : vector<16xf32> to vector<1x16xf32>
    tpu.vector_store %arg8[%swap3A_295, %swap3A_296], %swap3A_299 {strides = array<i32>} : memref<64x16xf32, #tpu.memory_space<vmem>>, vector<1x16xf32>,
    %swap3A_300 = arith.constant 46 : i32
    %swap3A_301 = arith.index_cast %swap3A_300 : i32 to index
    %swap3A_302 = arith.constant 0 : index
    %swap3A_303 = tpu.vector_load %arg8[%swap3A_301, %swap3A_302] {strides = array<i32>} : memref<64x16xf32, #tpu.memory_space<vmem>>, vector<1x16xf32>,
    %swap3A_304 = vector.shape_cast %swap3A_303 : vector<1x16xf32> to vector<16xf32>
    %swap3A_305 = vector.shape_cast %broadcast_in_dim3A_24 : vector<16xf32> to vector<1x16xf32>
    tpu.vector_store %arg8[%swap3A_301, %swap3A_302], %swap3A_305 {strides = array<i32>} : memref<64x16xf32, #tpu.memory_space<vmem>>, vector<1x16xf32>,
    %swap3A_306 = arith.constant 47 : i32
    %swap3A_307 = arith.index_cast %swap3A_306 : i32 to index
    %swap3A_308 = arith.constant 0 : index
    %swap3A_309 = tpu.vector_load %arg8[%swap3A_307, %swap3A_308] {strides = array<i32>} : memref<64x16xf32, #tpu.memory_space<vmem>>, vector<1x16xf32>,
    %swap3A_310 = vector.shape_cast %swap3A_309 : vector<1x16xf32> to vector<16xf32>
    %swap3A_311 = vector.shape_cast %broadcast_in_dim3A_24 : vector<16xf32> to vector<1x16xf32>
    tpu.vector_store %arg8[%swap3A_307, %swap3A_308], %swap3A_311 {strides = array<i32>} : memref<64x16xf32, #tpu.memory_space<vmem>>, vector<1x16xf32>,
    %swap3A_312 = arith.constant 48 : i32
    %swap3A_313 = arith.index_cast %swap3A_312 : i32 to index
    %swap3A_314 = arith.constant 0 : index
    %swap3A_315 = tpu.vector_load %arg8[%swap3A_313, %swap3A_314] {strides = array<i32>} : memref<64x16xf32, #tpu.memory_space<vmem>>, vector<1x16xf32>,
    %swap3A_316 = vector.shape_cast %swap3A_315 : vector<1x16xf32> to vector<16xf32>
    %swap3A_317 = vector.shape_cast %broadcast_in_dim3A_24 : vector<16xf32> to vector<1x16xf32>
    tpu.vector_store %arg8[%swap3A_313, %swap3A_314], %swap3A_317 {strides = array<i32>} : memref<64x16xf32, #tpu.memory_space<vmem>>, vector<1x16xf32>,
    %swap3A_318 = arith.constant 49 : i32
    %swap3A_319 = arith.index_cast %swap3A_318 : i32 to index
    %swap3A_320 = arith.constant 0 : index
    %swap3A_321 = tpu.vector_load %arg8[%swap3A_319, %swap3A_320] {strides = array<i32>} : memref<64x16xf32, #tpu.memory_space<vmem>>, vector<1x16xf32>,
    %swap3A_322 = vector.shape_cast %swap3A_321 : vector<1x16xf32> to vector<16xf32>
    %swap3A_323 = vector.shape_cast %broadcast_in_dim3A_24 : vector<16xf32> to vector<1x16xf32>
    tpu.vector_store %arg8[%swap3A_319, %swap3A_320], %swap3A_323 {strides = array<i32>} : memref<64x16xf32, #tpu.memory_space<vmem>>, vector<1x16xf32>,
    %swap3A_324 = arith.constant 50 : i32
    %swap3A_325 = arith.index_cast %swap3A_324 : i32 to index
    %swap3A_326 = arith.constant 0 : index
    %swap3A_327 = tpu.vector_load %arg8[%swap3A_325, %swap3A_326] {strides = array<i32>} : memref<64x16xf32, #tpu.memory_space<vmem>>, vector<1x16xf32>,
    %swap3A_328 = vector.shape_cast %swap3A_327 : vector<1x16xf32> to vector<16xf32>
    %swap3A_329 = vector.shape_cast %broadcast_in_dim3A_24 : vector<16xf32> to vector<1x16xf32>
    tpu.vector_store %arg8[%swap3A_325, %swap3A_326], %swap3A_329 {strides = array<i32>} : memref<64x16xf32, #tpu.memory_space<vmem>>, vector<1x16xf32>,
    %swap3A_330 = arith.constant 51 : i32
    %swap3A_331 = arith.index_cast %swap3A_330 : i32 to index
    %swap3A_332 = arith.constant 0 : index
    %swap3A_333 = tpu.vector_load %arg8[%swap3A_331, %swap3A_332] {strides = array<i32>} : memref<64x16xf32, #tpu.memory_space<vmem>>, vector<1x16xf32>,
    %swap3A_334 = vector.shape_cast %swap3A_333 : vector<1x16xf32> to vector<16xf32>
    %swap3A_335 = vector.shape_cast %broadcast_in_dim3A_24 : vector<16xf32> to vector<1x16xf32>
    tpu.vector_store %arg8[%swap3A_331, %swap3A_332], %swap3A_335 {strides = array<i32>} : memref<64x16xf32, #tpu.memory_space<vmem>>, vector<1x16xf32>,
    %swap3A_336 = arith.constant 52 : i32
    %swap3A_337 = arith.index_cast %swap3A_336 : i32 to index
    %swap3A_338 = arith.constant 0 : index
    %swap3A_339 = tpu.vector_load %arg8[%swap3A_337, %swap3A_338] {strides = array<i32>} : memref<64x16xf32, #tpu.memory_space<vmem>>, vector<1x16xf32>,
    %swap3A_340 = vector.shape_cast %swap3A_339 : vector<1x16xf32> to vector<16xf32>
    %swap3A_341 = vector.shape_cast %broadcast_in_dim3A_24 : vector<16xf32> to vector<1x16xf32>
    tpu.vector_store %arg8[%swap3A_337, %swap3A_338], %swap3A_341 {strides = array<i32>} : memref<64x16xf32, #tpu.memory_space<vmem>>, vector<1x16xf32>,
    %swap3A_342 = arith.constant 53 : i32
    %swap3A_343 = arith.index_cast %swap3A_342 : i32 to index
    %swap3A_344 = arith.constant 0 : index
    %swap3A_345 = tpu.vector_load %arg8[%swap3A_343, %swap3A_344] {strides = array<i32>} : memref<64x16xf32, #tpu.memory_space<vmem>>, vector<1x16xf32>,
    %swap3A_346 = vector.shape_cast %swap3A_345 : vector<1x16xf32> to vector<16xf32>
    %swap3A_347 = vector.shape_cast %broadcast_in_dim3A_24 : vector<16xf32> to vector<1x16xf32>
    tpu.vector_store %arg8[%swap3A_343, %swap3A_344], %swap3A_347 {strides = array<i32>} : memref<64x16xf32, #tpu.memory_space<vmem>>, vector<1x16xf32>,
    %swap3A_348 = arith.constant 54 : i32
    %swap3A_349 = arith.index_cast %swap3A_348 : i32 to index
    %swap3A_350 = arith.constant 0 : index
    %swap3A_351 = tpu.vector_load %arg8[%swap3A_349, %swap3A_350] {strides = array<i32>} : memref<64x16xf32, #tpu.memory_space<vmem>>, vector<1x16xf32>,
    %swap3A_352 = vector.shape_cast %swap3A_351 : vector<1x16xf32> to vector<16xf32>
    %swap3A_353 = vector.shape_cast %broadcast_in_dim3A_24 : vector<16xf32> to vector<1x16xf32>
    tpu.vector_store %arg8[%swap3A_349, %swap3A_350], %swap3A_353 {strides = array<i32>} : memref<64x16xf32, #tpu.memory_space<vmem>>, vector<1x16xf32>,
    %swap3A_354 = arith.constant 55 : i32
    %swap3A_355 = arith.index_cast %swap3A_354 : i32 to index
    %swap3A_356 = arith.constant 0 : index
    %swap3A_357 = tpu.vector_load %arg8[%swap3A_355, %swap3A_356] {strides = array<i32>} : memref<64x16xf32, #tpu.memory_space<vmem>>, vector<1x16xf32>,
    %swap3A_358 = vector.shape_cast %swap3A_357 : vector<1x16xf32> to vector<16xf32>
    %swap3A_359 = vector.shape_cast %broadcast_in_dim3A_24 : vector<16xf32> to vector<1x16xf32>
    tpu.vector_store %arg8[%swap3A_355, %swap3A_356], %swap3A_359 {strides = array<i32>} : memref<64x16xf32, #tpu.memory_space<vmem>>, vector<1x16xf32>,
    %swap3A_360 = arith.constant 56 : i32
    %swap3A_361 = arith.index_cast %swap3A_360 : i32 to index
    %swap3A_362 = arith.constant 0 : index
    %swap3A_363 = tpu.vector_load %arg8[%swap3A_361, %swap3A_362] {strides = array<i32>} : memref<64x16xf32, #tpu.memory_space<vmem>>, vector<1x16xf32>,
    %swap3A_364 = vector.shape_cast %swap3A_363 : vector<1x16xf32> to vector<16xf32>
    %swap3A_365 = vector.shape_cast %broadcast_in_dim3A_24 : vector<16xf32> to vector<1x16xf32>
    tpu.vector_store %arg8[%swap3A_361, %swap3A_362], %swap3A_365 {strides = array<i32>} : memref<64x16xf32, #tpu.memory_space<vmem>>, vector<1x16xf32>,
    %swap3A_366 = arith.constant 57 : i32
    %swap3A_367 = arith.index_cast %swap3A_366 : i32 to index
    %swap3A_368 = arith.constant 0 : index
    %swap3A_369 = tpu.vector_load %arg8[%swap3A_367, %swap3A_368] {strides = array<i32>} : memref<64x16xf32, #tpu.memory_space<vmem>>, vector<1x16xf32>,
    %swap3A_370 = vector.shape_cast %swap3A_369 : vector<1x16xf32> to vector<16xf32>
    %swap3A_371 = vector.shape_cast %broadcast_in_dim3A_24 : vector<16xf32> to vector<1x16xf32>
    tpu.vector_store %arg8[%swap3A_367, %swap3A_368], %swap3A_371 {strides = array<i32>} : memref<64x16xf32, #tpu.memory_space<vmem>>, vector<1x16xf32>,
    %swap3A_372 = arith.constant 58 : i32
    %swap3A_373 = arith.index_cast %swap3A_372 : i32 to index
    %swap3A_374 = arith.constant 0 : index
    %swap3A_375 = tpu.vector_load %arg8[%swap3A_373, %swap3A_374] {strides = array<i32>} : memref<64x16xf32, #tpu.memory_space<vmem>>, vector<1x16xf32>,
    %swap3A_376 = vector.shape_cast %swap3A_375 : vector<1x16xf32> to vector<16xf32>
    %swap3A_377 = vector.shape_cast %broadcast_in_dim3A_24 : vector<16xf32> to vector<1x16xf32>
    tpu.vector_store %arg8[%swap3A_373, %swap3A_374], %swap3A_377 {strides = array<i32>} : memref<64x16xf32, #tpu.memory_space<vmem>>, vector<1x16xf32>,
    %swap3A_378 = arith.constant 59 : i32
    %swap3A_379 = arith.index_cast %swap3A_378 : i32 to index
    %swap3A_380 = arith.constant 0 : index
    %swap3A_381 = tpu.vector_load %arg8[%swap3A_379, %swap3A_380] {strides = array<i32>} : memref<64x16xf32, #tpu.memory_space<vmem>>, vector<1x16xf32>,
    %swap3A_382 = vector.shape_cast %swap3A_381 : vector<1x16xf32> to vector<16xf32>
    %swap3A_383 = vector.shape_cast %broadcast_in_dim3A_24 : vector<16xf32> to vector<1x16xf32>
    tpu.vector_store %arg8[%swap3A_379, %swap3A_380], %swap3A_383 {strides = array<i32>} : memref<64x16xf32, #tpu.memory_space<vmem>>, vector<1x16xf32>,
    %swap3A_384 = arith.constant 60 : i32
    %swap3A_385 = arith.index_cast %swap3A_384 : i32 to index
    %swap3A_386 = arith.constant 0 : index
    %swap3A_387 = tpu.vector_load %arg8[%swap3A_385, %swap3A_386] {strides = array<i32>} : memref<64x16xf32, #tpu.memory_space<vmem>>, vector<1x16xf32>,
    %swap3A_388 = vector.shape_cast %swap3A_387 : vector<1x16xf32> to vector<16xf32>
    %swap3A_389 = vector.shape_cast %broadcast_in_dim3A_24 : vector<16xf32> to vector<1x16xf32>
    tpu.vector_store %arg8[%swap3A_385, %swap3A_386], %swap3A_389 {strides = array<i32>} : memref<64x16xf32, #tpu.memory_space<vmem>>, vector<1x16xf32>,
    %swap3A_390 = arith.constant 61 : i32
    %swap3A_391 = arith.index_cast %swap3A_390 : i32 to index
    %swap3A_392 = arith.constant 0 : index
    %swap3A_393 = tpu.vector_load %arg8[%swap3A_391, %swap3A_392] {strides = array<i32>} : memref<64x16xf32, #tpu.memory_space<vmem>>, vector<1x16xf32>,
    %swap3A_394 = vector.shape_cast %swap3A_393 : vector<1x16xf32> to vector<16xf32>
    %swap3A_395 = vector.shape_cast %broadcast_in_dim3A_24 : vector<16xf32> to vector<1x16xf32>
    tpu.vector_store %arg8[%swap3A_391, %swap3A_392], %swap3A_395 {strides = array<i32>} : memref<64x16xf32, #tpu.memory_space<vmem>>, vector<1x16xf32>,
    %swap3A_396 = arith.constant 62 : i32
    %swap3A_397 = arith.index_cast %swap3A_396 : i32 to index
    %swap3A_398 = arith.constant 0 : index
    %swap3A_399 = tpu.vector_load %arg8[%swap3A_397, %swap3A_398] {strides = array<i32>} : memref<64x16xf32, #tpu.memory_space<vmem>>, vector<1x16xf32>,
    %swap3A_400 = vector.shape_cast %swap3A_399 : vector<1x16xf32> to vector<16xf32>
    %swap3A_401 = vector.shape_cast %broadcast_in_dim3A_24 : vector<16xf32> to vector<1x16xf32>
    tpu.vector_store %arg8[%swap3A_397, %swap3A_398], %swap3A_401 {strides = array<i32>} : memref<64x16xf32, #tpu.memory_space<vmem>>, vector<1x16xf32>,
    %swap3A_402 = arith.constant 63 : i32
    %swap3A_403 = arith.index_cast %swap3A_402 : i32 to index
    %swap3A_404 = arith.constant 0 : index
    %swap3A_405 = tpu.vector_load %arg8[%swap3A_403, %swap3A_404] {strides = array<i32>} : memref<64x16xf32, #tpu.memory_space<vmem>>, vector<1x16xf32>,
    %swap3A_406 = vector.shape_cast %swap3A_405 : vector<1x16xf32> to vector<16xf32>
    %swap3A_407 = vector.shape_cast %broadcast_in_dim3A_24 : vector<16xf32> to vector<1x16xf32>
    tpu.vector_store %arg8[%swap3A_403, %swap3A_404], %swap3A_407 {strides = array<i32>} : memref<64x16xf32, #tpu.memory_space<vmem>>, vector<1x16xf32>,
    %mul3A_408 = arith.constant 640 : i32
    %mul3A_409 = arith.muli %arg1, %mul3A_408 : i32
    %add3A_410 = arith.constant 0 : i32
    %add3A_411 = arith.addi %mul3A_409, %add3A_410 : i32
    %dma_start3A_412 = arith.constant 0 : i32
    %dma_start3A_413 = tpu.memref_slice %arg6[%add3A_411, %dma_start3A_412] : memref<10240x16xf32, #tpu.memory_space<vmem_shared>> -> memref<64x16xf32, #tpu.memory_space<vmem_shared>>
    %dma_start3A_414 = arith.constant 0 : i32
    %dma_start3A_415 = tpu.memref_slice %arg6[%add3A_411, %dma_start3A_414] : memref<10240x16xf32, #tpu.memory_space<vmem_shared>> -> memref<64x16xf32, #tpu.memory_space<vmem_shared>>
    tpu.enqueue_dma source(%arg8 : memref<64x16xf32, #tpu.memory_space<vmem>>) target(%dma_start3A_415 : memref<64x16xf32, #tpu.memory_space<vmem_shared>>) target_semaphore(%arg33 : memref<!tpu.dma_semaphore, #tpu.memory_space<semaphore_mem>>)
    %mul3A_416 = arith.constant 640 : i32
    %mul3A_417 = arith.muli %arg1, %mul3A_416 : i32
    %add3A_418 = arith.constant 64 : i32
    %add3A_419 = arith.addi %mul3A_417, %add3A_418 : i32
    %dma_start3A_420 = arith.constant 0 : i32
    %dma_start3A_421 = tpu.memref_slice %arg6[%add3A_419, %dma_start3A_420] : memref<10240x16xf32, #tpu.memory_space<vmem_shared>> -> memref<64x16xf32, #tpu.memory_space<vmem_shared>>
    %dma_start3A_422 = arith.constant 0 : i32
    %dma_start3A_423 = tpu.memref_slice %arg6[%add3A_419, %dma_start3A_422] : memref<10240x16xf32, #tpu.memory_space<vmem_shared>> -> memref<64x16xf32, #tpu.memory_space<vmem_shared>>
    tpu.enqueue_dma source(%arg8 : memref<64x16xf32, #tpu.memory_space<vmem>>) target(%dma_start3A_423 : memref<64x16xf32, #tpu.memory_space<vmem_shared>>) target_semaphore(%arg33 : memref<!tpu.dma_semaphore, #tpu.memory_space<semaphore_mem>>)
    %mul3A_424 = arith.constant 640 : i32
    %mul3A_425 = arith.muli %arg1, %mul3A_424 : i32
    %add3A_426 = arith.constant 128 : i32
    %add3A_427 = arith.addi %mul3A_425, %add3A_426 : i32
    %dma_start3A_428 = arith.constant 0 : i32
    %dma_start3A_429 = tpu.memref_slice %arg6[%add3A_427, %dma_start3A_428] : memref<10240x16xf32, #tpu.memory_space<vmem_shared>> -> memref<64x16xf32, #tpu.memory_space<vmem_shared>>
    %dma_start3A_430 = arith.constant 0 : i32
    %dma_start3A_431 = tpu.memref_slice %arg6[%add3A_427, %dma_start3A_430] : memref<10240x16xf32, #tpu.memory_space<vmem_shared>> -> memref<64x16xf32, #tpu.memory_space<vmem_shared>>
    tpu.enqueue_dma source(%arg8 : memref<64x16xf32, #tpu.memory_space<vmem>>) target(%dma_start3A_431 : memref<64x16xf32, #tpu.memory_space<vmem_shared>>) target_semaphore(%arg33 : memref<!tpu.dma_semaphore, #tpu.memory_space<semaphore_mem>>)
    %mul3A_432 = arith.constant 640 : i32
    %mul3A_433 = arith.muli %arg1, %mul3A_432 : i32
    %add3A_434 = arith.constant 192 : i32
    %add3A_435 = arith.addi %mul3A_433, %add3A_434 : i32
    %dma_start3A_436 = arith.constant 0 : i32
    %dma_start3A_437 = tpu.memref_slice %arg6[%add3A_435, %dma_start3A_436] : memref<10240x16xf32, #tpu.memory_space<vmem_shared>> -> memref<64x16xf32, #tpu.memory_space<vmem_shared>>
    %dma_start3A_438 = arith.constant 0 : i32
    %dma_start3A_439 = tpu.memref_slice %arg6[%add3A_435, %dma_start3A_438] : memref<10240x16xf32, #tpu.memory_space<vmem_shared>> -> memref<64x16xf32, #tpu.memory_space<vmem_shared>>
    tpu.enqueue_dma source(%arg8 : memref<64x16xf32, #tpu.memory_space<vmem>>) target(%dma_start3A_439 : memref<64x16xf32, #tpu.memory_space<vmem_shared>>) target_semaphore(%arg33 : memref<!tpu.dma_semaphore, #tpu.memory_space<semaphore_mem>>)
    %mul3A_440 = arith.constant 640 : i32
    %mul3A_441 = arith.muli %arg1, %mul3A_440 : i32
    %add3A_442 = arith.constant 256 : i32
    %add3A_443 = arith.addi %mul3A_441, %add3A_442 : i32
    %dma_start3A_444 = arith.constant 0 : i32
    %dma_start3A_445 = tpu.memref_slice %arg6[%add3A_443, %dma_start3A_444] : memref<10240x16xf32, #tpu.memory_space<vmem_shared>> -> memref<64x16xf32, #tpu.memory_space<vmem_shared>>
    %dma_start3A_446 = arith.constant 0 : i32
    %dma_start3A_447 = tpu.memref_slice %arg6[%add3A_443, %dma_start3A_446] : memref<10240x16xf32, #tpu.memory_space<vmem_shared>> -> memref<64x16xf32, #tpu.memory_space<vmem_shared>>
    tpu.enqueue_dma source(%arg8 : memref<64x16xf32, #tpu.memory_space<vmem>>) target(%dma_start3A_447 : memref<64x16xf32, #tpu.memory_space<vmem_shared>>) target_semaphore(%arg33 : memref<!tpu.dma_semaphore, #tpu.memory_space<semaphore_mem>>)
    %mul3A_448 = arith.constant 640 : i32
    %mul3A_449 = arith.muli %arg1, %mul3A_448 : i32
    %add3A_450 = arith.constant 320 : i32
    %add3A_451 = arith.addi %mul3A_449, %add3A_450 : i32
    %dma_start3A_452 = arith.constant 0 : i32
    %dma_start3A_453 = tpu.memref_slice %arg6[%add3A_451, %dma_start3A_452] : memref<10240x16xf32, #tpu.memory_space<vmem_shared>> -> memref<64x16xf32, #tpu.memory_space<vmem_shared>>
    %dma_start3A_454 = arith.constant 0 : i32
    %dma_start3A_455 = tpu.memref_slice %arg6[%add3A_451, %dma_start3A_454] : memref<10240x16xf32, #tpu.memory_space<vmem_shared>> -> memref<64x16xf32, #tpu.memory_space<vmem_shared>>
    tpu.enqueue_dma source(%arg8 : memref<64x16xf32, #tpu.memory_space<vmem>>) target(%dma_start3A_455 : memref<64x16xf32, #tpu.memory_space<vmem_shared>>) target_semaphore(%arg33 : memref<!tpu.dma_semaphore, #tpu.memory_space<semaphore_mem>>)
    %mul3A_456 = arith.constant 640 : i32
    %mul3A_457 = arith.muli %arg1, %mul3A_456 : i32
    %add3A_458 = arith.constant 384 : i32
    %add3A_459 = arith.addi %mul3A_457, %add3A_458 : i32
    %dma_start3A_460 = arith.constant 0 : i32
    %dma_start3A_461 = tpu.memref_slice %arg6[%add3A_459, %dma_start3A_460] : memref<10240x16xf32, #tpu.memory_space<vmem_shared>> -> memref<64x16xf32, #tpu.memory_space<vmem_shared>>
    %dma_start3A_462 = arith.constant 0 : i32
    %dma_start3A_463 = tpu.memref_slice %arg6[%add3A_459, %dma_start3A_462] : memref<10240x16xf32, #tpu.memory_space<vmem_shared>> -> memref<64x16xf32, #tpu.memory_space<vmem_shared>>
    tpu.enqueue_dma source(%arg8 : memref<64x16xf32, #tpu.memory_space<vmem>>) target(%dma_start3A_463 : memref<64x16xf32, #tpu.memory_space<vmem_shared>>) target_semaphore(%arg33 : memref<!tpu.dma_semaphore, #tpu.memory_space<semaphore_mem>>)
    %mul3A_464 = arith.constant 640 : i32
    %mul3A_465 = arith.muli %arg1, %mul3A_464 : i32
    %add3A_466 = arith.constant 448 : i32
    %add3A_467 = arith.addi %mul3A_465, %add3A_466 : i32
    %dma_start3A_468 = arith.constant 0 : i32
    %dma_start3A_469 = tpu.memref_slice %arg6[%add3A_467, %dma_start3A_468] : memref<10240x16xf32, #tpu.memory_space<vmem_shared>> -> memref<64x16xf32, #tpu.memory_space<vmem_shared>>
    %dma_start3A_470 = arith.constant 0 : i32
    %dma_start3A_471 = tpu.memref_slice %arg6[%add3A_467, %dma_start3A_470] : memref<10240x16xf32, #tpu.memory_space<vmem_shared>> -> memref<64x16xf32, #tpu.memory_space<vmem_shared>>
    tpu.enqueue_dma source(%arg8 : memref<64x16xf32, #tpu.memory_space<vmem>>) target(%dma_start3A_471 : memref<64x16xf32, #tpu.memory_space<vmem_shared>>) target_semaphore(%arg33 : memref<!tpu.dma_semaphore, #tpu.memory_space<semaphore_mem>>)
    %mul3A_472 = arith.constant 640 : i32
    %mul3A_473 = arith.muli %arg1, %mul3A_472 : i32
    %add3A_474 = arith.constant 512 : i32
    %add3A_475 = arith.addi %mul3A_473, %add3A_474 : i32
    %dma_start3A_476 = arith.constant 0 : i32
    %dma_start3A_477 = tpu.memref_slice %arg6[%add3A_475, %dma_start3A_476] : memref<10240x16xf32, #tpu.memory_space<vmem_shared>> -> memref<64x16xf32, #tpu.memory_space<vmem_shared>>
    %dma_start3A_478 = arith.constant 0 : i32
    %dma_start3A_479 = tpu.memref_slice %arg6[%add3A_475, %dma_start3A_478] : memref<10240x16xf32, #tpu.memory_space<vmem_shared>> -> memref<64x16xf32, #tpu.memory_space<vmem_shared>>
    tpu.enqueue_dma source(%arg8 : memref<64x16xf32, #tpu.memory_space<vmem>>) target(%dma_start3A_479 : memref<64x16xf32, #tpu.memory_space<vmem_shared>>) target_semaphore(%arg33 : memref<!tpu.dma_semaphore, #tpu.memory_space<semaphore_mem>>)
    %mul3A_480 = arith.constant 640 : i32
    %mul3A_481 = arith.muli %arg1, %mul3A_480 : i32
    %add3A_482 = arith.constant 576 : i32
    %add3A_483 = arith.addi %mul3A_481, %add3A_482 : i32
    %dma_start3A_484 = arith.constant 0 : i32
    %dma_start3A_485 = tpu.memref_slice %arg6[%add3A_483, %dma_start3A_484] : memref<10240x16xf32, #tpu.memory_space<vmem_shared>> -> memref<64x16xf32, #tpu.memory_space<vmem_shared>>
    %dma_start3A_486 = arith.constant 0 : i32
    %dma_start3A_487 = tpu.memref_slice %arg6[%add3A_483, %dma_start3A_486] : memref<10240x16xf32, #tpu.memory_space<vmem_shared>> -> memref<64x16xf32, #tpu.memory_space<vmem_shared>>
    tpu.enqueue_dma source(%arg8 : memref<64x16xf32, #tpu.memory_space<vmem>>) target(%dma_start3A_487 : memref<64x16xf32, #tpu.memory_space<vmem_shared>>) target_semaphore(%arg33 : memref<!tpu.dma_semaphore, #tpu.memory_space<semaphore_mem>>)
    %mul3A_488 = arith.constant 640 : i32
    %mul3A_489 = arith.muli %arg1, %mul3A_488 : i32
    %add3A_490 = arith.constant 0 : i32
    %add3A_491 = arith.addi %mul3A_489, %add3A_490 : i32
    %dma_wait3A = arith.constant 0 : i32
    %dma_wait3A_492 = tpu.memref_slice %arg6[%add3A_491, %dma_wait3A] : memref<10240x16xf32, #tpu.memory_space<vmem_shared>> -> memref<64x16xf32, #tpu.memory_space<vmem_shared>>
    %dma_wait3A_493 = arith.constant 0 : i32
    %dma_wait3A_494 = tpu.memref_slice %arg6[%add3A_491, %dma_wait3A_493] : memref<10240x16xf32, #tpu.memory_space<vmem_shared>> -> memref<64x16xf32, #tpu.memory_space<vmem_shared>>
    tpu.wait_dma2 semaphore(%arg33 : memref<!tpu.dma_semaphore, #tpu.memory_space<semaphore_mem>>) src(%arg8 : memref<64x16xf32, #tpu.memory_space<vmem>>) dst(%dma_wait3A_494 : memref<64x16xf32, #tpu.memory_space<vmem_shared>>)
    %mul3A_495 = arith.constant 640 : i32
    %mul3A_496 = arith.muli %arg1, %mul3A_495 : i32
    %add3A_497 = arith.constant 64 : i32
    %add3A_498 = arith.addi %mul3A_496, %add3A_497 : i32
    %dma_wait3A_499 = arith.constant 0 : i32
    %dma_wait3A_500 = tpu.memref_slice %arg6[%add3A_498, %dma_wait3A_499] : memref<10240x16xf32, #tpu.memory_space<vmem_shared>> -> memref<64x16xf32, #tpu.memory_space<vmem_shared>>
    %dma_wait3A_501 = arith.constant 0 : i32
    %dma_wait3A_502 = tpu.memref_slice %arg6[%add3A_498, %dma_wait3A_501] : memref<10240x16xf32, #tpu.memory_space<vmem_shared>> -> memref<64x16xf32, #tpu.memory_space<vmem_shared>>
    tpu.wait_dma2 semaphore(%arg33 : memref<!tpu.dma_semaphore, #tpu.memory_space<semaphore_mem>>) src(%arg8 : memref<64x16xf32, #tpu.memory_space<vmem>>) dst(%dma_wait3A_502 : memref<64x16xf32, #tpu.memory_space<vmem_shared>>)
    %mul3A_503 = arith.constant 640 : i32
    %mul3A_504 = arith.muli %arg1, %mul3A_503 : i32
    %add3A_505 = arith.constant 128 : i32
    %add3A_506 = arith.addi %mul3A_504, %add3A_505 : i32
    %dma_wait3A_507 = arith.constant 0 : i32
    %dma_wait3A_508 = tpu.memref_slice %arg6[%add3A_506, %dma_wait3A_507] : memref<10240x16xf32, #tpu.memory_space<vmem_shared>> -> memref<64x16xf32, #tpu.memory_space<vmem_shared>>
    %dma_wait3A_509 = arith.constant 0 : i32
    %dma_wait3A_510 = tpu.memref_slice %arg6[%add3A_506, %dma_wait3A_509] : memref<10240x16xf32, #tpu.memory_space<vmem_shared>> -> memref<64x16xf32, #tpu.memory_space<vmem_shared>>
    tpu.wait_dma2 semaphore(%arg33 : memref<!tpu.dma_semaphore, #tpu.memory_space<semaphore_mem>>) src(%arg8 : memref<64x16xf32, #tpu.memory_space<vmem>>) dst(%dma_wait3A_510 : memref<64x16xf32, #tpu.memory_space<vmem_shared>>)
    %mul3A_511 = arith.constant 640 : i32
    %mul3A_512 = arith.muli %arg1, %mul3A_511 : i32
    %add3A_513 = arith.constant 192 : i32
    %add3A_514 = arith.addi %mul3A_512, %add3A_513 : i32
    %dma_wait3A_515 = arith.constant 0 : i32
    %dma_wait3A_516 = tpu.memref_slice %arg6[%add3A_514, %dma_wait3A_515] : memref<10240x16xf32, #tpu.memory_space<vmem_shared>> -> memref<64x16xf32, #tpu.memory_space<vmem_shared>>
    %dma_wait3A_517 = arith.constant 0 : i32
    %dma_wait3A_518 = tpu.memref_slice %arg6[%add3A_514, %dma_wait3A_517] : memref<10240x16xf32, #tpu.memory_space<vmem_shared>> -> memref<64x16xf32, #tpu.memory_space<vmem_shared>>
    tpu.wait_dma2 semaphore(%arg33 : memref<!tpu.dma_semaphore, #tpu.memory_space<semaphore_mem>>) src(%arg8 : memref<64x16xf32, #tpu.memory_space<vmem>>) dst(%dma_wait3A_518 : memref<64x16xf32, #tpu.memory_space<vmem_shared>>)
    %mul3A_519 = arith.constant 640 : i32
    %mul3A_520 = arith.muli %arg1, %mul3A_519 : i32
    %add3A_521 = arith.constant 256 : i32
    %add3A_522 = arith.addi %mul3A_520, %add3A_521 : i32
    %dma_wait3A_523 = arith.constant 0 : i32
    %dma_wait3A_524 = tpu.memref_slice %arg6[%add3A_522, %dma_wait3A_523] : memref<10240x16xf32, #tpu.memory_space<vmem_shared>> -> memref<64x16xf32, #tpu.memory_space<vmem_shared>>
    %dma_wait3A_525 = arith.constant 0 : i32
    %dma_wait3A_526 = tpu.memref_slice %arg6[%add3A_522, %dma_wait3A_525] : memref<10240x16xf32, #tpu.memory_space<vmem_shared>> -> memref<64x16xf32, #tpu.memory_space<vmem_shared>>
    tpu.wait_dma2 semaphore(%arg33 : memref<!tpu.dma_semaphore, #tpu.memory_space<semaphore_mem>>) src(%arg8 : memref<64x16xf32, #tpu.memory_space<vmem>>) dst(%dma_wait3A_526 : memref<64x16xf32, #tpu.memory_space<vmem_shared>>)
    %mul3A_527 = arith.constant 640 : i32
    %mul3A_528 = arith.muli %arg1, %mul3A_527 : i32
    %add3A_529 = arith.constant 320 : i32
    %add3A_530 = arith.addi %mul3A_528, %add3A_529 : i32
    %dma_wait3A_531 = arith.constant 0 : i32
    %dma_wait3A_532 = tpu.memref_slice %arg6[%add3A_530, %dma_wait3A_531] : memref<10240x16xf32, #tpu.memory_space<vmem_shared>> -> memref<64x16xf32, #tpu.memory_space<vmem_shared>>
    %dma_wait3A_533 = arith.constant 0 : i32
    %dma_wait3A_534 = tpu.memref_slice %arg6[%add3A_530, %dma_wait3A_533] : memref<10240x16xf32, #tpu.memory_space<vmem_shared>> -> memref<64x16xf32, #tpu.memory_space<vmem_shared>>
    tpu.wait_dma2 semaphore(%arg33 : memref<!tpu.dma_semaphore, #tpu.memory_space<semaphore_mem>>) src(%arg8 : memref<64x16xf32, #tpu.memory_space<vmem>>) dst(%dma_wait3A_534 : memref<64x16xf32, #tpu.memory_space<vmem_shared>>)
    %mul3A_535 = arith.constant 640 : i32
    %mul3A_536 = arith.muli %arg1, %mul3A_535 : i32
    %add3A_537 = arith.constant 384 : i32
    %add3A_538 = arith.addi %mul3A_536, %add3A_537 : i32
    %dma_wait3A_539 = arith.constant 0 : i32
    %dma_wait3A_540 = tpu.memref_slice %arg6[%add3A_538, %dma_wait3A_539] : memref<10240x16xf32, #tpu.memory_space<vmem_shared>> -> memref<64x16xf32, #tpu.memory_space<vmem_shared>>
    %dma_wait3A_541 = arith.constant 0 : i32
    %dma_wait3A_542 = tpu.memref_slice %arg6[%add3A_538, %dma_wait3A_541] : memref<10240x16xf32, #tpu.memory_space<vmem_shared>> -> memref<64x16xf32, #tpu.memory_space<vmem_shared>>
    tpu.wait_dma2 semaphore(%arg33 : memref<!tpu.dma_semaphore, #tpu.memory_space<semaphore_mem>>) src(%arg8 : memref<64x16xf32, #tpu.memory_space<vmem>>) dst(%dma_wait3A_542 : memref<64x16xf32, #tpu.memory_space<vmem_shared>>)
    %mul3A_543 = arith.constant 640 : i32
    %mul3A_544 = arith.muli %arg1, %mul3A_543 : i32
    %add3A_545 = arith.constant 448 : i32
    %add3A_546 = arith.addi %mul3A_544, %add3A_545 : i32
    %dma_wait3A_547 = arith.constant 0 : i32
    %dma_wait3A_548 = tpu.memref_slice %arg6[%add3A_546, %dma_wait3A_547] : memref<10240x16xf32, #tpu.memory_space<vmem_shared>> -> memref<64x16xf32, #tpu.memory_space<vmem_shared>>
    %dma_wait3A_549 = arith.constant 0 : i32
    %dma_wait3A_550 = tpu.memref_slice %arg6[%add3A_546, %dma_wait3A_549] : memref<10240x16xf32, #tpu.memory_space<vmem_shared>> -> memref<64x16xf32, #tpu.memory_space<vmem_shared>>
    tpu.wait_dma2 semaphore(%arg33 : memref<!tpu.dma_semaphore, #tpu.memory_space<semaphore_mem>>) src(%arg8 : memref<64x16xf32, #tpu.memory_space<vmem>>) dst(%dma_wait3A_550 : memref<64x16xf32, #tpu.memory_space<vmem_shared>>)
    %mul3A_551 = arith.constant 640 : i32
    %mul3A_552 = arith.muli %arg1, %mul3A_551 : i32
    %add3A_553 = arith.constant 512 : i32
    %add3A_554 = arith.addi %mul3A_552, %add3A_553 : i32
    %dma_wait3A_555 = arith.constant 0 : i32
    %dma_wait3A_556 = tpu.memref_slice %arg6[%add3A_554, %dma_wait3A_555] : memref<10240x16xf32, #tpu.memory_space<vmem_shared>> -> memref<64x16xf32, #tpu.memory_space<vmem_shared>>
    %dma_wait3A_557 = arith.constant 0 : i32
    %dma_wait3A_558 = tpu.memref_slice %arg6[%add3A_554, %dma_wait3A_557] : memref<10240x16xf32, #tpu.memory_space<vmem_shared>> -> memref<64x16xf32, #tpu.memory_space<vmem_shared>>
    tpu.wait_dma2 semaphore(%arg33 : memref<!tpu.dma_semaphore, #tpu.memory_space<semaphore_mem>>) src(%arg8 : memref<64x16xf32, #tpu.memory_space<vmem>>) dst(%dma_wait3A_558 : memref<64x16xf32, #tpu.memory_space<vmem_shared>>)
    %mul3A_559 = arith.constant 640 : i32
    %mul3A_560 = arith.muli %arg1, %mul3A_559 : i32
    %add3A_561 = arith.constant 576 : i32
    %add3A_562 = arith.addi %mul3A_560, %add3A_561 : i32
    %dma_wait3A_563 = arith.constant 0 : i32
    %dma_wait3A_564 = tpu.memref_slice %arg6[%add3A_562, %dma_wait3A_563] : memref<10240x16xf32, #tpu.memory_space<vmem_shared>> -> memref<64x16xf32, #tpu.memory_space<vmem_shared>>
    %dma_wait3A_565 = arith.constant 0 : i32
    %dma_wait3A_566 = tpu.memref_slice %arg6[%add3A_562, %dma_wait3A_565] : memref<10240x16xf32, #tpu.memory_space<vmem_shared>> -> memref<64x16xf32, #tpu.memory_space<vmem_shared>>
    tpu.wait_dma2 semaphore(%arg33 : memref<!tpu.dma_semaphore, #tpu.memory_space<semaphore_mem>>) src(%arg8 : memref<64x16xf32, #tpu.memory_space<vmem>>) dst(%dma_wait3A_566 : memref<64x16xf32, #tpu.memory_space<vmem_shared>>)
    %dma_wait3A_567 = arith.constant 0 : i32
    %dma_wait3A_568 = arith.constant 0 : i32
    %dma_wait3A_569 = tpu.memref_slice %arg3[%add3A, %dma_wait3A_567, %dma_wait3A_568] : memref<32x42x128xi32, #tpu.memory_space<hbm>> -> memref<1x42x128xi32, #tpu.memory_space<hbm>>
    %dma_wait3A_570 = tpu.memref_squeeze %dma_wait3A_569 : memref<1x42x128xi32, #tpu.memory_space<hbm>> -> memref<42x128xi32, #tpu.memory_space<hbm>>
    %dma_wait3A_571 = arith.constant 0 : i32
    %dma_wait3A_572 = arith.constant 0 : i32
    %dma_wait3A_573 = tpu.memref_slice %arg3[%add3A, %dma_wait3A_571, %dma_wait3A_572] : memref<32x42x128xi32, #tpu.memory_space<hbm>> -> memref<1x42x128xi32, #tpu.memory_space<hbm>>
    %dma_wait3A_574 = tpu.memref_squeeze %dma_wait3A_573 : memref<1x42x128xi32, #tpu.memory_space<hbm>> -> memref<42x128xi32, #tpu.memory_space<hbm>>
    tpu.wait_dma2 semaphore(%arg32 : memref<!tpu.dma_semaphore, #tpu.memory_space<semaphore_mem>>) src(%dma_wait3A_574 : memref<42x128xi32, #tpu.memory_space<hbm>>) dst(%arg9 : memref<42x128xi32, #tpu.memory_space<vmem>>)
    %dma_wait3A_575 = arith.constant 0 : i32
    %dma_wait3A_576 = arith.constant 0 : i32
    %dma_wait3A_577 = tpu.memref_slice %arg4[%add3A, %dma_wait3A_575, %dma_wait3A_576] : memref<32x42x128xi32, #tpu.memory_space<hbm>> -> memref<1x42x128xi32, #tpu.memory_space<hbm>>
    %dma_wait3A_578 = tpu.memref_squeeze %dma_wait3A_577 : memref<1x42x128xi32, #tpu.memory_space<hbm>> -> memref<42x128xi32, #tpu.memory_space<hbm>>
    %dma_wait3A_579 = arith.constant 0 : i32
    %dma_wait3A_580 = arith.constant 0 : i32
    %dma_wait3A_581 = tpu.memref_slice %arg4[%add3A, %dma_wait3A_579, %dma_wait3A_580] : memref<32x42x128xi32, #tpu.memory_space<hbm>> -> memref<1x42x128xi32, #tpu.memory_space<hbm>>
    %dma_wait3A_582 = tpu.memref_squeeze %dma_wait3A_581 : memref<1x42x128xi32, #tpu.memory_space<hbm>> -> memref<42x128xi32, #tpu.memory_space<hbm>>
    tpu.wait_dma2 semaphore(%arg32 : memref<!tpu.dma_semaphore, #tpu.memory_space<semaphore_mem>>) src(%dma_wait3A_582 : memref<42x128xi32, #tpu.memory_space<hbm>>) dst(%arg10 : memref<42x128xi32, #tpu.memory_space<vmem>>)
    %mul3A_583 = arith.constant 640 : i32
    %mul3A_584 = arith.muli %arg1, %mul3A_583 : i32
    %mul3A_585 = arith.constant 640 : i32
    %mul3A_586 = arith.muli %arg1, %mul3A_585 : i32
    %dma_wait3A_587 = arith.constant 0 : i32
    %dma_wait3A_588 = tpu.memref_slice %arg7[%mul3A_586, %dma_wait3A_587] : memref<10240x16xf32, #tpu.memory_space<vmem_shared>> -> memref<640x16xf32, #tpu.memory_space<vmem_shared>>
    %dma_wait3A_589 = arith.constant 0 : i32
    %dma_wait3A_590 = tpu.memref_slice %arg2[%mul3A_584, %dma_wait3A_589] : memref<10240x16xf32, #tpu.memory_space<hbm>> -> memref<640x16xf32, #tpu.memory_space<hbm>>
    tpu.wait_dma2 semaphore(%arg32 : memref<!tpu.dma_semaphore, #tpu.memory_space<semaphore_mem>>) src(%dma_wait3A_590 : memref<640x16xf32, #tpu.memory_space<hbm>>) dst(%dma_wait3A_588 : memref<640x16xf32, #tpu.memory_space<vmem_shared>>)
    %barrier3A = arith.constant 0 : index
    tpu.barrier barrier_id(%barrier3A)
    %dma_start3A_591 = arith.constant 0 : i32
    %dma_start3A_592 = arith.constant 0 : i32
    %dma_start3A_593 = tpu.memref_slice %arg9[%dma_start3A_591, %dma_start3A_592] : memref<42x128xi32, #tpu.memory_space<vmem>> -> memref<1x128xi32, #tpu.memory_space<vmem>>
    %dma_start3A_594 = tpu.memref_squeeze %dma_start3A_593 : memref<1x128xi32, #tpu.memory_space<vmem>> -> memref<128xi32, #tpu.memory_space<vmem>>
    %dma_start3A_595 = arith.constant 0 : i32
    %dma_start3A_596 = arith.constant 0 : i32
    %dma_start3A_597 = tpu.memref_slice %arg7[%dma_start3A_595, %dma_start3A_596] : memref<10240x16xf32, #tpu.memory_space<vmem_shared>> -> memref<10240x16xf32, #tpu.memory_space<vmem_shared>>
    tpu.enqueue_indirect_dma source(%dma_start3A_597 : memref<10240x16xf32, #tpu.memory_space<vmem_shared>>) target(%arg11 : memref<128x16xf32, #tpu.memory_space<vmem>>) offsets(%dma_start3A_594 : memref<128xi32, #tpu.memory_space<vmem>>) semaphore(%arg18 : memref<!tpu.dma_semaphore, #tpu.memory_space<semaphore_mem>>)
    %dma_start3A_598 = arith.constant 1 : i32
    %dma_start3A_599 = arith.constant 0 : i32
    %dma_start3A_600 = tpu.memref_slice %arg9[%dma_start3A_598, %dma_start3A_599] : memref<42x128xi32, #tpu.memory_space<vmem>> -> memref<1x128xi32, #tpu.memory_space<vmem>>
    %dma_start3A_601 = tpu.memref_squeeze %dma_start3A_600 : memref<1x128xi32, #tpu.memory_space<vmem>> -> memref<128xi32, #tpu.memory_space<vmem>>
    %dma_start3A_602 = arith.constant 0 : i32
    %dma_start3A_603 = arith.constant 0 : i32
    %dma_start3A_604 = tpu.memref_slice %arg7[%dma_start3A_602, %dma_start3A_603] : memref<10240x16xf32, #tpu.memory_space<vmem_shared>> -> memref<10240x16xf32, #tpu.memory_space<vmem_shared>>
    tpu.enqueue_indirect_dma source(%dma_start3A_604 : memref<10240x16xf32, #tpu.memory_space<vmem_shared>>) target(%arg12 : memref<128x16xf32, #tpu.memory_space<vmem>>) offsets(%dma_start3A_601 : memref<128xi32, #tpu.memory_space<vmem>>) semaphore(%arg19 : memref<!tpu.dma_semaphore, #tpu.memory_space<semaphore_mem>>)
    %dma_start3A_605 = arith.constant 2 : i32
    %dma_start3A_606 = arith.constant 0 : i32
    %dma_start3A_607 = tpu.memref_slice %arg9[%dma_start3A_605, %dma_start3A_606] : memref<42x128xi32, #tpu.memory_space<vmem>> -> memref<1x128xi32, #tpu.memory_space<vmem>>
    %dma_start3A_608 = tpu.memref_squeeze %dma_start3A_607 : memref<1x128xi32, #tpu.memory_space<vmem>> -> memref<128xi32, #tpu.memory_space<vmem>>
    %dma_start3A_609 = arith.constant 0 : i32
    %dma_start3A_610 = arith.constant 0 : i32
    %dma_start3A_611 = tpu.memref_slice %arg7[%dma_start3A_609, %dma_start3A_610] : memref<10240x16xf32, #tpu.memory_space<vmem_shared>> -> memref<10240x16xf32, #tpu.memory_space<vmem_shared>>
    tpu.enqueue_indirect_dma source(%dma_start3A_611 : memref<10240x16xf32, #tpu.memory_space<vmem_shared>>) target(%arg13 : memref<128x16xf32, #tpu.memory_space<vmem>>) offsets(%dma_start3A_608 : memref<128xi32, #tpu.memory_space<vmem>>) semaphore(%arg20 : memref<!tpu.dma_semaphore, #tpu.memory_space<semaphore_mem>>)
    %dma_start3A_612 = arith.constant 3 : i32
    %dma_start3A_613 = arith.constant 0 : i32
    %dma_start3A_614 = tpu.memref_slice %arg9[%dma_start3A_612, %dma_start3A_613] : memref<42x128xi32, #tpu.memory_space<vmem>> -> memref<1x128xi32, #tpu.memory_space<vmem>>
    %dma_start3A_615 = tpu.memref_squeeze %dma_start3A_614 : memref<1x128xi32, #tpu.memory_space<vmem>> -> memref<128xi32, #tpu.memory_space<vmem>>
    %dma_start3A_616 = arith.constant 0 : i32
    %dma_start3A_617 = arith.constant 0 : i32
    %dma_start3A_618 = tpu.memref_slice %arg7[%dma_start3A_616, %dma_start3A_617] : memref<10240x16xf32, #tpu.memory_space<vmem_shared>> -> memref<10240x16xf32, #tpu.memory_space<vmem_shared>>
    tpu.enqueue_indirect_dma source(%dma_start3A_618 : memref<10240x16xf32, #tpu.memory_space<vmem_shared>>) target(%arg14 : memref<128x16xf32, #tpu.memory_space<vmem>>) offsets(%dma_start3A_615 : memref<128xi32, #tpu.memory_space<vmem>>) semaphore(%arg21 : memref<!tpu.dma_semaphore, #tpu.memory_space<semaphore_mem>>)
    %dma_wait3A_619 = arith.constant 0 : i32
    %dma_wait3A_620 = arith.constant 0 : i32
    %dma_wait3A_621 = tpu.memref_slice %arg9[%dma_wait3A_619, %dma_wait3A_620] : memref<42x128xi32, #tpu.memory_space<vmem>> -> memref<1x128xi32, #tpu.memory_space<vmem>>
    %dma_wait3A_622 = tpu.memref_squeeze %dma_wait3A_621 : memref<1x128xi32, #tpu.memory_space<vmem>> -> memref<128xi32, #tpu.memory_space<vmem>>
    %dma_wait3A_623 = arith.constant 0 : i32
    %dma_wait3A_624 = arith.constant 0 : i32
    %dma_wait3A_625 = tpu.memref_slice %arg7[%dma_wait3A_623, %dma_wait3A_624] : memref<10240x16xf32, #tpu.memory_space<vmem_shared>> -> memref<10240x16xf32, #tpu.memory_space<vmem_shared>>
    tpu.wait_indirect_dma semaphore(%arg18 : memref<!tpu.dma_semaphore, #tpu.memory_space<semaphore_mem>>) src(%dma_wait3A_625 : memref<10240x16xf32, #tpu.memory_space<vmem_shared>>) dst(%arg11 : memref<128x16xf32, #tpu.memory_space<vmem>>)
    %dma_start3A_626 = arith.constant 0 : i32
    %dma_start3A_627 = arith.constant 0 : i32
    %dma_start3A_628 = tpu.memref_slice %arg10[%dma_start3A_626, %dma_start3A_627] : memref<42x128xi32, #tpu.memory_space<vmem>> -> memref<1x128xi32, #tpu.memory_space<vmem>>
    %dma_start3A_629 = tpu.memref_squeeze %dma_start3A_628 : memref<1x128xi32, #tpu.memory_space<vmem>> -> memref<128xi32, #tpu.memory_space<vmem>>
    %dma_start3A_630 = arith.constant 0 : i32
    %dma_start3A_631 = arith.constant 0 : i32
    %dma_start3A_632 = tpu.memref_slice %arg6[%dma_start3A_630, %dma_start3A_631] : memref<10240x16xf32, #tpu.memory_space<vmem_shared>> -> memref<10240x16xf32, #tpu.memory_space<vmem_shared>>
    tpu.enqueue_indirect_dma source(%arg11 : memref<128x16xf32, #tpu.memory_space<vmem>>) target(%dma_start3A_632 : memref<10240x16xf32, #tpu.memory_space<vmem_shared>>) offsets(%dma_start3A_629 : memref<128xi32, #tpu.memory_space<vmem>>) semaphore(%arg25 : memref<!tpu.dma_semaphore, #tpu.memory_space<semaphore_mem>>) {add = true}
    %dma_start3A_633 = arith.constant 4 : i32
    %dma_start3A_634 = arith.constant 0 : i32
    %dma_start3A_635 = tpu.memref_slice %arg9[%dma_start3A_633, %dma_start3A_634] : memref<42x128xi32, #tpu.memory_space<vmem>> -> memref<1x128xi32, #tpu.memory_space<vmem>>
    %dma_start3A_636 = tpu.memref_squeeze %dma_start3A_635 : memref<1x128xi32, #tpu.memory_space<vmem>> -> memref<128xi32, #tpu.memory_space<vmem>>
    %dma_start3A_637 = arith.constant 0 : i32
    %dma_start3A_638 = arith.constant 0 : i32
    %dma_start3A_639 = tpu.memref_slice %arg7[%dma_start3A_637, %dma_start3A_638] : memref<10240x16xf32, #tpu.memory_space<vmem_shared>> -> memref<10240x16xf32, #tpu.memory_space<vmem_shared>>
    tpu.enqueue_indirect_dma source(%dma_start3A_639 : memref<10240x16xf32, #tpu.memory_space<vmem_shared>>) target(%arg15 : memref<128x16xf32, #tpu.memory_space<vmem>>) offsets(%dma_start3A_636 : memref<128xi32, #tpu.memory_space<vmem>>) semaphore(%arg22 : memref<!tpu.dma_semaphore, #tpu.memory_space<semaphore_mem>>)
    %dma_wait3A_640 = arith.constant 1 : i32
    %dma_wait3A_641 = arith.constant 0 : i32
    %dma_wait3A_642 = tpu.memref_slice %arg9[%dma_wait3A_640, %dma_wait3A_641] : memref<42x128xi32, #tpu.memory_space<vmem>> -> memref<1x128xi32, #tpu.memory_space<vmem>>
    %dma_wait3A_643 = tpu.memref_squeeze %dma_wait3A_642 : memref<1x128xi32, #tpu.memory_space<vmem>> -> memref<128xi32, #tpu.memory_space<vmem>>
    %dma_wait3A_644 = arith.constant 0 : i32
    %dma_wait3A_645 = arith.constant 0 : i32
    %dma_wait3A_646 = tpu.memref_slice %arg7[%dma_wait3A_644, %dma_wait3A_645] : memref<10240x16xf32, #tpu.memory_space<vmem_shared>> -> memref<10240x16xf32, #tpu.memory_space<vmem_shared>>
    tpu.wait_indirect_dma semaphore(%arg19 : memref<!tpu.dma_semaphore, #tpu.memory_space<semaphore_mem>>) src(%dma_wait3A_646 : memref<10240x16xf32, #tpu.memory_space<vmem_shared>>) dst(%arg12 : memref<128x16xf32, #tpu.memory_space<vmem>>)
    %dma_start3A_647 = arith.constant 1 : i32
    %dma_start3A_648 = arith.constant 0 : i32
    %dma_start3A_649 = tpu.memref_slice %arg10[%dma_start3A_647, %dma_start3A_648] : memref<42x128xi32, #tpu.memory_space<vmem>> -> memref<1x128xi32, #tpu.memory_space<vmem>>
    %dma_start3A_650 = tpu.memref_squeeze %dma_start3A_649 : memref<1x128xi32, #tpu.memory_space<vmem>> -> memref<128xi32, #tpu.memory_space<vmem>>
    %dma_start3A_651 = arith.constant 0 : i32
    %dma_start3A_652 = arith.constant 0 : i32
    %dma_start3A_653 = tpu.memref_slice %arg6[%dma_start3A_651, %dma_start3A_652] : memref<10240x16xf32, #tpu.memory_space<vmem_shared>> -> memref<10240x16xf32, #tpu.memory_space<vmem_shared>>
    tpu.enqueue_indirect_dma source(%arg12 : memref<128x16xf32, #tpu.memory_space<vmem>>) target(%dma_start3A_653 : memref<10240x16xf32, #tpu.memory_space<vmem_shared>>) offsets(%dma_start3A_650 : memref<128xi32, #tpu.memory_space<vmem>>) semaphore(%arg26 : memref<!tpu.dma_semaphore, #tpu.memory_space<semaphore_mem>>) {add = true}
    %dma_start3A_654 = arith.constant 5 : i32
    %dma_start3A_655 = arith.constant 0 : i32
    %dma_start3A_656 = tpu.memref_slice %arg9[%dma_start3A_654, %dma_start3A_655] : memref<42x128xi32, #tpu.memory_space<vmem>> -> memref<1x128xi32, #tpu.memory_space<vmem>>
    %dma_start3A_657 = tpu.memref_squeeze %dma_start3A_656 : memref<1x128xi32, #tpu.memory_space<vmem>> -> memref<128xi32, #tpu.memory_space<vmem>>
    %dma_start3A_658 = arith.constant 0 : i32
    %dma_start3A_659 = arith.constant 0 : i32
    %dma_start3A_660 = tpu.memref_slice %arg7[%dma_start3A_658, %dma_start3A_659] : memref<10240x16xf32, #tpu.memory_space<vmem_shared>> -> memref<10240x16xf32, #tpu.memory_space<vmem_shared>>
    tpu.enqueue_indirect_dma source(%dma_start3A_660 : memref<10240x16xf32, #tpu.memory_space<vmem_shared>>) target(%arg16 : memref<128x16xf32, #tpu.memory_space<vmem>>) offsets(%dma_start3A_657 : memref<128xi32, #tpu.memory_space<vmem>>) semaphore(%arg23 : memref<!tpu.dma_semaphore, #tpu.memory_space<semaphore_mem>>)
    %dma_wait3A_661 = arith.constant 2 : i32
    %dma_wait3A_662 = arith.constant 0 : i32
    %dma_wait3A_663 = tpu.memref_slice %arg9[%dma_wait3A_661, %dma_wait3A_662] : memref<42x128xi32, #tpu.memory_space<vmem>> -> memref<1x128xi32, #tpu.memory_space<vmem>>
    %dma_wait3A_664 = tpu.memref_squeeze %dma_wait3A_663 : memref<1x128xi32, #tpu.memory_space<vmem>> -> memref<128xi32, #tpu.memory_space<vmem>>
    %dma_wait3A_665 = arith.constant 0 : i32
    %dma_wait3A_666 = arith.constant 0 : i32
    %dma_wait3A_667 = tpu.memref_slice %arg7[%dma_wait3A_665, %dma_wait3A_666] : memref<10240x16xf32, #tpu.memory_space<vmem_shared>> -> memref<10240x16xf32, #tpu.memory_space<vmem_shared>>
    tpu.wait_indirect_dma semaphore(%arg20 : memref<!tpu.dma_semaphore, #tpu.memory_space<semaphore_mem>>) src(%dma_wait3A_667 : memref<10240x16xf32, #tpu.memory_space<vmem_shared>>) dst(%arg13 : memref<128x16xf32, #tpu.memory_space<vmem>>)
    %dma_start3A_668 = arith.constant 2 : i32
    %dma_start3A_669 = arith.constant 0 : i32
    %dma_start3A_670 = tpu.memref_slice %arg10[%dma_start3A_668, %dma_start3A_669] : memref<42x128xi32, #tpu.memory_space<vmem>> -> memref<1x128xi32, #tpu.memory_space<vmem>>
    %dma_start3A_671 = tpu.memref_squeeze %dma_start3A_670 : memref<1x128xi32, #tpu.memory_space<vmem>> -> memref<128xi32, #tpu.memory_space<vmem>>
    %dma_start3A_672 = arith.constant 0 : i32
    %dma_start3A_673 = arith.constant 0 : i32
    %dma_start3A_674 = tpu.memref_slice %arg6[%dma_start3A_672, %dma_start3A_673] : memref<10240x16xf32, #tpu.memory_space<vmem_shared>> -> memref<10240x16xf32, #tpu.memory_space<vmem_shared>>
    tpu.enqueue_indirect_dma source(%arg13 : memref<128x16xf32, #tpu.memory_space<vmem>>) target(%dma_start3A_674 : memref<10240x16xf32, #tpu.memory_space<vmem_shared>>) offsets(%dma_start3A_671 : memref<128xi32, #tpu.memory_space<vmem>>) semaphore(%arg27 : memref<!tpu.dma_semaphore, #tpu.memory_space<semaphore_mem>>) {add = true}
    %dma_start3A_675 = arith.constant 6 : i32
    %dma_start3A_676 = arith.constant 0 : i32
    %dma_start3A_677 = tpu.memref_slice %arg9[%dma_start3A_675, %dma_start3A_676] : memref<42x128xi32, #tpu.memory_space<vmem>> -> memref<1x128xi32, #tpu.memory_space<vmem>>
    %dma_start3A_678 = tpu.memref_squeeze %dma_start3A_677 : memref<1x128xi32, #tpu.memory_space<vmem>> -> memref<128xi32, #tpu.memory_space<vmem>>
    %dma_start3A_679 = arith.constant 0 : i32
    %dma_start3A_680 = arith.constant 0 : i32
    %dma_start3A_681 = tpu.memref_slice %arg7[%dma_start3A_679, %dma_start3A_680] : memref<10240x16xf32, #tpu.memory_space<vmem_shared>> -> memref<10240x16xf32, #tpu.memory_space<vmem_shared>>
    tpu.enqueue_indirect_dma source(%dma_start3A_681 : memref<10240x16xf32, #tpu.memory_space<vmem_shared>>) target(%arg17 : memref<128x16xf32, #tpu.memory_space<vmem>>) offsets(%dma_start3A_678 : memref<128xi32, #tpu.memory_space<vmem>>) semaphore(%arg24 : memref<!tpu.dma_semaphore, #tpu.memory_space<semaphore_mem>>)
    %dma_wait3A_682 = arith.constant 3 : i32
    %dma_wait3A_683 = arith.constant 0 : i32
    %dma_wait3A_684 = tpu.memref_slice %arg9[%dma_wait3A_682, %dma_wait3A_683] : memref<42x128xi32, #tpu.memory_space<vmem>> -> memref<1x128xi32, #tpu.memory_space<vmem>>
    %dma_wait3A_685 = tpu.memref_squeeze %dma_wait3A_684 : memref<1x128xi32, #tpu.memory_space<vmem>> -> memref<128xi32, #tpu.memory_space<vmem>>
    %dma_wait3A_686 = arith.constant 0 : i32
    %dma_wait3A_687 = arith.constant 0 : i32
    %dma_wait3A_688 = tpu.memref_slice %arg7[%dma_wait3A_686, %dma_wait3A_687] : memref<10240x16xf32, #tpu.memory_space<vmem_shared>> -> memref<10240x16xf32, #tpu.memory_space<vmem_shared>>
    tpu.wait_indirect_dma semaphore(%arg21 : memref<!tpu.dma_semaphore, #tpu.memory_space<semaphore_mem>>) src(%dma_wait3A_688 : memref<10240x16xf32, #tpu.memory_space<vmem_shared>>) dst(%arg14 : memref<128x16xf32, #tpu.memory_space<vmem>>)
    %dma_start3A_689 = arith.constant 3 : i32
    %dma_start3A_690 = arith.constant 0 : i32
    %dma_start3A_691 = tpu.memref_slice %arg10[%dma_start3A_689, %dma_start3A_690] : memref<42x128xi32, #tpu.memory_space<vmem>> -> memref<1x128xi32, #tpu.memory_space<vmem>>
    %dma_start3A_692 = tpu.memref_squeeze %dma_start3A_691 : memref<1x128xi32, #tpu.memory_space<vmem>> -> memref<128xi32, #tpu.memory_space<vmem>>
    %dma_start3A_693 = arith.constant 0 : i32
    %dma_start3A_694 = arith.constant 0 : i32
    %dma_start3A_695 = tpu.memref_slice %arg6[%dma_start3A_693, %dma_start3A_694] : memref<10240x16xf32, #tpu.memory_space<vmem_shared>> -> memref<10240x16xf32, #tpu.memory_space<vmem_shared>>
    tpu.enqueue_indirect_dma source(%arg14 : memref<128x16xf32, #tpu.memory_space<vmem>>) target(%dma_start3A_695 : memref<10240x16xf32, #tpu.memory_space<vmem_shared>>) offsets(%dma_start3A_692 : memref<128xi32, #tpu.memory_space<vmem>>) semaphore(%arg28 : memref<!tpu.dma_semaphore, #tpu.memory_space<semaphore_mem>>) {add = true}
    %scan3A = arith.constant 0 : i32
    %scan3A_696 = arith.constant 1 : i32
    %scan3A_697 = arith.constant 5 : i32
    %scan3A_698 = arith.addi %scan3A_696, %scan3A_697 : i32
    %scan3A_699 = arith.constant 1 : i32
    scf.for %scan3A_807 = %scan3A_696 to %scan3A_698 step %scan3A_699  : i32 {
      %mul3A_808 = arith.constant 7 : i32
      %mul3A_809 = arith.muli %scan3A_807, %mul3A_808 : i32
      %add3A_810 = arith.constant 0 : i32
      %add3A_811 = arith.addi %mul3A_809, %add3A_810 : i32
      %sub3A = arith.constant 7 : i32
      %sub3A_812 = arith.subi %add3A_811, %sub3A : i32
      %dma_wait3A_813 = arith.constant 0 : i32
      %dma_wait3A_814 = tpu.memref_slice %arg10[%sub3A_812, %dma_wait3A_813] : memref<42x128xi32, #tpu.memory_space<vmem>> -> memref<1x128xi32, #tpu.memory_space<vmem>>
      %dma_wait3A_815 = tpu.memref_squeeze %dma_wait3A_814 : memref<1x128xi32, #tpu.memory_space<vmem>> -> memref<128xi32, #tpu.memory_space<vmem>>
      %dma_wait3A_816 = arith.constant 0 : i32
      %dma_wait3A_817 = arith.constant 0 : i32
      %dma_wait3A_818 = tpu.memref_slice %arg6[%dma_wait3A_816, %dma_wait3A_817] : memref<10240x16xf32, #tpu.memory_space<vmem_shared>> -> memref<10240x16xf32, #tpu.memory_space<vmem_shared>>
      tpu.wait_indirect_dma semaphore(%arg25 : memref<!tpu.dma_semaphore, #tpu.memory_space<semaphore_mem>>) src(%arg11 : memref<128x16xf32, #tpu.memory_space<vmem>>) dst(%dma_wait3A_818 : memref<10240x16xf32, #tpu.memory_space<vmem_shared>>)
      %dma_start3A_819 = arith.constant 0 : i32
      %dma_start3A_820 = tpu.memref_slice %arg9[%add3A_811, %dma_start3A_819] : memref<42x128xi32, #tpu.memory_space<vmem>> -> memref<1x128xi32, #tpu.memory_space<vmem>>
      %dma_start3A_821 = tpu.memref_squeeze %dma_start3A_820 : memref<1x128xi32, #tpu.memory_space<vmem>> -> memref<128xi32, #tpu.memory_space<vmem>>
      %dma_start3A_822 = arith.constant 0 : i32
      %dma_start3A_823 = arith.constant 0 : i32
      %dma_start3A_824 = tpu.memref_slice %arg7[%dma_start3A_822, %dma_start3A_823] : memref<10240x16xf32, #tpu.memory_space<vmem_shared>> -> memref<10240x16xf32, #tpu.memory_space<vmem_shared>>
      tpu.enqueue_indirect_dma source(%dma_start3A_824 : memref<10240x16xf32, #tpu.memory_space<vmem_shared>>) target(%arg11 : memref<128x16xf32, #tpu.memory_space<vmem>>) offsets(%dma_start3A_821 : memref<128xi32, #tpu.memory_space<vmem>>) semaphore(%arg18 : memref<!tpu.dma_semaphore, #tpu.memory_space<semaphore_mem>>)
      %sub3A_825 = arith.constant 3 : i32
      %sub3A_826 = arith.subi %add3A_811, %sub3A_825 : i32
      %dma_wait3A_827 = arith.constant 0 : i32
      %dma_wait3A_828 = tpu.memref_slice %arg9[%sub3A_826, %dma_wait3A_827] : memref<42x128xi32, #tpu.memory_space<vmem>> -> memref<1x128xi32, #tpu.memory_space<vmem>>
      %dma_wait3A_829 = tpu.memref_squeeze %dma_wait3A_828 : memref<1x128xi32, #tpu.memory_space<vmem>> -> memref<128xi32, #tpu.memory_space<vmem>>
      %dma_wait3A_830 = arith.constant 0 : i32
      %dma_wait3A_831 = arith.constant 0 : i32
      %dma_wait3A_832 = tpu.memref_slice %arg7[%dma_wait3A_830, %dma_wait3A_831] : memref<10240x16xf32, #tpu.memory_space<vmem_shared>> -> memref<10240x16xf32, #tpu.memory_space<vmem_shared>>
      tpu.wait_indirect_dma semaphore(%arg22 : memref<!tpu.dma_semaphore, #tpu.memory_space<semaphore_mem>>) src(%dma_wait3A_832 : memref<10240x16xf32, #tpu.memory_space<vmem_shared>>) dst(%arg15 : memref<128x16xf32, #tpu.memory_space<vmem>>)
      %sub3A_833 = arith.constant 3 : i32
      %sub3A_834 = arith.subi %add3A_811, %sub3A_833 : i32
      %dma_start3A_835 = arith.constant 0 : i32
      %dma_start3A_836 = tpu.memref_slice %arg10[%sub3A_834, %dma_start3A_835] : memref<42x128xi32, #tpu.memory_space<vmem>> -> memref<1x128xi32, #tpu.memory_space<vmem>>
      %dma_start3A_837 = tpu.memref_squeeze %dma_start3A_836 : memref<1x128xi32, #tpu.memory_space<vmem>> -> memref<128xi32, #tpu.memory_space<vmem>>
      %dma_start3A_838 = arith.constant 0 : i32
      %dma_start3A_839 = arith.constant 0 : i32
      %dma_start3A_840 = tpu.memref_slice %arg6[%dma_start3A_838, %dma_start3A_839] : memref<10240x16xf32, #tpu.memory_space<vmem_shared>> -> memref<10240x16xf32, #tpu.memory_space<vmem_shared>>
      tpu.enqueue_indirect_dma source(%arg15 : memref<128x16xf32, #tpu.memory_space<vmem>>) target(%dma_start3A_840 : memref<10240x16xf32, #tpu.memory_space<vmem_shared>>) offsets(%dma_start3A_837 : memref<128xi32, #tpu.memory_space<vmem>>) semaphore(%arg29 : memref<!tpu.dma_semaphore, #tpu.memory_space<semaphore_mem>>) {add = true}
      %add3A_841 = arith.constant 1 : i32
      %add3A_842 = arith.addi %mul3A_809, %add3A_841 : i32
      %sub3A_843 = arith.constant 7 : i32
      %sub3A_844 = arith.subi %add3A_842, %sub3A_843 : i32
      %dma_wait3A_845 = arith.constant 0 : i32
      %dma_wait3A_846 = tpu.memref_slice %arg10[%sub3A_844, %dma_wait3A_845] : memref<42x128xi32, #tpu.memory_space<vmem>> -> memref<1x128xi32, #tpu.memory_space<vmem>>
      %dma_wait3A_847 = tpu.memref_squeeze %dma_wait3A_846 : memref<1x128xi32, #tpu.memory_space<vmem>> -> memref<128xi32, #tpu.memory_space<vmem>>
      %dma_wait3A_848 = arith.constant 0 : i32
      %dma_wait3A_849 = arith.constant 0 : i32
      %dma_wait3A_850 = tpu.memref_slice %arg6[%dma_wait3A_848, %dma_wait3A_849] : memref<10240x16xf32, #tpu.memory_space<vmem_shared>> -> memref<10240x16xf32, #tpu.memory_space<vmem_shared>>
      tpu.wait_indirect_dma semaphore(%arg26 : memref<!tpu.dma_semaphore, #tpu.memory_space<semaphore_mem>>) src(%arg12 : memref<128x16xf32, #tpu.memory_space<vmem>>) dst(%dma_wait3A_850 : memref<10240x16xf32, #tpu.memory_space<vmem_shared>>)
      %dma_start3A_851 = arith.constant 0 : i32
      %dma_start3A_852 = tpu.memref_slice %arg9[%add3A_842, %dma_start3A_851] : memref<42x128xi32, #tpu.memory_space<vmem>> -> memref<1x128xi32, #tpu.memory_space<vmem>>
      %dma_start3A_853 = tpu.memref_squeeze %dma_start3A_852 : memref<1x128xi32, #tpu.memory_space<vmem>> -> memref<128xi32, #tpu.memory_space<vmem>>
      %dma_start3A_854 = arith.constant 0 : i32
      %dma_start3A_855 = arith.constant 0 : i32
      %dma_start3A_856 = tpu.memref_slice %arg7[%dma_start3A_854, %dma_start3A_855] : memref<10240x16xf32, #tpu.memory_space<vmem_shared>> -> memref<10240x16xf32, #tpu.memory_space<vmem_shared>>
      tpu.enqueue_indirect_dma source(%dma_start3A_856 : memref<10240x16xf32, #tpu.memory_space<vmem_shared>>) target(%arg12 : memref<128x16xf32, #tpu.memory_space<vmem>>) offsets(%dma_start3A_853 : memref<128xi32, #tpu.memory_space<vmem>>) semaphore(%arg19 : memref<!tpu.dma_semaphore, #tpu.memory_space<semaphore_mem>>)
      %sub3A_857 = arith.constant 3 : i32
      %sub3A_858 = arith.subi %add3A_842, %sub3A_857 : i32
      %dma_wait3A_859 = arith.constant 0 : i32
      %dma_wait3A_860 = tpu.memref_slice %arg9[%sub3A_858, %dma_wait3A_859] : memref<42x128xi32, #tpu.memory_space<vmem>> -> memref<1x128xi32, #tpu.memory_space<vmem>>
      %dma_wait3A_861 = tpu.memref_squeeze %dma_wait3A_860 : memref<1x128xi32, #tpu.memory_space<vmem>> -> memref<128xi32, #tpu.memory_space<vmem>>
      %dma_wait3A_862 = arith.constant 0 : i32
      %dma_wait3A_863 = arith.constant 0 : i32
      %dma_wait3A_864 = tpu.memref_slice %arg7[%dma_wait3A_862, %dma_wait3A_863] : memref<10240x16xf32, #tpu.memory_space<vmem_shared>> -> memref<10240x16xf32, #tpu.memory_space<vmem_shared>>
      tpu.wait_indirect_dma semaphore(%arg23 : memref<!tpu.dma_semaphore, #tpu.memory_space<semaphore_mem>>) src(%dma_wait3A_864 : memref<10240x16xf32, #tpu.memory_space<vmem_shared>>) dst(%arg16 : memref<128x16xf32, #tpu.memory_space<vmem>>)
      %sub3A_865 = arith.constant 3 : i32
      %sub3A_866 = arith.subi %add3A_842, %sub3A_865 : i32
      %dma_start3A_867 = arith.constant 0 : i32
      %dma_start3A_868 = tpu.memref_slice %arg10[%sub3A_866, %dma_start3A_867] : memref<42x128xi32, #tpu.memory_space<vmem>> -> memref<1x128xi32, #tpu.memory_space<vmem>>
      %dma_start3A_869 = tpu.memref_squeeze %dma_start3A_868 : memref<1x128xi32, #tpu.memory_space<vmem>> -> memref<128xi32, #tpu.memory_space<vmem>>
      %dma_start3A_870 = arith.constant 0 : i32
      %dma_start3A_871 = arith.constant 0 : i32
      %dma_start3A_872 = tpu.memref_slice %arg6[%dma_start3A_870, %dma_start3A_871] : memref<10240x16xf32, #tpu.memory_space<vmem_shared>> -> memref<10240x16xf32, #tpu.memory_space<vmem_shared>>
      tpu.enqueue_indirect_dma source(%arg16 : memref<128x16xf32, #tpu.memory_space<vmem>>) target(%dma_start3A_872 : memref<10240x16xf32, #tpu.memory_space<vmem_shared>>) offsets(%dma_start3A_869 : memref<128xi32, #tpu.memory_space<vmem>>) semaphore(%arg30 : memref<!tpu.dma_semaphore, #tpu.memory_space<semaphore_mem>>) {add = true}
      %add3A_873 = arith.constant 2 : i32
      %add3A_874 = arith.addi %mul3A_809, %add3A_873 : i32
      %sub3A_875 = arith.constant 7 : i32
      %sub3A_876 = arith.subi %add3A_874, %sub3A_875 : i32
      %dma_wait3A_877 = arith.constant 0 : i32
      %dma_wait3A_878 = tpu.memref_slice %arg10[%sub3A_876, %dma_wait3A_877] : memref<42x128xi32, #tpu.memory_space<vmem>> -> memref<1x128xi32, #tpu.memory_space<vmem>>
      %dma_wait3A_879 = tpu.memref_squeeze %dma_wait3A_878 : memref<1x128xi32, #tpu.memory_space<vmem>> -> memref<128xi32, #tpu.memory_space<vmem>>
      %dma_wait3A_880 = arith.constant 0 : i32
      %dma_wait3A_881 = arith.constant 0 : i32
      %dma_wait3A_882 = tpu.memref_slice %arg6[%dma_wait3A_880, %dma_wait3A_881] : memref<10240x16xf32, #tpu.memory_space<vmem_shared>> -> memref<10240x16xf32, #tpu.memory_space<vmem_shared>>
      tpu.wait_indirect_dma semaphore(%arg27 : memref<!tpu.dma_semaphore, #tpu.memory_space<semaphore_mem>>) src(%arg13 : memref<128x16xf32, #tpu.memory_space<vmem>>) dst(%dma_wait3A_882 : memref<10240x16xf32, #tpu.memory_space<vmem_shared>>)
      %dma_start3A_883 = arith.constant 0 : i32
      %dma_start3A_884 = tpu.memref_slice %arg9[%add3A_874, %dma_start3A_883] : memref<42x128xi32, #tpu.memory_space<vmem>> -> memref<1x128xi32, #tpu.memory_space<vmem>>
      %dma_start3A_885 = tpu.memref_squeeze %dma_start3A_884 : memref<1x128xi32, #tpu.memory_space<vmem>> -> memref<128xi32, #tpu.memory_space<vmem>>
      %dma_start3A_886 = arith.constant 0 : i32
      %dma_start3A_887 = arith.constant 0 : i32
      %dma_start3A_888 = tpu.memref_slice %arg7[%dma_start3A_886, %dma_start3A_887] : memref<10240x16xf32, #tpu.memory_space<vmem_shared>> -> memref<10240x16xf32, #tpu.memory_space<vmem_shared>>
      tpu.enqueue_indirect_dma source(%dma_start3A_888 : memref<10240x16xf32, #tpu.memory_space<vmem_shared>>) target(%arg13 : memref<128x16xf32, #tpu.memory_space<vmem>>) offsets(%dma_start3A_885 : memref<128xi32, #tpu.memory_space<vmem>>) semaphore(%arg20 : memref<!tpu.dma_semaphore, #tpu.memory_space<semaphore_mem>>)
      %sub3A_889 = arith.constant 3 : i32
      %sub3A_890 = arith.subi %add3A_874, %sub3A_889 : i32
      %dma_wait3A_891 = arith.constant 0 : i32
      %dma_wait3A_892 = tpu.memref_slice %arg9[%sub3A_890, %dma_wait3A_891] : memref<42x128xi32, #tpu.memory_space<vmem>> -> memref<1x128xi32, #tpu.memory_space<vmem>>
      %dma_wait3A_893 = tpu.memref_squeeze %dma_wait3A_892 : memref<1x128xi32, #tpu.memory_space<vmem>> -> memref<128xi32, #tpu.memory_space<vmem>>
      %dma_wait3A_894 = arith.constant 0 : i32
      %dma_wait3A_895 = arith.constant 0 : i32
      %dma_wait3A_896 = tpu.memref_slice %arg7[%dma_wait3A_894, %dma_wait3A_895] : memref<10240x16xf32, #tpu.memory_space<vmem_shared>> -> memref<10240x16xf32, #tpu.memory_space<vmem_shared>>
      tpu.wait_indirect_dma semaphore(%arg24 : memref<!tpu.dma_semaphore, #tpu.memory_space<semaphore_mem>>) src(%dma_wait3A_896 : memref<10240x16xf32, #tpu.memory_space<vmem_shared>>) dst(%arg17 : memref<128x16xf32, #tpu.memory_space<vmem>>)
      %sub3A_897 = arith.constant 3 : i32
      %sub3A_898 = arith.subi %add3A_874, %sub3A_897 : i32
      %dma_start3A_899 = arith.constant 0 : i32
      %dma_start3A_900 = tpu.memref_slice %arg10[%sub3A_898, %dma_start3A_899] : memref<42x128xi32, #tpu.memory_space<vmem>> -> memref<1x128xi32, #tpu.memory_space<vmem>>
      %dma_start3A_901 = tpu.memref_squeeze %dma_start3A_900 : memref<1x128xi32, #tpu.memory_space<vmem>> -> memref<128xi32, #tpu.memory_space<vmem>>
      %dma_start3A_902 = arith.constant 0 : i32
      %dma_start3A_903 = arith.constant 0 : i32
      %dma_start3A_904 = tpu.memref_slice %arg6[%dma_start3A_902, %dma_start3A_903] : memref<10240x16xf32, #tpu.memory_space<vmem_shared>> -> memref<10240x16xf32, #tpu.memory_space<vmem_shared>>
      tpu.enqueue_indirect_dma source(%arg17 : memref<128x16xf32, #tpu.memory_space<vmem>>) target(%dma_start3A_904 : memref<10240x16xf32, #tpu.memory_space<vmem_shared>>) offsets(%dma_start3A_901 : memref<128xi32, #tpu.memory_space<vmem>>) semaphore(%arg31 : memref<!tpu.dma_semaphore, #tpu.memory_space<semaphore_mem>>) {add = true}
      %add3A_905 = arith.constant 3 : i32
      %add3A_906 = arith.addi %mul3A_809, %add3A_905 : i32
      %sub3A_907 = arith.constant 7 : i32
      %sub3A_908 = arith.subi %add3A_906, %sub3A_907 : i32
      %dma_wait3A_909 = arith.constant 0 : i32
      %dma_wait3A_910 = tpu.memref_slice %arg10[%sub3A_908, %dma_wait3A_909] : memref<42x128xi32, #tpu.memory_space<vmem>> -> memref<1x128xi32, #tpu.memory_space<vmem>>
      %dma_wait3A_911 = tpu.memref_squeeze %dma_wait3A_910 : memref<1x128xi32, #tpu.memory_space<vmem>> -> memref<128xi32, #tpu.memory_space<vmem>>
      %dma_wait3A_912 = arith.constant 0 : i32
      %dma_wait3A_913 = arith.constant 0 : i32
      %dma_wait3A_914 = tpu.memref_slice %arg6[%dma_wait3A_912, %dma_wait3A_913] : memref<10240x16xf32, #tpu.memory_space<vmem_shared>> -> memref<10240x16xf32, #tpu.memory_space<vmem_shared>>
      tpu.wait_indirect_dma semaphore(%arg28 : memref<!tpu.dma_semaphore, #tpu.memory_space<semaphore_mem>>) src(%arg14 : memref<128x16xf32, #tpu.memory_space<vmem>>) dst(%dma_wait3A_914 : memref<10240x16xf32, #tpu.memory_space<vmem_shared>>)
      %dma_start3A_915 = arith.constant 0 : i32
      %dma_start3A_916 = tpu.memref_slice %arg9[%add3A_906, %dma_start3A_915] : memref<42x128xi32, #tpu.memory_space<vmem>> -> memref<1x128xi32, #tpu.memory_space<vmem>>
      %dma_start3A_917 = tpu.memref_squeeze %dma_start3A_916 : memref<1x128xi32, #tpu.memory_space<vmem>> -> memref<128xi32, #tpu.memory_space<vmem>>
      %dma_start3A_918 = arith.constant 0 : i32
      %dma_start3A_919 = arith.constant 0 : i32
      %dma_start3A_920 = tpu.memref_slice %arg7[%dma_start3A_918, %dma_start3A_919] : memref<10240x16xf32, #tpu.memory_space<vmem_shared>> -> memref<10240x16xf32, #tpu.memory_space<vmem_shared>>
      tpu.enqueue_indirect_dma source(%dma_start3A_920 : memref<10240x16xf32, #tpu.memory_space<vmem_shared>>) target(%arg14 : memref<128x16xf32, #tpu.memory_space<vmem>>) offsets(%dma_start3A_917 : memref<128xi32, #tpu.memory_space<vmem>>) semaphore(%arg21 : memref<!tpu.dma_semaphore, #tpu.memory_space<semaphore_mem>>)
      %sub3A_921 = arith.constant 3 : i32
      %sub3A_922 = arith.subi %add3A_906, %sub3A_921 : i32
      %dma_wait3A_923 = arith.constant 0 : i32
      %dma_wait3A_924 = tpu.memref_slice %arg9[%sub3A_922, %dma_wait3A_923] : memref<42x128xi32, #tpu.memory_space<vmem>> -> memref<1x128xi32, #tpu.memory_space<vmem>>
      %dma_wait3A_925 = tpu.memref_squeeze %dma_wait3A_924 : memref<1x128xi32, #tpu.memory_space<vmem>> -> memref<128xi32, #tpu.memory_space<vmem>>
      %dma_wait3A_926 = arith.constant 0 : i32
      %dma_wait3A_927 = arith.constant 0 : i32
      %dma_wait3A_928 = tpu.memref_slice %arg7[%dma_wait3A_926, %dma_wait3A_927] : memref<10240x16xf32, #tpu.memory_space<vmem_shared>> -> memref<10240x16xf32, #tpu.memory_space<vmem_shared>>
      tpu.wait_indirect_dma semaphore(%arg18 : memref<!tpu.dma_semaphore, #tpu.memory_space<semaphore_mem>>) src(%dma_wait3A_928 : memref<10240x16xf32, #tpu.memory_space<vmem_shared>>) dst(%arg11 : memref<128x16xf32, #tpu.memory_space<vmem>>)
      %sub3A_929 = arith.constant 3 : i32
      %sub3A_930 = arith.subi %add3A_906, %sub3A_929 : i32
      %dma_start3A_931 = arith.constant 0 : i32
      %dma_start3A_932 = tpu.memref_slice %arg10[%sub3A_930, %dma_start3A_931] : memref<42x128xi32, #tpu.memory_space<vmem>> -> memref<1x128xi32, #tpu.memory_space<vmem>>
      %dma_start3A_933 = tpu.memref_squeeze %dma_start3A_932 : memref<1x128xi32, #tpu.memory_space<vmem>> -> memref<128xi32, #tpu.memory_space<vmem>>
      %dma_start3A_934 = arith.constant 0 : i32
      %dma_start3A_935 = arith.constant 0 : i32
      %dma_start3A_936 = tpu.memref_slice %arg6[%dma_start3A_934, %dma_start3A_935] : memref<10240x16xf32, #tpu.memory_space<vmem_shared>> -> memref<10240x16xf32, #tpu.memory_space<vmem_shared>>
      tpu.enqueue_indirect_dma source(%arg11 : memref<128x16xf32, #tpu.memory_space<vmem>>) target(%dma_start3A_936 : memref<10240x16xf32, #tpu.memory_space<vmem_shared>>) offsets(%dma_start3A_933 : memref<128xi32, #tpu.memory_space<vmem>>) semaphore(%arg25 : memref<!tpu.dma_semaphore, #tpu.memory_space<semaphore_mem>>) {add = true}
      %add3A_937 = arith.constant 4 : i32
      %add3A_938 = arith.addi %mul3A_809, %add3A_937 : i32
      %sub3A_939 = arith.constant 7 : i32
      %sub3A_940 = arith.subi %add3A_938, %sub3A_939 : i32
      %dma_wait3A_941 = arith.constant 0 : i32
      %dma_wait3A_942 = tpu.memref_slice %arg10[%sub3A_940, %dma_wait3A_941] : memref<42x128xi32, #tpu.memory_space<vmem>> -> memref<1x128xi32, #tpu.memory_space<vmem>>
      %dma_wait3A_943 = tpu.memref_squeeze %dma_wait3A_942 : memref<1x128xi32, #tpu.memory_space<vmem>> -> memref<128xi32, #tpu.memory_space<vmem>>
      %dma_wait3A_944 = arith.constant 0 : i32
      %dma_wait3A_945 = arith.constant 0 : i32
      %dma_wait3A_946 = tpu.memref_slice %arg6[%dma_wait3A_944, %dma_wait3A_945] : memref<10240x16xf32, #tpu.memory_space<vmem_shared>> -> memref<10240x16xf32, #tpu.memory_space<vmem_shared>>
      tpu.wait_indirect_dma semaphore(%arg29 : memref<!tpu.dma_semaphore, #tpu.memory_space<semaphore_mem>>) src(%arg15 : memref<128x16xf32, #tpu.memory_space<vmem>>) dst(%dma_wait3A_946 : memref<10240x16xf32, #tpu.memory_space<vmem_shared>>)
      %dma_start3A_947 = arith.constant 0 : i32
      %dma_start3A_948 = tpu.memref_slice %arg9[%add3A_938, %dma_start3A_947] : memref<42x128xi32, #tpu.memory_space<vmem>> -> memref<1x128xi32, #tpu.memory_space<vmem>>
      %dma_start3A_949 = tpu.memref_squeeze %dma_start3A_948 : memref<1x128xi32, #tpu.memory_space<vmem>> -> memref<128xi32, #tpu.memory_space<vmem>>
      %dma_start3A_950 = arith.constant 0 : i32
      %dma_start3A_951 = arith.constant 0 : i32
      %dma_start3A_952 = tpu.memref_slice %arg7[%dma_start3A_950, %dma_start3A_951] : memref<10240x16xf32, #tpu.memory_space<vmem_shared>> -> memref<10240x16xf32, #tpu.memory_space<vmem_shared>>
      tpu.enqueue_indirect_dma source(%dma_start3A_952 : memref<10240x16xf32, #tpu.memory_space<vmem_shared>>) target(%arg15 : memref<128x16xf32, #tpu.memory_space<vmem>>) offsets(%dma_start3A_949 : memref<128xi32, #tpu.memory_space<vmem>>) semaphore(%arg22 : memref<!tpu.dma_semaphore, #tpu.memory_space<semaphore_mem>>)
      %sub3A_953 = arith.constant 3 : i32
      %sub3A_954 = arith.subi %add3A_938, %sub3A_953 : i32
      %dma_wait3A_955 = arith.constant 0 : i32
      %dma_wait3A_956 = tpu.memref_slice %arg9[%sub3A_954, %dma_wait3A_955] : memref<42x128xi32, #tpu.memory_space<vmem>> -> memref<1x128xi32, #tpu.memory_space<vmem>>
      %dma_wait3A_957 = tpu.memref_squeeze %dma_wait3A_956 : memref<1x128xi32, #tpu.memory_space<vmem>> -> memref<128xi32, #tpu.memory_space<vmem>>
      %dma_wait3A_958 = arith.constant 0 : i32
      %dma_wait3A_959 = arith.constant 0 : i32
      %dma_wait3A_960 = tpu.memref_slice %arg7[%dma_wait3A_958, %dma_wait3A_959] : memref<10240x16xf32, #tpu.memory_space<vmem_shared>> -> memref<10240x16xf32, #tpu.memory_space<vmem_shared>>
      tpu.wait_indirect_dma semaphore(%arg19 : memref<!tpu.dma_semaphore, #tpu.memory_space<semaphore_mem>>) src(%dma_wait3A_960 : memref<10240x16xf32, #tpu.memory_space<vmem_shared>>) dst(%arg12 : memref<128x16xf32, #tpu.memory_space<vmem>>)
      %sub3A_961 = arith.constant 3 : i32
      %sub3A_962 = arith.subi %add3A_938, %sub3A_961 : i32
      %dma_start3A_963 = arith.constant 0 : i32
      %dma_start3A_964 = tpu.memref_slice %arg10[%sub3A_962, %dma_start3A_963] : memref<42x128xi32, #tpu.memory_space<vmem>> -> memref<1x128xi32, #tpu.memory_space<vmem>>
      %dma_start3A_965 = tpu.memref_squeeze %dma_start3A_964 : memref<1x128xi32, #tpu.memory_space<vmem>> -> memref<128xi32, #tpu.memory_space<vmem>>
      %dma_start3A_966 = arith.constant 0 : i32
      %dma_start3A_967 = arith.constant 0 : i32
      %dma_start3A_968 = tpu.memref_slice %arg6[%dma_start3A_966, %dma_start3A_967] : memref<10240x16xf32, #tpu.memory_space<vmem_shared>> -> memref<10240x16xf32, #tpu.memory_space<vmem_shared>>
      tpu.enqueue_indirect_dma source(%arg12 : memref<128x16xf32, #tpu.memory_space<vmem>>) target(%dma_start3A_968 : memref<10240x16xf32, #tpu.memory_space<vmem_shared>>) offsets(%dma_start3A_965 : memref<128xi32, #tpu.memory_space<vmem>>) semaphore(%arg26 : memref<!tpu.dma_semaphore, #tpu.memory_space<semaphore_mem>>) {add = true}
      %add3A_969 = arith.constant 5 : i32
      %add3A_970 = arith.addi %mul3A_809, %add3A_969 : i32
      %sub3A_971 = arith.constant 7 : i32
      %sub3A_972 = arith.subi %add3A_970, %sub3A_971 : i32
      %dma_wait3A_973 = arith.constant 0 : i32
      %dma_wait3A_974 = tpu.memref_slice %arg10[%sub3A_972, %dma_wait3A_973] : memref<42x128xi32, #tpu.memory_space<vmem>> -> memref<1x128xi32, #tpu.memory_space<vmem>>
      %dma_wait3A_975 = tpu.memref_squeeze %dma_wait3A_974 : memref<1x128xi32, #tpu.memory_space<vmem>> -> memref<128xi32, #tpu.memory_space<vmem>>
      %dma_wait3A_976 = arith.constant 0 : i32
      %dma_wait3A_977 = arith.constant 0 : i32
      %dma_wait3A_978 = tpu.memref_slice %arg6[%dma_wait3A_976, %dma_wait3A_977] : memref<10240x16xf32, #tpu.memory_space<vmem_shared>> -> memref<10240x16xf32, #tpu.memory_space<vmem_shared>>
      tpu.wait_indirect_dma semaphore(%arg30 : memref<!tpu.dma_semaphore, #tpu.memory_space<semaphore_mem>>) src(%arg16 : memref<128x16xf32, #tpu.memory_space<vmem>>) dst(%dma_wait3A_978 : memref<10240x16xf32, #tpu.memory_space<vmem_shared>>)
      %dma_start3A_979 = arith.constant 0 : i32
      %dma_start3A_980 = tpu.memref_slice %arg9[%add3A_970, %dma_start3A_979] : memref<42x128xi32, #tpu.memory_space<vmem>> -> memref<1x128xi32, #tpu.memory_space<vmem>>
      %dma_start3A_981 = tpu.memref_squeeze %dma_start3A_980 : memref<1x128xi32, #tpu.memory_space<vmem>> -> memref<128xi32, #tpu.memory_space<vmem>>
      %dma_start3A_982 = arith.constant 0 : i32
      %dma_start3A_983 = arith.constant 0 : i32
      %dma_start3A_984 = tpu.memref_slice %arg7[%dma_start3A_982, %dma_start3A_983] : memref<10240x16xf32, #tpu.memory_space<vmem_shared>> -> memref<10240x16xf32, #tpu.memory_space<vmem_shared>>
      tpu.enqueue_indirect_dma source(%dma_start3A_984 : memref<10240x16xf32, #tpu.memory_space<vmem_shared>>) target(%arg16 : memref<128x16xf32, #tpu.memory_space<vmem>>) offsets(%dma_start3A_981 : memref<128xi32, #tpu.memory_space<vmem>>) semaphore(%arg23 : memref<!tpu.dma_semaphore, #tpu.memory_space<semaphore_mem>>)
      %sub3A_985 = arith.constant 3 : i32
      %sub3A_986 = arith.subi %add3A_970, %sub3A_985 : i32
      %dma_wait3A_987 = arith.constant 0 : i32
      %dma_wait3A_988 = tpu.memref_slice %arg9[%sub3A_986, %dma_wait3A_987] : memref<42x128xi32, #tpu.memory_space<vmem>> -> memref<1x128xi32, #tpu.memory_space<vmem>>
      %dma_wait3A_989 = tpu.memref_squeeze %dma_wait3A_988 : memref<1x128xi32, #tpu.memory_space<vmem>> -> memref<128xi32, #tpu.memory_space<vmem>>
      %dma_wait3A_990 = arith.constant 0 : i32
      %dma_wait3A_991 = arith.constant 0 : i32
      %dma_wait3A_992 = tpu.memref_slice %arg7[%dma_wait3A_990, %dma_wait3A_991] : memref<10240x16xf32, #tpu.memory_space<vmem_shared>> -> memref<10240x16xf32, #tpu.memory_space<vmem_shared>>
      tpu.wait_indirect_dma semaphore(%arg20 : memref<!tpu.dma_semaphore, #tpu.memory_space<semaphore_mem>>) src(%dma_wait3A_992 : memref<10240x16xf32, #tpu.memory_space<vmem_shared>>) dst(%arg13 : memref<128x16xf32, #tpu.memory_space<vmem>>)
      %sub3A_993 = arith.constant 3 : i32
      %sub3A_994 = arith.subi %add3A_970, %sub3A_993 : i32
      %dma_start3A_995 = arith.constant 0 : i32
      %dma_start3A_996 = tpu.memref_slice %arg10[%sub3A_994, %dma_start3A_995] : memref<42x128xi32, #tpu.memory_space<vmem>> -> memref<1x128xi32, #tpu.memory_space<vmem>>
      %dma_start3A_997 = tpu.memref_squeeze %dma_start3A_996 : memref<1x128xi32, #tpu.memory_space<vmem>> -> memref<128xi32, #tpu.memory_space<vmem>>
      %dma_start3A_998 = arith.constant 0 : i32
      %dma_start3A_999 = arith.constant 0 : i32
      %dma_start3A_1000 = tpu.memref_slice %arg6[%dma_start3A_998, %dma_start3A_999] : memref<10240x16xf32, #tpu.memory_space<vmem_shared>> -> memref<10240x16xf32, #tpu.memory_space<vmem_shared>>
      tpu.enqueue_indirect_dma source(%arg13 : memref<128x16xf32, #tpu.memory_space<vmem>>) target(%dma_start3A_1000 : memref<10240x16xf32, #tpu.memory_space<vmem_shared>>) offsets(%dma_start3A_997 : memref<128xi32, #tpu.memory_space<vmem>>) semaphore(%arg27 : memref<!tpu.dma_semaphore, #tpu.memory_space<semaphore_mem>>) {add = true}
      %add3A_1001 = arith.constant 6 : i32
      %add3A_1002 = arith.addi %mul3A_809, %add3A_1001 : i32
      %sub3A_1003 = arith.constant 7 : i32
      %sub3A_1004 = arith.subi %add3A_1002, %sub3A_1003 : i32
      %dma_wait3A_1005 = arith.constant 0 : i32
      %dma_wait3A_1006 = tpu.memref_slice %arg10[%sub3A_1004, %dma_wait3A_1005] : memref<42x128xi32, #tpu.memory_space<vmem>> -> memref<1x128xi32, #tpu.memory_space<vmem>>
      %dma_wait3A_1007 = tpu.memref_squeeze %dma_wait3A_1006 : memref<1x128xi32, #tpu.memory_space<vmem>> -> memref<128xi32, #tpu.memory_space<vmem>>
      %dma_wait3A_1008 = arith.constant 0 : i32
      %dma_wait3A_1009 = arith.constant 0 : i32
      %dma_wait3A_1010 = tpu.memref_slice %arg6[%dma_wait3A_1008, %dma_wait3A_1009] : memref<10240x16xf32, #tpu.memory_space<vmem_shared>> -> memref<10240x16xf32, #tpu.memory_space<vmem_shared>>
      tpu.wait_indirect_dma semaphore(%arg31 : memref<!tpu.dma_semaphore, #tpu.memory_space<semaphore_mem>>) src(%arg17 : memref<128x16xf32, #tpu.memory_space<vmem>>) dst(%dma_wait3A_1010 : memref<10240x16xf32, #tpu.memory_space<vmem_shared>>)
      %dma_start3A_1011 = arith.constant 0 : i32
      %dma_start3A_1012 = tpu.memref_slice %arg9[%add3A_1002, %dma_start3A_1011] : memref<42x128xi32, #tpu.memory_space<vmem>> -> memref<1x128xi32, #tpu.memory_space<vmem>>
      %dma_start3A_1013 = tpu.memref_squeeze %dma_start3A_1012 : memref<1x128xi32, #tpu.memory_space<vmem>> -> memref<128xi32, #tpu.memory_space<vmem>>
      %dma_start3A_1014 = arith.constant 0 : i32
      %dma_start3A_1015 = arith.constant 0 : i32
      %dma_start3A_1016 = tpu.memref_slice %arg7[%dma_start3A_1014, %dma_start3A_1015] : memref<10240x16xf32, #tpu.memory_space<vmem_shared>> -> memref<10240x16xf32, #tpu.memory_space<vmem_shared>>
      tpu.enqueue_indirect_dma source(%dma_start3A_1016 : memref<10240x16xf32, #tpu.memory_space<vmem_shared>>) target(%arg17 : memref<128x16xf32, #tpu.memory_space<vmem>>) offsets(%dma_start3A_1013 : memref<128xi32, #tpu.memory_space<vmem>>) semaphore(%arg24 : memref<!tpu.dma_semaphore, #tpu.memory_space<semaphore_mem>>)
      %sub3A_1017 = arith.constant 3 : i32
      %sub3A_1018 = arith.subi %add3A_1002, %sub3A_1017 : i32
      %dma_wait3A_1019 = arith.constant 0 : i32
      %dma_wait3A_1020 = tpu.memref_slice %arg9[%sub3A_1018, %dma_wait3A_1019] : memref<42x128xi32, #tpu.memory_space<vmem>> -> memref<1x128xi32, #tpu.memory_space<vmem>>
      %dma_wait3A_1021 = tpu.memref_squeeze %dma_wait3A_1020 : memref<1x128xi32, #tpu.memory_space<vmem>> -> memref<128xi32, #tpu.memory_space<vmem>>
      %dma_wait3A_1022 = arith.constant 0 : i32
      %dma_wait3A_1023 = arith.constant 0 : i32
      %dma_wait3A_1024 = tpu.memref_slice %arg7[%dma_wait3A_1022, %dma_wait3A_1023] : memref<10240x16xf32, #tpu.memory_space<vmem_shared>> -> memref<10240x16xf32, #tpu.memory_space<vmem_shared>>
      tpu.wait_indirect_dma semaphore(%arg21 : memref<!tpu.dma_semaphore, #tpu.memory_space<semaphore_mem>>) src(%dma_wait3A_1024 : memref<10240x16xf32, #tpu.memory_space<vmem_shared>>) dst(%arg14 : memref<128x16xf32, #tpu.memory_space<vmem>>)
      %sub3A_1025 = arith.constant 3 : i32
      %sub3A_1026 = arith.subi %add3A_1002, %sub3A_1025 : i32
      %dma_start3A_1027 = arith.constant 0 : i32
      %dma_start3A_1028 = tpu.memref_slice %arg10[%sub3A_1026, %dma_start3A_1027] : memref<42x128xi32, #tpu.memory_space<vmem>> -> memref<1x128xi32, #tpu.memory_space<vmem>>
      %dma_start3A_1029 = tpu.memref_squeeze %dma_start3A_1028 : memref<1x128xi32, #tpu.memory_space<vmem>> -> memref<128xi32, #tpu.memory_space<vmem>>
      %dma_start3A_1030 = arith.constant 0 : i32
      %dma_start3A_1031 = arith.constant 0 : i32
      %dma_start3A_1032 = tpu.memref_slice %arg6[%dma_start3A_1030, %dma_start3A_1031] : memref<10240x16xf32, #tpu.memory_space<vmem_shared>> -> memref<10240x16xf32, #tpu.memory_space<vmem_shared>>
      tpu.enqueue_indirect_dma source(%arg14 : memref<128x16xf32, #tpu.memory_space<vmem>>) target(%dma_start3A_1032 : memref<10240x16xf32, #tpu.memory_space<vmem_shared>>) offsets(%dma_start3A_1029 : memref<128xi32, #tpu.memory_space<vmem>>) semaphore(%arg28 : memref<!tpu.dma_semaphore, #tpu.memory_space<semaphore_mem>>) {add = true}
    }
    %scan3A_700 = arith.constant 5 : i32
    %dma_wait3A_701 = arith.constant 39 : i32
    %dma_wait3A_702 = arith.constant 0 : i32
    %dma_wait3A_703 = tpu.memref_slice %arg9[%dma_wait3A_701, %dma_wait3A_702] : memref<42x128xi32, #tpu.memory_space<vmem>> -> memref<1x128xi32, #tpu.memory_space<vmem>>
    %dma_wait3A_704 = tpu.memref_squeeze %dma_wait3A_703 : memref<1x128xi32, #tpu.memory_space<vmem>> -> memref<128xi32, #tpu.memory_space<vmem>>
    %dma_wait3A_705 = arith.constant 0 : i32
    %dma_wait3A_706 = arith.constant 0 : i32
    %dma_wait3A_707 = tpu.memref_slice %arg7[%dma_wait3A_705, %dma_wait3A_706] : memref<10240x16xf32, #tpu.memory_space<vmem_shared>> -> memref<10240x16xf32, #tpu.memory_space<vmem_shared>>
    tpu.wait_indirect_dma semaphore(%arg22 : memref<!tpu.dma_semaphore, #tpu.memory_space<semaphore_mem>>) src(%dma_wait3A_707 : memref<10240x16xf32, #tpu.memory_space<vmem_shared>>) dst(%arg15 : memref<128x16xf32, #tpu.memory_space<vmem>>)
    %dma_start3A_708 = arith.constant 39 : i32
    %dma_start3A_709 = arith.constant 0 : i32
    %dma_start3A_710 = tpu.memref_slice %arg10[%dma_start3A_708, %dma_start3A_709] : memref<42x128xi32, #tpu.memory_space<vmem>> -> memref<1x128xi32, #tpu.memory_space<vmem>>
    %dma_start3A_711 = tpu.memref_squeeze %dma_start3A_710 : memref<1x128xi32, #tpu.memory_space<vmem>> -> memref<128xi32, #tpu.memory_space<vmem>>
    %dma_start3A_712 = arith.constant 0 : i32
    %dma_start3A_713 = arith.constant 0 : i32
    %dma_start3A_714 = tpu.memref_slice %arg6[%dma_start3A_712, %dma_start3A_713] : memref<10240x16xf32, #tpu.memory_space<vmem_shared>> -> memref<10240x16xf32, #tpu.memory_space<vmem_shared>>
    tpu.enqueue_indirect_dma source(%arg15 : memref<128x16xf32, #tpu.memory_space<vmem>>) target(%dma_start3A_714 : memref<10240x16xf32, #tpu.memory_space<vmem_shared>>) offsets(%dma_start3A_711 : memref<128xi32, #tpu.memory_space<vmem>>) semaphore(%arg29 : memref<!tpu.dma_semaphore, #tpu.memory_space<semaphore_mem>>) {add = true}
    %dma_wait3A_715 = arith.constant 40 : i32
    %dma_wait3A_716 = arith.constant 0 : i32
    %dma_wait3A_717 = tpu.memref_slice %arg9[%dma_wait3A_715, %dma_wait3A_716] : memref<42x128xi32, #tpu.memory_space<vmem>> -> memref<1x128xi32, #tpu.memory_space<vmem>>
    %dma_wait3A_718 = tpu.memref_squeeze %dma_wait3A_717 : memref<1x128xi32, #tpu.memory_space<vmem>> -> memref<128xi32, #tpu.memory_space<vmem>>
    %dma_wait3A_719 = arith.constant 0 : i32
    %dma_wait3A_720 = arith.constant 0 : i32
    %dma_wait3A_721 = tpu.memref_slice %arg7[%dma_wait3A_719, %dma_wait3A_720] : memref<10240x16xf32, #tpu.memory_space<vmem_shared>> -> memref<10240x16xf32, #tpu.memory_space<vmem_shared>>
    tpu.wait_indirect_dma semaphore(%arg23 : memref<!tpu.dma_semaphore, #tpu.memory_space<semaphore_mem>>) src(%dma_wait3A_721 : memref<10240x16xf32, #tpu.memory_space<vmem_shared>>) dst(%arg16 : memref<128x16xf32, #tpu.memory_space<vmem>>)
    %dma_start3A_722 = arith.constant 40 : i32
    %dma_start3A_723 = arith.constant 0 : i32
    %dma_start3A_724 = tpu.memref_slice %arg10[%dma_start3A_722, %dma_start3A_723] : memref<42x128xi32, #tpu.memory_space<vmem>> -> memref<1x128xi32, #tpu.memory_space<vmem>>
    %dma_start3A_725 = tpu.memref_squeeze %dma_start3A_724 : memref<1x128xi32, #tpu.memory_space<vmem>> -> memref<128xi32, #tpu.memory_space<vmem>>
    %dma_start3A_726 = arith.constant 0 : i32
    %dma_start3A_727 = arith.constant 0 : i32
    %dma_start3A_728 = tpu.memref_slice %arg6[%dma_start3A_726, %dma_start3A_727] : memref<10240x16xf32, #tpu.memory_space<vmem_shared>> -> memref<10240x16xf32, #tpu.memory_space<vmem_shared>>
    tpu.enqueue_indirect_dma source(%arg16 : memref<128x16xf32, #tpu.memory_space<vmem>>) target(%dma_start3A_728 : memref<10240x16xf32, #tpu.memory_space<vmem_shared>>) offsets(%dma_start3A_725 : memref<128xi32, #tpu.memory_space<vmem>>) semaphore(%arg30 : memref<!tpu.dma_semaphore, #tpu.memory_space<semaphore_mem>>) {add = true}
    %dma_wait3A_729 = arith.constant 41 : i32
    %dma_wait3A_730 = arith.constant 0 : i32
    %dma_wait3A_731 = tpu.memref_slice %arg9[%dma_wait3A_729, %dma_wait3A_730] : memref<42x128xi32, #tpu.memory_space<vmem>> -> memref<1x128xi32, #tpu.memory_space<vmem>>
    %dma_wait3A_732 = tpu.memref_squeeze %dma_wait3A_731 : memref<1x128xi32, #tpu.memory_space<vmem>> -> memref<128xi32, #tpu.memory_space<vmem>>
    %dma_wait3A_733 = arith.constant 0 : i32
    %dma_wait3A_734 = arith.constant 0 : i32
    %dma_wait3A_735 = tpu.memref_slice %arg7[%dma_wait3A_733, %dma_wait3A_734] : memref<10240x16xf32, #tpu.memory_space<vmem_shared>> -> memref<10240x16xf32, #tpu.memory_space<vmem_shared>>
    tpu.wait_indirect_dma semaphore(%arg24 : memref<!tpu.dma_semaphore, #tpu.memory_space<semaphore_mem>>) src(%dma_wait3A_735 : memref<10240x16xf32, #tpu.memory_space<vmem_shared>>) dst(%arg17 : memref<128x16xf32, #tpu.memory_space<vmem>>)
    %dma_start3A_736 = arith.constant 41 : i32
    %dma_start3A_737 = arith.constant 0 : i32
    %dma_start3A_738 = tpu.memref_slice %arg10[%dma_start3A_736, %dma_start3A_737] : memref<42x128xi32, #tpu.memory_space<vmem>> -> memref<1x128xi32, #tpu.memory_space<vmem>>
    %dma_start3A_739 = tpu.memref_squeeze %dma_start3A_738 : memref<1x128xi32, #tpu.memory_space<vmem>> -> memref<128xi32, #tpu.memory_space<vmem>>
    %dma_start3A_740 = arith.constant 0 : i32
    %dma_start3A_741 = arith.constant 0 : i32
    %dma_start3A_742 = tpu.memref_slice %arg6[%dma_start3A_740, %dma_start3A_741] : memref<10240x16xf32, #tpu.memory_space<vmem_shared>> -> memref<10240x16xf32, #tpu.memory_space<vmem_shared>>
    tpu.enqueue_indirect_dma source(%arg17 : memref<128x16xf32, #tpu.memory_space<vmem>>) target(%dma_start3A_742 : memref<10240x16xf32, #tpu.memory_space<vmem_shared>>) offsets(%dma_start3A_739 : memref<128xi32, #tpu.memory_space<vmem>>) semaphore(%arg31 : memref<!tpu.dma_semaphore, #tpu.memory_space<semaphore_mem>>) {add = true}
    %dma_wait3A_743 = arith.constant 35 : i32
    %dma_wait3A_744 = arith.constant 0 : i32
    %dma_wait3A_745 = tpu.memref_slice %arg10[%dma_wait3A_743, %dma_wait3A_744] : memref<42x128xi32, #tpu.memory_space<vmem>> -> memref<1x128xi32, #tpu.memory_space<vmem>>
    %dma_wait3A_746 = tpu.memref_squeeze %dma_wait3A_745 : memref<1x128xi32, #tpu.memory_space<vmem>> -> memref<128xi32, #tpu.memory_space<vmem>>
    %dma_wait3A_747 = arith.constant 0 : i32
    %dma_wait3A_748 = arith.constant 0 : i32
    %dma_wait3A_749 = tpu.memref_slice %arg6[%dma_wait3A_747, %dma_wait3A_748] : memref<10240x16xf32, #tpu.memory_space<vmem_shared>> -> memref<10240x16xf32, #tpu.memory_space<vmem_shared>>
    tpu.wait_indirect_dma semaphore(%arg25 : memref<!tpu.dma_semaphore, #tpu.memory_space<semaphore_mem>>) src(%arg11 : memref<128x16xf32, #tpu.memory_space<vmem>>) dst(%dma_wait3A_749 : memref<10240x16xf32, #tpu.memory_space<vmem_shared>>)
    %dma_wait3A_750 = arith.constant 36 : i32
    %dma_wait3A_751 = arith.constant 0 : i32
    %dma_wait3A_752 = tpu.memref_slice %arg10[%dma_wait3A_750, %dma_wait3A_751] : memref<42x128xi32, #tpu.memory_space<vmem>> -> memref<1x128xi32, #tpu.memory_space<vmem>>
    %dma_wait3A_753 = tpu.memref_squeeze %dma_wait3A_752 : memref<1x128xi32, #tpu.memory_space<vmem>> -> memref<128xi32, #tpu.memory_space<vmem>>
    %dma_wait3A_754 = arith.constant 0 : i32
    %dma_wait3A_755 = arith.constant 0 : i32
    %dma_wait3A_756 = tpu.memref_slice %arg6[%dma_wait3A_754, %dma_wait3A_755] : memref<10240x16xf32, #tpu.memory_space<vmem_shared>> -> memref<10240x16xf32, #tpu.memory_space<vmem_shared>>
    tpu.wait_indirect_dma semaphore(%arg26 : memref<!tpu.dma_semaphore, #tpu.memory_space<semaphore_mem>>) src(%arg12 : memref<128x16xf32, #tpu.memory_space<vmem>>) dst(%dma_wait3A_756 : memref<10240x16xf32, #tpu.memory_space<vmem_shared>>)
    %dma_wait3A_757 = arith.constant 37 : i32
    %dma_wait3A_758 = arith.constant 0 : i32
    %dma_wait3A_759 = tpu.memref_slice %arg10[%dma_wait3A_757, %dma_wait3A_758] : memref<42x128xi32, #tpu.memory_space<vmem>> -> memref<1x128xi32, #tpu.memory_space<vmem>>
    %dma_wait3A_760 = tpu.memref_squeeze %dma_wait3A_759 : memref<1x128xi32, #tpu.memory_space<vmem>> -> memref<128xi32, #tpu.memory_space<vmem>>
    %dma_wait3A_761 = arith.constant 0 : i32
    %dma_wait3A_762 = arith.constant 0 : i32
    %dma_wait3A_763 = tpu.memref_slice %arg6[%dma_wait3A_761, %dma_wait3A_762] : memref<10240x16xf32, #tpu.memory_space<vmem_shared>> -> memref<10240x16xf32, #tpu.memory_space<vmem_shared>>
    tpu.wait_indirect_dma semaphore(%arg27 : memref<!tpu.dma_semaphore, #tpu.memory_space<semaphore_mem>>) src(%arg13 : memref<128x16xf32, #tpu.memory_space<vmem>>) dst(%dma_wait3A_763 : memref<10240x16xf32, #tpu.memory_space<vmem_shared>>)
    %dma_wait3A_764 = arith.constant 38 : i32
    %dma_wait3A_765 = arith.constant 0 : i32
    %dma_wait3A_766 = tpu.memref_slice %arg10[%dma_wait3A_764, %dma_wait3A_765] : memref<42x128xi32, #tpu.memory_space<vmem>> -> memref<1x128xi32, #tpu.memory_space<vmem>>
    %dma_wait3A_767 = tpu.memref_squeeze %dma_wait3A_766 : memref<1x128xi32, #tpu.memory_space<vmem>> -> memref<128xi32, #tpu.memory_space<vmem>>
    %dma_wait3A_768 = arith.constant 0 : i32
    %dma_wait3A_769 = arith.constant 0 : i32
    %dma_wait3A_770 = tpu.memref_slice %arg6[%dma_wait3A_768, %dma_wait3A_769] : memref<10240x16xf32, #tpu.memory_space<vmem_shared>> -> memref<10240x16xf32, #tpu.memory_space<vmem_shared>>
    tpu.wait_indirect_dma semaphore(%arg28 : memref<!tpu.dma_semaphore, #tpu.memory_space<semaphore_mem>>) src(%arg14 : memref<128x16xf32, #tpu.memory_space<vmem>>) dst(%dma_wait3A_770 : memref<10240x16xf32, #tpu.memory_space<vmem_shared>>)
    %dma_wait3A_771 = arith.constant 39 : i32
    %dma_wait3A_772 = arith.constant 0 : i32
    %dma_wait3A_773 = tpu.memref_slice %arg10[%dma_wait3A_771, %dma_wait3A_772] : memref<42x128xi32, #tpu.memory_space<vmem>> -> memref<1x128xi32, #tpu.memory_space<vmem>>
    %dma_wait3A_774 = tpu.memref_squeeze %dma_wait3A_773 : memref<1x128xi32, #tpu.memory_space<vmem>> -> memref<128xi32, #tpu.memory_space<vmem>>
    %dma_wait3A_775 = arith.constant 0 : i32
    %dma_wait3A_776 = arith.constant 0 : i32
    %dma_wait3A_777 = tpu.memref_slice %arg6[%dma_wait3A_775, %dma_wait3A_776] : memref<10240x16xf32, #tpu.memory_space<vmem_shared>> -> memref<10240x16xf32, #tpu.memory_space<vmem_shared>>
    tpu.wait_indirect_dma semaphore(%arg29 : memref<!tpu.dma_semaphore, #tpu.memory_space<semaphore_mem>>) src(%arg15 : memref<128x16xf32, #tpu.memory_space<vmem>>) dst(%dma_wait3A_777 : memref<10240x16xf32, #tpu.memory_space<vmem_shared>>)
    %dma_wait3A_778 = arith.constant 40 : i32
    %dma_wait3A_779 = arith.constant 0 : i32
    %dma_wait3A_780 = tpu.memref_slice %arg10[%dma_wait3A_778, %dma_wait3A_779] : memref<42x128xi32, #tpu.memory_space<vmem>> -> memref<1x128xi32, #tpu.memory_space<vmem>>
    %dma_wait3A_781 = tpu.memref_squeeze %dma_wait3A_780 : memref<1x128xi32, #tpu.memory_space<vmem>> -> memref<128xi32, #tpu.memory_space<vmem>>
    %dma_wait3A_782 = arith.constant 0 : i32
    %dma_wait3A_783 = arith.constant 0 : i32
    %dma_wait3A_784 = tpu.memref_slice %arg6[%dma_wait3A_782, %dma_wait3A_783] : memref<10240x16xf32, #tpu.memory_space<vmem_shared>> -> memref<10240x16xf32, #tpu.memory_space<vmem_shared>>
    tpu.wait_indirect_dma semaphore(%arg30 : memref<!tpu.dma_semaphore, #tpu.memory_space<semaphore_mem>>) src(%arg16 : memref<128x16xf32, #tpu.memory_space<vmem>>) dst(%dma_wait3A_784 : memref<10240x16xf32, #tpu.memory_space<vmem_shared>>)
    %dma_wait3A_785 = arith.constant 41 : i32
    %dma_wait3A_786 = arith.constant 0 : i32
    %dma_wait3A_787 = tpu.memref_slice %arg10[%dma_wait3A_785, %dma_wait3A_786] : memref<42x128xi32, #tpu.memory_space<vmem>> -> memref<1x128xi32, #tpu.memory_space<vmem>>
    %dma_wait3A_788 = tpu.memref_squeeze %dma_wait3A_787 : memref<1x128xi32, #tpu.memory_space<vmem>> -> memref<128xi32, #tpu.memory_space<vmem>>
    %dma_wait3A_789 = arith.constant 0 : i32
    %dma_wait3A_790 = arith.constant 0 : i32
    %dma_wait3A_791 = tpu.memref_slice %arg6[%dma_wait3A_789, %dma_wait3A_790] : memref<10240x16xf32, #tpu.memory_space<vmem_shared>> -> memref<10240x16xf32, #tpu.memory_space<vmem_shared>>
    tpu.wait_indirect_dma semaphore(%arg31 : memref<!tpu.dma_semaphore, #tpu.memory_space<semaphore_mem>>) src(%arg17 : memref<128x16xf32, #tpu.memory_space<vmem>>) dst(%dma_wait3A_791 : memref<10240x16xf32, #tpu.memory_space<vmem_shared>>)
    %barrier3A_792 = arith.constant 0 : index
    tpu.barrier barrier_id(%barrier3A_792)
    %mul3A_793 = arith.constant 640 : i32
    %mul3A_794 = arith.muli %arg1, %mul3A_793 : i32
    %mul3A_795 = arith.constant 640 : i32
    %mul3A_796 = arith.muli %arg1, %mul3A_795 : i32
    %dma_start3A_797 = arith.constant 0 : i32
    %dma_start3A_798 = tpu.memref_slice %arg5[%arg0, %mul3A_796, %dma_start3A_797] : memref<2x10240x16xf32, #tpu.memory_space<hbm>> -> memref<1x640x16xf32, #tpu.memory_space<hbm>>
    %dma_start3A_799 = tpu.memref_squeeze %dma_start3A_798 : memref<1x640x16xf32, #tpu.memory_space<hbm>> -> memref<640x16xf32, #tpu.memory_space<hbm>>
    %dma_start3A_800 = arith.constant 0 : i32
    %dma_start3A_801 = tpu.memref_slice %arg6[%mul3A_794, %dma_start3A_800] : memref<10240x16xf32, #tpu.memory_space<vmem_shared>> -> memref<640x16xf32, #tpu.memory_space<vmem_shared>>
    tpu.enqueue_dma source(%dma_start3A_801 : memref<640x16xf32, #tpu.memory_space<vmem_shared>>) target(%dma_start3A_799 : memref<640x16xf32, #tpu.memory_space<hbm>>) target_semaphore(%arg34 : memref<!tpu.dma_semaphore, #tpu.memory_space<semaphore_mem>>)
    %dma_wait3A_802 = arith.constant 0 : i32
    %dma_wait3A_803 = tpu.memref_slice %arg5[%arg0, %mul3A_796, %dma_wait3A_802] : memref<2x10240x16xf32, #tpu.memory_space<hbm>> -> memref<1x640x16xf32, #tpu.memory_space<hbm>>
    %dma_wait3A_804 = tpu.memref_squeeze %dma_wait3A_803 : memref<1x640x16xf32, #tpu.memory_space<hbm>> -> memref<640x16xf32, #tpu.memory_space<hbm>>
    %dma_wait3A_805 = arith.constant 0 : i32
    %dma_wait3A_806 = tpu.memref_slice %arg6[%mul3A_794, %dma_wait3A_805] : memref<10240x16xf32, #tpu.memory_space<vmem_shared>> -> memref<640x16xf32, #tpu.memory_space<vmem_shared>>
    tpu.wait_dma2 semaphore(%arg34 : memref<!tpu.dma_semaphore, #tpu.memory_space<semaphore_mem>>) src(%dma_wait3A_806 : memref<640x16xf32, #tpu.memory_space<vmem_shared>>) dst(%dma_wait3A_804 : memref<640x16xf32, #tpu.memory_space<hbm>>)
    return
  }
}

#map = affine_map<(d0, d1) -> (0, 0, 0)>
#map1 = affine_map<(d0, d1) -> (0)>
module attributes {stable_mosaic.version = 14 : i64} {
  func.func @_deg_body(%arg0: i32, %arg1: i32, %arg2: memref<32x42x128xi32, #tpu.memory_space<hbm>>, %arg3: memref<20480xf32, #tpu.memory_space<hbm>>, %arg4: memref<10240xf32, #tpu.memory_space<vmem_shared>>, %arg5: memref<640xf32, #tpu.memory_space<vmem>>, %arg6: memref<128xf32, #tpu.memory_space<vmem>>, %arg7: memref<42x128xi32, #tpu.memory_space<vmem>>, %arg8: memref<!tpu.dma_semaphore, #tpu.memory_space<semaphore_mem>>, %arg9: memref<!tpu.dma_semaphore, #tpu.memory_space<semaphore_mem>>, %arg10: memref<!tpu.dma_semaphore, #tpu.memory_space<semaphore_mem>>) attributes {dimension_semantics = [#tpu.dimension_semantics<core_parallel>, #tpu.dimension_semantics<subcore_parallel>], iteration_bounds = array<i64: 2, 16>, scalar_prefetch = 0 : i64, scratch_operands = 7 : i64, tpu.core_type = #tpu.core_type<sc_vector_subcore>, window_params = [{transform_indices = #map}, {transform_indices = #map1}]} {
    %mul3A = arith.constant 2 : i32
    %mul3A_0 = arith.muli %arg1, %mul3A : i32
    %add3A = arith.addi %mul3A_0, %arg0 : i32
    %dma_start3A = arith.constant 0 : i32
    %dma_start3A_1 = arith.constant 0 : i32
    %dma_start3A_2 = tpu.memref_slice %arg2[%add3A, %dma_start3A, %dma_start3A_1] : memref<32x42x128xi32, #tpu.memory_space<hbm>> -> memref<1x42x128xi32, #tpu.memory_space<hbm>>
    %dma_start3A_3 = tpu.memref_squeeze %dma_start3A_2 : memref<1x42x128xi32, #tpu.memory_space<hbm>> -> memref<42x128xi32, #tpu.memory_space<hbm>>
    %dma_start3A_4 = arith.constant 0 : i32
    %dma_start3A_5 = arith.constant 0 : i32
    %dma_start3A_6 = tpu.memref_slice %arg2[%add3A, %dma_start3A_4, %dma_start3A_5] : memref<32x42x128xi32, #tpu.memory_space<hbm>> -> memref<1x42x128xi32, #tpu.memory_space<hbm>>
    %dma_start3A_7 = tpu.memref_squeeze %dma_start3A_6 : memref<1x42x128xi32, #tpu.memory_space<hbm>> -> memref<42x128xi32, #tpu.memory_space<hbm>>
    tpu.enqueue_dma source(%dma_start3A_7 : memref<42x128xi32, #tpu.memory_space<hbm>>) target(%arg7 : memref<42x128xi32, #tpu.memory_space<vmem>>) target_semaphore(%arg8 : memref<!tpu.dma_semaphore, #tpu.memory_space<semaphore_mem>>)
    %broadcast_in_dim3A = arith.constant 0.000000e+00 : f32
    %broadcast_in_dim3A_8 = vector.broadcast %broadcast_in_dim3A : f32 to vector<16xf32>
    %broadcast_in_dim3A_9 = arith.constant 1.000000e+00 : f32
    %broadcast_in_dim3A_10 = vector.broadcast %broadcast_in_dim3A_9 : f32 to vector<16xf32>
    %swap3A = arith.constant 0 : index
    %swap3A_11 = tpu.vector_load %arg5[%swap3A] {strides = array<i32>} : memref<640xf32, #tpu.memory_space<vmem>>, vector<16xf32>,
    %swap3A_12 = vector.shape_cast %swap3A_11 : vector<16xf32> to vector<16xf32>
    %swap3A_13 = vector.shape_cast %broadcast_in_dim3A_8 : vector<16xf32> to vector<16xf32>
    tpu.vector_store %arg5[%swap3A], %swap3A_13 {strides = array<i32>} : memref<640xf32, #tpu.memory_space<vmem>>, vector<16xf32>,
    %swap3A_14 = arith.constant 16 : index
    %swap3A_15 = tpu.vector_load %arg5[%swap3A_14] {strides = array<i32>} : memref<640xf32, #tpu.memory_space<vmem>>, vector<16xf32>,
    %swap3A_16 = vector.shape_cast %swap3A_15 : vector<16xf32> to vector<16xf32>
    %swap3A_17 = vector.shape_cast %broadcast_in_dim3A_8 : vector<16xf32> to vector<16xf32>
    tpu.vector_store %arg5[%swap3A_14], %swap3A_17 {strides = array<i32>} : memref<640xf32, #tpu.memory_space<vmem>>, vector<16xf32>,
    %swap3A_18 = arith.constant 32 : index
    %swap3A_19 = tpu.vector_load %arg5[%swap3A_18] {strides = array<i32>} : memref<640xf32, #tpu.memory_space<vmem>>, vector<16xf32>,
    %swap3A_20 = vector.shape_cast %swap3A_19 : vector<16xf32> to vector<16xf32>
    %swap3A_21 = vector.shape_cast %broadcast_in_dim3A_8 : vector<16xf32> to vector<16xf32>
    tpu.vector_store %arg5[%swap3A_18], %swap3A_21 {strides = array<i32>} : memref<640xf32, #tpu.memory_space<vmem>>, vector<16xf32>,
    %swap3A_22 = arith.constant 48 : index
    %swap3A_23 = tpu.vector_load %arg5[%swap3A_22] {strides = array<i32>} : memref<640xf32, #tpu.memory_space<vmem>>, vector<16xf32>,
    %swap3A_24 = vector.shape_cast %swap3A_23 : vector<16xf32> to vector<16xf32>
    %swap3A_25 = vector.shape_cast %broadcast_in_dim3A_8 : vector<16xf32> to vector<16xf32>
    tpu.vector_store %arg5[%swap3A_22], %swap3A_25 {strides = array<i32>} : memref<640xf32, #tpu.memory_space<vmem>>, vector<16xf32>,
    %swap3A_26 = arith.constant 64 : index
    %swap3A_27 = tpu.vector_load %arg5[%swap3A_26] {strides = array<i32>} : memref<640xf32, #tpu.memory_space<vmem>>, vector<16xf32>,
    %swap3A_28 = vector.shape_cast %swap3A_27 : vector<16xf32> to vector<16xf32>
    %swap3A_29 = vector.shape_cast %broadcast_in_dim3A_8 : vector<16xf32> to vector<16xf32>
    tpu.vector_store %arg5[%swap3A_26], %swap3A_29 {strides = array<i32>} : memref<640xf32, #tpu.memory_space<vmem>>, vector<16xf32>,
    %swap3A_30 = arith.constant 80 : index
    %swap3A_31 = tpu.vector_load %arg5[%swap3A_30] {strides = array<i32>} : memref<640xf32, #tpu.memory_space<vmem>>, vector<16xf32>,
    %swap3A_32 = vector.shape_cast %swap3A_31 : vector<16xf32> to vector<16xf32>
    %swap3A_33 = vector.shape_cast %broadcast_in_dim3A_8 : vector<16xf32> to vector<16xf32>
    tpu.vector_store %arg5[%swap3A_30], %swap3A_33 {strides = array<i32>} : memref<640xf32, #tpu.memory_space<vmem>>, vector<16xf32>,
    %swap3A_34 = arith.constant 96 : index
    %swap3A_35 = tpu.vector_load %arg5[%swap3A_34] {strides = array<i32>} : memref<640xf32, #tpu.memory_space<vmem>>, vector<16xf32>,
    %swap3A_36 = vector.shape_cast %swap3A_35 : vector<16xf32> to vector<16xf32>
    %swap3A_37 = vector.shape_cast %broadcast_in_dim3A_8 : vector<16xf32> to vector<16xf32>
    tpu.vector_store %arg5[%swap3A_34], %swap3A_37 {strides = array<i32>} : memref<640xf32, #tpu.memory_space<vmem>>, vector<16xf32>,
    %swap3A_38 = arith.constant 112 : index
    %swap3A_39 = tpu.vector_load %arg5[%swap3A_38] {strides = array<i32>} : memref<640xf32, #tpu.memory_space<vmem>>, vector<16xf32>,
    %swap3A_40 = vector.shape_cast %swap3A_39 : vector<16xf32> to vector<16xf32>
    %swap3A_41 = vector.shape_cast %broadcast_in_dim3A_8 : vector<16xf32> to vector<16xf32>
    tpu.vector_store %arg5[%swap3A_38], %swap3A_41 {strides = array<i32>} : memref<640xf32, #tpu.memory_space<vmem>>, vector<16xf32>,
    %swap3A_42 = arith.constant 128 : index
    %swap3A_43 = tpu.vector_load %arg5[%swap3A_42] {strides = array<i32>} : memref<640xf32, #tpu.memory_space<vmem>>, vector<16xf32>,
    %swap3A_44 = vector.shape_cast %swap3A_43 : vector<16xf32> to vector<16xf32>
    %swap3A_45 = vector.shape_cast %broadcast_in_dim3A_8 : vector<16xf32> to vector<16xf32>
    tpu.vector_store %arg5[%swap3A_42], %swap3A_45 {strides = array<i32>} : memref<640xf32, #tpu.memory_space<vmem>>, vector<16xf32>,
    %swap3A_46 = arith.constant 144 : index
    %swap3A_47 = tpu.vector_load %arg5[%swap3A_46] {strides = array<i32>} : memref<640xf32, #tpu.memory_space<vmem>>, vector<16xf32>,
    %swap3A_48 = vector.shape_cast %swap3A_47 : vector<16xf32> to vector<16xf32>
    %swap3A_49 = vector.shape_cast %broadcast_in_dim3A_8 : vector<16xf32> to vector<16xf32>
    tpu.vector_store %arg5[%swap3A_46], %swap3A_49 {strides = array<i32>} : memref<640xf32, #tpu.memory_space<vmem>>, vector<16xf32>,
    %swap3A_50 = arith.constant 160 : index
    %swap3A_51 = tpu.vector_load %arg5[%swap3A_50] {strides = array<i32>} : memref<640xf32, #tpu.memory_space<vmem>>, vector<16xf32>,
    %swap3A_52 = vector.shape_cast %swap3A_51 : vector<16xf32> to vector<16xf32>
    %swap3A_53 = vector.shape_cast %broadcast_in_dim3A_8 : vector<16xf32> to vector<16xf32>
    tpu.vector_store %arg5[%swap3A_50], %swap3A_53 {strides = array<i32>} : memref<640xf32, #tpu.memory_space<vmem>>, vector<16xf32>,
    %swap3A_54 = arith.constant 176 : index
    %swap3A_55 = tpu.vector_load %arg5[%swap3A_54] {strides = array<i32>} : memref<640xf32, #tpu.memory_space<vmem>>, vector<16xf32>,
    %swap3A_56 = vector.shape_cast %swap3A_55 : vector<16xf32> to vector<16xf32>
    %swap3A_57 = vector.shape_cast %broadcast_in_dim3A_8 : vector<16xf32> to vector<16xf32>
    tpu.vector_store %arg5[%swap3A_54], %swap3A_57 {strides = array<i32>} : memref<640xf32, #tpu.memory_space<vmem>>, vector<16xf32>,
    %swap3A_58 = arith.constant 192 : index
    %swap3A_59 = tpu.vector_load %arg5[%swap3A_58] {strides = array<i32>} : memref<640xf32, #tpu.memory_space<vmem>>, vector<16xf32>,
    %swap3A_60 = vector.shape_cast %swap3A_59 : vector<16xf32> to vector<16xf32>
    %swap3A_61 = vector.shape_cast %broadcast_in_dim3A_8 : vector<16xf32> to vector<16xf32>
    tpu.vector_store %arg5[%swap3A_58], %swap3A_61 {strides = array<i32>} : memref<640xf32, #tpu.memory_space<vmem>>, vector<16xf32>,
    %swap3A_62 = arith.constant 208 : index
    %swap3A_63 = tpu.vector_load %arg5[%swap3A_62] {strides = array<i32>} : memref<640xf32, #tpu.memory_space<vmem>>, vector<16xf32>,
    %swap3A_64 = vector.shape_cast %swap3A_63 : vector<16xf32> to vector<16xf32>
    %swap3A_65 = vector.shape_cast %broadcast_in_dim3A_8 : vector<16xf32> to vector<16xf32>
    tpu.vector_store %arg5[%swap3A_62], %swap3A_65 {strides = array<i32>} : memref<640xf32, #tpu.memory_space<vmem>>, vector<16xf32>,
    %swap3A_66 = arith.constant 224 : index
    %swap3A_67 = tpu.vector_load %arg5[%swap3A_66] {strides = array<i32>} : memref<640xf32, #tpu.memory_space<vmem>>, vector<16xf32>,
    %swap3A_68 = vector.shape_cast %swap3A_67 : vector<16xf32> to vector<16xf32>
    %swap3A_69 = vector.shape_cast %broadcast_in_dim3A_8 : vector<16xf32> to vector<16xf32>
    tpu.vector_store %arg5[%swap3A_66], %swap3A_69 {strides = array<i32>} : memref<640xf32, #tpu.memory_space<vmem>>, vector<16xf32>,
    %swap3A_70 = arith.constant 240 : index
    %swap3A_71 = tpu.vector_load %arg5[%swap3A_70] {strides = array<i32>} : memref<640xf32, #tpu.memory_space<vmem>>, vector<16xf32>,
    %swap3A_72 = vector.shape_cast %swap3A_71 : vector<16xf32> to vector<16xf32>
    %swap3A_73 = vector.shape_cast %broadcast_in_dim3A_8 : vector<16xf32> to vector<16xf32>
    tpu.vector_store %arg5[%swap3A_70], %swap3A_73 {strides = array<i32>} : memref<640xf32, #tpu.memory_space<vmem>>, vector<16xf32>,
    %swap3A_74 = arith.constant 256 : index
    %swap3A_75 = tpu.vector_load %arg5[%swap3A_74] {strides = array<i32>} : memref<640xf32, #tpu.memory_space<vmem>>, vector<16xf32>,
    %swap3A_76 = vector.shape_cast %swap3A_75 : vector<16xf32> to vector<16xf32>
    %swap3A_77 = vector.shape_cast %broadcast_in_dim3A_8 : vector<16xf32> to vector<16xf32>
    tpu.vector_store %arg5[%swap3A_74], %swap3A_77 {strides = array<i32>} : memref<640xf32, #tpu.memory_space<vmem>>, vector<16xf32>,
    %swap3A_78 = arith.constant 272 : index
    %swap3A_79 = tpu.vector_load %arg5[%swap3A_78] {strides = array<i32>} : memref<640xf32, #tpu.memory_space<vmem>>, vector<16xf32>,
    %swap3A_80 = vector.shape_cast %swap3A_79 : vector<16xf32> to vector<16xf32>
    %swap3A_81 = vector.shape_cast %broadcast_in_dim3A_8 : vector<16xf32> to vector<16xf32>
    tpu.vector_store %arg5[%swap3A_78], %swap3A_81 {strides = array<i32>} : memref<640xf32, #tpu.memory_space<vmem>>, vector<16xf32>,
    %swap3A_82 = arith.constant 288 : index
    %swap3A_83 = tpu.vector_load %arg5[%swap3A_82] {strides = array<i32>} : memref<640xf32, #tpu.memory_space<vmem>>, vector<16xf32>,
    %swap3A_84 = vector.shape_cast %swap3A_83 : vector<16xf32> to vector<16xf32>
    %swap3A_85 = vector.shape_cast %broadcast_in_dim3A_8 : vector<16xf32> to vector<16xf32>
    tpu.vector_store %arg5[%swap3A_82], %swap3A_85 {strides = array<i32>} : memref<640xf32, #tpu.memory_space<vmem>>, vector<16xf32>,
    %swap3A_86 = arith.constant 304 : index
    %swap3A_87 = tpu.vector_load %arg5[%swap3A_86] {strides = array<i32>} : memref<640xf32, #tpu.memory_space<vmem>>, vector<16xf32>,
    %swap3A_88 = vector.shape_cast %swap3A_87 : vector<16xf32> to vector<16xf32>
    %swap3A_89 = vector.shape_cast %broadcast_in_dim3A_8 : vector<16xf32> to vector<16xf32>
    tpu.vector_store %arg5[%swap3A_86], %swap3A_89 {strides = array<i32>} : memref<640xf32, #tpu.memory_space<vmem>>, vector<16xf32>,
    %swap3A_90 = arith.constant 320 : index
    %swap3A_91 = tpu.vector_load %arg5[%swap3A_90] {strides = array<i32>} : memref<640xf32, #tpu.memory_space<vmem>>, vector<16xf32>,
    %swap3A_92 = vector.shape_cast %swap3A_91 : vector<16xf32> to vector<16xf32>
    %swap3A_93 = vector.shape_cast %broadcast_in_dim3A_8 : vector<16xf32> to vector<16xf32>
    tpu.vector_store %arg5[%swap3A_90], %swap3A_93 {strides = array<i32>} : memref<640xf32, #tpu.memory_space<vmem>>, vector<16xf32>,
    %swap3A_94 = arith.constant 336 : index
    %swap3A_95 = tpu.vector_load %arg5[%swap3A_94] {strides = array<i32>} : memref<640xf32, #tpu.memory_space<vmem>>, vector<16xf32>,
    %swap3A_96 = vector.shape_cast %swap3A_95 : vector<16xf32> to vector<16xf32>
    %swap3A_97 = vector.shape_cast %broadcast_in_dim3A_8 : vector<16xf32> to vector<16xf32>
    tpu.vector_store %arg5[%swap3A_94], %swap3A_97 {strides = array<i32>} : memref<640xf32, #tpu.memory_space<vmem>>, vector<16xf32>,
    %swap3A_98 = arith.constant 352 : index
    %swap3A_99 = tpu.vector_load %arg5[%swap3A_98] {strides = array<i32>} : memref<640xf32, #tpu.memory_space<vmem>>, vector<16xf32>,
    %swap3A_100 = vector.shape_cast %swap3A_99 : vector<16xf32> to vector<16xf32>
    %swap3A_101 = vector.shape_cast %broadcast_in_dim3A_8 : vector<16xf32> to vector<16xf32>
    tpu.vector_store %arg5[%swap3A_98], %swap3A_101 {strides = array<i32>} : memref<640xf32, #tpu.memory_space<vmem>>, vector<16xf32>,
    %swap3A_102 = arith.constant 368 : index
    %swap3A_103 = tpu.vector_load %arg5[%swap3A_102] {strides = array<i32>} : memref<640xf32, #tpu.memory_space<vmem>>, vector<16xf32>,
    %swap3A_104 = vector.shape_cast %swap3A_103 : vector<16xf32> to vector<16xf32>
    %swap3A_105 = vector.shape_cast %broadcast_in_dim3A_8 : vector<16xf32> to vector<16xf32>
    tpu.vector_store %arg5[%swap3A_102], %swap3A_105 {strides = array<i32>} : memref<640xf32, #tpu.memory_space<vmem>>, vector<16xf32>,
    %swap3A_106 = arith.constant 384 : index
    %swap3A_107 = tpu.vector_load %arg5[%swap3A_106] {strides = array<i32>} : memref<640xf32, #tpu.memory_space<vmem>>, vector<16xf32>,
    %swap3A_108 = vector.shape_cast %swap3A_107 : vector<16xf32> to vector<16xf32>
    %swap3A_109 = vector.shape_cast %broadcast_in_dim3A_8 : vector<16xf32> to vector<16xf32>
    tpu.vector_store %arg5[%swap3A_106], %swap3A_109 {strides = array<i32>} : memref<640xf32, #tpu.memory_space<vmem>>, vector<16xf32>,
    %swap3A_110 = arith.constant 400 : index
    %swap3A_111 = tpu.vector_load %arg5[%swap3A_110] {strides = array<i32>} : memref<640xf32, #tpu.memory_space<vmem>>, vector<16xf32>,
    %swap3A_112 = vector.shape_cast %swap3A_111 : vector<16xf32> to vector<16xf32>
    %swap3A_113 = vector.shape_cast %broadcast_in_dim3A_8 : vector<16xf32> to vector<16xf32>
    tpu.vector_store %arg5[%swap3A_110], %swap3A_113 {strides = array<i32>} : memref<640xf32, #tpu.memory_space<vmem>>, vector<16xf32>,
    %swap3A_114 = arith.constant 416 : index
    %swap3A_115 = tpu.vector_load %arg5[%swap3A_114] {strides = array<i32>} : memref<640xf32, #tpu.memory_space<vmem>>, vector<16xf32>,
    %swap3A_116 = vector.shape_cast %swap3A_115 : vector<16xf32> to vector<16xf32>
    %swap3A_117 = vector.shape_cast %broadcast_in_dim3A_8 : vector<16xf32> to vector<16xf32>
    tpu.vector_store %arg5[%swap3A_114], %swap3A_117 {strides = array<i32>} : memref<640xf32, #tpu.memory_space<vmem>>, vector<16xf32>,
    %swap3A_118 = arith.constant 432 : index
    %swap3A_119 = tpu.vector_load %arg5[%swap3A_118] {strides = array<i32>} : memref<640xf32, #tpu.memory_space<vmem>>, vector<16xf32>,
    %swap3A_120 = vector.shape_cast %swap3A_119 : vector<16xf32> to vector<16xf32>
    %swap3A_121 = vector.shape_cast %broadcast_in_dim3A_8 : vector<16xf32> to vector<16xf32>
    tpu.vector_store %arg5[%swap3A_118], %swap3A_121 {strides = array<i32>} : memref<640xf32, #tpu.memory_space<vmem>>, vector<16xf32>,
    %swap3A_122 = arith.constant 448 : index
    %swap3A_123 = tpu.vector_load %arg5[%swap3A_122] {strides = array<i32>} : memref<640xf32, #tpu.memory_space<vmem>>, vector<16xf32>,
    %swap3A_124 = vector.shape_cast %swap3A_123 : vector<16xf32> to vector<16xf32>
    %swap3A_125 = vector.shape_cast %broadcast_in_dim3A_8 : vector<16xf32> to vector<16xf32>
    tpu.vector_store %arg5[%swap3A_122], %swap3A_125 {strides = array<i32>} : memref<640xf32, #tpu.memory_space<vmem>>, vector<16xf32>,
    %swap3A_126 = arith.constant 464 : index
    %swap3A_127 = tpu.vector_load %arg5[%swap3A_126] {strides = array<i32>} : memref<640xf32, #tpu.memory_space<vmem>>, vector<16xf32>,
    %swap3A_128 = vector.shape_cast %swap3A_127 : vector<16xf32> to vector<16xf32>
    %swap3A_129 = vector.shape_cast %broadcast_in_dim3A_8 : vector<16xf32> to vector<16xf32>
    tpu.vector_store %arg5[%swap3A_126], %swap3A_129 {strides = array<i32>} : memref<640xf32, #tpu.memory_space<vmem>>, vector<16xf32>,
    %swap3A_130 = arith.constant 480 : index
    %swap3A_131 = tpu.vector_load %arg5[%swap3A_130] {strides = array<i32>} : memref<640xf32, #tpu.memory_space<vmem>>, vector<16xf32>,
    %swap3A_132 = vector.shape_cast %swap3A_131 : vector<16xf32> to vector<16xf32>
    %swap3A_133 = vector.shape_cast %broadcast_in_dim3A_8 : vector<16xf32> to vector<16xf32>
    tpu.vector_store %arg5[%swap3A_130], %swap3A_133 {strides = array<i32>} : memref<640xf32, #tpu.memory_space<vmem>>, vector<16xf32>,
    %swap3A_134 = arith.constant 496 : index
    %swap3A_135 = tpu.vector_load %arg5[%swap3A_134] {strides = array<i32>} : memref<640xf32, #tpu.memory_space<vmem>>, vector<16xf32>,
    %swap3A_136 = vector.shape_cast %swap3A_135 : vector<16xf32> to vector<16xf32>
    %swap3A_137 = vector.shape_cast %broadcast_in_dim3A_8 : vector<16xf32> to vector<16xf32>
    tpu.vector_store %arg5[%swap3A_134], %swap3A_137 {strides = array<i32>} : memref<640xf32, #tpu.memory_space<vmem>>, vector<16xf32>,
    %swap3A_138 = arith.constant 512 : index
    %swap3A_139 = tpu.vector_load %arg5[%swap3A_138] {strides = array<i32>} : memref<640xf32, #tpu.memory_space<vmem>>, vector<16xf32>,
    %swap3A_140 = vector.shape_cast %swap3A_139 : vector<16xf32> to vector<16xf32>
    %swap3A_141 = vector.shape_cast %broadcast_in_dim3A_8 : vector<16xf32> to vector<16xf32>
    tpu.vector_store %arg5[%swap3A_138], %swap3A_141 {strides = array<i32>} : memref<640xf32, #tpu.memory_space<vmem>>, vector<16xf32>,
    %swap3A_142 = arith.constant 528 : index
    %swap3A_143 = tpu.vector_load %arg5[%swap3A_142] {strides = array<i32>} : memref<640xf32, #tpu.memory_space<vmem>>, vector<16xf32>,
    %swap3A_144 = vector.shape_cast %swap3A_143 : vector<16xf32> to vector<16xf32>
    %swap3A_145 = vector.shape_cast %broadcast_in_dim3A_8 : vector<16xf32> to vector<16xf32>
    tpu.vector_store %arg5[%swap3A_142], %swap3A_145 {strides = array<i32>} : memref<640xf32, #tpu.memory_space<vmem>>, vector<16xf32>,
    %swap3A_146 = arith.constant 544 : index
    %swap3A_147 = tpu.vector_load %arg5[%swap3A_146] {strides = array<i32>} : memref<640xf32, #tpu.memory_space<vmem>>, vector<16xf32>,
    %swap3A_148 = vector.shape_cast %swap3A_147 : vector<16xf32> to vector<16xf32>
    %swap3A_149 = vector.shape_cast %broadcast_in_dim3A_8 : vector<16xf32> to vector<16xf32>
    tpu.vector_store %arg5[%swap3A_146], %swap3A_149 {strides = array<i32>} : memref<640xf32, #tpu.memory_space<vmem>>, vector<16xf32>,
    %swap3A_150 = arith.constant 560 : index
    %swap3A_151 = tpu.vector_load %arg5[%swap3A_150] {strides = array<i32>} : memref<640xf32, #tpu.memory_space<vmem>>, vector<16xf32>,
    %swap3A_152 = vector.shape_cast %swap3A_151 : vector<16xf32> to vector<16xf32>
    %swap3A_153 = vector.shape_cast %broadcast_in_dim3A_8 : vector<16xf32> to vector<16xf32>
    tpu.vector_store %arg5[%swap3A_150], %swap3A_153 {strides = array<i32>} : memref<640xf32, #tpu.memory_space<vmem>>, vector<16xf32>,
    %swap3A_154 = arith.constant 576 : index
    %swap3A_155 = tpu.vector_load %arg5[%swap3A_154] {strides = array<i32>} : memref<640xf32, #tpu.memory_space<vmem>>, vector<16xf32>,
    %swap3A_156 = vector.shape_cast %swap3A_155 : vector<16xf32> to vector<16xf32>
    %swap3A_157 = vector.shape_cast %broadcast_in_dim3A_8 : vector<16xf32> to vector<16xf32>
    tpu.vector_store %arg5[%swap3A_154], %swap3A_157 {strides = array<i32>} : memref<640xf32, #tpu.memory_space<vmem>>, vector<16xf32>,
    %swap3A_158 = arith.constant 592 : index
    %swap3A_159 = tpu.vector_load %arg5[%swap3A_158] {strides = array<i32>} : memref<640xf32, #tpu.memory_space<vmem>>, vector<16xf32>,
    %swap3A_160 = vector.shape_cast %swap3A_159 : vector<16xf32> to vector<16xf32>
    %swap3A_161 = vector.shape_cast %broadcast_in_dim3A_8 : vector<16xf32> to vector<16xf32>
    tpu.vector_store %arg5[%swap3A_158], %swap3A_161 {strides = array<i32>} : memref<640xf32, #tpu.memory_space<vmem>>, vector<16xf32>,
    %swap3A_162 = arith.constant 608 : index
    %swap3A_163 = tpu.vector_load %arg5[%swap3A_162] {strides = array<i32>} : memref<640xf32, #tpu.memory_space<vmem>>, vector<16xf32>,
    %swap3A_164 = vector.shape_cast %swap3A_163 : vector<16xf32> to vector<16xf32>
    %swap3A_165 = vector.shape_cast %broadcast_in_dim3A_8 : vector<16xf32> to vector<16xf32>
    tpu.vector_store %arg5[%swap3A_162], %swap3A_165 {strides = array<i32>} : memref<640xf32, #tpu.memory_space<vmem>>, vector<16xf32>,
    %swap3A_166 = arith.constant 624 : index
    %swap3A_167 = tpu.vector_load %arg5[%swap3A_166] {strides = array<i32>} : memref<640xf32, #tpu.memory_space<vmem>>, vector<16xf32>,
    %swap3A_168 = vector.shape_cast %swap3A_167 : vector<16xf32> to vector<16xf32>
    %swap3A_169 = vector.shape_cast %broadcast_in_dim3A_8 : vector<16xf32> to vector<16xf32>
    tpu.vector_store %arg5[%swap3A_166], %swap3A_169 {strides = array<i32>} : memref<640xf32, #tpu.memory_space<vmem>>, vector<16xf32>,
    %swap3A_170 = arith.constant 0 : index
    %swap3A_171 = tpu.vector_load %arg6[%swap3A_170] {strides = array<i32>} : memref<128xf32, #tpu.memory_space<vmem>>, vector<16xf32>,
    %swap3A_172 = vector.shape_cast %swap3A_171 : vector<16xf32> to vector<16xf32>
    %swap3A_173 = vector.shape_cast %broadcast_in_dim3A_10 : vector<16xf32> to vector<16xf32>
    tpu.vector_store %arg6[%swap3A_170], %swap3A_173 {strides = array<i32>} : memref<128xf32, #tpu.memory_space<vmem>>, vector<16xf32>,
    %swap3A_174 = arith.constant 16 : index
    %swap3A_175 = tpu.vector_load %arg6[%swap3A_174] {strides = array<i32>} : memref<128xf32, #tpu.memory_space<vmem>>, vector<16xf32>,
    %swap3A_176 = vector.shape_cast %swap3A_175 : vector<16xf32> to vector<16xf32>
    %swap3A_177 = vector.shape_cast %broadcast_in_dim3A_10 : vector<16xf32> to vector<16xf32>
    tpu.vector_store %arg6[%swap3A_174], %swap3A_177 {strides = array<i32>} : memref<128xf32, #tpu.memory_space<vmem>>, vector<16xf32>,
    %swap3A_178 = arith.constant 32 : index
    %swap3A_179 = tpu.vector_load %arg6[%swap3A_178] {strides = array<i32>} : memref<128xf32, #tpu.memory_space<vmem>>, vector<16xf32>,
    %swap3A_180 = vector.shape_cast %swap3A_179 : vector<16xf32> to vector<16xf32>
    %swap3A_181 = vector.shape_cast %broadcast_in_dim3A_10 : vector<16xf32> to vector<16xf32>
    tpu.vector_store %arg6[%swap3A_178], %swap3A_181 {strides = array<i32>} : memref<128xf32, #tpu.memory_space<vmem>>, vector<16xf32>,
    %swap3A_182 = arith.constant 48 : index
    %swap3A_183 = tpu.vector_load %arg6[%swap3A_182] {strides = array<i32>} : memref<128xf32, #tpu.memory_space<vmem>>, vector<16xf32>,
    %swap3A_184 = vector.shape_cast %swap3A_183 : vector<16xf32> to vector<16xf32>
    %swap3A_185 = vector.shape_cast %broadcast_in_dim3A_10 : vector<16xf32> to vector<16xf32>
    tpu.vector_store %arg6[%swap3A_182], %swap3A_185 {strides = array<i32>} : memref<128xf32, #tpu.memory_space<vmem>>, vector<16xf32>,
    %swap3A_186 = arith.constant 64 : index
    %swap3A_187 = tpu.vector_load %arg6[%swap3A_186] {strides = array<i32>} : memref<128xf32, #tpu.memory_space<vmem>>, vector<16xf32>,
    %swap3A_188 = vector.shape_cast %swap3A_187 : vector<16xf32> to vector<16xf32>
    %swap3A_189 = vector.shape_cast %broadcast_in_dim3A_10 : vector<16xf32> to vector<16xf32>
    tpu.vector_store %arg6[%swap3A_186], %swap3A_189 {strides = array<i32>} : memref<128xf32, #tpu.memory_space<vmem>>, vector<16xf32>,
    %swap3A_190 = arith.constant 80 : index
    %swap3A_191 = tpu.vector_load %arg6[%swap3A_190] {strides = array<i32>} : memref<128xf32, #tpu.memory_space<vmem>>, vector<16xf32>,
    %swap3A_192 = vector.shape_cast %swap3A_191 : vector<16xf32> to vector<16xf32>
    %swap3A_193 = vector.shape_cast %broadcast_in_dim3A_10 : vector<16xf32> to vector<16xf32>
    tpu.vector_store %arg6[%swap3A_190], %swap3A_193 {strides = array<i32>} : memref<128xf32, #tpu.memory_space<vmem>>, vector<16xf32>,
    %swap3A_194 = arith.constant 96 : index
    %swap3A_195 = tpu.vector_load %arg6[%swap3A_194] {strides = array<i32>} : memref<128xf32, #tpu.memory_space<vmem>>, vector<16xf32>,
    %swap3A_196 = vector.shape_cast %swap3A_195 : vector<16xf32> to vector<16xf32>
    %swap3A_197 = vector.shape_cast %broadcast_in_dim3A_10 : vector<16xf32> to vector<16xf32>
    tpu.vector_store %arg6[%swap3A_194], %swap3A_197 {strides = array<i32>} : memref<128xf32, #tpu.memory_space<vmem>>, vector<16xf32>,
    %swap3A_198 = arith.constant 112 : index
    %swap3A_199 = tpu.vector_load %arg6[%swap3A_198] {strides = array<i32>} : memref<128xf32, #tpu.memory_space<vmem>>, vector<16xf32>,
    %swap3A_200 = vector.shape_cast %swap3A_199 : vector<16xf32> to vector<16xf32>
    %swap3A_201 = vector.shape_cast %broadcast_in_dim3A_10 : vector<16xf32> to vector<16xf32>
    tpu.vector_store %arg6[%swap3A_198], %swap3A_201 {strides = array<i32>} : memref<128xf32, #tpu.memory_space<vmem>>, vector<16xf32>,
    %mul3A_202 = arith.constant 640 : i32
    %mul3A_203 = arith.muli %arg1, %mul3A_202 : i32
    "tpu.region"() ({
      %run_scoped3A = tpu.sem_alloc : memref<!tpu.dma_semaphore, #tpu.memory_space<semaphore_mem>>
      %dma_start3A_234 = tpu.memref_slice %arg4[%mul3A_203] : memref<10240xf32, #tpu.memory_space<vmem_shared>> -> memref<640xf32, #tpu.memory_space<vmem_shared>>
      %dma_start3A_235 = tpu.memref_slice %arg4[%mul3A_203] : memref<10240xf32, #tpu.memory_space<vmem_shared>> -> memref<640xf32, #tpu.memory_space<vmem_shared>>
      tpu.enqueue_dma source(%arg5 : memref<640xf32, #tpu.memory_space<vmem>>) target(%dma_start3A_235 : memref<640xf32, #tpu.memory_space<vmem_shared>>) target_semaphore(%run_scoped3A : memref<!tpu.dma_semaphore, #tpu.memory_space<semaphore_mem>>)
      %dma_wait3A_236 = tpu.memref_slice %arg4[%mul3A_203] : memref<10240xf32, #tpu.memory_space<vmem_shared>> -> memref<640xf32, #tpu.memory_space<vmem_shared>>
      %dma_wait3A_237 = tpu.memref_slice %arg4[%mul3A_203] : memref<10240xf32, #tpu.memory_space<vmem_shared>> -> memref<640xf32, #tpu.memory_space<vmem_shared>>
      tpu.wait_dma2 semaphore(%run_scoped3A : memref<!tpu.dma_semaphore, #tpu.memory_space<semaphore_mem>>) src(%arg5 : memref<640xf32, #tpu.memory_space<vmem>>) dst(%dma_wait3A_237 : memref<640xf32, #tpu.memory_space<vmem_shared>>)
      tpu.yield
    }) : () -> ()
    %dma_wait3A = arith.constant 0 : i32
    %dma_wait3A_204 = arith.constant 0 : i32
    %dma_wait3A_205 = tpu.memref_slice %arg2[%add3A, %dma_wait3A, %dma_wait3A_204] : memref<32x42x128xi32, #tpu.memory_space<hbm>> -> memref<1x42x128xi32, #tpu.memory_space<hbm>>
    %dma_wait3A_206 = tpu.memref_squeeze %dma_wait3A_205 : memref<1x42x128xi32, #tpu.memory_space<hbm>> -> memref<42x128xi32, #tpu.memory_space<hbm>>
    %dma_wait3A_207 = arith.constant 0 : i32
    %dma_wait3A_208 = arith.constant 0 : i32
    %dma_wait3A_209 = tpu.memref_slice %arg2[%add3A, %dma_wait3A_207, %dma_wait3A_208] : memref<32x42x128xi32, #tpu.memory_space<hbm>> -> memref<1x42x128xi32, #tpu.memory_space<hbm>>
    %dma_wait3A_210 = tpu.memref_squeeze %dma_wait3A_209 : memref<1x42x128xi32, #tpu.memory_space<hbm>> -> memref<42x128xi32, #tpu.memory_space<hbm>>
    tpu.wait_dma2 semaphore(%arg8 : memref<!tpu.dma_semaphore, #tpu.memory_space<semaphore_mem>>) src(%dma_wait3A_210 : memref<42x128xi32, #tpu.memory_space<hbm>>) dst(%arg7 : memref<42x128xi32, #tpu.memory_space<vmem>>)
    %barrier3A = arith.constant 0 : index
    tpu.barrier barrier_id(%barrier3A)
    %scan3A = arith.constant 0 : i32
    %scan3A_211 = arith.constant 0 : i32
    %scan3A_212 = arith.constant 42 : i32
    %scan3A_213 = arith.addi %scan3A_211, %scan3A_212 : i32
    %scan3A_214 = arith.constant 1 : i32
    scf.for %scan3A_234 = %scan3A_211 to %scan3A_213 step %scan3A_214  : i32 {
      %dma_start3A_235 = arith.constant 0 : i32
      %dma_start3A_236 = tpu.memref_slice %arg7[%scan3A_234, %dma_start3A_235] : memref<42x128xi32, #tpu.memory_space<vmem>> -> memref<1x128xi32, #tpu.memory_space<vmem>>
      %dma_start3A_237 = tpu.memref_squeeze %dma_start3A_236 : memref<1x128xi32, #tpu.memory_space<vmem>> -> memref<128xi32, #tpu.memory_space<vmem>>
      %dma_start3A_238 = arith.constant 0 : i32
      %dma_start3A_239 = tpu.memref_slice %arg4[%dma_start3A_238] : memref<10240xf32, #tpu.memory_space<vmem_shared>> -> memref<10240xf32, #tpu.memory_space<vmem_shared>>
      tpu.enqueue_indirect_dma source(%arg6 : memref<128xf32, #tpu.memory_space<vmem>>) target(%dma_start3A_239 : memref<10240xf32, #tpu.memory_space<vmem_shared>>) offsets(%dma_start3A_237 : memref<128xi32, #tpu.memory_space<vmem>>) semaphore(%arg9 : memref<!tpu.dma_semaphore, #tpu.memory_space<semaphore_mem>>) {add = true}
    }
    %scan3A_215 = arith.constant 42 : i32
    %scan3A_216 = arith.constant 0 : i32
    %scan3A_217 = arith.constant 0 : i32
    %scan3A_218 = arith.constant 42 : i32
    %scan3A_219 = arith.addi %scan3A_217, %scan3A_218 : i32
    %scan3A_220 = arith.constant 1 : i32
    scf.for %scan3A_234 = %scan3A_217 to %scan3A_219 step %scan3A_220  : i32 {
      %dma_wait3A_235 = arith.constant 0 : i32
      %dma_wait3A_236 = tpu.memref_slice %arg7[%scan3A_234, %dma_wait3A_235] : memref<42x128xi32, #tpu.memory_space<vmem>> -> memref<1x128xi32, #tpu.memory_space<vmem>>
      %dma_wait3A_237 = tpu.memref_squeeze %dma_wait3A_236 : memref<1x128xi32, #tpu.memory_space<vmem>> -> memref<128xi32, #tpu.memory_space<vmem>>
      %dma_wait3A_238 = arith.constant 0 : i32
      %dma_wait3A_239 = tpu.memref_slice %arg4[%dma_wait3A_238] : memref<10240xf32, #tpu.memory_space<vmem_shared>> -> memref<10240xf32, #tpu.memory_space<vmem_shared>>
      tpu.wait_indirect_dma semaphore(%arg9 : memref<!tpu.dma_semaphore, #tpu.memory_space<semaphore_mem>>) src(%arg6 : memref<128xf32, #tpu.memory_space<vmem>>) dst(%dma_wait3A_239 : memref<10240xf32, #tpu.memory_space<vmem_shared>>)
    }
    %scan3A_221 = arith.constant 42 : i32
    %barrier3A_222 = arith.constant 0 : index
    tpu.barrier barrier_id(%barrier3A_222)
    %mul3A_223 = arith.constant 640 : i32
    %mul3A_224 = arith.muli %arg1, %mul3A_223 : i32
    %mul3A_225 = arith.constant 10240 : i32
    %mul3A_226 = arith.muli %arg0, %mul3A_225 : i32
    %mul3A_227 = arith.constant 640 : i32
    %mul3A_228 = arith.muli %arg1, %mul3A_227 : i32
    %add3A_229 = arith.addi %mul3A_226, %mul3A_228 : i32
    %dma_start3A_230 = tpu.memref_slice %arg3[%add3A_229] : memref<20480xf32, #tpu.memory_space<hbm>> -> memref<640xf32, #tpu.memory_space<hbm>>
    %dma_start3A_231 = tpu.memref_slice %arg4[%mul3A_224] : memref<10240xf32, #tpu.memory_space<vmem_shared>> -> memref<640xf32, #tpu.memory_space<vmem_shared>>
    tpu.enqueue_dma source(%dma_start3A_231 : memref<640xf32, #tpu.memory_space<vmem_shared>>) target(%dma_start3A_230 : memref<640xf32, #tpu.memory_space<hbm>>) target_semaphore(%arg10 : memref<!tpu.dma_semaphore, #tpu.memory_space<semaphore_mem>>)
    %dma_wait3A_232 = tpu.memref_slice %arg3[%add3A_229] : memref<20480xf32, #tpu.memory_space<hbm>> -> memref<640xf32, #tpu.memory_space<hbm>>
    %dma_wait3A_233 = tpu.memref_slice %arg4[%mul3A_224] : memref<10240xf32, #tpu.memory_space<vmem_shared>> -> memref<640xf32, #tpu.memory_space<vmem_shared>>
    tpu.wait_dma2 semaphore(%arg10 : memref<!tpu.dma_semaphore, #tpu.memory_space<semaphore_mem>>) src(%dma_wait3A_233 : memref<640xf32, #tpu.memory_space<vmem_shared>>) dst(%dma_wait3A_232 : memref<640xf32, #tpu.memory_space<hbm>>)
    return
  }
}

module attributes {stable_mosaic.version = 14 : i64} {
  func.func @_mm1_body(%arg0: i32, %arg1: memref<2048x767xf32, #tpu.memory_space<vmem>>, %arg2: memref<767x16xf32, #tpu.memory_space<vmem>>, %arg3: memref<20480xf32, #tpu.memory_space<vmem>>, %arg4: memref<2560x8xf32, #tpu.memory_space<vmem>>, %arg5: memref<8x128xf32, #tpu.memory_space<vmem>>, %arg6: memref<2048x16xf32, #tpu.memory_space<vmem>>, %arg7: memref<1280x128xf32, #tpu.memory_space<vmem>>) attributes {dimension_semantics = [#tpu.dimension_semantics<arbitrary>], iteration_bounds = array<i64: 5>, scalar_prefetch = 0 : i64, scratch_operands = 0 : i64, tpu.core_type = #tpu.core_type<tc>, window_params = [{transform_indices = @transform_0, window_bounds = array<i64: 2048, 767>}, {pipeline_mode = #tpu.pipeline_mode<synchronous>, transform_indices = @transform_1, window_bounds = array<i64: 767, 16>}, {pipeline_mode = #tpu.pipeline_mode<synchronous>, transform_indices = @transform_2, window_bounds = array<i64: 20480>}, {pipeline_mode = #tpu.pipeline_mode<synchronous>, transform_indices = @transform_3, window_bounds = array<i64: 2560, 8>}, {pipeline_mode = #tpu.pipeline_mode<synchronous>, transform_indices = @transform_4, window_bounds = array<i64: 8, 128>}, {transform_indices = @transform_5, window_bounds = array<i64: 2048, 16>}, {pipeline_mode = #tpu.pipeline_mode<synchronous>, transform_indices = @transform_6, window_bounds = array<i64: 1280, 128>}]} {
    %get3A = arith.constant 0 : index
    %get3A_0 = arith.constant 0 : index
    %get3A_1 = vector.load %arg1[%get3A, %get3A_0] : memref<2048x767xf32, #tpu.memory_space<vmem>>, vector<2048x767xf32>
    %get3A_2 = arith.constant 0 : index
    %get3A_3 = arith.constant 0 : index
    %get3A_4 = vector.load %arg2[%get3A_2, %get3A_3] : memref<767x16xf32, #tpu.memory_space<vmem>>, vector<767x16xf32>
    %dot_general3A = arith.constant dense<0.000000e+00> : vector<2048x16xf32>
    %dot_general3A_5 = tpu.matmul %get3A_1, %get3A_4, %dot_general3A {dimension_numbers = #tpu.dot_dimension_numbers<[1], [0], [0], [1], [0, 0, 1, 1], [], []>, transpose_lhs_hint = false} : vector<2048x767xf32>, vector<767x16xf32>, vector<2048x16xf32> -> vector<2048x16xf32>
    %mul3A = arith.constant 2048 : i32
    %mul3A_6 = arith.muli %arg0, %mul3A : i32
    %get3A_7 = arith.index_cast %mul3A_6 : i32 to index
    %get3A_8 = vector.load %arg3[%get3A_7] : memref<20480xf32, #tpu.memory_space<vmem>>, vector<2048xf32>
    %add3A = arith.constant 10240 : i32
    %add3A_9 = arith.addi %add3A, %mul3A_6 : i32
    %get3A_10 = arith.index_cast %add3A_9 : i32 to index
    %get3A_11 = vector.load %arg3[%get3A_10] : memref<20480xf32, #tpu.memory_space<vmem>>, vector<2048xf32>
    %add3A_12 = arith.addf %get3A_8, %get3A_11 : vector<2048xf32>
    %gt3A = arith.constant 0.000000e+00 : f32
    %gt3A_13 = vector.broadcast %gt3A : f32 to vector<2048xf32>
    %gt3A_14 = arith.cmpf ogt, %add3A_12, %gt3A_13 : vector<2048xf32>
    %rsqrt3A = math.rsqrt %add3A_12 : vector<2048xf32>
    %jit3A = arith.constant 0.000000e+00 : f32
    %broadcast_in_dim3A = vector.broadcast %jit3A : f32 to vector<2048xf32>
    %select_n3A = arith.select %gt3A_14, %rsqrt3A, %broadcast_in_dim3A : vector<2048xi1>, vector<2048xf32>
    %broadcast_in_dim3A_15 = vector.shape_cast %select_n3A : vector<2048xf32> to vector<2048x1xf32>
    %mul3A_16 = vector.broadcast %broadcast_in_dim3A_15 : vector<2048x1xf32> to vector<2048x16xf32>
    %mul3A_17 = arith.mulf %dot_general3A_5, %mul3A_16 : vector<2048x16xf32>
    %swap3A = arith.constant 0 : index
    %swap3A_18 = arith.constant 0 : index
    %swap3A_19 = vector.load %arg6[%swap3A, %swap3A_18] : memref<2048x16xf32, #tpu.memory_space<vmem>>, vector<2048x16xf32>
    tpu.vector_store %arg6[%swap3A, %swap3A_18], %mul3A_17 {strides = array<i32>} : memref<2048x16xf32, #tpu.memory_space<vmem>>, vector<2048x16xf32>,
    %eq3A = arith.constant 0 : i32
    %eq3A_20 = arith.cmpi eq, %arg0, %eq3A : i32
    %convert_element_type3A = arith.extui %eq3A_20 : i1 to i32
    %cond3A = arith.constant 0 : i32
    %cond3A_21 = arith.cmpi ne, %convert_element_type3A, %cond3A : i32
    scf.if %cond3A_21 {
      %get3A_22 = arith.constant 0 : index
      %get3A_23 = arith.constant 0 : index
      %get3A_24 = vector.load %arg4[%get3A_22, %get3A_23] : memref<2560x8xf32, #tpu.memory_space<vmem>>, vector<1280x8xf32>
      %get3A_25 = arith.constant 1280 : index
      %get3A_26 = arith.constant 0 : index
      %get3A_27 = vector.load %arg4[%get3A_25, %get3A_26] : memref<2560x8xf32, #tpu.memory_space<vmem>>, vector<1280x8xf32>
      %add3A_28 = arith.addf %get3A_24, %get3A_27 : vector<1280x8xf32>
      %get3A_29 = arith.constant 0 : index
      %get3A_30 = arith.constant 0 : index
      %get3A_31 = vector.load %arg5[%get3A_29, %get3A_30] : memref<8x128xf32, #tpu.memory_space<vmem>>, vector<8x128xf32>
      %dot_general3A_32 = arith.constant dense<0.000000e+00> : vector<1280x128xf32>
      %dot_general3A_33 = tpu.matmul %add3A_28, %get3A_31, %dot_general3A_32 {dimension_numbers = #tpu.dot_dimension_numbers<[1], [0], [0], [1], [0, 0, 1, 1], [], []>, transpose_lhs_hint = false} : vector<1280x8xf32>, vector<8x128xf32>, vector<1280x128xf32> -> vector<1280x128xf32>
      %gt3A_34 = arith.constant 0.000000e+00 : f32
      %gt3A_35 = vector.broadcast %gt3A_34 : f32 to vector<1280x128xf32>
      %gt3A_36 = arith.cmpf ogt, %dot_general3A_33, %gt3A_35 : vector<1280x128xf32>
      %rsqrt3A_37 = math.rsqrt %dot_general3A_33 : vector<1280x128xf32>
      %jit3A_38 = arith.constant 0.000000e+00 : f32
      %broadcast_in_dim3A_39 = vector.broadcast %jit3A_38 : f32 to vector<1280x128xf32>
      %select_n3A_40 = arith.select %gt3A_36, %rsqrt3A_37, %broadcast_in_dim3A_39 : vector<1280x128xi1>, vector<1280x128xf32>
      %swap3A_41 = arith.constant 0 : index
      %swap3A_42 = arith.constant 0 : index
      %swap3A_43 = vector.load %arg7[%swap3A_41, %swap3A_42] : memref<1280x128xf32, #tpu.memory_space<vmem>>, vector<1280x128xf32>
      tpu.vector_store %arg7[%swap3A_41, %swap3A_42], %select_n3A_40 {strides = array<i32>} : memref<1280x128xf32, #tpu.memory_space<vmem>>, vector<1280x128xf32>,
    } else {
    }
    return
  }
  func.func @transform_0(%arg0: i32) -> (i32, i32) {
    %c0_i32 = arith.constant 0 : i32
    %c0_i32_0 = arith.constant 0 : i32
    return %arg0, %c0_i32 : i32, i32
  }
  func.func @transform_1(%arg0: i32) -> (i32, i32) {
    %c0_i32 = arith.constant 0 : i32
    %c0_i32_0 = arith.constant 0 : i32
    %c0_i32_1 = arith.constant 0 : i32
    return %c0_i32, %c0_i32_0 : i32, i32
  }
  func.func @transform_2(%arg0: i32) -> i32 {
    %c0_i32 = arith.constant 0 : i32
    %c0_i32_0 = arith.constant 0 : i32
    return %c0_i32 : i32
  }
  func.func @transform_3(%arg0: i32) -> (i32, i32) {
    %c0_i32 = arith.constant 0 : i32
    %c0_i32_0 = arith.constant 0 : i32
    %c0_i32_1 = arith.constant 0 : i32
    return %c0_i32, %c0_i32_0 : i32, i32
  }
  func.func @transform_4(%arg0: i32) -> (i32, i32) {
    %c0_i32 = arith.constant 0 : i32
    %c0_i32_0 = arith.constant 0 : i32
    %c0_i32_1 = arith.constant 0 : i32
    return %c0_i32, %c0_i32_0 : i32, i32
  }
  func.func @transform_5(%arg0: i32) -> (i32, i32) {
    %c0_i32 = arith.constant 0 : i32
    %c0_i32_0 = arith.constant 0 : i32
    return %arg0, %c0_i32 : i32, i32
  }
  func.func @transform_6(%arg0: i32) -> (i32, i32) {
    %c0_i32 = arith.constant 0 : i32
    %c0_i32_0 = arith.constant 0 : i32
    %c0_i32_1 = arith.constant 0 : i32
    return %c0_i32, %c0_i32_0 : i32, i32
  }
}

module attributes {stable_mosaic.version = 14 : i64} {
  func.func @_mm2_body(%arg0: memref<2x1280x128xf32, #tpu.memory_space<vmem>>, %arg1: memref<1280x128xf32, #tpu.memory_space<vmem>>, %arg2: memref<128x128xf32, #tpu.memory_space<vmem>>, %arg3: memref<1x128xf32, #tpu.memory_space<vmem>>, %arg4: memref<1280x128xf32, #tpu.memory_space<vmem>>) attributes {dimension_semantics = [], scalar_prefetch = 0 : i64, scratch_operands = 0 : i64, tpu.core_type = #tpu.core_type<tc>} {
    %get3A = arith.constant 0 : index
    %get3A_0 = arith.constant 0 : index
    %get3A_1 = vector.load %arg1[%get3A, %get3A_0] : memref<1280x128xf32, #tpu.memory_space<vmem>>, vector<1280x128xf32>
    %get3A_2 = arith.constant 0 : index
    %get3A_3 = arith.constant 0 : index
    %get3A_4 = arith.constant 0 : index
    %get3A_5 = vector.load %arg0[%get3A_2, %get3A_3, %get3A_4] : memref<2x1280x128xf32, #tpu.memory_space<vmem>>, vector<1x1280x128xf32>
    %get3A_6 = vector.shape_cast %get3A_5 : vector<1x1280x128xf32> to vector<1280x128xf32>
    %get3A_7 = arith.constant 1 : index
    %get3A_8 = arith.constant 0 : index
    %get3A_9 = arith.constant 0 : index
    %get3A_10 = vector.load %arg0[%get3A_7, %get3A_8, %get3A_9] : memref<2x1280x128xf32, #tpu.memory_space<vmem>>, vector<1x1280x128xf32>
    %get3A_11 = vector.shape_cast %get3A_10 : vector<1x1280x128xf32> to vector<1280x128xf32>
    %add3A = arith.addf %get3A_6, %get3A_11 : vector<1280x128xf32>
    %mul3A = arith.mulf %add3A, %get3A_1 : vector<1280x128xf32>
    %get3A_12 = arith.constant 0 : index
    %get3A_13 = arith.constant 0 : index
    %get3A_14 = vector.load %arg3[%get3A_12, %get3A_13] : memref<1x128xf32, #tpu.memory_space<vmem>>, vector<1x128xf32>
    %get3A_15 = vector.shape_cast %get3A_14 : vector<1x128xf32> to vector<128xf32>
    %broadcast_in_dim3A = vector.shape_cast %get3A_15 : vector<128xf32> to vector<1x128xf32>
    %add3A_16 = vector.broadcast %broadcast_in_dim3A : vector<1x128xf32> to vector<1280x128xf32>
    %add3A_17 = arith.addf %mul3A, %add3A_16 : vector<1280x128xf32>
    %max3A = arith.constant 0.000000e+00 : f32
    %max3A_18 = vector.broadcast %max3A : f32 to vector<1280x128xf32>
    %max3A_19 = arith.maximumf %add3A_17, %max3A_18 : vector<1280x128xf32>
    %get3A_20 = arith.constant 0 : index
    %get3A_21 = arith.constant 0 : index
    %get3A_22 = vector.load %arg2[%get3A_20, %get3A_21] : memref<128x128xf32, #tpu.memory_space<vmem>>, vector<128x128xf32>
    %dot_general3A = arith.constant dense<0.000000e+00> : vector<1280x128xf32>
    %dot_general3A_23 = tpu.matmul %max3A_19, %get3A_22, %dot_general3A {dimension_numbers = #tpu.dot_dimension_numbers<[1], [0], [0], [1], [0, 0, 1, 1], [], []>, transpose_lhs_hint = false} : vector<1280x128xf32>, vector<128x128xf32>, vector<1280x128xf32> -> vector<1280x128xf32>
    %mul3A_24 = arith.mulf %dot_general3A_23, %get3A_1 : vector<1280x128xf32>
    %swap3A = arith.constant 0 : index
    %swap3A_25 = arith.constant 0 : index
    %swap3A_26 = vector.load %arg4[%swap3A, %swap3A_25] : memref<1280x128xf32, #tpu.memory_space<vmem>>, vector<1280x128xf32>
    tpu.vector_store %arg4[%swap3A, %swap3A_25], %mul3A_24 {strides = array<i32>} : memref<1280x128xf32, #tpu.memory_space<vmem>>, vector<1280x128xf32>,
    return
  }
}

module attributes {stable_mosaic.version = 14 : i64} {
  func.func @_post_body(%arg0: memref<2x1280x128xf32, #tpu.memory_space<vmem>>, %arg1: memref<1280x128xf32, #tpu.memory_space<vmem>>, %arg2: memref<1x128xf32, #tpu.memory_space<vmem>>, %arg3: memref<1280x128xf32, #tpu.memory_space<vmem>>) attributes {dimension_semantics = [], scalar_prefetch = 0 : i64, scratch_operands = 0 : i64, tpu.core_type = #tpu.core_type<tc>} {
    %get3A = arith.constant 0 : index
    %get3A_0 = arith.constant 0 : index
    %get3A_1 = arith.constant 0 : index
    %get3A_2 = vector.load %arg0[%get3A, %get3A_0, %get3A_1] : memref<2x1280x128xf32, #tpu.memory_space<vmem>>, vector<1x1280x128xf32>
    %get3A_3 = vector.shape_cast %get3A_2 : vector<1x1280x128xf32> to vector<1280x128xf32>
    %get3A_4 = arith.constant 1 : index
    %get3A_5 = arith.constant 0 : index
    %get3A_6 = arith.constant 0 : index
    %get3A_7 = vector.load %arg0[%get3A_4, %get3A_5, %get3A_6] : memref<2x1280x128xf32, #tpu.memory_space<vmem>>, vector<1x1280x128xf32>
    %get3A_8 = vector.shape_cast %get3A_7 : vector<1x1280x128xf32> to vector<1280x128xf32>
    %add3A = arith.addf %get3A_3, %get3A_8 : vector<1280x128xf32>
    %get3A_9 = arith.constant 0 : index
    %get3A_10 = arith.constant 0 : index
    %get3A_11 = vector.load %arg1[%get3A_9, %get3A_10] : memref<1280x128xf32, #tpu.memory_space<vmem>>, vector<1280x128xf32>
    %mul3A = arith.mulf %add3A, %get3A_11 : vector<1280x128xf32>
    %get3A_12 = arith.constant 0 : index
    %get3A_13 = arith.constant 0 : index
    %get3A_14 = vector.load %arg2[%get3A_12, %get3A_13] : memref<1x128xf32, #tpu.memory_space<vmem>>, vector<1x128xf32>
    %get3A_15 = vector.shape_cast %get3A_14 : vector<1x128xf32> to vector<128xf32>
    %broadcast_in_dim3A = vector.shape_cast %get3A_15 : vector<128xf32> to vector<1x128xf32>
    %add3A_16 = vector.broadcast %broadcast_in_dim3A : vector<1x128xf32> to vector<1280x128xf32>
    %add3A_17 = arith.addf %mul3A, %add3A_16 : vector<1280x128xf32>
    %swap3A = arith.constant 0 : index
    %swap3A_18 = arith.constant 0 : index
    %swap3A_19 = vector.load %arg3[%swap3A, %swap3A_18] : memref<1280x128xf32, #tpu.memory_space<vmem>>, vector<1280x128xf32>
    tpu.vector_store %arg3[%swap3A, %swap3A_18], %add3A_17 {strides = array<i32>} : memref<1280x128xf32, #tpu.memory_space<vmem>>, vector<1280x128xf32>,
    return
  }
}

</mosaic_0001>

<sc_bundles>
// kernel: kernel.11.cloned.1.call-start
scs
__scs_entry_jumppad:
0x0: {  	(pc) =	sbr.rel $0x88, $3  }
0x1: {  	(tag) =	ssettag $0x0;
	lr =	simm.s32 $0x1  }
0x2: {  	[smem:$0x3F9B] =	sst lr;
	_ =	strace $0xD0000000  }
0x3: {  	_ = 	snop  }
0x4: {  	_ = 	snop  }
0x5: {  	_ = 	snop  }
0x6: {  	_ = 	snop  }
0x7: {  	_ = 	snop  }
__scs_overlays_trampoline_lowered:
0x8: {  	[smem:$0x3FAA] =	sst s0  }
0x9: {  	[smem:$0x3FAB] =	sst s1  }
0xa: {  	[smem:$0x3FAC] =	sst s2  }
0xb: {  	[smem:$0x3FAD] =	sst s3  }
0xc: {  	[smem:$0x3FAE] =	sst s4  }
0xd: {  	[smem:$0x3FAF] =	sst s5  }
0xe: {  	[smem:$0x3FB0] =	sst s6  }
0xf: {  	[smem:$0x3FB1] =	sst s7  }
0x10: {  	[smem:$0x3FB2] =	sst s8  }
0x11: {  	[smem:$0x3FB3] =	sst s9;
	s0 =	simm.s32 @!p0 $0x0  }
0x12: {  	s1 =	sld [smem:$0x3F99];
	s0 =	simm.s32 @p0 $0x1  }
0x13: {  	[smem:$0x3FB4] =	sst s0;
	s0 =	simm.s32 @!p1 $0x0  }
0x14: {  	s2 =	sld [smem:$0x3F98];
	s0 =	simm.s32 @p1 $0x1  }
0x15: {  	[smem:$0x3FB5] =	sst s0;
	s0 =	simm.s32 @!p2 $0x0  }
0x16: {  	s3 =	sld [smem:$0x3FDB];
	s0 =	simm.s32 @p2 $0x1  }
0x17: {  	s4 =	simm.s32 $0x1BF5;
	[smem:$0x3FB7] =	sst s0  }
0x18: {  	s0 =	sld [smem:$0x3F9A];
	_ =	swait.ge [sflag:s4], $0x0  }
0x19: {  	s7 =	sld [smem:$0x3F9B]  }
0x1a: {  	s8 =	sadd.s32 $0xFFFFE003, lr  }
0x1b: {  	s9 =	sadd.s32 $0xFFFFFEF7, lr;
	s5 =	simm.s32 $0xFFFFFFFF;
	p2 =	slt.u32 s8, $0xFFFFF086  }
0x1c: {  	p1 =	slt.u32 s9, $0xF7A;
	s5 =	simm.s32 @!p2 $0x0  }
0x1d: {  	s5 =	simm.s32 @p1 $0x1;
	p0 =	seq.s32 s7, s2  }
0x1e: {  	s7 =	smul.u32 @!p0 $0xF7A, s2;
	p2 =	seq.s32 @!p0 s5, $0x0  }
0x1f: {  	s9 =	smul.u32 $0xF7A, s1;
	s8 =	simm.s32 @!p0 $0x1BF5;
	p2 =	por !p2, p0  }
0x20: {  	[sflag:s8] =	ssyncset.s32 @!p0 $0xFFFFF086;
	s6 =	sadd.s32 @!p0 s3, s7;
	s7 =	simm.s32 @!p0 $0x108  }
0x21: {  	s3 =	sadd.s32 s3, s9;
	s6 =	sadd.s32 @!p0 $0x88, s6;
	s7 =	simm.s32 @p2 $0x1082  }
0x22: {  	[simem:s7], [sflag:s8] =	dma.local @!p0 [hbm:s6], $0xF7A  }
0x23: {  	s9 =	sor.u32 $0xD0000000, s2;
	s6 =	simm.s32 $0x108;
	_ =	swait.ge @!p0 [sflag:s8], $0x0  }
0x24: {  	s3 =	sadd.s32 $0x88, s3;
	s6 =	simm.s32 @!p1 $0x1082;
	[sflag:s4] =	ssyncset.s32 $0xFFFFF086  }
0x25: {  	[simem:s6], [sflag:s4] =	dma.local [hbm:s3], $0xF7A  }
0x26: {  	[smem:$0x3F9B] =	sst s1;
	(tag) =	ssettag s2;
	_ =	strace s9  }
0x27: {  	s1 =	sld [smem:$0x3FAB]  }
0x28: {  	s2 =	sld [smem:$0x3FAC]  }
0x29: {  	s4 =	sld [smem:$0x3FAE]  }
0x2a: {  	p0 =	seq.s32 s5, $0x0;
	s5 =	sld [smem:$0x3FAF]  }
0x2b: {  	s6 =	sld [smem:$0x3FB0]  }
0x2c: {  	s7 =	sld [smem:$0x3FB1]  }
0x2d: {  	s3 =	simm.s32 $0x108;
	s8 =	sld [smem:$0x3FB2]  }
0x2e: {  	s3 =	simm.s32 @!p0 $0x1082;
	s9 =	sld [smem:$0x3FB3]  }
0x2f: {  	lr =	sadd.s32 s0, s3;
	s0 =	sld [smem:$0x3FAA]  }
0x30: {  	s3 =	sld [smem:$0x3FAD]  }
0x31: {  	[smem:$0x3FB6] =	sst s10  }
0x32: {  	s10 =	sld [smem:$0x3FB4];
	_ =	sdelay $0x3  }
0x33: {  	p0 =	seq.s32 s10, $0x1;
	s10 =	sld [smem:$0x3FB6];
	_ =	sdelay $0x3  }
0x34: {  	[smem:$0x3FB6] =	sst s10  }
0x35: {  	s10 =	sld [smem:$0x3FB5];
	_ =	sdelay $0x3  }
0x36: {  	p1 =	seq.s32 s10, $0x1;
	s10 =	sld [smem:$0x3FB6];
	_ =	sdelay $0x3  }
0x37: {  	[smem:$0x3FB6] =	sst s10  }
0x38: {  	s10 =	sld [smem:$0x3FB7]  }
0x39: {  	_ = 	snop;
	(pc) =	sbr.ind lr, $3  }
0x3a: {  	_ = 	snop  }
0x3b: {  	_ = 	snop  }
0x3c: {  	p2 =	seq.s32 s10, $0x1;
	s10 =	sld [smem:$0x3FB6]  }
0x3d: {  	_ =	shalt  }
0x3e: {  	_ =	shalt  }
0x3f: {  	_ =	shalt  }
0x40: {  	_ =	shalt  }
0x41: {  	_ =	shalt  }
0x42: {  	_ =	shalt  }
0x43: {  	_ =	shalt  }
0x44: {  	_ =	shalt  }
0x45: {  	_ =	shalt  }
0x46: {  	_ =	shalt  }
0x47: {  	_ =	shalt  }
0x48: {  	_ =	shalt  }
0x49: {  	_ =	shalt  }
0x4a: {  	_ =	shalt  }
0x4b: {  	_ =	shalt  }
0x4c: {  	_ =	shalt  }
0x4d: {  	_ =	shalt  }
0x4e: {  	_ =	shalt  }
0x4f: {  	_ =	shalt  }
0x50: {  	_ =	shalt  }
0x51: {  	_ =	shalt  }
0x52: {  	_ =	shalt  }
0x53: {  	_ =	shalt  }
0x54: {  	_ =	shalt  }
0x55: {  	_ =	shalt  }
0x56: {  	_ =	shalt  }
0x57: {  	_ =	shalt  }
0x58: {  	_ =	shalt  }
0x59: {  	_ =	shalt  }
0x5a: {  	_ =	shalt  }
0x5b: {  	_ =	shalt  }
0x5c: {  	_ =	shalt  }
0x5d: {  	_ =	shalt  }
0x5e: {  	_ =	shalt  }
0x5f: {  	_ =	shalt  }
0x60: {  	_ =	shalt  }
0x61: {  	_ =	shalt  }
0x62: {  	_ =	shalt  }
0x63: {  	_ =	shalt  }
0x64: {  	_ =	shalt  }
0x65: {  	_ =	shalt  }
0x66: {  	_ =	shalt  }
0x67: {  	_ =	shalt  }
0x68: {  	_ =	shalt  }
0x69: {  	_ =	shalt  }
0x6a: {  	_ =	shalt  }
0x6b: {  	_ =	shalt  }
0x6c: {  	_ =	shalt  }
0x6d: {  	_ =	shalt  }
0x6e: {  	_ =	shalt  }
0x6f: {  	_ =	shalt  }
0x70: {  	_ =	shalt  }
0x71: {  	_ =	shalt  }
0x72: {  	_ =	shalt  }
0x73: {  	_ =	shalt  }
0x74: {  	_ =	shalt  }
0x75: {  	_ =	shalt  }
0x76: {  	_ =	shalt  }
0x77: {  	_ =	shalt  }
0x78: {  	_ =	shalt  }
0x79: {  	_ =	shalt  }
0x7a: {  	_ =	shalt  }
0x7b: {  	_ =	shalt  }
0x7c: {  	_ =	shalt  }
0x7d: {  	_ =	shalt  }
0x7e: {  	_ =	shalt  }
0x7f: {  	_ =	shalt  }
0x80: {  	_ =	shalt  }
0x81: {  	_ =	shalt  }
0x82: {  	_ =	shalt  }
0x83: {  	_ =	shalt  }
0x84: {  	_ =	shalt  }
0x85: {  	_ =	shalt  }
0x86: {  	_ =	shalt  }
0x87: {  	_ =	shalt  }
.Lfunc_end0:
.L_simem_size_0:
called_computation.1_lowered:
.L_overlay_start_0:
0x88: {  	s2 =	sld [smem:$0x3FD9]  }
0x89: {  	s3 =	sld [smem:$0x3FFE];
	_ =	sdelay $0x1  }
0x8a: {  	s1 =	srdreg.scid  }
0x8b: {  	s0 =	sand.u32 $0x1, s1  }
0x8c: {  	s16 =	sshll.u32 s0, $0xA;
	s2 =	sadd.s32 s3, s2  }
0x8d: {  	s2 =	sadd.s32 s2, s16  }
0x8e: {  	[smem:$0x3FC2] =	sst s2  }
0x8f: {  	_ = 	snop  }
0x90: {  	(tm) =	ssettm $0x1  }
0x91: {  	s17 =	sld [smem:$0x3FFB];
	_ =	sdelay $0x3  }
0x92: {  	_ =	strace s17  }
0x93: {  	s2 =	sld [smem:$0x3FFC];
	_ =	sdelay $0x3  }
0x94: {  	_ =	strace s2  }
0x95: {  	s2 =	sld [smem:$0x3FFD];
	_ =	sdelay $0x3  }
0x96: {  	_ =	strace s2  }
0x97: {  	_ =	strace $0x8FFFFFFF  }
0x98: {  	s18 =	sld [smem:$0x3FDB];
	_ =	sdelay $0x1  }
0x99: {  	s19 =	simm.s32 $_scs_section_size  }
0x9a: {  	s4 =	simm.s32 $_size__tile_overlayer_lowered;
	s5 =	simm.s32 $_tile_overlayer_lowered  }
0x9b: {  	s22 =	simm.s32 $0x1BFF;
	s21 =	sshll.u32 s5, $0x1;
	s2 =	sadd.s32 s19, s18  }
0x9c: {  	s6 =	simm.s32 $0x0;
	s20 =	sshll.u32 s4, $0x1;
	s4 =	sadd.s32 s21, s2  }
0x9d: {  	[timem:s6], [sflag:s22] =	dma.local [hbm:s4], s20  }
0x9e: {  	_ =	swait.ge [sflag:s22], s20  }
0x9f: {  	s3 =	ssub.s32 $0x0, s20;
	[sflag:s22] =	ssyncset.done $0x0  }
0xa0: {  	[sflag:s22] =	ssyncadd.s32 s3;
	_ =	sdelay $0x1  }
0xa1: {  	s23 =	simm.s32 $0x1B8B  }
0xa2: {  	_ =	swait.ge [sflag:s23], $0x1  }
0xa3: {  	[sflag:s23] =	ssyncset.done $0x0  }
0xa4: {  	s25 =	simm.s32 $0x1B8E;
	s24 =	sld [smem:$0x3FFE];
	[sflag:s23] =	ssyncadd.s32 $0xFFFFFFFF  }
0xa5: {  	s26 =	simm.s32 $execute0_lowered;
	[smem:$0x3FD2] =	sst s25  }
0xa6: {  	s4 =	sshll.u32 s26, $0x1;
	_ =	strace $0x80000049;
	[dreg:$0x1] =	wrdreg $0xFFFFFFFF  }
0xa7: {  	s28 =	simm.s32 $_size_execute0_lowered;
	s2 =	sadd.s32 s2, s4;
	[dreg:$0x0] =	wrdreg $0x0  }
0xa8: {  	s4 =	sshll.u32 s28, $0x1;
	[dreg:$0x2] =	wrdreg s2  }
0xa9: {  	[dreg:$0x3] =	wrdreg s4  }
0xaa: {  	[dreg:$0x4] =	wrdreg $0xC0  }
0xab: {  	_ =	task [dreg:s6], $0x5FFFF  }
0xac: {  	[dreg:$0x1] =	wrdreg $0xFFFFFFFF  }
0xad: {  	[dreg:$0x0] =	wrdreg $0x60  }
0xae: {  	[dreg:$0x2] =	wrdreg s24  }
0xaf: {  	[dreg:$0x3] =	wrdreg $0x28000  }
0xb0: {  	[dreg:$0x4] =	wrdreg $0x0  }
0xb1: {  	[dreg:$0x5] =	wrdreg $0x9  }
0xb2: {  	_ =	task.clear_ibuf [dreg:s6], $0x6FFFF;
	_ =	strace $0x90000049  }
0xb3: {  	s29 =	simm.s32 $0x9;
	_ =	strace $0x8000004B  }
0xb4: {  	_ =	swait.ge [sflag:s29], $0x1  }
0xb5: {  	[sflag:s29] =	ssyncadd.s32 $0xFFFFFFFF  }
0xb6: {  	_ =	strace $0x9000004B  }
0xb7: {  	_ =	sfence  }
0xb8: {  	s30 =	sld [smem:$0x0];
	_ =	sdelay $0x2  }
0xb9: {  	s31 =	sshll.u32 s1, $0xD;
	s1 =	sshrl.u32 s1, $0x2  }
0xba: {  	s3 =	sand.u32 $0x4000, s31;
	s1 =	sadd.s32 s1, s30  }
0xbb: {  	s0 =	sor.u32 s3, s0;
	s1 =	sshll.u32 s1, $0x11  }
0xbc: {  	s0 =	sor.u32 s1, s0  }
0xbd: {  	s0 =	sadd.s32 $0x8F2B, s0  }
0xbe: {  	[sflag:s0] =	ssyncadd.remote.s32 $0x1  }
0xbf: {  	_ =	sfence.sel $0xFFFF  }
0xc0: {  	[dreg:$0x0] =	wrdreg $0xFFFFFFFF;
	(pc) =	sbr.abs _section_cstart, $3  }
0xc1: {  	[dreg:$0x1] =	wrdreg $0xFFFFFFFF  }
0xc2: {  	_ =	task.clear_ibuf [dreg:s6], $0x2FFFF;
	_ =	strace $0x9FFFFFFF  }
0xc3: {  	(tm) =	ssettm $0x7FFFFFFF  }
tec
execute0_lowered:
.L_overlay_start_1:
0x0: {  	(tag) =	ssettag $0x1  }
0x1: {  	s0 =	rddreg [dreg:$0x0]  }
0x2: {  	s2 =	rddreg [dreg:$0x1]  }
0x3: {  	s3 =	rddreg [dreg:$0x2];
	s9 =	stileid.u32  }
0x4: {  	s1 =	srdreg.scid;
	s7 =	simm.s32 $0x0;
	s29 =	simm.s32 $0x80  }
0x5: {  	s30 =	simm.s32 $0x7E00;
	s31 =	simm.s32 $0x8E00;
	s4 =	smul.u32 $0x2800, s9  }
0x6: {  	s1 =	sand.u32 $0x1, s1;
	s5 =	sshll.u32 s9, $0x1;
	[smem:$0x7FF] =	sst s7  }
0x7: {  	s8 =	smul.u32 $0xA000, s9;
	s9 =	sshll.u32 s9, $0x6;
	s5 =	sor.u32 s1, s5  }
0x8: {  	s6 =	smul.u32 $0x28000, s1;
	_ =	strace $0x8000004A;
	s1 =	ssub.s32 $0x2, s1  }
0x9: {  	[dreg:$0x6] =	wrdreg s9;
	s15 =	sor.u32 $0x1C0F, s9;
	s9 =	simm.s32 $0x3  }
0xa: {  	s10 =	sshrl.u32 s4, $0x3;
	s5 =	smul.u32 $0x2A0, s5;
	s11 =	sshrl.u32 s1, $0x1  }
0xb: {  	s13 =	sadd.s32 s4, s2;
	s14 =	sshrl.u32 s8, $0x2;
	[dreg:$0x8] =	wrdreg s15  }
0xc: {  	s24 =	sadd.s32 s4, s3;
	s7 =	sadd.s32 s10, s0;
	s6 =	sadd.s32 s4, s6  }
0xd: {  	s1 =	ssub.s32 s1, s11;
	s28 =	sshrl.u32 s13, $0x3;
	[dreg:$0x9] =	wrdreg s24  }
0xe: {  	s5 =	sadd.s32 s5, s0;
	s7 =	sadd.s32 $0xC200, s7;
	[dreg:$0x15] =	wrdreg s28  }
0xf: {  	s6 =	sshrl.u32 s6, $0x3;
	s26 =	smax.u32 s1, $0x1;
	[dreg:$0x7] =	wrdreg s7  }
0x10: {  	s0 =	sadd.s32 s6, s0;
	s12 =	sadd.s32 $0x6E00, s5;
	[dreg:$0x14] =	wrdreg s26  }
0x11: {  	s5 =	sadd.s32 $0x1A00, s5;
	s6 =	sadd.s32 s14, s3;
	[dreg:$0x4] =	wrdreg s12  }
0x12: {  	s8 =	simm.s32 $0xA600;
	[dreg:$0x5] =	wrdreg s5;
	s16 =	sadd.s32 $0x400, s6  }
0x13: {  	s15 =	simm.s32 $0x6;
	s17 =	sadd.s32 $0x800, s6;
	[dreg:$0xa] =	wrdreg s16  }
0x14: {  	s4 =	simm.s32 $0x1;
	s18 =	sadd.s32 $0xC00, s6;
	[dreg:$0xb] =	wrdreg s17  }
0x15: {  	s11 =	simm.s32 $0xAE00;
	s19 =	sadd.s32 $0x1000, s6;
	[dreg:$0xc] =	wrdreg s18  }
0x16: {  	s13 =	simm.s32 $0x8;
	s20 =	sadd.s32 $0x1400, s6;
	[dreg:$0xd] =	wrdreg s19  }
0x17: {  	s1 =	simm.s32 $0x9600;
	s21 =	sadd.s32 $0x1800, s6;
	[dreg:$0xe] =	wrdreg s20  }
0x18: {  	s26 =	simm.s32 $0x10;
	s22 =	sadd.s32 $0x1C00, s6;
	[dreg:$0xf] =	wrdreg s21  }
0x19: {  	s14 =	simm.s32 $0x5;
	s23 =	sadd.s32 $0x2000, s6;
	[dreg:$0x10] =	wrdreg s22  }
0x1a: {  	s7 =	simm.s32 $0xD;
	s25 =	sadd.s32 $0x2400, s6;
	[dreg:$0x11] =	wrdreg s23  }
0x1b: {  	s0 =	sadd.s32 $0x11200, s0;
	s5 =	simm.s32 $0x9E00;
	[dreg:$0x12] =	wrdreg s25  }
0x1c: {  	s6 =	simm.s32 $0x2;
	s12 =	simm.s32 $0x4;
	[dreg:$0x13] =	wrdreg s0  }
0x1d: {  	s25 =	simm.s32 $0x5000;
	s0 =	simm.s32 $0x8600;
	s22 =	simm.s32 $0x9  }
0x1e: {  	s23 =	simm.s32 $0xA;
	s16 =	simm.s32 $0x7;
	s17 =	simm.s32 $0xB  }
0x1f: {  	v0 =	vimm.f32 $0.0e+00;
	s18 =	simm.s32 $0xC;
	s19 =	simm.s32 $0xE;
	s21 =	simm.s32 $0x0  }
.LBB2_1:
0x20: {  	s10 =	simm.s32 $0x0;
	s20 =	rddreg [dreg:$0x4];
	s28 =	simm.s32 $0x5400  }
0x21: {  	[tilespmem:s28], [sflag:$0xF] =	stream.linear.gather [hbm4b:s20+s10], $0x1500, $0x38;
	[tilespmem:$0xB600] =	vst v63  }
0x22: {  	s20 =	rddreg [dreg:$0x5];
	s28 =	simm.s32 $0x6900  }
0x23: {  	[tilespmem:s28], [sflag:$0xF] =	stream.linear.gather [hbm4b:s20+s10], $0x1500, $0x38;
	[tilespmem:$0xB600] =	vst v63  }
0x24: {  	s10 =	rddreg [dreg:$0x7]  }
0x25: {  	s20 =	rddreg [dreg:$0x8]  }
0x26: {  	s28 =	rddreg [dreg:$0x15]  }
0x27: {  	[spmem:s28], [sflag:s20] =	dma.local [hbm:s10], $0x500;
	[tilespmem:$0x5000] =	vst v0  }
0x28: {  	[tilespmem:$0x5010] =	vst v0  }
0x29: {  	[tilespmem:$0x5020] =	vst v0  }
0x2a: {  	[tilespmem:$0x5030] =	vst v0  }
0x2b: {  	[tilespmem:$0x5040] =	vst v0  }
0x2c: {  	[tilespmem:$0x5050] =	vst v0  }
0x2d: {  	[tilespmem:$0x5060] =	vst v0  }
0x2e: {  	[tilespmem:$0x5070] =	vst v0  }
0x2f: {  	[tilespmem:$0x5080] =	vst v0  }
0x30: {  	[tilespmem:$0x5090] =	vst v0  }
0x31: {  	[tilespmem:$0x50A0] =	vst v0  }
0x32: {  	[tilespmem:$0x50B0] =	vst v0  }
0x33: {  	[tilespmem:$0x50C0] =	vst v0  }
0x34: {  	[tilespmem:$0x50D0] =	vst v0  }
0x35: {  	[tilespmem:$0x50E0] =	vst v0  }
0x36: {  	[tilespmem:$0x50F0] =	vst v0  }
0x37: {  	[tilespmem:$0x5100] =	vst v0  }
0x38: {  	[tilespmem:$0x5110] =	vst v0  }
0x39: {  	[tilespmem:$0x5120] =	vst v0  }
0x3a: {  	[tilespmem:$0x5130] =	vst v0  }
0x3b: {  	[tilespmem:$0x5140] =	vst v0  }
0x3c: {  	[tilespmem:$0x5150] =	vst v0  }
0x3d: {  	[tilespmem:$0x5160] =	vst v0  }
0x3e: {  	[tilespmem:$0x5170] =	vst v0  }
0x3f: {  	[tilespmem:$0x5180] =	vst v0  }
0x40: {  	[tilespmem:$0x5190] =	vst v0  }
0x41: {  	[tilespmem:$0x51A0] =	vst v0  }
0x42: {  	[tilespmem:$0x51B0] =	vst v0  }
0x43: {  	[tilespmem:$0x51C0] =	vst v0  }
0x44: {  	[tilespmem:$0x51D0] =	vst v0  }
0x45: {  	[tilespmem:$0x51E0] =	vst v0  }
0x46: {  	[tilespmem:$0x51F0] =	vst v0  }
0x47: {  	[tilespmem:$0x5200] =	vst v0  }
0x48: {  	[tilespmem:$0x5210] =	vst v0  }
0x49: {  	[tilespmem:$0x5220] =	vst v0  }
0x4a: {  	[tilespmem:$0x5230] =	vst v0  }
0x4b: {  	[tilespmem:$0x5240] =	vst v0  }
0x4c: {  	[tilespmem:$0x5250] =	vst v0  }
0x4d: {  	[tilespmem:$0x5260] =	vst v0  }
0x4e: {  	[tilespmem:$0x5270] =	vst v0  }
0x4f: {  	[tilespmem:$0x5280] =	vst v0  }
0x50: {  	[tilespmem:$0x5290] =	vst v0  }
0x51: {  	[tilespmem:$0x52A0] =	vst v0  }
0x52: {  	[tilespmem:$0x52B0] =	vst v0  }
0x53: {  	[tilespmem:$0x52C0] =	vst v0  }
0x54: {  	[tilespmem:$0x52D0] =	vst v0  }
0x55: {  	[tilespmem:$0x52E0] =	vst v0  }
0x56: {  	[tilespmem:$0x52F0] =	vst v0  }
0x57: {  	[tilespmem:$0x5300] =	vst v0  }
0x58: {  	[tilespmem:$0x5310] =	vst v0  }
0x59: {  	[tilespmem:$0x5320] =	vst v0  }
0x5a: {  	[tilespmem:$0x5330] =	vst v0  }
0x5b: {  	[tilespmem:$0x5340] =	vst v0  }
0x5c: {  	[tilespmem:$0x5350] =	vst v0  }
0x5d: {  	[tilespmem:$0x5360] =	vst v0  }
0x5e: {  	[tilespmem:$0x5370] =	vst v0  }
0x5f: {  	[tilespmem:$0x5380] =	vst v0  }
0x60: {  	[tilespmem:$0x5390] =	vst v0  }
0x61: {  	[tilespmem:$0x53A0] =	vst v0  }
0x62: {  	[tilespmem:$0x53B0] =	vst v0  }
0x63: {  	[tilespmem:$0x53C0] =	vst v0  }
0x64: {  	[tilespmem:$0x53D0] =	vst v0  }
0x65: {  	[tilespmem:$0x53E0] =	vst v0  }
0x66: {  	[tilespmem:$0x53F0] =	vst v0  }
0x67: {  	[spmem:s24] =	stream.linear.scatter [tilespmem:s25], [sflag:$0x10], $0x400, $0x38;
	[tilespmem:$0xB600] =	vst v63  }
0x68: {  	s10 =	rddreg [dreg:$0xa]  }
0x69: {  	[spmem:s10] =	stream.linear.scatter [tilespmem:s25], [sflag:$0x10], $0x400, $0x38;
	[tilespmem:$0xB600] =	vst v63  }
0x6a: {  	s20 =	rddreg [dreg:$0xb]  }
0x6b: {  	[spmem:s20] =	stream.linear.scatter [tilespmem:s25], [sflag:$0x10], $0x400, $0x38;
	[tilespmem:$0xB600] =	vst v63  }
0x6c: {  	s24 =	rddreg [dreg:$0xc]  }
0x6d: {  	[spmem:s24] =	stream.linear.scatter [tilespmem:s25], [sflag:$0x10], $0x400, $0x38;
	[tilespmem:$0xB600] =	vst v63  }
0x6e: {  	s28 =	rddreg [dreg:$0xd]  }
0x6f: {  	[spmem:s28] =	stream.linear.scatter [tilespmem:s25], [sflag:$0x10], $0x400, $0x38;
	[tilespmem:$0xB600] =	vst v63  }
0x70: {  	s20 =	rddreg [dreg:$0xe]  }
0x71: {  	[spmem:s20] =	stream.linear.scatter [tilespmem:s25], [sflag:$0x10], $0x400, $0x38;
	[tilespmem:$0xB600] =	vst v63  }
0x72: {  	s24 =	rddreg [dreg:$0xf]  }
0x73: {  	[spmem:s24] =	stream.linear.scatter [tilespmem:s25], [sflag:$0x10], $0x400, $0x38;
	[tilespmem:$0xB600] =	vst v63  }
0x74: {  	s28 =	rddreg [dreg:$0x10]  }
0x75: {  	[spmem:s28] =	stream.linear.scatter [tilespmem:s25], [sflag:$0x10], $0x400, $0x38;
	[tilespmem:$0xB600] =	vst v63  }
0x76: {  	s20 =	rddreg [dreg:$0x11]  }
0x77: {  	[spmem:s20] =	stream.linear.scatter [tilespmem:s25], [sflag:$0x10], $0x400, $0x38;
	[tilespmem:$0xB600] =	vst v63  }
0x78: {  	s24 =	rddreg [dreg:$0x12]  }
0x79: {  	[spmem:s24] =	stream.linear.scatter [tilespmem:s25], [sflag:$0x10], $0x400, $0x38;
	[tilespmem:$0xB600] =	vst v63  }
0x7a: {  	_ =	swait.ge [sflag:s26], $0x400  }
0x7b: {  	[sflag:s26] =	ssyncset.done $0x0  }
0x7c: {  	[sflag:s26] =	ssyncadd.s32 $0xFFFFFC00  }
0x7d: {  	_ =	swait.ge [sflag:s26], $0x400  }
0x7e: {  	[sflag:s26] =	ssyncset.done $0x0  }
0x7f: {  	[sflag:s26] =	ssyncadd.s32 $0xFFFFFC00  }
0x80: {  	_ =	swait.ge [sflag:s26], $0x400  }
0x81: {  	[sflag:s26] =	ssyncset.done $0x0  }
0x82: {  	[sflag:s26] =	ssyncadd.s32 $0xFFFFFC00  }
0x83: {  	_ =	swait.ge [sflag:s26], $0x400  }
0x84: {  	[sflag:s26] =	ssyncset.done $0x0  }
0x85: {  	[sflag:s26] =	ssyncadd.s32 $0xFFFFFC00  }
0x86: {  	_ =	swait.ge [sflag:s26], $0x400  }
0x87: {  	[sflag:s26] =	ssyncset.done $0x0  }
0x88: {  	[sflag:s26] =	ssyncadd.s32 $0xFFFFFC00  }
0x89: {  	_ =	swait.ge [sflag:s26], $0x400  }
0x8a: {  	[sflag:s26] =	ssyncset.done $0x0  }
0x8b: {  	[sflag:s26] =	ssyncadd.s32 $0xFFFFFC00  }
0x8c: {  	_ =	swait.ge [sflag:s26], $0x400  }
0x8d: {  	[sflag:s26] =	ssyncset.done $0x0  }
0x8e: {  	[sflag:s26] =	ssyncadd.s32 $0xFFFFFC00  }
0x8f: {  	_ =	swait.ge [sflag:s26], $0x400  }
0x90: {  	[sflag:s26] =	ssyncset.done $0x0  }
0x91: {  	[sflag:s26] =	ssyncadd.s32 $0xFFFFFC00  }
0x92: {  	_ =	swait.ge [sflag:s26], $0x400  }
0x93: {  	[sflag:s26] =	ssyncset.done $0x0  }
0x94: {  	[sflag:s26] =	ssyncadd.s32 $0xFFFFFC00  }
0x95: {  	_ =	swait.ge [sflag:s26], $0x400  }
0x96: {  	[sflag:s26] =	ssyncset.done $0x0  }
0x97: {  	s28 =	simm.s32 $0xF;
	[sflag:s26] =	ssyncadd.s32 $0xFFFFFC00  }
0x98: {  	_ =	swait.ge [sflag:s28], $0x1500  }
0x99: {  	[sflag:s28] =	ssyncset.done $0x0  }
0x9a: {  	[sflag:s28] =	ssyncadd.s32 $0xFFFFEB00  }
0x9b: {  	_ =	swait.ge [sflag:s28], $0x1500  }
0x9c: {  	[sflag:s28] =	ssyncset.done $0x0  }
0x9d: {  	[sflag:s28] =	ssyncadd.s32 $0xFFFFEB00  }
0x9e: {  	_ =	swait.ge [sflag:s28], $0x500  }
0x9f: {  	[sflag:s28] =	ssyncset.done $0x0  }
0xa0: {  	[sflag:s28] =	ssyncadd.s32 $0xFFFFFB00  }
0xa1: {  	s20 =	simm.s32 $0x5400;
	[bflag:$0x0] =	sbarrier.arrive $0xFFFF  }
0xa2: {  	[tilespmem:s30], [sflag:$0x1] =	stream.indirect.gather [spmem:s2], $0x10, s20, s29, $0xb8;
	[tilespmem:$0xB600] =	vst v63  }
0xa3: {  	s24 =	simm.s32 $0x5480  }
0xa4: {  	[tilespmem:s0], [sflag:$0x2] =	stream.indirect.gather [spmem:s2], $0x10, s24, s29, $0xb8;
	[tilespmem:$0xB600] =	vst v63  }
0xa5: {  	s28 =	simm.s32 $0x5500  }
0xa6: {  	[tilespmem:s31], [sflag:$0x3] =	stream.indirect.gather [spmem:s2], $0x10, s28, s29, $0xb8;
	[tilespmem:$0xB600] =	vst v63  }
0xa7: {  	s20 =	simm.s32 $0x5580  }
0xa8: {  	[tilespmem:s1], [sflag:$0x4] =	stream.indirect.gather [spmem:s2], $0x10, s20, s29, $0xb8;
	[tilespmem:$0xB600] =	vst v63  }
0xa9: {  	_ =	swait.ge [sflag:s4], $0x800  }
0xaa: {  	[sflag:s4] =	ssyncset.done $0x0  }
0xab: {  	s24 =	simm.s32 $0x6900;
	[sflag:s4] =	ssyncadd.s32 $0xFFFFF800  }
0xac: {  	[spmem:s3] =	stream.indirect.scatter.add.f32 [tilespmem:s30], [sflag:$0x8], $0x10, s24, s29, $0xb8;
	[tilespmem:$0xB600] =	vst v63  }
0xad: {  	s28 =	simm.s32 $0x5600  }
0xae: {  	[tilespmem:s5], [sflag:$0x5] =	stream.indirect.gather [spmem:s2], $0x10, s28, s29, $0xb8;
	[tilespmem:$0xB600] =	vst v63  }
0xaf: {  	_ =	swait.ge [sflag:s6], $0x800  }
0xb0: {  	[sflag:s6] =	ssyncset.done $0x0  }
0xb1: {  	s20 =	simm.s32 $0x6980;
	[sflag:s6] =	ssyncadd.s32 $0xFFFFF800  }
0xb2: {  	[spmem:s3] =	stream.indirect.scatter.add.f32 [tilespmem:s0], [sflag:$0x9], $0x10, s20, s29, $0xb8;
	[tilespmem:$0xB600] =	vst v63  }
0xb3: {  	s24 =	simm.s32 $0x5680  }
0xb4: {  	[tilespmem:s8], [sflag:$0x6] =	stream.indirect.gather [spmem:s2], $0x10, s24, s29, $0xb8;
	[tilespmem:$0xB600] =	vst v63  }
0xb5: {  	_ =	swait.ge [sflag:s9], $0x800  }
0xb6: {  	[sflag:s9] =	ssyncset.done $0x0  }
0xb7: {  	s28 =	simm.s32 $0x6A00;
	[sflag:s9] =	ssyncadd.s32 $0xFFFFF800  }
0xb8: {  	[spmem:s3] =	stream.indirect.scatter.add.f32 [tilespmem:s31], [sflag:$0xA], $0x10, s28, s29, $0xb8;
	[tilespmem:$0xB600] =	vst v63  }
0xb9: {  	s20 =	simm.s32 $0x5700  }
0xba: {  	[tilespmem:s11], [sflag:$0x7] =	stream.indirect.gather [spmem:s2], $0x10, s20, s29, $0xb8;
	[tilespmem:$0xB600] =	vst v63  }
0xbb: {  	_ =	swait.ge [sflag:s12], $0x800  }
0xbc: {  	[sflag:s12] =	ssyncset.done $0x0  }
0xbd: {  	s24 =	simm.s32 $0x6A80;
	[sflag:s12] =	ssyncadd.s32 $0xFFFFF800  }
0xbe: {  	[spmem:s3] =	stream.indirect.scatter.add.f32 [tilespmem:s1], [sflag:$0xB], $0x10, s24, s29, $0xb8;
	[tilespmem:$0xB600] =	vst v63  }
0xbf: {  	_ =	swait.ge [sflag:s13], $0x800  }
0xc0: {  	[sflag:s13] =	ssyncset.done $0x0  }
0xc1: {  	s28 =	simm.s32 $0x5780;
	[sflag:s13] =	ssyncadd.s32 $0xFFFFF800  }
0xc2: {  	[tilespmem:s30], [sflag:$0x1] =	stream.indirect.gather [spmem:s2], $0x10, s28, s29, $0xb8;
	[tilespmem:$0xB600] =	vst v63  }
0xc3: {  	_ =	swait.ge [sflag:s14], $0x800  }
0xc4: {  	[sflag:s14] =	ssyncset.done $0x0  }
0xc5: {  	s10 =	simm.s32 $0x6B00;
	[sflag:s14] =	ssyncadd.s32 $0xFFFFF800  }
0xc6: {  	[spmem:s3] =	stream.indirect.scatter.add.f32 [tilespmem:s5], [sflag:$0xC], $0x10, s10, s29, $0xb8;
	[tilespmem:$0xB600] =	vst v63  }
0xc7: {  	_ =	swait.ge [sflag:s22], $0x800  }
0xc8: {  	[sflag:s22] =	ssyncset.done $0x0  }
0xc9: {  	s24 =	simm.s32 $0x5800;
	[sflag:s22] =	ssyncadd.s32 $0xFFFFF800  }
0xca: {  	[tilespmem:s0], [sflag:$0x2] =	stream.indirect.gather [spmem:s2], $0x10, s24, s29, $0xb8;
	[tilespmem:$0xB600] =	vst v63  }
0xcb: {  	_ =	swait.ge [sflag:s15], $0x800  }
0xcc: {  	[sflag:s15] =	ssyncset.done $0x0  }
0xcd: {  	s28 =	simm.s32 $0x6B80;
	[sflag:s15] =	ssyncadd.s32 $0xFFFFF800  }
0xce: {  	[spmem:s3] =	stream.indirect.scatter.add.f32 [tilespmem:s8], [sflag:$0xD], $0x10, s28, s29, $0xb8;
	[tilespmem:$0xB600] =	vst v63  }
0xcf: {  	_ =	swait.ge [sflag:s23], $0x800  }
0xd0: {  	[sflag:s23] =	ssyncset.done $0x0  }
0xd1: {  	s10 =	simm.s32 $0x5880;
	[sflag:s23] =	ssyncadd.s32 $0xFFFFF800  }
0xd2: {  	[tilespmem:s31], [sflag:$0x3] =	stream.indirect.gather [spmem:s2], $0x10, s10, s29, $0xb8;
	[tilespmem:$0xB600] =	vst v63  }
0xd3: {  	_ =	swait.ge [sflag:s16], $0x800  }
0xd4: {  	[sflag:s16] =	ssyncset.done $0x0  }
0xd5: {  	s24 =	simm.s32 $0x6C00;
	[sflag:s16] =	ssyncadd.s32 $0xFFFFF800  }
0xd6: {  	[spmem:s3] =	stream.indirect.scatter.add.f32 [tilespmem:s11], [sflag:$0xE], $0x10, s24, s29, $0xb8;
	[tilespmem:$0xB600] =	vst v63  }
0xd7: {  	_ =	swait.ge [sflag:s17], $0x800  }
0xd8: {  	[sflag:s17] =	ssyncset.done $0x0  }
0xd9: {  	s28 =	simm.s32 $0x5900;
	[sflag:s17] =	ssyncadd.s32 $0xFFFFF800  }
0xda: {  	[tilespmem:s1], [sflag:$0x4] =	stream.indirect.gather [spmem:s2], $0x10, s28, s29, $0xb8;
	[tilespmem:$0xB600] =	vst v63  }
0xdb: {  	_ =	swait.ge [sflag:s4], $0x800  }
0xdc: {  	[sflag:s4] =	ssyncset.done $0x0  }
0xdd: {  	s10 =	simm.s32 $0x6C80;
	[sflag:s4] =	ssyncadd.s32 $0xFFFFF800  }
0xde: {  	[spmem:s3] =	stream.indirect.scatter.add.f32 [tilespmem:s30], [sflag:$0x8], $0x10, s10, s29, $0xb8;
	[tilespmem:$0xB600] =	vst v63  }
0xdf: {  	_ =	swait.ge [sflag:s18], $0x800  }
0xe0: {  	[sflag:s18] =	ssyncset.done $0x0  }
0xe1: {  	s24 =	simm.s32 $0x5980;
	[sflag:s18] =	ssyncadd.s32 $0xFFFFF800  }
0xe2: {  	[tilespmem:s5], [sflag:$0x5] =	stream.indirect.gather [spmem:s2], $0x10, s24, s29, $0xb8;
	[tilespmem:$0xB600] =	vst v63  }
0xe3: {  	_ =	swait.ge [sflag:s6], $0x800  }
0xe4: {  	[sflag:s6] =	ssyncset.done $0x0  }
0xe5: {  	s28 =	simm.s32 $0x6D00;
	[sflag:s6] =	ssyncadd.s32 $0xFFFFF800  }
0xe6: {  	[spmem:s3] =	stream.indirect.scatter.add.f32 [tilespmem:s0], [sflag:$0x9], $0x10, s28, s29, $0xb8;
	[tilespmem:$0xB600] =	vst v63  }
0xe7: {  	_ =	swait.ge [sflag:s7], $0x800  }
0xe8: {  	[sflag:s7] =	ssyncset.done $0x0  }
0xe9: {  	s10 =	simm.s32 $0x5A00;
	[sflag:s7] =	ssyncadd.s32 $0xFFFFF800  }
0xea: {  	[tilespmem:s8], [sflag:$0x6] =	stream.indirect.gather [spmem:s2], $0x10, s10, s29, $0xb8;
	[tilespmem:$0xB600] =	vst v63  }
0xeb: {  	_ =	swait.ge [sflag:s9], $0x800  }
0xec: {  	[sflag:s9] =	ssyncset.done $0x0  }
0xed: {  	s24 =	simm.s32 $0x6D80;
	[sflag:s9] =	ssyncadd.s32 $0xFFFFF800  }
0xee: {  	[spmem:s3] =	stream.indirect.scatter.add.f32 [tilespmem:s31], [sflag:$0xA], $0x10, s24, s29, $0xb8;
	[tilespmem:$0xB600] =	vst v63  }
0xef: {  	_ =	swait.ge [sflag:s19], $0x800  }
0xf0: {  	[sflag:s19] =	ssyncset.done $0x0  }
0xf1: {  	s28 =	simm.s32 $0x5A80;
	[sflag:s19] =	ssyncadd.s32 $0xFFFFF800  }
0xf2: {  	[tilespmem:s11], [sflag:$0x7] =	stream.indirect.gather [spmem:s2], $0x10, s28, s29, $0xb8;
	[tilespmem:$0xB600] =	vst v63  }
0xf3: {  	_ =	swait.ge [sflag:s12], $0x800  }
0xf4: {  	[sflag:s12] =	ssyncset.done $0x0  }
0xf5: {  	s20 =	simm.s32 $0x6E00;
	s24 =	simm.s32 $0xE00;
	[sflag:s12] =	ssyncadd.s32 $0xFFFFF800  }
.LBB2_2:
0xf6: {  	[spmem:s3] =	stream.indirect.scatter.add.f32 [tilespmem:s1], [sflag:$0xB], $0x10, s20, s29, $0xb8;
	[tilespmem:$0xB600] =	vst v63  }
0xf7: {  	s20 =	smov.u32 s24  }
0xf8: {  	p0 =	sne.s32 s24, $0x3800;
	s24 =	sadd.s32 $0xE00, s24;
	_ =	swait.ge [sflag:s13], $0x800  }
0xf9: {  	s20 =	sshra.s32 s20, $0x2;
	[sflag:s13] =	ssyncset.done $0x0  }
0xfa: {  	s10 =	sadd.s32 $0x5780, s20;
	[sflag:s13] =	ssyncadd.s32 $0xFFFFF800  }
0xfb: {  	[tilespmem:s30], [sflag:$0x1] =	stream.indirect.gather [spmem:s2], $0x10, s10, s29, $0xb8;
	[tilespmem:$0xB600] =	vst v63  }
0xfc: {  	_ =	swait.ge [sflag:s14], $0x800  }
0xfd: {  	[sflag:s14] =	ssyncset.done $0x0  }
0xfe: {  	s10 =	sadd.s32 $0x6B00, s20;
	[sflag:s14] =	ssyncadd.s32 $0xFFFFF800  }
0xff: {  	[spmem:s3] =	stream.indirect.scatter.add.f32 [tilespmem:s5], [sflag:$0xC], $0x10, s10, s29, $0xb8;
	[tilespmem:$0xB600] =	vst v63  }
0x100: {  	_ =	swait.ge [sflag:s22], $0x800  }
0x101: {  	[sflag:s22] =	ssyncset.done $0x0  }
0x102: {  	s10 =	sadd.s32 $0x5800, s20;
	[sflag:s22] =	ssyncadd.s32 $0xFFFFF800  }
0x103: {  	[tilespmem:s0], [sflag:$0x2] =	stream.indirect.gather [spmem:s2], $0x10, s10, s29, $0xb8;
	[tilespmem:$0xB600] =	vst v63  }
0x104: {  	_ =	swait.ge [sflag:s15], $0x800  }
0x105: {  	[sflag:s15] =	ssyncset.done $0x0  }
0x106: {  	s10 =	sadd.s32 $0x6B80, s20;
	[sflag:s15] =	ssyncadd.s32 $0xFFFFF800  }
0x107: {  	[spmem:s3] =	stream.indirect.scatter.add.f32 [tilespmem:s8], [sflag:$0xD], $0x10, s10, s29, $0xb8;
	[tilespmem:$0xB600] =	vst v63  }
0x108: {  	_ =	swait.ge [sflag:s23], $0x800  }
0x109: {  	[sflag:s23] =	ssyncset.done $0x0  }
0x10a: {  	s10 =	sadd.s32 $0x5880, s20;
	[sflag:s23] =	ssyncadd.s32 $0xFFFFF800  }
0x10b: {  	[tilespmem:s31], [sflag:$0x3] =	stream.indirect.gather [spmem:s2], $0x10, s10, s29, $0xb8;
	[tilespmem:$0xB600] =	vst v63  }
0x10c: {  	_ =	swait.ge [sflag:s16], $0x800  }
0x10d: {  	[sflag:s16] =	ssyncset.done $0x0  }
0x10e: {  	s10 =	sadd.s32 $0x6C00, s20;
	[sflag:s16] =	ssyncadd.s32 $0xFFFFF800  }
0x10f: {  	[spmem:s3] =	stream.indirect.scatter.add.f32 [tilespmem:s11], [sflag:$0xE], $0x10, s10, s29, $0xb8;
	[tilespmem:$0xB600] =	vst v63  }
0x110: {  	_ =	swait.ge [sflag:s17], $0x800  }
0x111: {  	[sflag:s17] =	ssyncset.done $0x0  }
0x112: {  	s10 =	sadd.s32 $0x5900, s20;
	[sflag:s17] =	ssyncadd.s32 $0xFFFFF800  }
0x113: {  	[tilespmem:s1], [sflag:$0x4] =	stream.indirect.gather [spmem:s2], $0x10, s10, s29, $0xb8;
	[tilespmem:$0xB600] =	vst v63  }
0x114: {  	_ =	swait.ge [sflag:s4], $0x800  }
0x115: {  	[sflag:s4] =	ssyncset.done $0x0  }
0x116: {  	s10 =	sadd.s32 $0x6C80, s20;
	[sflag:s4] =	ssyncadd.s32 $0xFFFFF800  }
0x117: {  	[spmem:s3] =	stream.indirect.scatter.add.f32 [tilespmem:s30], [sflag:$0x8], $0x10, s10, s29, $0xb8;
	[tilespmem:$0xB600] =	vst v63  }
0x118: {  	_ =	swait.ge [sflag:s18], $0x800  }
0x119: {  	[sflag:s18] =	ssyncset.done $0x0  }
0x11a: {  	s10 =	sadd.s32 $0x5980, s20;
	[sflag:s18] =	ssyncadd.s32 $0xFFFFF800  }
0x11b: {  	[tilespmem:s5], [sflag:$0x5] =	stream.indirect.gather [spmem:s2], $0x10, s10, s29, $0xb8;
	[tilespmem:$0xB600] =	vst v63  }
0x11c: {  	_ =	swait.ge [sflag:s6], $0x800  }
0x11d: {  	[sflag:s6] =	ssyncset.done $0x0  }
0x11e: {  	s10 =	sadd.s32 $0x6D00, s20;
	[sflag:s6] =	ssyncadd.s32 $0xFFFFF800  }
0x11f: {  	[spmem:s3] =	stream.indirect.scatter.add.f32 [tilespmem:s0], [sflag:$0x9], $0x10, s10, s29, $0xb8;
	[tilespmem:$0xB600] =	vst v63  }
0x120: {  	_ =	swait.ge [sflag:s7], $0x800  }
0x121: {  	[sflag:s7] =	ssyncset.done $0x0  }
0x122: {  	s10 =	sadd.s32 $0x5A00, s20;
	[sflag:s7] =	ssyncadd.s32 $0xFFFFF800  }
0x123: {  	[tilespmem:s8], [sflag:$0x6] =	stream.indirect.gather [spmem:s2], $0x10, s10, s29, $0xb8;
	[tilespmem:$0xB600] =	vst v63  }
0x124: {  	_ =	swait.ge [sflag:s9], $0x800  }
0x125: {  	[sflag:s9] =	ssyncset.done $0x0  }
0x126: {  	s10 =	sadd.s32 $0x6D80, s20;
	[sflag:s9] =	ssyncadd.s32 $0xFFFFF800  }
0x127: {  	[spmem:s3] =	stream.indirect.scatter.add.f32 [tilespmem:s31], [sflag:$0xA], $0x10, s10, s29, $0xb8;
	[tilespmem:$0xB600] =	vst v63  }
0x128: {  	_ =	swait.ge [sflag:s19], $0x800  }
0x129: {  	[sflag:s19] =	ssyncset.done $0x0  }
.Ltmp0:
0x12a: {  	s10 =	sadd.s32 $0x5A80, s20;
	[sflag:s19] =	ssyncadd.s32 $0xFFFFF800;
	(pc) =	sbr.rel @p0 .LBB2_2-.Ltmp0, $4  }
0x12b: {  	[tilespmem:s11], [sflag:$0x7] =	stream.indirect.gather [spmem:s2], $0x10, s10, s29, $0xb8;
	[tilespmem:$0xB600] =	vst v63  }
0x12c: {  	_ =	swait.ge [sflag:s12], $0x800  }
0x12d: {  	[sflag:s12] =	ssyncset.done $0x0  }
0x12e: {  	s20 =	sadd.s32 $0x6E00, s20;
	[sflag:s12] =	ssyncadd.s32 $0xFFFFF800  }
0x12f: {  	[spmem:s3] =	stream.indirect.scatter.add.f32 [tilespmem:s1], [sflag:$0xB], $0x10, s20, s29, $0xb8;
	[tilespmem:$0xB600] =	vst v63  }
0x130: {  	_ =	swait.ge [sflag:s14], $0x800  }
0x131: {  	[sflag:s14] =	ssyncset.done $0x0  }
0x132: {  	s10 =	simm.s32 $0x7C80;
	[sflag:s14] =	ssyncadd.s32 $0xFFFFF800  }
0x133: {  	[spmem:s3] =	stream.indirect.scatter.add.f32 [tilespmem:s5], [sflag:$0xC], $0x10, s10, s29, $0xb8;
	[tilespmem:$0xB600] =	vst v63  }
0x134: {  	_ =	swait.ge [sflag:s15], $0x800  }
0x135: {  	[sflag:s15] =	ssyncset.done $0x0  }
0x136: {  	s28 =	simm.s32 $0x7D00;
	[sflag:s15] =	ssyncadd.s32 $0xFFFFF800  }
0x137: {  	[spmem:s3] =	stream.indirect.scatter.add.f32 [tilespmem:s8], [sflag:$0xD], $0x10, s28, s29, $0xb8;
	[tilespmem:$0xB600] =	vst v63  }
0x138: {  	_ =	swait.ge [sflag:s16], $0x800  }
0x139: {  	[sflag:s16] =	ssyncset.done $0x0  }
0x13a: {  	s20 =	simm.s32 $0x7D80;
	[sflag:s16] =	ssyncadd.s32 $0xFFFFF800  }
0x13b: {  	[spmem:s3] =	stream.indirect.scatter.add.f32 [tilespmem:s11], [sflag:$0xE], $0x10, s20, s29, $0xb8;
	[tilespmem:$0xB600] =	vst v63  }
0x13c: {  	_ =	swait.ge [sflag:s13], $0x800  }
0x13d: {  	[sflag:s13] =	ssyncset.done $0x0  }
0x13e: {  	[sflag:s13] =	ssyncadd.s32 $0xFFFFF800  }
0x13f: {  	_ =	swait.ge [sflag:s22], $0x800  }
0x140: {  	[sflag:s22] =	ssyncset.done $0x0  }
0x141: {  	[sflag:s22] =	ssyncadd.s32 $0xFFFFF800  }
0x142: {  	_ =	swait.ge [sflag:s23], $0x800  }
0x143: {  	[sflag:s23] =	ssyncset.done $0x0  }
0x144: {  	[sflag:s23] =	ssyncadd.s32 $0xFFFFF800  }
0x145: {  	_ =	swait.ge [sflag:s17], $0x800  }
0x146: {  	[sflag:s17] =	ssyncset.done $0x0  }
0x147: {  	[sflag:s17] =	ssyncadd.s32 $0xFFFFF800  }
0x148: {  	_ =	swait.ge [sflag:s18], $0x800  }
0x149: {  	[sflag:s18] =	ssyncset.done $0x0  }
0x14a: {  	[sflag:s18] =	ssyncadd.s32 $0xFFFFF800  }
0x14b: {  	_ =	swait.ge [sflag:s7], $0x800  }
0x14c: {  	[sflag:s7] =	ssyncset.done $0x0  }
0x14d: {  	[sflag:s7] =	ssyncadd.s32 $0xFFFFF800  }
0x14e: {  	_ =	swait.ge [sflag:s19], $0x800  }
0x14f: {  	[sflag:s19] =	ssyncset.done $0x0  }
0x150: {  	[sflag:s19] =	ssyncadd.s32 $0xFFFFF800  }
0x151: {  	[bflag:$0x0] =	sbarrier.arrive $0xFFFF  }
0x152: {  	s24 =	rddreg [dreg:$0x6]  }
0x153: {  	s10 =	sor.u32 $0x1C11, s24;
	s24 =	rddreg [dreg:$0x9]  }
0x154: {  	s28 =	rddreg [dreg:$0x13];
	s20 =	sshrl.u32 s24, $0x3  }
0x155: {  	[hbm:s28], [sflag:s10] =	dma.local [spmem:s20], $0x500  }
0x156: {  	s20 =	simm.s32 $0x11  }
0x157: {  	_ =	swait.ge [sflag:s20], $0x500  }
0x158: {  	s21 =	sadd.s32 $0x1, s21;
	s28 =	rddreg [dreg:$0x14]  }
0x159: {  	p0 =	sne.s32 s21, s28  }
.Ltmp1:
0x15a: {  	_ = 	snop;
	(pc) =	sbr.rel @p0 .LBB2_1-.Ltmp1, $3  }
0x15b: {  	_ =	sdelay $0x1  }
0x15c: {  	[sflag:s20] =	ssyncset.done $0x0  }
0x15d: {  	[sflag:s20] =	ssyncadd.s32 $0xFFFFFB00  }
0x15e: {  	_ =	sfence.sel $0x180000  }
0x15f: {  	[bflag:$0x0] =	sbarrier.arrive $0xFFFF  }
0x160: {  	_ =	strace $0x9000004A  }
0x161: {  	s0 =	stileid.u32;
	[bflag:$0x2] =	sbarrier.arrive $0xFFFF  }
0x162: {  	p0 =	sne.s32 s0, $0x0;
	s0 =	rddreg [dreg:$0x3]  }
0x163: {  	s0 =	sadd.s32 @!p0 $0x100000, s0  }
0x164: {  	[sflag:s0] =	ssyncadd.tile.s32 @!p0 $0x1;
	_ =	shalt  }
.Lfunc_end2:
_tile_overlayer_lowered:
.L_overlay_start_2:
0x165: {  	(tag) =	ssettag $0x2  }
0x166: {  	s0 =	rddreg [dreg:$0x0];
	s2 =	stileid.u32  }
0x167: {  	s1 =	rddreg [dreg:$0x1];
	p0 =	sne.s32 s2, $0x0  }
0x168: {  	s3 =	rddreg [dreg:$0x2];
	[bflag:$0x3] =	sbarrier.arrive $0xFFFF;
	s2 =	simm.s32 @!p0 $0x1C12  }
0x169: {  	[timem:s3], [sflag:s2] =	dma.local @!p0 [hbm:s0], s1  }
0x16a: {  	s0 =	simm.s32 @!p0 $0x12  }
0x16b: {  	_ =	swait.ge @!p0 [sflag:s0], s1  }
0x16c: {  	s1 =	ssub.s32 @!p0 $0x0, s1;
	[sflag:s0] =	ssyncset.done @!p0 $0x0  }
0x16d: {  	[sflag:s0] =	ssyncadd.s32 @!p0 s1  }
0x16e: {  	[bflag:$0x3] =	sbarrier.arrive $0xFFFF  }
0x16f: {  	_ =	shalt  }

// kernel: kernel.14.cloned.1.call-start
scs
__scs_entry_jumppad:
0x0: {  	(pc) =	sbr.rel $0x88, $3  }
0x1: {  	(tag) =	ssettag $0x0;
	lr =	simm.s32 $0x1  }
0x2: {  	[smem:$0x3F9B] =	sst lr;
	_ =	strace $0xD0000000  }
0x3: {  	_ = 	snop  }
0x4: {  	_ = 	snop  }
0x5: {  	_ = 	snop  }
0x6: {  	_ = 	snop  }
0x7: {  	_ = 	snop  }
__scs_overlays_trampoline_lowered:
0x8: {  	[smem:$0x3FAA] =	sst s0  }
0x9: {  	[smem:$0x3FAB] =	sst s1  }
0xa: {  	[smem:$0x3FAC] =	sst s2  }
0xb: {  	[smem:$0x3FAD] =	sst s3  }
0xc: {  	[smem:$0x3FAE] =	sst s4  }
0xd: {  	[smem:$0x3FAF] =	sst s5  }
0xe: {  	[smem:$0x3FB0] =	sst s6  }
0xf: {  	[smem:$0x3FB1] =	sst s7  }
0x10: {  	[smem:$0x3FB2] =	sst s8  }
0x11: {  	[smem:$0x3FB3] =	sst s9;
	s0 =	simm.s32 @!p0 $0x0  }
0x12: {  	s1 =	sld [smem:$0x3F99];
	s0 =	simm.s32 @p0 $0x1  }
0x13: {  	[smem:$0x3FB4] =	sst s0;
	s0 =	simm.s32 @!p1 $0x0  }
0x14: {  	s2 =	sld [smem:$0x3F98];
	s0 =	simm.s32 @p1 $0x1  }
0x15: {  	[smem:$0x3FB5] =	sst s0;
	s0 =	simm.s32 @!p2 $0x0  }
0x16: {  	s3 =	sld [smem:$0x3FDB];
	s0 =	simm.s32 @p2 $0x1  }
0x17: {  	s4 =	simm.s32 $0x1BF5;
	[smem:$0x3FB7] =	sst s0  }
0x18: {  	s0 =	sld [smem:$0x3F9A];
	_ =	swait.ge [sflag:s4], $0x0  }
0x19: {  	s7 =	sld [smem:$0x3F9B]  }
0x1a: {  	s8 =	sadd.s32 $0xFFFFE003, lr  }
0x1b: {  	s9 =	sadd.s32 $0xFFFFFEF7, lr;
	s5 =	simm.s32 $0xFFFFFFFF;
	p2 =	slt.u32 s8, $0xFFFFF086  }
0x1c: {  	p1 =	slt.u32 s9, $0xF7A;
	s5 =	simm.s32 @!p2 $0x0  }
0x1d: {  	s5 =	simm.s32 @p1 $0x1;
	p0 =	seq.s32 s7, s2  }
0x1e: {  	s7 =	smul.u32 @!p0 $0xF7A, s2;
	p2 =	seq.s32 @!p0 s5, $0x0  }
0x1f: {  	s9 =	smul.u32 $0xF7A, s1;
	s8 =	simm.s32 @!p0 $0x1BF5;
	p2 =	por !p2, p0  }
0x20: {  	[sflag:s8] =	ssyncset.s32 @!p0 $0xFFFFF086;
	s6 =	sadd.s32 @!p0 s3, s7;
	s7 =	simm.s32 @!p0 $0x108  }
0x21: {  	s3 =	sadd.s32 s3, s9;
	s6 =	sadd.s32 @!p0 $0x88, s6;
	s7 =	simm.s32 @p2 $0x1082  }
0x22: {  	[simem:s7], [sflag:s8] =	dma.local @!p0 [hbm:s6], $0xF7A  }
0x23: {  	s9 =	sor.u32 $0xD0000000, s2;
	s6 =	simm.s32 $0x108;
	_ =	swait.ge @!p0 [sflag:s8], $0x0  }
0x24: {  	s3 =	sadd.s32 $0x88, s3;
	s6 =	simm.s32 @!p1 $0x1082;
	[sflag:s4] =	ssyncset.s32 $0xFFFFF086  }
0x25: {  	[simem:s6], [sflag:s4] =	dma.local [hbm:s3], $0xF7A  }
0x26: {  	[smem:$0x3F9B] =	sst s1;
	(tag) =	ssettag s2;
	_ =	strace s9  }
0x27: {  	s1 =	sld [smem:$0x3FAB]  }
0x28: {  	s2 =	sld [smem:$0x3FAC]  }
0x29: {  	s4 =	sld [smem:$0x3FAE]  }
0x2a: {  	p0 =	seq.s32 s5, $0x0;
	s5 =	sld [smem:$0x3FAF]  }
0x2b: {  	s6 =	sld [smem:$0x3FB0]  }
0x2c: {  	s7 =	sld [smem:$0x3FB1]  }
0x2d: {  	s3 =	simm.s32 $0x108;
	s8 =	sld [smem:$0x3FB2]  }
0x2e: {  	s3 =	simm.s32 @!p0 $0x1082;
	s9 =	sld [smem:$0x3FB3]  }
0x2f: {  	lr =	sadd.s32 s0, s3;
	s0 =	sld [smem:$0x3FAA]  }
0x30: {  	s3 =	sld [smem:$0x3FAD]  }
0x31: {  	[smem:$0x3FB6] =	sst s10  }
0x32: {  	s10 =	sld [smem:$0x3FB4];
	_ =	sdelay $0x3  }
0x33: {  	p0 =	seq.s32 s10, $0x1;
	s10 =	sld [smem:$0x3FB6];
	_ =	sdelay $0x3  }
0x34: {  	[smem:$0x3FB6] =	sst s10  }
0x35: {  	s10 =	sld [smem:$0x3FB5];
	_ =	sdelay $0x3  }
0x36: {  	p1 =	seq.s32 s10, $0x1;
	s10 =	sld [smem:$0x3FB6];
	_ =	sdelay $0x3  }
0x37: {  	[smem:$0x3FB6] =	sst s10  }
0x38: {  	s10 =	sld [smem:$0x3FB7]  }
0x39: {  	_ = 	snop;
	(pc) =	sbr.ind lr, $3  }
0x3a: {  	_ = 	snop  }
0x3b: {  	_ = 	snop  }
0x3c: {  	p2 =	seq.s32 s10, $0x1;
	s10 =	sld [smem:$0x3FB6]  }
0x3d: {  	_ =	shalt  }
0x3e: {  	_ =	shalt  }
0x3f: {  	_ =	shalt  }
0x40: {  	_ =	shalt  }
0x41: {  	_ =	shalt  }
0x42: {  	_ =	shalt  }
0x43: {  	_ =	shalt  }
0x44: {  	_ =	shalt  }
0x45: {  	_ =	shalt  }
0x46: {  	_ =	shalt  }
0x47: {  	_ =	shalt  }
0x48: {  	_ =	shalt  }
0x49: {  	_ =	shalt  }
0x4a: {  	_ =	shalt  }
0x4b: {  	_ =	shalt  }
0x4c: {  	_ =	shalt  }
0x4d: {  	_ =	shalt  }
0x4e: {  	_ =	shalt  }
0x4f: {  	_ =	shalt  }
0x50: {  	_ =	shalt  }
0x51: {  	_ =	shalt  }
0x52: {  	_ =	shalt  }
0x53: {  	_ =	shalt  }
0x54: {  	_ =	shalt  }
0x55: {  	_ =	shalt  }
0x56: {  	_ =	shalt  }
0x57: {  	_ =	shalt  }
0x58: {  	_ =	shalt  }
0x59: {  	_ =	shalt  }
0x5a: {  	_ =	shalt  }
0x5b: {  	_ =	shalt  }
0x5c: {  	_ =	shalt  }
0x5d: {  	_ =	shalt  }
0x5e: {  	_ =	shalt  }
0x5f: {  	_ =	shalt  }
0x60: {  	_ =	shalt  }
0x61: {  	_ =	shalt  }
0x62: {  	_ =	shalt  }
0x63: {  	_ =	shalt  }
0x64: {  	_ =	shalt  }
0x65: {  	_ =	shalt  }
0x66: {  	_ =	shalt  }
0x67: {  	_ =	shalt  }
0x68: {  	_ =	shalt  }
0x69: {  	_ =	shalt  }
0x6a: {  	_ =	shalt  }
0x6b: {  	_ =	shalt  }
0x6c: {  	_ =	shalt  }
0x6d: {  	_ =	shalt  }
0x6e: {  	_ =	shalt  }
0x6f: {  	_ =	shalt  }
0x70: {  	_ =	shalt  }
0x71: {  	_ =	shalt  }
0x72: {  	_ =	shalt  }
0x73: {  	_ =	shalt  }
0x74: {  	_ =	shalt  }
0x75: {  	_ =	shalt  }
0x76: {  	_ =	shalt  }
0x77: {  	_ =	shalt  }
0x78: {  	_ =	shalt  }
0x79: {  	_ =	shalt  }
0x7a: {  	_ =	shalt  }
0x7b: {  	_ =	shalt  }
0x7c: {  	_ =	shalt  }
0x7d: {  	_ =	shalt  }
0x7e: {  	_ =	shalt  }
0x7f: {  	_ =	shalt  }
0x80: {  	_ =	shalt  }
0x81: {  	_ =	shalt  }
0x82: {  	_ =	shalt  }
0x83: {  	_ =	shalt  }
0x84: {  	_ =	shalt  }
0x85: {  	_ =	shalt  }
0x86: {  	_ =	shalt  }
0x87: {  	_ =	shalt  }
.Lfunc_end0:
.L_simem_size_0:
called_computation.2_lowered:
.L_overlay_start_0:
0x88: {  	s2 =	sld [smem:$0x3FD9]  }
0x89: {  	s3 =	sld [smem:$0x3FFE];
	_ =	sdelay $0x1  }
0x8a: {  	s1 =	srdreg.scid  }
0x8b: {  	s0 =	sand.u32 $0x1, s1  }
0x8c: {  	s16 =	sshll.u32 s0, $0xA;
	s2 =	sadd.s32 s3, s2  }
0x8d: {  	s2 =	sadd.s32 s2, s16  }
0x8e: {  	[smem:$0x3FC2] =	sst s2  }
0x8f: {  	_ = 	snop  }
0x90: {  	(tm) =	ssettm $0x1  }
0x91: {  	s17 =	sld [smem:$0x3FFB];
	_ =	sdelay $0x3  }
0x92: {  	_ =	strace s17  }
0x93: {  	s2 =	sld [smem:$0x3FFC];
	_ =	sdelay $0x3  }
0x94: {  	_ =	strace s2  }
0x95: {  	s2 =	sld [smem:$0x3FFD];
	_ =	sdelay $0x3  }
0x96: {  	_ =	strace s2  }
0x97: {  	_ =	strace $0x8FFFFFFF  }
0x98: {  	s18 =	sld [smem:$0x3FDB];
	_ =	sdelay $0x1  }
0x99: {  	s19 =	simm.s32 $_scs_section_size  }
0x9a: {  	s4 =	simm.s32 $_size__tile_overlayer_lowered;
	s5 =	simm.s32 $_tile_overlayer_lowered  }
0x9b: {  	s22 =	simm.s32 $0x1BFF;
	s21 =	sshll.u32 s5, $0x1;
	s2 =	sadd.s32 s19, s18  }
0x9c: {  	s6 =	simm.s32 $0x0;
	s20 =	sshll.u32 s4, $0x1;
	s4 =	sadd.s32 s21, s2  }
0x9d: {  	[timem:s6], [sflag:s22] =	dma.local [hbm:s4], s20  }
0x9e: {  	_ =	swait.ge [sflag:s22], s20  }
0x9f: {  	s3 =	ssub.s32 $0x0, s20;
	[sflag:s22] =	ssyncset.done $0x0  }
0xa0: {  	[sflag:s22] =	ssyncadd.s32 s3;
	_ =	sdelay $0x1  }
0xa1: {  	s23 =	simm.s32 $0x1B8B  }
0xa2: {  	_ =	swait.ge [sflag:s23], $0x1  }
0xa3: {  	[sflag:s23] =	ssyncset.done $0x0  }
0xa4: {  	s25 =	simm.s32 $0x1B8E;
	s24 =	sld [smem:$0x3FFE];
	[sflag:s23] =	ssyncadd.s32 $0xFFFFFFFF  }
0xa5: {  	s26 =	simm.s32 $execute0_lowered;
	[smem:$0x3FD2] =	sst s25  }
0xa6: {  	s4 =	sshll.u32 s26, $0x1;
	_ =	strace $0x8000004C;
	[dreg:$0x1] =	wrdreg $0xFFFFFFFF  }
0xa7: {  	s28 =	simm.s32 $_size_execute0_lowered;
	s2 =	sadd.s32 s2, s4;
	[dreg:$0x0] =	wrdreg $0x0  }
0xa8: {  	s4 =	sshll.u32 s28, $0x1;
	[dreg:$0x2] =	wrdreg s2  }
0xa9: {  	[dreg:$0x3] =	wrdreg s4  }
0xaa: {  	[dreg:$0x4] =	wrdreg $0xC0  }
0xab: {  	_ =	task [dreg:s6], $0x5FFFF  }
0xac: {  	[dreg:$0x1] =	wrdreg $0xFFFFFFFF  }
0xad: {  	[dreg:$0x0] =	wrdreg $0x60  }
0xae: {  	[dreg:$0x2] =	wrdreg s24  }
0xaf: {  	[dreg:$0x3] =	wrdreg $0x28000  }
0xb0: {  	[dreg:$0x4] =	wrdreg $0x0  }
0xb1: {  	[dreg:$0x5] =	wrdreg $0x9  }
0xb2: {  	_ =	task.clear_ibuf [dreg:s6], $0x6FFFF;
	_ =	strace $0x9000004C  }
0xb3: {  	s29 =	simm.s32 $0x9;
	_ =	strace $0x8000004E  }
0xb4: {  	_ =	swait.ge [sflag:s29], $0x1  }
0xb5: {  	[sflag:s29] =	ssyncadd.s32 $0xFFFFFFFF  }
0xb6: {  	_ =	strace $0x9000004E  }
0xb7: {  	_ =	sfence  }
0xb8: {  	s30 =	sld [smem:$0x0];
	_ =	sdelay $0x2  }
0xb9: {  	s31 =	sshll.u32 s1, $0xD;
	s1 =	sshrl.u32 s1, $0x2  }
0xba: {  	s3 =	sand.u32 $0x4000, s31;
	s1 =	sadd.s32 s1, s30  }
0xbb: {  	s0 =	sor.u32 s3, s0;
	s1 =	sshll.u32 s1, $0x11  }
0xbc: {  	s0 =	sor.u32 s1, s0  }
0xbd: {  	s0 =	sadd.s32 $0x8F2B, s0  }
0xbe: {  	[sflag:s0] =	ssyncadd.remote.s32 $0x1  }
0xbf: {  	_ =	sfence.sel $0xFFFF  }
0xc0: {  	[dreg:$0x0] =	wrdreg $0xFFFFFFFF;
	(pc) =	sbr.abs _section_cstart, $3  }
0xc1: {  	[dreg:$0x1] =	wrdreg $0xFFFFFFFF  }
0xc2: {  	_ =	task.clear_ibuf [dreg:s6], $0x2FFFF;
	_ =	strace $0x9FFFFFFF  }
0xc3: {  	(tm) =	ssettm $0x7FFFFFFF  }
tec
execute0_lowered:
.L_overlay_start_1:
0x0: {  	(tag) =	ssettag $0x1  }
0x1: {  	s0 =	rddreg [dreg:$0x0]  }
0x2: {  	s2 =	rddreg [dreg:$0x1]  }
0x3: {  	s3 =	rddreg [dreg:$0x2];
	s9 =	stileid.u32  }
0x4: {  	s1 =	srdreg.scid;
	s7 =	simm.s32 $0x0;
	s29 =	simm.s32 $0x80  }
0x5: {  	s30 =	simm.s32 $0x7E00;
	s31 =	simm.s32 $0x8E00;
	s4 =	smul.u32 $0x2800, s9  }
0x6: {  	s1 =	sand.u32 $0x1, s1;
	s5 =	sshll.u32 s9, $0x1;
	[smem:$0x7FF] =	sst s7  }
0x7: {  	s8 =	smul.u32 $0xA000, s9;
	s9 =	sshll.u32 s9, $0x6;
	s5 =	sor.u32 s1, s5  }
0x8: {  	s6 =	smul.u32 $0x28000, s1;
	_ =	strace $0x8000004D;
	s1 =	ssub.s32 $0x2, s1  }
0x9: {  	[dreg:$0x6] =	wrdreg s9;
	s15 =	sor.u32 $0x1C0F, s9;
	s9 =	simm.s32 $0x3  }
0xa: {  	s10 =	sshrl.u32 s4, $0x3;
	s5 =	smul.u32 $0x2A0, s5;
	s11 =	sshrl.u32 s1, $0x1  }
0xb: {  	s13 =	sadd.s32 s4, s2;
	s14 =	sshrl.u32 s8, $0x2;
	[dreg:$0x8] =	wrdreg s15  }
0xc: {  	s24 =	sadd.s32 s4, s3;
	s7 =	sadd.s32 s10, s0;
	s6 =	sadd.s32 s4, s6  }
0xd: {  	s1 =	ssub.s32 s1, s11;
	s28 =	sshrl.u32 s13, $0x3;
	[dreg:$0x9] =	wrdreg s24  }
0xe: {  	s5 =	sadd.s32 s5, s0;
	s7 =	sadd.s32 $0xC200, s7;
	[dreg:$0x15] =	wrdreg s28  }
0xf: {  	s6 =	sshrl.u32 s6, $0x3;
	s26 =	smax.u32 s1, $0x1;
	[dreg:$0x7] =	wrdreg s7  }
0x10: {  	s0 =	sadd.s32 s6, s0;
	s12 =	sadd.s32 $0x6E00, s5;
	[dreg:$0x14] =	wrdreg s26  }
0x11: {  	s5 =	sadd.s32 $0x1A00, s5;
	s6 =	sadd.s32 s14, s3;
	[dreg:$0x4] =	wrdreg s12  }
0x12: {  	s8 =	simm.s32 $0xA600;
	[dreg:$0x5] =	wrdreg s5;
	s16 =	sadd.s32 $0x400, s6  }
0x13: {  	s15 =	simm.s32 $0x6;
	s17 =	sadd.s32 $0x800, s6;
	[dreg:$0xa] =	wrdreg s16  }
0x14: {  	s4 =	simm.s32 $0x1;
	s18 =	sadd.s32 $0xC00, s6;
	[dreg:$0xb] =	wrdreg s17  }
0x15: {  	s11 =	simm.s32 $0xAE00;
	s19 =	sadd.s32 $0x1000, s6;
	[dreg:$0xc] =	wrdreg s18  }
0x16: {  	s13 =	simm.s32 $0x8;
	s20 =	sadd.s32 $0x1400, s6;
	[dreg:$0xd] =	wrdreg s19  }
0x17: {  	s1 =	simm.s32 $0x9600;
	s21 =	sadd.s32 $0x1800, s6;
	[dreg:$0xe] =	wrdreg s20  }
0x18: {  	s26 =	simm.s32 $0x10;
	s22 =	sadd.s32 $0x1C00, s6;
	[dreg:$0xf] =	wrdreg s21  }
0x19: {  	s14 =	simm.s32 $0x5;
	s23 =	sadd.s32 $0x2000, s6;
	[dreg:$0x10] =	wrdreg s22  }
0x1a: {  	s7 =	simm.s32 $0xD;
	s25 =	sadd.s32 $0x2400, s6;
	[dreg:$0x11] =	wrdreg s23  }
0x1b: {  	s0 =	sadd.s32 $0x11200, s0;
	s5 =	simm.s32 $0x9E00;
	[dreg:$0x12] =	wrdreg s25  }
0x1c: {  	s6 =	simm.s32 $0x2;
	s12 =	simm.s32 $0x4;
	[dreg:$0x13] =	wrdreg s0  }
0x1d: {  	s25 =	simm.s32 $0x5000;
	s0 =	simm.s32 $0x8600;
	s22 =	simm.s32 $0x9  }
0x1e: {  	s23 =	simm.s32 $0xA;
	s16 =	simm.s32 $0x7;
	s17 =	simm.s32 $0xB  }
0x1f: {  	v0 =	vimm.f32 $0.0e+00;
	s18 =	simm.s32 $0xC;
	s19 =	simm.s32 $0xE;
	s21 =	simm.s32 $0x0  }
.LBB2_1:
0x20: {  	s10 =	simm.s32 $0x0;
	s20 =	rddreg [dreg:$0x4];
	s28 =	simm.s32 $0x5400  }
0x21: {  	[tilespmem:s28], [sflag:$0xF] =	stream.linear.gather [hbm4b:s20+s10], $0x1500, $0x38;
	[tilespmem:$0xB600] =	vst v63  }
0x22: {  	s20 =	rddreg [dreg:$0x5];
	s28 =	simm.s32 $0x6900  }
0x23: {  	[tilespmem:s28], [sflag:$0xF] =	stream.linear.gather [hbm4b:s20+s10], $0x1500, $0x38;
	[tilespmem:$0xB600] =	vst v63  }
0x24: {  	s10 =	rddreg [dreg:$0x7]  }
0x25: {  	s20 =	rddreg [dreg:$0x8]  }
0x26: {  	s28 =	rddreg [dreg:$0x15]  }
0x27: {  	[spmem:s28], [sflag:s20] =	dma.local [hbm:s10], $0x500;
	[tilespmem:$0x5000] =	vst v0  }
0x28: {  	[tilespmem:$0x5010] =	vst v0  }
0x29: {  	[tilespmem:$0x5020] =	vst v0  }
0x2a: {  	[tilespmem:$0x5030] =	vst v0  }
0x2b: {  	[tilespmem:$0x5040] =	vst v0  }
0x2c: {  	[tilespmem:$0x5050] =	vst v0  }
0x2d: {  	[tilespmem:$0x5060] =	vst v0  }
0x2e: {  	[tilespmem:$0x5070] =	vst v0  }
0x2f: {  	[tilespmem:$0x5080] =	vst v0  }
0x30: {  	[tilespmem:$0x5090] =	vst v0  }
0x31: {  	[tilespmem:$0x50A0] =	vst v0  }
0x32: {  	[tilespmem:$0x50B0] =	vst v0  }
0x33: {  	[tilespmem:$0x50C0] =	vst v0  }
0x34: {  	[tilespmem:$0x50D0] =	vst v0  }
0x35: {  	[tilespmem:$0x50E0] =	vst v0  }
0x36: {  	[tilespmem:$0x50F0] =	vst v0  }
0x37: {  	[tilespmem:$0x5100] =	vst v0  }
0x38: {  	[tilespmem:$0x5110] =	vst v0  }
0x39: {  	[tilespmem:$0x5120] =	vst v0  }
0x3a: {  	[tilespmem:$0x5130] =	vst v0  }
0x3b: {  	[tilespmem:$0x5140] =	vst v0  }
0x3c: {  	[tilespmem:$0x5150] =	vst v0  }
0x3d: {  	[tilespmem:$0x5160] =	vst v0  }
0x3e: {  	[tilespmem:$0x5170] =	vst v0  }
0x3f: {  	[tilespmem:$0x5180] =	vst v0  }
0x40: {  	[tilespmem:$0x5190] =	vst v0  }
0x41: {  	[tilespmem:$0x51A0] =	vst v0  }
0x42: {  	[tilespmem:$0x51B0] =	vst v0  }
0x43: {  	[tilespmem:$0x51C0] =	vst v0  }
0x44: {  	[tilespmem:$0x51D0] =	vst v0  }
0x45: {  	[tilespmem:$0x51E0] =	vst v0  }
0x46: {  	[tilespmem:$0x51F0] =	vst v0  }
0x47: {  	[tilespmem:$0x5200] =	vst v0  }
0x48: {  	[tilespmem:$0x5210] =	vst v0  }
0x49: {  	[tilespmem:$0x5220] =	vst v0  }
0x4a: {  	[tilespmem:$0x5230] =	vst v0  }
0x4b: {  	[tilespmem:$0x5240] =	vst v0  }
0x4c: {  	[tilespmem:$0x5250] =	vst v0  }
0x4d: {  	[tilespmem:$0x5260] =	vst v0  }
0x4e: {  	[tilespmem:$0x5270] =	vst v0  }
0x4f: {  	[tilespmem:$0x5280] =	vst v0  }
0x50: {  	[tilespmem:$0x5290] =	vst v0  }
0x51: {  	[tilespmem:$0x52A0] =	vst v0  }
0x52: {  	[tilespmem:$0x52B0] =	vst v0  }
0x53: {  	[tilespmem:$0x52C0] =	vst v0  }
0x54: {  	[tilespmem:$0x52D0] =	vst v0  }
0x55: {  	[tilespmem:$0x52E0] =	vst v0  }
0x56: {  	[tilespmem:$0x52F0] =	vst v0  }
0x57: {  	[tilespmem:$0x5300] =	vst v0  }
0x58: {  	[tilespmem:$0x5310] =	vst v0  }
0x59: {  	[tilespmem:$0x5320] =	vst v0  }
0x5a: {  	[tilespmem:$0x5330] =	vst v0  }
0x5b: {  	[tilespmem:$0x5340] =	vst v0  }
0x5c: {  	[tilespmem:$0x5350] =	vst v0  }
0x5d: {  	[tilespmem:$0x5360] =	vst v0  }
0x5e: {  	[tilespmem:$0x5370] =	vst v0  }
0x5f: {  	[tilespmem:$0x5380] =	vst v0  }
0x60: {  	[tilespmem:$0x5390] =	vst v0  }
0x61: {  	[tilespmem:$0x53A0] =	vst v0  }
0x62: {  	[tilespmem:$0x53B0] =	vst v0  }
0x63: {  	[tilespmem:$0x53C0] =	vst v0  }
0x64: {  	[tilespmem:$0x53D0] =	vst v0  }
0x65: {  	[tilespmem:$0x53E0] =	vst v0  }
0x66: {  	[tilespmem:$0x53F0] =	vst v0  }
0x67: {  	[spmem:s24] =	stream.linear.scatter [tilespmem:s25], [sflag:$0x10], $0x400, $0x38;
	[tilespmem:$0xB600] =	vst v63  }
0x68: {  	s10 =	rddreg [dreg:$0xa]  }
0x69: {  	[spmem:s10] =	stream.linear.scatter [tilespmem:s25], [sflag:$0x10], $0x400, $0x38;
	[tilespmem:$0xB600] =	vst v63  }
0x6a: {  	s20 =	rddreg [dreg:$0xb]  }
0x6b: {  	[spmem:s20] =	stream.linear.scatter [tilespmem:s25], [sflag:$0x10], $0x400, $0x38;
	[tilespmem:$0xB600] =	vst v63  }
0x6c: {  	s24 =	rddreg [dreg:$0xc]  }
0x6d: {  	[spmem:s24] =	stream.linear.scatter [tilespmem:s25], [sflag:$0x10], $0x400, $0x38;
	[tilespmem:$0xB600] =	vst v63  }
0x6e: {  	s28 =	rddreg [dreg:$0xd]  }
0x6f: {  	[spmem:s28] =	stream.linear.scatter [tilespmem:s25], [sflag:$0x10], $0x400, $0x38;
	[tilespmem:$0xB600] =	vst v63  }
0x70: {  	s20 =	rddreg [dreg:$0xe]  }
0x71: {  	[spmem:s20] =	stream.linear.scatter [tilespmem:s25], [sflag:$0x10], $0x400, $0x38;
	[tilespmem:$0xB600] =	vst v63  }
0x72: {  	s24 =	rddreg [dreg:$0xf]  }
0x73: {  	[spmem:s24] =	stream.linear.scatter [tilespmem:s25], [sflag:$0x10], $0x400, $0x38;
	[tilespmem:$0xB600] =	vst v63  }
0x74: {  	s28 =	rddreg [dreg:$0x10]  }
0x75: {  	[spmem:s28] =	stream.linear.scatter [tilespmem:s25], [sflag:$0x10], $0x400, $0x38;
	[tilespmem:$0xB600] =	vst v63  }
0x76: {  	s20 =	rddreg [dreg:$0x11]  }
0x77: {  	[spmem:s20] =	stream.linear.scatter [tilespmem:s25], [sflag:$0x10], $0x400, $0x38;
	[tilespmem:$0xB600] =	vst v63  }
0x78: {  	s24 =	rddreg [dreg:$0x12]  }
0x79: {  	[spmem:s24] =	stream.linear.scatter [tilespmem:s25], [sflag:$0x10], $0x400, $0x38;
	[tilespmem:$0xB600] =	vst v63  }
0x7a: {  	_ =	swait.ge [sflag:s26], $0x400  }
0x7b: {  	[sflag:s26] =	ssyncset.done $0x0  }
0x7c: {  	[sflag:s26] =	ssyncadd.s32 $0xFFFFFC00  }
0x7d: {  	_ =	swait.ge [sflag:s26], $0x400  }
0x7e: {  	[sflag:s26] =	ssyncset.done $0x0  }
0x7f: {  	[sflag:s26] =	ssyncadd.s32 $0xFFFFFC00  }
0x80: {  	_ =	swait.ge [sflag:s26], $0x400  }
0x81: {  	[sflag:s26] =	ssyncset.done $0x0  }
0x82: {  	[sflag:s26] =	ssyncadd.s32 $0xFFFFFC00  }
0x83: {  	_ =	swait.ge [sflag:s26], $0x400  }
0x84: {  	[sflag:s26] =	ssyncset.done $0x0  }
0x85: {  	[sflag:s26] =	ssyncadd.s32 $0xFFFFFC00  }
0x86: {  	_ =	swait.ge [sflag:s26], $0x400  }
0x87: {  	[sflag:s26] =	ssyncset.done $0x0  }
0x88: {  	[sflag:s26] =	ssyncadd.s32 $0xFFFFFC00  }
0x89: {  	_ =	swait.ge [sflag:s26], $0x400  }
0x8a: {  	[sflag:s26] =	ssyncset.done $0x0  }
0x8b: {  	[sflag:s26] =	ssyncadd.s32 $0xFFFFFC00  }
0x8c: {  	_ =	swait.ge [sflag:s26], $0x400  }
0x8d: {  	[sflag:s26] =	ssyncset.done $0x0  }
0x8e: {  	[sflag:s26] =	ssyncadd.s32 $0xFFFFFC00  }
0x8f: {  	_ =	swait.ge [sflag:s26], $0x400  }
0x90: {  	[sflag:s26] =	ssyncset.done $0x0  }
0x91: {  	[sflag:s26] =	ssyncadd.s32 $0xFFFFFC00  }
0x92: {  	_ =	swait.ge [sflag:s26], $0x400  }
0x93: {  	[sflag:s26] =	ssyncset.done $0x0  }
0x94: {  	[sflag:s26] =	ssyncadd.s32 $0xFFFFFC00  }
0x95: {  	_ =	swait.ge [sflag:s26], $0x400  }
0x96: {  	[sflag:s26] =	ssyncset.done $0x0  }
0x97: {  	s28 =	simm.s32 $0xF;
	[sflag:s26] =	ssyncadd.s32 $0xFFFFFC00  }
0x98: {  	_ =	swait.ge [sflag:s28], $0x1500  }
0x99: {  	[sflag:s28] =	ssyncset.done $0x0  }
0x9a: {  	[sflag:s28] =	ssyncadd.s32 $0xFFFFEB00  }
0x9b: {  	_ =	swait.ge [sflag:s28], $0x1500  }
0x9c: {  	[sflag:s28] =	ssyncset.done $0x0  }
0x9d: {  	[sflag:s28] =	ssyncadd.s32 $0xFFFFEB00  }
0x9e: {  	_ =	swait.ge [sflag:s28], $0x500  }
0x9f: {  	[sflag:s28] =	ssyncset.done $0x0  }
0xa0: {  	[sflag:s28] =	ssyncadd.s32 $0xFFFFFB00  }
0xa1: {  	s20 =	simm.s32 $0x5400;
	[bflag:$0x0] =	sbarrier.arrive $0xFFFF  }
0xa2: {  	[tilespmem:s30], [sflag:$0x1] =	stream.indirect.gather [spmem:s2], $0x10, s20, s29, $0xb8;
	[tilespmem:$0xB600] =	vst v63  }
0xa3: {  	s24 =	simm.s32 $0x5480  }
0xa4: {  	[tilespmem:s0], [sflag:$0x2] =	stream.indirect.gather [spmem:s2], $0x10, s24, s29, $0xb8;
	[tilespmem:$0xB600] =	vst v63  }
0xa5: {  	s28 =	simm.s32 $0x5500  }
0xa6: {  	[tilespmem:s31], [sflag:$0x3] =	stream.indirect.gather [spmem:s2], $0x10, s28, s29, $0xb8;
	[tilespmem:$0xB600] =	vst v63  }
0xa7: {  	s20 =	simm.s32 $0x5580  }
0xa8: {  	[tilespmem:s1], [sflag:$0x4] =	stream.indirect.gather [spmem:s2], $0x10, s20, s29, $0xb8;
	[tilespmem:$0xB600] =	vst v63  }
0xa9: {  	_ =	swait.ge [sflag:s4], $0x800  }
0xaa: {  	[sflag:s4] =	ssyncset.done $0x0  }
0xab: {  	s24 =	simm.s32 $0x6900;
	[sflag:s4] =	ssyncadd.s32 $0xFFFFF800  }
0xac: {  	[spmem:s3] =	stream.indirect.scatter.add.f32 [tilespmem:s30], [sflag:$0x8], $0x10, s24, s29, $0xb8;
	[tilespmem:$0xB600] =	vst v63  }
0xad: {  	s28 =	simm.s32 $0x5600  }
0xae: {  	[tilespmem:s5], [sflag:$0x5] =	stream.indirect.gather [spmem:s2], $0x10, s28, s29, $0xb8;
	[tilespmem:$0xB600] =	vst v63  }
0xaf: {  	_ =	swait.ge [sflag:s6], $0x800  }
0xb0: {  	[sflag:s6] =	ssyncset.done $0x0  }
0xb1: {  	s20 =	simm.s32 $0x6980;
	[sflag:s6] =	ssyncadd.s32 $0xFFFFF800  }
0xb2: {  	[spmem:s3] =	stream.indirect.scatter.add.f32 [tilespmem:s0], [sflag:$0x9], $0x10, s20, s29, $0xb8;
	[tilespmem:$0xB600] =	vst v63  }
0xb3: {  	s24 =	simm.s32 $0x5680  }
0xb4: {  	[tilespmem:s8], [sflag:$0x6] =	stream.indirect.gather [spmem:s2], $0x10, s24, s29, $0xb8;
	[tilespmem:$0xB600] =	vst v63  }
0xb5: {  	_ =	swait.ge [sflag:s9], $0x800  }
0xb6: {  	[sflag:s9] =	ssyncset.done $0x0  }
0xb7: {  	s28 =	simm.s32 $0x6A00;
	[sflag:s9] =	ssyncadd.s32 $0xFFFFF800  }
0xb8: {  	[spmem:s3] =	stream.indirect.scatter.add.f32 [tilespmem:s31], [sflag:$0xA], $0x10, s28, s29, $0xb8;
	[tilespmem:$0xB600] =	vst v63  }
0xb9: {  	s20 =	simm.s32 $0x5700  }
0xba: {  	[tilespmem:s11], [sflag:$0x7] =	stream.indirect.gather [spmem:s2], $0x10, s20, s29, $0xb8;
	[tilespmem:$0xB600] =	vst v63  }
0xbb: {  	_ =	swait.ge [sflag:s12], $0x800  }
0xbc: {  	[sflag:s12] =	ssyncset.done $0x0  }
0xbd: {  	s24 =	simm.s32 $0x6A80;
	[sflag:s12] =	ssyncadd.s32 $0xFFFFF800  }
0xbe: {  	[spmem:s3] =	stream.indirect.scatter.add.f32 [tilespmem:s1], [sflag:$0xB], $0x10, s24, s29, $0xb8;
	[tilespmem:$0xB600] =	vst v63  }
0xbf: {  	_ =	swait.ge [sflag:s13], $0x800  }
0xc0: {  	[sflag:s13] =	ssyncset.done $0x0  }
0xc1: {  	s28 =	simm.s32 $0x5780;
	[sflag:s13] =	ssyncadd.s32 $0xFFFFF800  }
0xc2: {  	[tilespmem:s30], [sflag:$0x1] =	stream.indirect.gather [spmem:s2], $0x10, s28, s29, $0xb8;
	[tilespmem:$0xB600] =	vst v63  }
0xc3: {  	_ =	swait.ge [sflag:s14], $0x800  }
0xc4: {  	[sflag:s14] =	ssyncset.done $0x0  }
0xc5: {  	s10 =	simm.s32 $0x6B00;
	[sflag:s14] =	ssyncadd.s32 $0xFFFFF800  }
0xc6: {  	[spmem:s3] =	stream.indirect.scatter.add.f32 [tilespmem:s5], [sflag:$0xC], $0x10, s10, s29, $0xb8;
	[tilespmem:$0xB600] =	vst v63  }
0xc7: {  	_ =	swait.ge [sflag:s22], $0x800  }
0xc8: {  	[sflag:s22] =	ssyncset.done $0x0  }
0xc9: {  	s24 =	simm.s32 $0x5800;
	[sflag:s22] =	ssyncadd.s32 $0xFFFFF800  }
0xca: {  	[tilespmem:s0], [sflag:$0x2] =	stream.indirect.gather [spmem:s2], $0x10, s24, s29, $0xb8;
	[tilespmem:$0xB600] =	vst v63  }
0xcb: {  	_ =	swait.ge [sflag:s15], $0x800  }
0xcc: {  	[sflag:s15] =	ssyncset.done $0x0  }
0xcd: {  	s28 =	simm.s32 $0x6B80;
	[sflag:s15] =	ssyncadd.s32 $0xFFFFF800  }
0xce: {  	[spmem:s3] =	stream.indirect.scatter.add.f32 [tilespmem:s8], [sflag:$0xD], $0x10, s28, s29, $0xb8;
	[tilespmem:$0xB600] =	vst v63  }
0xcf: {  	_ =	swait.ge [sflag:s23], $0x800  }
0xd0: {  	[sflag:s23] =	ssyncset.done $0x0  }
0xd1: {  	s10 =	simm.s32 $0x5880;
	[sflag:s23] =	ssyncadd.s32 $0xFFFFF800  }
0xd2: {  	[tilespmem:s31], [sflag:$0x3] =	stream.indirect.gather [spmem:s2], $0x10, s10, s29, $0xb8;
	[tilespmem:$0xB600] =	vst v63  }
0xd3: {  	_ =	swait.ge [sflag:s16], $0x800  }
0xd4: {  	[sflag:s16] =	ssyncset.done $0x0  }
0xd5: {  	s24 =	simm.s32 $0x6C00;
	[sflag:s16] =	ssyncadd.s32 $0xFFFFF800  }
0xd6: {  	[spmem:s3] =	stream.indirect.scatter.add.f32 [tilespmem:s11], [sflag:$0xE], $0x10, s24, s29, $0xb8;
	[tilespmem:$0xB600] =	vst v63  }
0xd7: {  	_ =	swait.ge [sflag:s17], $0x800  }
0xd8: {  	[sflag:s17] =	ssyncset.done $0x0  }
0xd9: {  	s28 =	simm.s32 $0x5900;
	[sflag:s17] =	ssyncadd.s32 $0xFFFFF800  }
0xda: {  	[tilespmem:s1], [sflag:$0x4] =	stream.indirect.gather [spmem:s2], $0x10, s28, s29, $0xb8;
	[tilespmem:$0xB600] =	vst v63  }
0xdb: {  	_ =	swait.ge [sflag:s4], $0x800  }
0xdc: {  	[sflag:s4] =	ssyncset.done $0x0  }
0xdd: {  	s10 =	simm.s32 $0x6C80;
	[sflag:s4] =	ssyncadd.s32 $0xFFFFF800  }
0xde: {  	[spmem:s3] =	stream.indirect.scatter.add.f32 [tilespmem:s30], [sflag:$0x8], $0x10, s10, s29, $0xb8;
	[tilespmem:$0xB600] =	vst v63  }
0xdf: {  	_ =	swait.ge [sflag:s18], $0x800  }
0xe0: {  	[sflag:s18] =	ssyncset.done $0x0  }
0xe1: {  	s24 =	simm.s32 $0x5980;
	[sflag:s18] =	ssyncadd.s32 $0xFFFFF800  }
0xe2: {  	[tilespmem:s5], [sflag:$0x5] =	stream.indirect.gather [spmem:s2], $0x10, s24, s29, $0xb8;
	[tilespmem:$0xB600] =	vst v63  }
0xe3: {  	_ =	swait.ge [sflag:s6], $0x800  }
0xe4: {  	[sflag:s6] =	ssyncset.done $0x0  }
0xe5: {  	s28 =	simm.s32 $0x6D00;
	[sflag:s6] =	ssyncadd.s32 $0xFFFFF800  }
0xe6: {  	[spmem:s3] =	stream.indirect.scatter.add.f32 [tilespmem:s0], [sflag:$0x9], $0x10, s28, s29, $0xb8;
	[tilespmem:$0xB600] =	vst v63  }
0xe7: {  	_ =	swait.ge [sflag:s7], $0x800  }
0xe8: {  	[sflag:s7] =	ssyncset.done $0x0  }
0xe9: {  	s10 =	simm.s32 $0x5A00;
	[sflag:s7] =	ssyncadd.s32 $0xFFFFF800  }
0xea: {  	[tilespmem:s8], [sflag:$0x6] =	stream.indirect.gather [spmem:s2], $0x10, s10, s29, $0xb8;
	[tilespmem:$0xB600] =	vst v63  }
0xeb: {  	_ =	swait.ge [sflag:s9], $0x800  }
0xec: {  	[sflag:s9] =	ssyncset.done $0x0  }
0xed: {  	s24 =	simm.s32 $0x6D80;
	[sflag:s9] =	ssyncadd.s32 $0xFFFFF800  }
0xee: {  	[spmem:s3] =	stream.indirect.scatter.add.f32 [tilespmem:s31], [sflag:$0xA], $0x10, s24, s29, $0xb8;
	[tilespmem:$0xB600] =	vst v63  }
0xef: {  	_ =	swait.ge [sflag:s19], $0x800  }
0xf0: {  	[sflag:s19] =	ssyncset.done $0x0  }
0xf1: {  	s28 =	simm.s32 $0x5A80;
	[sflag:s19] =	ssyncadd.s32 $0xFFFFF800  }
0xf2: {  	[tilespmem:s11], [sflag:$0x7] =	stream.indirect.gather [spmem:s2], $0x10, s28, s29, $0xb8;
	[tilespmem:$0xB600] =	vst v63  }
0xf3: {  	_ =	swait.ge [sflag:s12], $0x800  }
0xf4: {  	[sflag:s12] =	ssyncset.done $0x0  }
0xf5: {  	s20 =	simm.s32 $0x6E00;
	s24 =	simm.s32 $0xE00;
	[sflag:s12] =	ssyncadd.s32 $0xFFFFF800  }
.LBB2_2:
0xf6: {  	[spmem:s3] =	stream.indirect.scatter.add.f32 [tilespmem:s1], [sflag:$0xB], $0x10, s20, s29, $0xb8;
	[tilespmem:$0xB600] =	vst v63  }
0xf7: {  	s20 =	smov.u32 s24  }
0xf8: {  	p0 =	sne.s32 s24, $0x3800;
	s24 =	sadd.s32 $0xE00, s24;
	_ =	swait.ge [sflag:s13], $0x800  }
0xf9: {  	s20 =	sshra.s32 s20, $0x2;
	[sflag:s13] =	ssyncset.done $0x0  }
0xfa: {  	s10 =	sadd.s32 $0x5780, s20;
	[sflag:s13] =	ssyncadd.s32 $0xFFFFF800  }
0xfb: {  	[tilespmem:s30], [sflag:$0x1] =	stream.indirect.gather [spmem:s2], $0x10, s10, s29, $0xb8;
	[tilespmem:$0xB600] =	vst v63  }
0xfc: {  	_ =	swait.ge [sflag:s14], $0x800  }
0xfd: {  	[sflag:s14] =	ssyncset.done $0x0  }
0xfe: {  	s10 =	sadd.s32 $0x6B00, s20;
	[sflag:s14] =	ssyncadd.s32 $0xFFFFF800  }
0xff: {  	[spmem:s3] =	stream.indirect.scatter.add.f32 [tilespmem:s5], [sflag:$0xC], $0x10, s10, s29, $0xb8;
	[tilespmem:$0xB600] =	vst v63  }
0x100: {  	_ =	swait.ge [sflag:s22], $0x800  }
0x101: {  	[sflag:s22] =	ssyncset.done $0x0  }
0x102: {  	s10 =	sadd.s32 $0x5800, s20;
	[sflag:s22] =	ssyncadd.s32 $0xFFFFF800  }
0x103: {  	[tilespmem:s0], [sflag:$0x2] =	stream.indirect.gather [spmem:s2], $0x10, s10, s29, $0xb8;
	[tilespmem:$0xB600] =	vst v63  }
0x104: {  	_ =	swait.ge [sflag:s15], $0x800  }
0x105: {  	[sflag:s15] =	ssyncset.done $0x0  }
0x106: {  	s10 =	sadd.s32 $0x6B80, s20;
	[sflag:s15] =	ssyncadd.s32 $0xFFFFF800  }
0x107: {  	[spmem:s3] =	stream.indirect.scatter.add.f32 [tilespmem:s8], [sflag:$0xD], $0x10, s10, s29, $0xb8;
	[tilespmem:$0xB600] =	vst v63  }
0x108: {  	_ =	swait.ge [sflag:s23], $0x800  }
0x109: {  	[sflag:s23] =	ssyncset.done $0x0  }
0x10a: {  	s10 =	sadd.s32 $0x5880, s20;
	[sflag:s23] =	ssyncadd.s32 $0xFFFFF800  }
0x10b: {  	[tilespmem:s31], [sflag:$0x3] =	stream.indirect.gather [spmem:s2], $0x10, s10, s29, $0xb8;
	[tilespmem:$0xB600] =	vst v63  }
0x10c: {  	_ =	swait.ge [sflag:s16], $0x800  }
0x10d: {  	[sflag:s16] =	ssyncset.done $0x0  }
0x10e: {  	s10 =	sadd.s32 $0x6C00, s20;
	[sflag:s16] =	ssyncadd.s32 $0xFFFFF800  }
0x10f: {  	[spmem:s3] =	stream.indirect.scatter.add.f32 [tilespmem:s11], [sflag:$0xE], $0x10, s10, s29, $0xb8;
	[tilespmem:$0xB600] =	vst v63  }
0x110: {  	_ =	swait.ge [sflag:s17], $0x800  }
0x111: {  	[sflag:s17] =	ssyncset.done $0x0  }
0x112: {  	s10 =	sadd.s32 $0x5900, s20;
	[sflag:s17] =	ssyncadd.s32 $0xFFFFF800  }
0x113: {  	[tilespmem:s1], [sflag:$0x4] =	stream.indirect.gather [spmem:s2], $0x10, s10, s29, $0xb8;
	[tilespmem:$0xB600] =	vst v63  }
0x114: {  	_ =	swait.ge [sflag:s4], $0x800  }
0x115: {  	[sflag:s4] =	ssyncset.done $0x0  }
0x116: {  	s10 =	sadd.s32 $0x6C80, s20;
	[sflag:s4] =	ssyncadd.s32 $0xFFFFF800  }
0x117: {  	[spmem:s3] =	stream.indirect.scatter.add.f32 [tilespmem:s30], [sflag:$0x8], $0x10, s10, s29, $0xb8;
	[tilespmem:$0xB600] =	vst v63  }
0x118: {  	_ =	swait.ge [sflag:s18], $0x800  }
0x119: {  	[sflag:s18] =	ssyncset.done $0x0  }
0x11a: {  	s10 =	sadd.s32 $0x5980, s20;
	[sflag:s18] =	ssyncadd.s32 $0xFFFFF800  }
0x11b: {  	[tilespmem:s5], [sflag:$0x5] =	stream.indirect.gather [spmem:s2], $0x10, s10, s29, $0xb8;
	[tilespmem:$0xB600] =	vst v63  }
0x11c: {  	_ =	swait.ge [sflag:s6], $0x800  }
0x11d: {  	[sflag:s6] =	ssyncset.done $0x0  }
0x11e: {  	s10 =	sadd.s32 $0x6D00, s20;
	[sflag:s6] =	ssyncadd.s32 $0xFFFFF800  }
0x11f: {  	[spmem:s3] =	stream.indirect.scatter.add.f32 [tilespmem:s0], [sflag:$0x9], $0x10, s10, s29, $0xb8;
	[tilespmem:$0xB600] =	vst v63  }
0x120: {  	_ =	swait.ge [sflag:s7], $0x800  }
0x121: {  	[sflag:s7] =	ssyncset.done $0x0  }
0x122: {  	s10 =	sadd.s32 $0x5A00, s20;
	[sflag:s7] =	ssyncadd.s32 $0xFFFFF800  }
0x123: {  	[tilespmem:s8], [sflag:$0x6] =	stream.indirect.gather [spmem:s2], $0x10, s10, s29, $0xb8;
	[tilespmem:$0xB600] =	vst v63  }
0x124: {  	_ =	swait.ge [sflag:s9], $0x800  }
0x125: {  	[sflag:s9] =	ssyncset.done $0x0  }
0x126: {  	s10 =	sadd.s32 $0x6D80, s20;
	[sflag:s9] =	ssyncadd.s32 $0xFFFFF800  }
0x127: {  	[spmem:s3] =	stream.indirect.scatter.add.f32 [tilespmem:s31], [sflag:$0xA], $0x10, s10, s29, $0xb8;
	[tilespmem:$0xB600] =	vst v63  }
0x128: {  	_ =	swait.ge [sflag:s19], $0x800  }
0x129: {  	[sflag:s19] =	ssyncset.done $0x0  }
.Ltmp0:
0x12a: {  	s10 =	sadd.s32 $0x5A80, s20;
	[sflag:s19] =	ssyncadd.s32 $0xFFFFF800;
	(pc) =	sbr.rel @p0 .LBB2_2-.Ltmp0, $4  }
0x12b: {  	[tilespmem:s11], [sflag:$0x7] =	stream.indirect.gather [spmem:s2], $0x10, s10, s29, $0xb8;
	[tilespmem:$0xB600] =	vst v63  }
0x12c: {  	_ =	swait.ge [sflag:s12], $0x800  }
0x12d: {  	[sflag:s12] =	ssyncset.done $0x0  }
0x12e: {  	s20 =	sadd.s32 $0x6E00, s20;
	[sflag:s12] =	ssyncadd.s32 $0xFFFFF800  }
0x12f: {  	[spmem:s3] =	stream.indirect.scatter.add.f32 [tilespmem:s1], [sflag:$0xB], $0x10, s20, s29, $0xb8;
	[tilespmem:$0xB600] =	vst v63  }
0x130: {  	_ =	swait.ge [sflag:s14], $0x800  }
0x131: {  	[sflag:s14] =	ssyncset.done $0x0  }
0x132: {  	s10 =	simm.s32 $0x7C80;
	[sflag:s14] =	ssyncadd.s32 $0xFFFFF800  }
0x133: {  	[spmem:s3] =	stream.indirect.scatter.add.f32 [tilespmem:s5], [sflag:$0xC], $0x10, s10, s29, $0xb8;
	[tilespmem:$0xB600] =	vst v63  }
0x134: {  	_ =	swait.ge [sflag:s15], $0x800  }
0x135: {  	[sflag:s15] =	ssyncset.done $0x0  }
0x136: {  	s28 =	simm.s32 $0x7D00;
	[sflag:s15] =	ssyncadd.s32 $0xFFFFF800  }
0x137: {  	[spmem:s3] =	stream.indirect.scatter.add.f32 [tilespmem:s8], [sflag:$0xD], $0x10, s28, s29, $0xb8;
	[tilespmem:$0xB600] =	vst v63  }
0x138: {  	_ =	swait.ge [sflag:s16], $0x800  }
0x139: {  	[sflag:s16] =	ssyncset.done $0x0  }
0x13a: {  	s20 =	simm.s32 $0x7D80;
	[sflag:s16] =	ssyncadd.s32 $0xFFFFF800  }
0x13b: {  	[spmem:s3] =	stream.indirect.scatter.add.f32 [tilespmem:s11], [sflag:$0xE], $0x10, s20, s29, $0xb8;
	[tilespmem:$0xB600] =	vst v63  }
0x13c: {  	_ =	swait.ge [sflag:s13], $0x800  }
0x13d: {  	[sflag:s13] =	ssyncset.done $0x0  }
0x13e: {  	[sflag:s13] =	ssyncadd.s32 $0xFFFFF800  }
0x13f: {  	_ =	swait.ge [sflag:s22], $0x800  }
0x140: {  	[sflag:s22] =	ssyncset.done $0x0  }
0x141: {  	[sflag:s22] =	ssyncadd.s32 $0xFFFFF800  }
0x142: {  	_ =	swait.ge [sflag:s23], $0x800  }
0x143: {  	[sflag:s23] =	ssyncset.done $0x0  }
0x144: {  	[sflag:s23] =	ssyncadd.s32 $0xFFFFF800  }
0x145: {  	_ =	swait.ge [sflag:s17], $0x800  }
0x146: {  	[sflag:s17] =	ssyncset.done $0x0  }
0x147: {  	[sflag:s17] =	ssyncadd.s32 $0xFFFFF800  }
0x148: {  	_ =	swait.ge [sflag:s18], $0x800  }
0x149: {  	[sflag:s18] =	ssyncset.done $0x0  }
0x14a: {  	[sflag:s18] =	ssyncadd.s32 $0xFFFFF800  }
0x14b: {  	_ =	swait.ge [sflag:s7], $0x800  }
0x14c: {  	[sflag:s7] =	ssyncset.done $0x0  }
0x14d: {  	[sflag:s7] =	ssyncadd.s32 $0xFFFFF800  }
0x14e: {  	_ =	swait.ge [sflag:s19], $0x800  }
0x14f: {  	[sflag:s19] =	ssyncset.done $0x0  }
0x150: {  	[sflag:s19] =	ssyncadd.s32 $0xFFFFF800  }
0x151: {  	[bflag:$0x0] =	sbarrier.arrive $0xFFFF  }
0x152: {  	s24 =	rddreg [dreg:$0x6]  }
0x153: {  	s10 =	sor.u32 $0x1C11, s24;
	s24 =	rddreg [dreg:$0x9]  }
0x154: {  	s28 =	rddreg [dreg:$0x13];
	s20 =	sshrl.u32 s24, $0x3  }
0x155: {  	[hbm:s28], [sflag:s10] =	dma.local [spmem:s20], $0x500  }
0x156: {  	s20 =	simm.s32 $0x11  }
0x157: {  	_ =	swait.ge [sflag:s20], $0x500  }
0x158: {  	s21 =	sadd.s32 $0x1, s21;
	s28 =	rddreg [dreg:$0x14]  }
0x159: {  	p0 =	sne.s32 s21, s28  }
.Ltmp1:
0x15a: {  	_ = 	snop;
	(pc) =	sbr.rel @p0 .LBB2_1-.Ltmp1, $3  }
0x15b: {  	_ =	sdelay $0x1  }
0x15c: {  	[sflag:s20] =	ssyncset.done $0x0  }
0x15d: {  	[sflag:s20] =	ssyncadd.s32 $0xFFFFFB00  }
0x15e: {  	_ =	sfence.sel $0x180000  }
0x15f: {  	[bflag:$0x0] =	sbarrier.arrive $0xFFFF  }
0x160: {  	_ =	strace $0x9000004D  }
0x161: {  	s0 =	stileid.u32;
	[bflag:$0x2] =	sbarrier.arrive $0xFFFF  }
0x162: {  	p0 =	sne.s32 s0, $0x0;
	s0 =	rddreg [dreg:$0x3]  }
0x163: {  	s0 =	sadd.s32 @!p0 $0x100000, s0  }
0x164: {  	[sflag:s0] =	ssyncadd.tile.s32 @!p0 $0x1;
	_ =	shalt  }
.Lfunc_end2:
_tile_overlayer_lowered:
.L_overlay_start_2:
0x165: {  	(tag) =	ssettag $0x2  }
0x166: {  	s0 =	rddreg [dreg:$0x0];
	s2 =	stileid.u32  }
0x167: {  	s1 =	rddreg [dreg:$0x1];
	p0 =	sne.s32 s2, $0x0  }
0x168: {  	s3 =	rddreg [dreg:$0x2];
	[bflag:$0x3] =	sbarrier.arrive $0xFFFF;
	s2 =	simm.s32 @!p0 $0x1C12  }
0x169: {  	[timem:s3], [sflag:s2] =	dma.local @!p0 [hbm:s0], s1  }
0x16a: {  	s0 =	simm.s32 @!p0 $0x12  }
0x16b: {  	_ =	swait.ge @!p0 [sflag:s0], s1  }
0x16c: {  	s1 =	ssub.s32 @!p0 $0x0, s1;
	[sflag:s0] =	ssyncset.done @!p0 $0x0  }
0x16d: {  	[sflag:s0] =	ssyncadd.s32 @!p0 s1  }
0x16e: {  	[bflag:$0x3] =	sbarrier.arrive $0xFFFF  }
0x16f: {  	_ =	shalt  }

// kernel: kernel.8.cloned.1.call-start
scs
__scs_entry_jumppad:
0x0: {  	(pc) =	sbr.rel $0x88, $3  }
0x1: {  	(tag) =	ssettag $0x0;
	lr =	simm.s32 $0x1  }
0x2: {  	[smem:$0x3F9B] =	sst lr;
	_ =	strace $0xD0000000  }
0x3: {  	_ = 	snop  }
0x4: {  	_ = 	snop  }
0x5: {  	_ = 	snop  }
0x6: {  	_ = 	snop  }
0x7: {  	_ = 	snop  }
__scs_overlays_trampoline_lowered:
0x8: {  	[smem:$0x3FAA] =	sst s0  }
0x9: {  	[smem:$0x3FAB] =	sst s1  }
0xa: {  	[smem:$0x3FAC] =	sst s2  }
0xb: {  	[smem:$0x3FAD] =	sst s3  }
0xc: {  	[smem:$0x3FAE] =	sst s4  }
0xd: {  	[smem:$0x3FAF] =	sst s5  }
0xe: {  	[smem:$0x3FB0] =	sst s6  }
0xf: {  	[smem:$0x3FB1] =	sst s7  }
0x10: {  	[smem:$0x3FB2] =	sst s8  }
0x11: {  	[smem:$0x3FB3] =	sst s9;
	s0 =	simm.s32 @!p0 $0x0  }
0x12: {  	s1 =	sld [smem:$0x3F99];
	s0 =	simm.s32 @p0 $0x1  }
0x13: {  	[smem:$0x3FB4] =	sst s0;
	s0 =	simm.s32 @!p1 $0x0  }
0x14: {  	s2 =	sld [smem:$0x3F98];
	s0 =	simm.s32 @p1 $0x1  }
0x15: {  	[smem:$0x3FB5] =	sst s0;
	s0 =	simm.s32 @!p2 $0x0  }
0x16: {  	s3 =	sld [smem:$0x3FDB];
	s0 =	simm.s32 @p2 $0x1  }
0x17: {  	s4 =	simm.s32 $0x1BF5;
	[smem:$0x3FB7] =	sst s0  }
0x18: {  	s0 =	sld [smem:$0x3F9A];
	_ =	swait.ge [sflag:s4], $0x0  }
0x19: {  	s7 =	sld [smem:$0x3F9B]  }
0x1a: {  	s8 =	sadd.s32 $0xFFFFE003, lr  }
0x1b: {  	s9 =	sadd.s32 $0xFFFFFEF7, lr;
	s5 =	simm.s32 $0xFFFFFFFF;
	p2 =	slt.u32 s8, $0xFFFFF086  }
0x1c: {  	p1 =	slt.u32 s9, $0xF7A;
	s5 =	simm.s32 @!p2 $0x0  }
0x1d: {  	s5 =	simm.s32 @p1 $0x1;
	p0 =	seq.s32 s7, s2  }
0x1e: {  	s7 =	smul.u32 @!p0 $0xF7A, s2;
	p2 =	seq.s32 @!p0 s5, $0x0  }
0x1f: {  	s9 =	smul.u32 $0xF7A, s1;
	s8 =	simm.s32 @!p0 $0x1BF5;
	p2 =	por !p2, p0  }
0x20: {  	[sflag:s8] =	ssyncset.s32 @!p0 $0xFFFFF086;
	s6 =	sadd.s32 @!p0 s3, s7;
	s7 =	simm.s32 @!p0 $0x108  }
0x21: {  	s3 =	sadd.s32 s3, s9;
	s6 =	sadd.s32 @!p0 $0x88, s6;
	s7 =	simm.s32 @p2 $0x1082  }
0x22: {  	[simem:s7], [sflag:s8] =	dma.local @!p0 [hbm:s6], $0xF7A  }
0x23: {  	s9 =	sor.u32 $0xD0000000, s2;
	s6 =	simm.s32 $0x108;
	_ =	swait.ge @!p0 [sflag:s8], $0x0  }
0x24: {  	s3 =	sadd.s32 $0x88, s3;
	s6 =	simm.s32 @!p1 $0x1082;
	[sflag:s4] =	ssyncset.s32 $0xFFFFF086  }
0x25: {  	[simem:s6], [sflag:s4] =	dma.local [hbm:s3], $0xF7A  }
0x26: {  	[smem:$0x3F9B] =	sst s1;
	(tag) =	ssettag s2;
	_ =	strace s9  }
0x27: {  	s1 =	sld [smem:$0x3FAB]  }
0x28: {  	s2 =	sld [smem:$0x3FAC]  }
0x29: {  	s4 =	sld [smem:$0x3FAE]  }
0x2a: {  	p0 =	seq.s32 s5, $0x0;
	s5 =	sld [smem:$0x3FAF]  }
0x2b: {  	s6 =	sld [smem:$0x3FB0]  }
0x2c: {  	s7 =	sld [smem:$0x3FB1]  }
0x2d: {  	s3 =	simm.s32 $0x108;
	s8 =	sld [smem:$0x3FB2]  }
0x2e: {  	s3 =	simm.s32 @!p0 $0x1082;
	s9 =	sld [smem:$0x3FB3]  }
0x2f: {  	lr =	sadd.s32 s0, s3;
	s0 =	sld [smem:$0x3FAA]  }
0x30: {  	s3 =	sld [smem:$0x3FAD]  }
0x31: {  	[smem:$0x3FB6] =	sst s10  }
0x32: {  	s10 =	sld [smem:$0x3FB4];
	_ =	sdelay $0x3  }
0x33: {  	p0 =	seq.s32 s10, $0x1;
	s10 =	sld [smem:$0x3FB6];
	_ =	sdelay $0x3  }
0x34: {  	[smem:$0x3FB6] =	sst s10  }
0x35: {  	s10 =	sld [smem:$0x3FB5];
	_ =	sdelay $0x3  }
0x36: {  	p1 =	seq.s32 s10, $0x1;
	s10 =	sld [smem:$0x3FB6];
	_ =	sdelay $0x3  }
0x37: {  	[smem:$0x3FB6] =	sst s10  }
0x38: {  	s10 =	sld [smem:$0x3FB7]  }
0x39: {  	_ = 	snop;
	(pc) =	sbr.ind lr, $3  }
0x3a: {  	_ = 	snop  }
0x3b: {  	_ = 	snop  }
0x3c: {  	p2 =	seq.s32 s10, $0x1;
	s10 =	sld [smem:$0x3FB6]  }
0x3d: {  	_ =	shalt  }
0x3e: {  	_ =	shalt  }
0x3f: {  	_ =	shalt  }
0x40: {  	_ =	shalt  }
0x41: {  	_ =	shalt  }
0x42: {  	_ =	shalt  }
0x43: {  	_ =	shalt  }
0x44: {  	_ =	shalt  }
0x45: {  	_ =	shalt  }
0x46: {  	_ =	shalt  }
0x47: {  	_ =	shalt  }
0x48: {  	_ =	shalt  }
0x49: {  	_ =	shalt  }
0x4a: {  	_ =	shalt  }
0x4b: {  	_ =	shalt  }
0x4c: {  	_ =	shalt  }
0x4d: {  	_ =	shalt  }
0x4e: {  	_ =	shalt  }
0x4f: {  	_ =	shalt  }
0x50: {  	_ =	shalt  }
0x51: {  	_ =	shalt  }
0x52: {  	_ =	shalt  }
0x53: {  	_ =	shalt  }
0x54: {  	_ =	shalt  }
0x55: {  	_ =	shalt  }
0x56: {  	_ =	shalt  }
0x57: {  	_ =	shalt  }
0x58: {  	_ =	shalt  }
0x59: {  	_ =	shalt  }
0x5a: {  	_ =	shalt  }
0x5b: {  	_ =	shalt  }
0x5c: {  	_ =	shalt  }
0x5d: {  	_ =	shalt  }
0x5e: {  	_ =	shalt  }
0x5f: {  	_ =	shalt  }
0x60: {  	_ =	shalt  }
0x61: {  	_ =	shalt  }
0x62: {  	_ =	shalt  }
0x63: {  	_ =	shalt  }
0x64: {  	_ =	shalt  }
0x65: {  	_ =	shalt  }
0x66: {  	_ =	shalt  }
0x67: {  	_ =	shalt  }
0x68: {  	_ =	shalt  }
0x69: {  	_ =	shalt  }
0x6a: {  	_ =	shalt  }
0x6b: {  	_ =	shalt  }
0x6c: {  	_ =	shalt  }
0x6d: {  	_ =	shalt  }
0x6e: {  	_ =	shalt  }
0x6f: {  	_ =	shalt  }
0x70: {  	_ =	shalt  }
0x71: {  	_ =	shalt  }
0x72: {  	_ =	shalt  }
0x73: {  	_ =	shalt  }
0x74: {  	_ =	shalt  }
0x75: {  	_ =	shalt  }
0x76: {  	_ =	shalt  }
0x77: {  	_ =	shalt  }
0x78: {  	_ =	shalt  }
0x79: {  	_ =	shalt  }
0x7a: {  	_ =	shalt  }
0x7b: {  	_ =	shalt  }
0x7c: {  	_ =	shalt  }
0x7d: {  	_ =	shalt  }
0x7e: {  	_ =	shalt  }
0x7f: {  	_ =	shalt  }
0x80: {  	_ =	shalt  }
0x81: {  	_ =	shalt  }
0x82: {  	_ =	shalt  }
0x83: {  	_ =	shalt  }
0x84: {  	_ =	shalt  }
0x85: {  	_ =	shalt  }
0x86: {  	_ =	shalt  }
0x87: {  	_ =	shalt  }
.Lfunc_end0:
.L_simem_size_0:
called_computation_lowered:
.L_overlay_start_0:
0x88: {  	s2 =	sld [smem:$0x3FD9]  }
0x89: {  	s3 =	sld [smem:$0x3FFE];
	_ =	sdelay $0x1  }
0x8a: {  	s1 =	srdreg.scid  }
0x8b: {  	s0 =	sand.u32 $0x1, s1  }
0x8c: {  	s17 =	sshll.u32 s0, $0xA;
	s2 =	sadd.s32 s3, s2  }
0x8d: {  	s2 =	sadd.s32 s2, s17  }
0x8e: {  	[smem:$0x3FC2] =	sst s2  }
0x8f: {  	_ = 	snop  }
0x90: {  	s2 =	sld [smem:$0x3FD0];
	(tm) =	ssettm $0x1  }
0x91: {  	s18 =	sld [smem:$0x3FFB];
	_ =	sdelay $0x3  }
0x92: {  	_ =	strace s18  }
0x93: {  	s3 =	sld [smem:$0x3FFC];
	_ =	sdelay $0x3  }
0x94: {  	_ =	strace s3  }
0x95: {  	s3 =	sld [smem:$0x3FFD];
	_ =	sdelay $0x3  }
0x96: {  	_ =	strace s3  }
0x97: {  	_ =	strace $0x8FFFFFFF  }
0x98: {  	s19 =	sld [smem:$0x3FDB];
	_ =	sdelay $0x1  }
0x99: {  	s4 =	simm.s32 $_scs_section_size  }
0x9a: {  	s5 =	simm.s32 $_size__tile_overlayer_lowered;
	s6 =	simm.s32 $_tile_overlayer_lowered  }
0x9b: {  	s22 =	simm.s32 $0x1BFF;
	s21 =	sshll.u32 s6, $0x1;
	s3 =	sadd.s32 s4, s19  }
0x9c: {  	s7 =	simm.s32 $0x0;
	s20 =	sshll.u32 s5, $0x1;
	s5 =	sadd.s32 s21, s3  }
0x9d: {  	[timem:s7], [sflag:s22] =	dma.local [hbm:s5], s20  }
0x9e: {  	_ =	swait.ge [sflag:s22], s20  }
0x9f: {  	s4 =	ssub.s32 $0x0, s20;
	[sflag:s22] =	ssyncset.done $0x0  }
0xa0: {  	[sflag:s22] =	ssyncadd.s32 s4;
	_ =	sdelay $0x1  }
0xa1: {  	s23 =	simm.s32 $0x1B8B  }
0xa2: {  	_ =	swait.ge [sflag:s23], $0x1  }
0xa3: {  	[sflag:s23] =	ssyncset.done $0x0  }
0xa4: {  	s25 =	simm.s32 $0x1B8E;
	s24 =	sld [smem:$0x3FFE];
	[sflag:s23] =	ssyncadd.s32 $0xFFFFFFFF  }
0xa5: {  	s26 =	simm.s32 $execute0_lowered;
	[smem:$0x3FD2] =	sst s25  }
0xa6: {  	s5 =	sshll.u32 s26, $0x1;
	_ =	strace $0x80000046;
	[dreg:$0x1] =	wrdreg $0xFFFFFFFF  }
0xa7: {  	s28 =	simm.s32 $_size_execute0_lowered;
	s3 =	sadd.s32 s3, s5;
	[dreg:$0x0] =	wrdreg $0x0  }
0xa8: {  	s5 =	sshll.u32 s28, $0x1;
	[dreg:$0x2] =	wrdreg s3  }
0xa9: {  	[dreg:$0x3] =	wrdreg s5  }
0xaa: {  	[dreg:$0x4] =	wrdreg $0xC0  }
0xab: {  	_ =	task [dreg:s7], $0x5FFFF  }
0xac: {  	[dreg:$0x1] =	wrdreg $0xFFFFFFFF  }
0xad: {  	[dreg:$0x0] =	wrdreg $0x60  }
0xae: {  	[dreg:$0x2] =	wrdreg s24  }
0xaf: {  	[dreg:$0x3] =	wrdreg s2  }
0xb0: {  	[dreg:$0x4] =	wrdreg $0x0  }
0xb1: {  	[dreg:$0x5] =	wrdreg $0x9  }
0xb2: {  	_ =	task.clear_ibuf [dreg:s7], $0x6FFFF;
	_ =	strace $0x90000046  }
0xb3: {  	s29 =	simm.s32 $0x9;
	_ =	strace $0x80000048  }
0xb4: {  	_ =	swait.ge [sflag:s29], $0x1  }
0xb5: {  	[sflag:s29] =	ssyncadd.s32 $0xFFFFFFFF  }
0xb6: {  	_ =	strace $0x90000048  }
0xb7: {  	_ =	sfence  }
0xb8: {  	s30 =	sld [smem:$0x0];
	_ =	sdelay $0x2  }
0xb9: {  	s31 =	sshll.u32 s1, $0xD;
	s1 =	sshrl.u32 s1, $0x2  }
0xba: {  	s3 =	sand.u32 $0x4000, s31;
	s1 =	sadd.s32 s1, s30  }
0xbb: {  	s0 =	sor.u32 s3, s0;
	s1 =	sshll.u32 s1, $0x11  }
0xbc: {  	s0 =	sor.u32 s1, s0  }
0xbd: {  	s0 =	sadd.s32 $0x8F2B, s0  }
0xbe: {  	[sflag:s0] =	ssyncadd.remote.s32 $0x1  }
0xbf: {  	_ =	sfence.sel $0xFFFF  }
0xc0: {  	[dreg:$0x0] =	wrdreg $0xFFFFFFFF;
	(pc) =	sbr.abs _section_cstart, $3  }
0xc1: {  	[dreg:$0x1] =	wrdreg $0xFFFFFFFF  }
0xc2: {  	_ =	task.clear_ibuf [dreg:s7], $0x2FFFF;
	_ =	strace $0x9FFFFFFF  }
0xc3: {  	(tm) =	ssettm $0x7FFFFFFF  }
tec
execute0_lowered:
.L_overlay_start_1:
0x0: {  	(tag) =	ssettag $0x1  }
0x1: {  	s0 =	rddreg [dreg:$0x0]  }
0x2: {  	s1 =	rddreg [dreg:$0x1]  }
0x3: {  	s2 =	rddreg [dreg:$0x2]  }
0x4: {  	s3 =	srdreg.scid;
	s5 =	stileid.u32;
	s7 =	simm.s32 $0x0  }
0x5: {  	s8 =	simm.s32 $0x580;
	s10 =	simm.s32 $0x4;
	s11 =	simm.s32 $0x1  }
0x6: {  	s12 =	simm.s32 $0x80;
	s13 =	simm.s32 $0x500;
	s18 =	simm.s32 $0x1280  }
0x7: {  	s19 =	simm.s32 $0x1300;
	s20 =	simm.s32 $0x1380;
	s21 =	simm.s32 $0x1400  }
0x8: {  	s22 =	simm.s32 $0x1480;
	s23 =	simm.s32 $0x1500;
	s24 =	simm.s32 $0x1580  }
0x9: {  	s25 =	simm.s32 $0x1600;
	s28 =	simm.s32 $0x1700;
	s29 =	simm.s32 $0x1780  }
0xa: {  	s30 =	simm.s32 $0x1800;
	s31 =	simm.s32 $0x1880;
	s9 =	simm.s32 $0x2  }
0xb: {  	s14 =	simm.s32 $0x3;
	s15 =	simm.s32 $0x0;
	s3 =	sand.u32 $0x1, s3  }
0xc: {  	s4 =	sshll.u32 s5, $0x1;
	s5 =	smul.u32 $0x280, s5;
	[smem:$0x7FF] =	sst s7  }
0xd: {  	s4 =	sor.u32 s3, s4;
	s6 =	smul.u32 $0x2800, s3;
	s3 =	ssub.s32 $0x2, s3  }
0xe: {  	_ =	strace $0x80000047;
	s4 =	smul.u32 $0x2A0, s4;
	s26 =	sshrl.u32 s3, $0x1  }
0xf: {  	s6 =	sadd.s32 s5, s6;
	s3 =	ssub.s32 s3, s26;
	s5 =	sadd.s32 s5, s2  }
0x10: {  	s26 =	simm.s32 $0x1680;
	s0 =	sadd.s32 s4, s0;
	s6 =	sshrl.u32 s6, $0x3  }
0x11: {  	s7 =	smax.u32 s3, $0x1;
	s3 =	simm.s32 $0x1980;
	s4 =	sadd.s32 $0x1A00, s0  }
0x12: {  	v0 =	vimm.f32 $0.0e+00;
	v1 =	vimm.f32 $1.000000000e+00;
	s6 =	sadd.s32 s1, s6;
	s0 =	simm.s32 $0x1900;
	s1 =	simm.s32 $0x1A00  }
.LBB2_1:
0x13: {  	s16 =	simm.s32 $0x0  }
0x14: {  	[tilespmem:s8], [sflag:$0x1] =	stream.linear.gather [hbm4b:s4+s16], $0x1500, $0x38;
	[tilespmem:$0x1A80] =	vst v63  }
0x15: {  	[tilespmem:$0x280] =	vst v0  }
0x16: {  	[tilespmem:$0x290] =	vst v0  }
0x17: {  	[tilespmem:$0x2A0] =	vst v0  }
0x18: {  	[tilespmem:$0x2B0] =	vst v0  }
0x19: {  	[tilespmem:$0x2C0] =	vst v0  }
0x1a: {  	[tilespmem:$0x2D0] =	vst v0  }
0x1b: {  	[tilespmem:$0x2E0] =	vst v0  }
0x1c: {  	[tilespmem:$0x2F0] =	vst v0  }
0x1d: {  	[tilespmem:$0x300] =	vst v0  }
0x1e: {  	[tilespmem:$0x310] =	vst v0  }
0x1f: {  	[tilespmem:$0x320] =	vst v0  }
0x20: {  	[tilespmem:$0x330] =	vst v0  }
0x21: {  	[tilespmem:$0x340] =	vst v0  }
0x22: {  	[tilespmem:$0x350] =	vst v0  }
0x23: {  	[tilespmem:$0x360] =	vst v0  }
0x24: {  	[tilespmem:$0x370] =	vst v0  }
0x25: {  	[tilespmem:$0x380] =	vst v0  }
0x26: {  	[tilespmem:$0x390] =	vst v0  }
0x27: {  	[tilespmem:$0x3A0] =	vst v0  }
0x28: {  	[tilespmem:$0x3B0] =	vst v0  }
0x29: {  	[tilespmem:$0x3C0] =	vst v0  }
0x2a: {  	[tilespmem:$0x3D0] =	vst v0  }
0x2b: {  	[tilespmem:$0x3E0] =	vst v0  }
0x2c: {  	[tilespmem:$0x3F0] =	vst v0  }
0x2d: {  	[tilespmem:$0x400] =	vst v0  }
0x2e: {  	[tilespmem:$0x410] =	vst v0  }
0x2f: {  	[tilespmem:$0x420] =	vst v0  }
0x30: {  	[tilespmem:$0x430] =	vst v0  }
0x31: {  	[tilespmem:$0x440] =	vst v0  }
0x32: {  	[tilespmem:$0x450] =	vst v0  }
0x33: {  	[tilespmem:$0x460] =	vst v0  }
0x34: {  	[tilespmem:$0x470] =	vst v0  }
0x35: {  	[tilespmem:$0x480] =	vst v0  }
0x36: {  	[tilespmem:$0x490] =	vst v0  }
0x37: {  	[tilespmem:$0x4A0] =	vst v0  }
0x38: {  	[tilespmem:$0x4B0] =	vst v0  }
0x39: {  	[tilespmem:$0x4C0] =	vst v0  }
0x3a: {  	[tilespmem:$0x4D0] =	vst v0  }
0x3b: {  	[tilespmem:$0x4E0] =	vst v0  }
0x3c: {  	[tilespmem:$0x4F0] =	vst v0  }
0x3d: {  	[tilespmem:$0x500] =	vst v1  }
0x3e: {  	[tilespmem:$0x510] =	vst v1  }
0x3f: {  	[tilespmem:$0x520] =	vst v1  }
0x40: {  	[tilespmem:$0x530] =	vst v1  }
0x41: {  	[tilespmem:$0x540] =	vst v1  }
0x42: {  	[tilespmem:$0x550] =	vst v1  }
0x43: {  	[tilespmem:$0x560] =	vst v1  }
0x44: {  	s17 =	simm.s32 $0x280;
	[tilespmem:$0x570] =	vst v1  }
0x45: {  	[spmem:s5] =	stream.linear.scatter [tilespmem:s17], [sflag:$0x4], $0x280, $0x38;
	[tilespmem:$0x1A80] =	vst v63  }
0x46: {  	_ =	swait.ge [sflag:s10], $0x280  }
0x47: {  	[sflag:s10] =	ssyncset.done $0x0  }
0x48: {  	[sflag:s10] =	ssyncadd.s32 $0xFFFFFD80  }
0x49: {  	_ =	swait.ge [sflag:s11], $0x1500  }
0x4a: {  	[sflag:s11] =	ssyncset.done $0x0  }
0x4b: {  	[sflag:s11] =	ssyncadd.s32 $0xFFFFEB00  }
0x4c: {  	[bflag:$0x0] =	sbarrier.arrive $0xFFFF  }
0x4d: {  	[spmem:s2] =	stream.indirect.scatter.add.f32 [tilespmem:s13], [sflag:$0x2], $0x1, s8, s12, $0xb8;
	[tilespmem:$0x1A80] =	vst v63  }
0x4e: {  	s17 =	simm.s32 $0x600  }
0x4f: {  	[spmem:s2] =	stream.indirect.scatter.add.f32 [tilespmem:s13], [sflag:$0x2], $0x1, s17, s12, $0xb8;
	[tilespmem:$0x1A80] =	vst v63  }
0x50: {  	s17 =	simm.s32 $0x680  }
0x51: {  	[spmem:s2] =	stream.indirect.scatter.add.f32 [tilespmem:s13], [sflag:$0x2], $0x1, s17, s12, $0xb8;
	[tilespmem:$0x1A80] =	vst v63  }
0x52: {  	s17 =	simm.s32 $0x700  }
0x53: {  	[spmem:s2] =	stream.indirect.scatter.add.f32 [tilespmem:s13], [sflag:$0x2], $0x1, s17, s12, $0xb8;
	[tilespmem:$0x1A80] =	vst v63  }
0x54: {  	s17 =	simm.s32 $0x780  }
0x55: {  	[spmem:s2] =	stream.indirect.scatter.add.f32 [tilespmem:s13], [sflag:$0x2], $0x1, s17, s12, $0xb8;
	[tilespmem:$0x1A80] =	vst v63  }
0x56: {  	s17 =	simm.s32 $0x800  }
0x57: {  	[spmem:s2] =	stream.indirect.scatter.add.f32 [tilespmem:s13], [sflag:$0x2], $0x1, s17, s12, $0xb8;
	[tilespmem:$0x1A80] =	vst v63  }
0x58: {  	s17 =	simm.s32 $0x880  }
0x59: {  	[spmem:s2] =	stream.indirect.scatter.add.f32 [tilespmem:s13], [sflag:$0x2], $0x1, s17, s12, $0xb8;
	[tilespmem:$0x1A80] =	vst v63  }
0x5a: {  	s17 =	simm.s32 $0x900  }
0x5b: {  	[spmem:s2] =	stream.indirect.scatter.add.f32 [tilespmem:s13], [sflag:$0x2], $0x1, s17, s12, $0xb8;
	[tilespmem:$0x1A80] =	vst v63  }
0x5c: {  	s17 =	simm.s32 $0x980  }
0x5d: {  	[spmem:s2] =	stream.indirect.scatter.add.f32 [tilespmem:s13], [sflag:$0x2], $0x1, s17, s12, $0xb8;
	[tilespmem:$0x1A80] =	vst v63  }
0x5e: {  	s17 =	simm.s32 $0xA00  }
0x5f: {  	[spmem:s2] =	stream.indirect.scatter.add.f32 [tilespmem:s13], [sflag:$0x2], $0x1, s17, s12, $0xb8;
	[tilespmem:$0x1A80] =	vst v63  }
0x60: {  	s17 =	simm.s32 $0xA80  }
0x61: {  	[spmem:s2] =	stream.indirect.scatter.add.f32 [tilespmem:s13], [sflag:$0x2], $0x1, s17, s12, $0xb8;
	[tilespmem:$0x1A80] =	vst v63  }
0x62: {  	s17 =	simm.s32 $0xB00  }
0x63: {  	[spmem:s2] =	stream.indirect.scatter.add.f32 [tilespmem:s13], [sflag:$0x2], $0x1, s17, s12, $0xb8;
	[tilespmem:$0x1A80] =	vst v63  }
0x64: {  	s17 =	simm.s32 $0xB80  }
0x65: {  	[spmem:s2] =	stream.indirect.scatter.add.f32 [tilespmem:s13], [sflag:$0x2], $0x1, s17, s12, $0xb8;
	[tilespmem:$0x1A80] =	vst v63  }
0x66: {  	s17 =	simm.s32 $0xC00  }
0x67: {  	[spmem:s2] =	stream.indirect.scatter.add.f32 [tilespmem:s13], [sflag:$0x2], $0x1, s17, s12, $0xb8;
	[tilespmem:$0x1A80] =	vst v63  }
0x68: {  	s17 =	simm.s32 $0xC80  }
0x69: {  	[spmem:s2] =	stream.indirect.scatter.add.f32 [tilespmem:s13], [sflag:$0x2], $0x1, s17, s12, $0xb8;
	[tilespmem:$0x1A80] =	vst v63  }
0x6a: {  	s17 =	simm.s32 $0xD00  }
0x6b: {  	[spmem:s2] =	stream.indirect.scatter.add.f32 [tilespmem:s13], [sflag:$0x2], $0x1, s17, s12, $0xb8;
	[tilespmem:$0x1A80] =	vst v63  }
0x6c: {  	s17 =	simm.s32 $0xD80  }
0x6d: {  	[spmem:s2] =	stream.indirect.scatter.add.f32 [tilespmem:s13], [sflag:$0x2], $0x1, s17, s12, $0xb8;
	[tilespmem:$0x1A80] =	vst v63  }
0x6e: {  	s17 =	simm.s32 $0xE00  }
0x6f: {  	[spmem:s2] =	stream.indirect.scatter.add.f32 [tilespmem:s13], [sflag:$0x2], $0x1, s17, s12, $0xb8;
	[tilespmem:$0x1A80] =	vst v63  }
0x70: {  	s17 =	simm.s32 $0xE80  }
0x71: {  	[spmem:s2] =	stream.indirect.scatter.add.f32 [tilespmem:s13], [sflag:$0x2], $0x1, s17, s12, $0xb8;
	[tilespmem:$0x1A80] =	vst v63  }
0x72: {  	s17 =	simm.s32 $0xF00  }
0x73: {  	[spmem:s2] =	stream.indirect.scatter.add.f32 [tilespmem:s13], [sflag:$0x2], $0x1, s17, s12, $0xb8;
	[tilespmem:$0x1A80] =	vst v63  }
0x74: {  	s17 =	simm.s32 $0xF80  }
0x75: {  	[spmem:s2] =	stream.indirect.scatter.add.f32 [tilespmem:s13], [sflag:$0x2], $0x1, s17, s12, $0xb8;
	[tilespmem:$0x1A80] =	vst v63  }
0x76: {  	s17 =	simm.s32 $0x1000  }
0x77: {  	[spmem:s2] =	stream.indirect.scatter.add.f32 [tilespmem:s13], [sflag:$0x2], $0x1, s17, s12, $0xb8;
	[tilespmem:$0x1A80] =	vst v63  }
0x78: {  	s17 =	simm.s32 $0x1080  }
0x79: {  	[spmem:s2] =	stream.indirect.scatter.add.f32 [tilespmem:s13], [sflag:$0x2], $0x1, s17, s12, $0xb8;
	[tilespmem:$0x1A80] =	vst v63  }
0x7a: {  	s17 =	simm.s32 $0x1100  }
0x7b: {  	[spmem:s2] =	stream.indirect.scatter.add.f32 [tilespmem:s13], [sflag:$0x2], $0x1, s17, s12, $0xb8;
	[tilespmem:$0x1A80] =	vst v63  }
0x7c: {  	s17 =	simm.s32 $0x1180  }
0x7d: {  	[spmem:s2] =	stream.indirect.scatter.add.f32 [tilespmem:s13], [sflag:$0x2], $0x1, s17, s12, $0xb8;
	[tilespmem:$0x1A80] =	vst v63  }
0x7e: {  	s17 =	simm.s32 $0x1200  }
0x7f: {  	[spmem:s2] =	stream.indirect.scatter.add.f32 [tilespmem:s13], [sflag:$0x2], $0x1, s17, s12, $0xb8;
	[tilespmem:$0x1A80] =	vst v63  }
0x80: {  	_ = 	snop  }
0x81: {  	[spmem:s2] =	stream.indirect.scatter.add.f32 [tilespmem:s13], [sflag:$0x2], $0x1, s18, s12, $0xb8;
	[tilespmem:$0x1A80] =	vst v63  }
0x82: {  	_ = 	snop  }
0x83: {  	[spmem:s2] =	stream.indirect.scatter.add.f32 [tilespmem:s13], [sflag:$0x2], $0x1, s19, s12, $0xb8;
	[tilespmem:$0x1A80] =	vst v63  }
0x84: {  	_ = 	snop  }
0x85: {  	[spmem:s2] =	stream.indirect.scatter.add.f32 [tilespmem:s13], [sflag:$0x2], $0x1, s20, s12, $0xb8;
	[tilespmem:$0x1A80] =	vst v63  }
0x86: {  	_ = 	snop  }
0x87: {  	[spmem:s2] =	stream.indirect.scatter.add.f32 [tilespmem:s13], [sflag:$0x2], $0x1, s21, s12, $0xb8;
	[tilespmem:$0x1A80] =	vst v63  }
0x88: {  	_ = 	snop  }
0x89: {  	[spmem:s2] =	stream.indirect.scatter.add.f32 [tilespmem:s13], [sflag:$0x2], $0x1, s22, s12, $0xb8;
	[tilespmem:$0x1A80] =	vst v63  }
0x8a: {  	_ = 	snop  }
0x8b: {  	[spmem:s2] =	stream.indirect.scatter.add.f32 [tilespmem:s13], [sflag:$0x2], $0x1, s23, s12, $0xb8;
	[tilespmem:$0x1A80] =	vst v63  }
0x8c: {  	_ = 	snop  }
0x8d: {  	[spmem:s2] =	stream.indirect.scatter.add.f32 [tilespmem:s13], [sflag:$0x2], $0x1, s24, s12, $0xb8;
	[tilespmem:$0x1A80] =	vst v63  }
0x8e: {  	_ = 	snop  }
0x8f: {  	[spmem:s2] =	stream.indirect.scatter.add.f32 [tilespmem:s13], [sflag:$0x2], $0x1, s25, s12, $0xb8;
	[tilespmem:$0x1A80] =	vst v63  }
0x90: {  	_ = 	snop  }
0x91: {  	[spmem:s2] =	stream.indirect.scatter.add.f32 [tilespmem:s13], [sflag:$0x2], $0x1, s26, s12, $0xb8;
	[tilespmem:$0x1A80] =	vst v63  }
0x92: {  	_ = 	snop  }
0x93: {  	[spmem:s2] =	stream.indirect.scatter.add.f32 [tilespmem:s13], [sflag:$0x2], $0x1, s28, s12, $0xb8;
	[tilespmem:$0x1A80] =	vst v63  }
0x94: {  	_ = 	snop  }
0x95: {  	[spmem:s2] =	stream.indirect.scatter.add.f32 [tilespmem:s13], [sflag:$0x2], $0x1, s29, s12, $0xb8;
	[tilespmem:$0x1A80] =	vst v63  }
0x96: {  	_ = 	snop  }
0x97: {  	[spmem:s2] =	stream.indirect.scatter.add.f32 [tilespmem:s13], [sflag:$0x2], $0x1, s30, s12, $0xb8;
	[tilespmem:$0x1A80] =	vst v63  }
0x98: {  	_ = 	snop  }
0x99: {  	[spmem:s2] =	stream.indirect.scatter.add.f32 [tilespmem:s13], [sflag:$0x2], $0x1, s31, s12, $0xb8;
	[tilespmem:$0x1A80] =	vst v63  }
0x9a: {  	_ = 	snop  }
0x9b: {  	[spmem:s2] =	stream.indirect.scatter.add.f32 [tilespmem:s13], [sflag:$0x2], $0x1, s0, s12, $0xb8;
	[tilespmem:$0x1A80] =	vst v63  }
0x9c: {  	_ = 	snop  }
0x9d: {  	[spmem:s2] =	stream.indirect.scatter.add.f32 [tilespmem:s13], [sflag:$0x2], $0x1, s3, s12, $0xb8;
	[tilespmem:$0x1A80] =	vst v63  }
0x9e: {  	_ = 	snop  }
0x9f: {  	[spmem:s2] =	stream.indirect.scatter.add.f32 [tilespmem:s13], [sflag:$0x2], $0x1, s1, s12, $0xb8;
	[tilespmem:$0x1A80] =	vst v63  }
0xa0: {  	_ =	swait.ge [sflag:s9], $0x80  }
0xa1: {  	s16 =	simm.s32 $0x29;
	[sflag:s9] =	ssyncset.done $0x0  }
.LBB2_2:
0xa2: {  	p0 =	sne.s32 s16, $0x1;
	s16 =	sadd.s32 $0xFFFFFFFF, s16;
	[sflag:s9] =	ssyncadd.s32 $0xFFFFFF80  }
.Ltmp0:
0xa3: {  	(pc) =	sbr.rel @p0 .LBB2_2-.Ltmp0, $3  }
0xa4: {  	_ =	sdelay $0x1  }
0xa5: {  	_ =	swait.ge [sflag:s9], $0x80  }
0xa6: {  	[sflag:s9] =	ssyncset.done $0x0  }
0xa7: {  	[sflag:s9] =	ssyncadd.s32 $0xFFFFFF80;
	s16 =	stileid.u32;
	s15 =	sadd.s32 $0x1, s15  }
0xa8: {  	s17 =	sshrl.u32 s5, $0x3;
	s16 =	sshll.u32 s16, $0x6;
	p0 =	sne.s32 s15, s7  }
.Ltmp1:
0xa9: {  	[bflag:$0x0] =	sbarrier.arrive $0xFFFF;
	s16 =	sor.u32 $0x1C03, s16;
	(pc) =	sbr.rel @p0 .LBB2_1-.Ltmp1, $4  }
0xaa: {  	[hbm:s6], [sflag:s16] =	dma.local [spmem:s17], $0x50  }
0xab: {  	_ =	swait.ge [sflag:s14], $0x50  }
0xac: {  	[sflag:s14] =	ssyncset.done $0x0  }
0xad: {  	[sflag:s14] =	ssyncadd.s32 $0xFFFFFFB0  }
0xae: {  	_ =	sfence.sel $0x180000  }
0xaf: {  	[bflag:$0x0] =	sbarrier.arrive $0xFFFF  }
0xb0: {  	_ =	strace $0x90000047  }
0xb1: {  	s0 =	stileid.u32;
	[bflag:$0x2] =	sbarrier.arrive $0xFFFF  }
0xb2: {  	p0 =	sne.s32 s0, $0x0;
	s0 =	rddreg [dreg:$0x3]  }
0xb3: {  	s0 =	sadd.s32 @!p0 $0x100000, s0  }
0xb4: {  	[sflag:s0] =	ssyncadd.tile.s32 @!p0 $0x1;
	_ =	shalt  }
.Lfunc_end2:
_tile_overlayer_lowered:
.L_overlay_start_2:
0xb5: {  	(tag) =	ssettag $0x2  }
0xb6: {  	s0 =	rddreg [dreg:$0x0];
	s2 =	stileid.u32  }
0xb7: {  	s1 =	rddreg [dreg:$0x1];
	p0 =	sne.s32 s2, $0x0  }
0xb8: {  	s3 =	rddreg [dreg:$0x2];
	[bflag:$0x3] =	sbarrier.arrive $0xFFFF;
	s2 =	simm.s32 @!p0 $0x1C04  }
0xb9: {  	[timem:s3], [sflag:s2] =	dma.local @!p0 [hbm:s0], s1  }
0xba: {  	s0 =	simm.s32 @!p0 $0x4  }
0xbb: {  	_ =	swait.ge @!p0 [sflag:s0], s1  }
0xbc: {  	s1 =	ssub.s32 @!p0 $0x0, s1;
	[sflag:s0] =	ssyncset.done @!p0 $0x0  }
0xbd: {  	[sflag:s0] =	ssyncadd.s32 @!p0 s1  }
0xbe: {  	[bflag:$0x3] =	sbarrier.arrive $0xFFFF  }
0xbf: {  	_ =	shalt  }

</sc_bundles>
